<compile_context>
chip_gen: v7x
topology: tpu7x:2x2x1
jax: 0.10.2.dev20260603
libtpu: 0.0.44.dev20260713+nightly
codegen_flags: <defaults>
</compile_context>

<pallas_src>
import functools

import jax
import jax.numpy as jnp
from jax import lax
from jax.experimental import pallas as pl
from jax.experimental.pallas import tpu as pltpu
from jax.experimental.pallas import tpu_sc as plsc

N_TOK = 16384
EMB_K = 8192
EMB_D = 256
IDX_R = 16
IDX_C = 1024
NW = 32
NCORE = 2
ROWS_PER_W = N_TOK // NW
SUB = 64
NSUB = ROWS_PER_W // SUB


def _sc_stage(embedding, idx2d, flat):
    mesh = plsc.VectorSubcoreMesh(core_axis_name="c", subcore_axis_name="s")

    @functools.partial(
        pl.kernel,
        mesh=mesh,
        out_type=[
            jax.ShapeDtypeStruct((N_TOK, EMB_D), jnp.float32),
            jax.ShapeDtypeStruct((NW, 16), jnp.float32),
            jax.ShapeDtypeStruct((NCORE, EMB_K), jnp.float32),
        ],
        scratch_types=[
            pltpu.VMEM((SUB,), jnp.int32),
            pltpu.VMEM((SUB,), jnp.int32),
            pltpu.VMEM((SUB, EMB_D), jnp.float32),
            pltpu.VMEM((SUB, EMB_D), jnp.float32),
            pltpu.VMEM((SUB, EMB_D), jnp.float32),
            pltpu.VMEM((SUB, EMB_D), jnp.float32),
            pltpu.VMEM((SUB, EMB_D), jnp.float32),
            pltpu.VMEM((SUB, EMB_D), jnp.float32),
            pltpu.VMEM((16,), jnp.float32),
            pltpu.VMEM((SUB,), jnp.float32),
            pltpu.VMEM((EMB_K,), jnp.float32),
            pltpu.VMEM_SHARED((EMB_K,), jnp.float32),
            pltpu.SemaphoreType.DMA,
            pltpu.SemaphoreType.DMA,
            pltpu.SemaphoreType.DMA,
            pltpu.SemaphoreType.DMA,
            pltpu.SemaphoreType.DMA,
            pltpu.SemaphoreType.DMA,
        ],
    )
    def sc_kernel(emb_hbm, idx_hbm, x_hbm, qst_hbm, loss_hbm, hist_hbm,
                  idx_a, idx_b, q_a, q_b, x_a, x_b, qst_a, qst_b,
                  loss_v, ones_v, buf_v, hist_sh,
                  sem_a, sem_b, wsem_a, wsem_b, hsem_a, hsem_b):
        cid = lax.axis_index("c")
        sid = lax.axis_index("s")
        wid = sid * NCORE + cid
        base = wid * ROWS_PER_W
        irow = base // IDX_C
        icol = base % IDX_C

        idx_s = (idx_a, idx_b)
        q_s = (q_a, q_b)
        x_s = (x_a, x_b)
        qst_s = (qst_a, qst_b)
        sem_s = (sem_a, sem_b)
        wsem_s = (wsem_a, wsem_b)
        hsem_s = (hsem_a, hsem_b)

        @pl.when(sid == 0)
        def _zero_hist():
            def zb(i, carry):
                buf_v[pl.ds(i * 16, 16)] = jnp.zeros((16,), jnp.float32)
                return carry
            lax.fori_loop(0, EMB_K // 16, zb, 0)
            pltpu.sync_copy(buf_v, hist_sh)

        def ob(i, carry):
            ones_v[pl.ds(i * 16, 16)] = jnp.ones((16,), jnp.float32)
            return carry
        lax.fori_loop(0, SUB // 16, ob, 0)
        plsc.subcore_barrier()

        pending = {}
        hist_pending = {}

        def issue(c):
            s = c % 2
            off = base + c * SUB
            if s in hist_pending:
                hist_pending.pop(s).wait()
            pltpu.sync_copy(idx_hbm.at[irow, pl.ds(icol + c * SUB, SUB)],
                            idx_s[s])
            hist_pending[s] = pltpu.async_copy(ones_v, hist_sh.at[idx_s[s]],
                                               hsem_s[s], add=True)
            g = pltpu.async_copy(emb_hbm.at[idx_s[s]], q_s[s], sem_s[s])
            x = pltpu.async_copy(x_hbm.at[pl.ds(off, SUB)], x_s[s], sem_s[s])
            pending[s] = (g, x)

        issue(0)
        acc0 = jnp.zeros((16,), jnp.float32)
        acc1 = jnp.zeros((16,), jnp.float32)
        wb = {}
        for c in range(NSUB):
            s = c % 2
            off = base + c * SUB
            if c + 1 < NSUB:
                if c - 1 >= 0:
                    wb.pop(1 - s).wait()
                issue(c + 1)
            g, x = pending.pop(s)
            g.wait()
            x.wait()

            q_v, x_v, qst_v = q_s[s], x_s[s], qst_s[s]

            def row_body(r, accs, q_v=q_v, x_v=x_v, qst_v=qst_v):
                a0, a1 = accs
                for col in range(0, EMB_D, 32):
                    qv0 = q_v[r, pl.ds(col, 16)]
                    xv0 = x_v[r, pl.ds(col, 16)]
                    qv1 = q_v[r, pl.ds(col + 16, 16)]
                    xv1 = x_v[r, pl.ds(col + 16, 16)]
                    d0 = qv0 - xv0
                    d1 = qv1 - xv1
                    qst_v[r, pl.ds(col, 16)] = xv0 + d0
                    qst_v[r, pl.ds(col + 16, 16)] = xv1 + d1
                    a0 = a0 + d0 * d0
                    a1 = a1 + d1 * d1
                return (a0, a1)

            acc0, acc1 = lax.fori_loop(0, SUB, row_body, (acc0, acc1))
            wb[s] = pltpu.async_copy(qst_v, qst_hbm.at[pl.ds(off, SUB)],
                                     wsem_s[s])
        for s, h in list(wb.items()):
            h.wait()
        for s, h in list(hist_pending.items()):
            h.wait()

        loss_v[...] = acc0 + acc1
        pltpu.sync_copy(loss_v, loss_hbm.at[wid])
        plsc.subcore_barrier()

        @pl.when(sid == 0)
        def _export_hist():
            pltpu.sync_copy(hist_sh, buf_v)
            pltpu.sync_copy(buf_v, hist_hbm.at[cid])

    return sc_kernel(embedding, idx2d, flat)


def _tc_finish_kernel(hist_ref, lossp_ref, vq_ref, px_ref):
    counts = jnp.sum(hist_ref[...], axis=0, keepdims=True)
    avg = counts * jnp.float32(1.0 / N_TOK)
    ent = jnp.sum(avg * jnp.log(avg + jnp.float32(1e-10)))
    px_ref[0, 0] = jnp.exp(-ent)
    lsum = jnp.sum(lossp_ref[...])
    vq_ref[0, 0] = (lsum / jnp.float32(N_TOK * EMB_D)) * jnp.float32(0.25)


def _tc_finish(hist, lossp):
    return pl.pallas_call(
        _tc_finish_kernel,
        in_specs=[
            pl.BlockSpec((NCORE, EMB_K), lambda: (0, 0)),
            pl.BlockSpec((NW, 16), lambda: (0, 0)),
        ],
        out_specs=[
            pl.BlockSpec(memory_space=pltpu.SMEM),
            pl.BlockSpec(memory_space=pltpu.SMEM),
        ],
        out_shape=[
            jax.ShapeDtypeStruct((1, 1), jnp.float32),
            jax.ShapeDtypeStruct((1, 1), jnp.float32),
        ],
    )(hist, lossp)


def kernel(inputs, embedding):
    K, D = embedding.shape
    input_shape = inputs.shape
    flat_input = inputs.reshape(-1, D)
    distances = (jnp.sum(flat_input ** 2, axis=1, keepdims=True)
                 + jnp.sum(embedding ** 2, axis=1)
                 - 2.0 * jnp.matmul(flat_input, embedding.T))
    encoding_indices = jnp.argmin(distances, axis=1).reshape(input_shape[:-1])

    qst, lossp, hist = _sc_stage(embedding, encoding_indices, flat_input)
    vql, px = _tc_finish(hist, lossp)
    return (qst.reshape(input_shape), vql.reshape(()),
            encoding_indices, px.reshape(()))

# --- scband reference (transcript-rebuilt; emitter-appended) ---
"""Pipeline reference for scband-vector-quantizer-24026047054214 (READ-ONLY COPY).

The authoritative reference and input builder live on the scoring server;
editing this copy changes nothing except your own understanding.
"""

import jax, jax.numpy as jnp
import numpy as np

NUM_EMBEDDINGS = 8192
EMBEDDING_DIM = 256
COMMITMENT_COST = 0.25


def setup_inputs(seed: int = 0) -> dict:
    key = jax.random.key(seed)
    k1, k2 = jax.random.split(key)
    inputs = jax.random.normal(k1, (16, 1024, EMBEDDING_DIM), dtype=jnp.float32)
    embedding = jax.random.uniform(
        k2, (NUM_EMBEDDINGS, EMBEDDING_DIM), dtype=jnp.float32,
        minval=-1.0 / NUM_EMBEDDINGS, maxval=1.0 / NUM_EMBEDDINGS)
    return {"inputs": inputs, "embedding": embedding}


def reference(inputs, embedding):
    K, D = embedding.shape
    input_shape = inputs.shape
    flat_input = inputs.reshape(-1, D)
    distances = (jnp.sum(flat_input ** 2, axis=1, keepdims=True)
                 + jnp.sum(embedding ** 2, axis=1)
                 - 2.0 * jnp.matmul(flat_input, embedding.T))
    encoding_indices = jnp.argmin(distances, axis=1)
    encodings = jax.nn.one_hot(encoding_indices, K, dtype=jnp.float32)
    quantized = jnp.take(embedding, encoding_indices, axis=0).reshape(input_shape)
    commitment_loss = jnp.mean((jax.lax.stop_gradient(quantized) - inputs) ** 2)
    vq_loss = COMMITMENT_COST * commitment_loss
    quantized_st = inputs + jax.lax.stop_gradient(quantized - inputs)
    avg_probs = jnp.mean(encodings, axis=0)
    perplexity = jnp.exp(-jnp.sum(avg_probs * jnp.log(avg_probs + 1e-10)))
    return (quantized_st, vq_loss, encoding_indices.reshape(input_shape[:-1]), perplexity)

if __name__ == "__main__":
    import jax
    _d = setup_inputs()
    print(jax.jit(kernel)(*tuple(_d.values())))

</pallas_src>

<mosaic_0001>
#map = affine_map<(d0, d1) -> (0, 0)>
module attributes {stable_mosaic.version = 14 : i64} {
  func.func @sc_kernel(%arg0: i32, %arg1: i32, %arg2: memref<8192x256xf32, #tpu.memory_space<hbm>>, %arg3: memref<16x1024xi32, #tpu.memory_space<hbm>>, %arg4: memref<16384x256xf32, #tpu.memory_space<hbm>>, %arg5: memref<16384x256xf32, #tpu.memory_space<hbm>>, %arg6: memref<32x16xf32, #tpu.memory_space<hbm>>, %arg7: memref<2x8192xf32, #tpu.memory_space<hbm>>, %arg8: memref<64xi32, #tpu.memory_space<vmem>>, %arg9: memref<64xi32, #tpu.memory_space<vmem>>, %arg10: memref<64x256xf32, #tpu.memory_space<vmem>>, %arg11: memref<64x256xf32, #tpu.memory_space<vmem>>, %arg12: memref<64x256xf32, #tpu.memory_space<vmem>>, %arg13: memref<64x256xf32, #tpu.memory_space<vmem>>, %arg14: memref<64x256xf32, #tpu.memory_space<vmem>>, %arg15: memref<64x256xf32, #tpu.memory_space<vmem>>, %arg16: memref<16xf32, #tpu.memory_space<vmem>>, %arg17: memref<64xf32, #tpu.memory_space<vmem>>, %arg18: memref<8192xf32, #tpu.memory_space<vmem>>, %arg19: memref<8192xf32, #tpu.memory_space<vmem_shared>>, %arg20: memref<!tpu.dma_semaphore, #tpu.memory_space<semaphore_mem>>, %arg21: memref<!tpu.dma_semaphore, #tpu.memory_space<semaphore_mem>>, %arg22: memref<!tpu.dma_semaphore, #tpu.memory_space<semaphore_mem>>, %arg23: memref<!tpu.dma_semaphore, #tpu.memory_space<semaphore_mem>>, %arg24: memref<!tpu.dma_semaphore, #tpu.memory_space<semaphore_mem>>, %arg25: memref<!tpu.dma_semaphore, #tpu.memory_space<semaphore_mem>>) attributes {dimension_semantics = [#tpu.dimension_semantics<core_parallel>, #tpu.dimension_semantics<subcore_parallel>], iteration_bounds = array<i64: 2, 16>, scalar_prefetch = 0 : i64, scratch_operands = 18 : i64, tpu.core_type = #tpu.core_type<sc_vector_subcore>, window_params = [{transform_indices = #map}, {transform_indices = #map}, {transform_indices = #map}, {transform_indices = #map}, {transform_indices = #map}, {transform_indices = #map}]} {
    %mul3A = arith.constant 2 : i32
    %mul3A_0 = arith.muli %arg1, %mul3A : i32
    %add3A = arith.addi %mul3A_0, %arg0 : i32
    %mul3A_1 = arith.constant 512 : i32
    %mul3A_2 = arith.muli %add3A, %mul3A_1 : i32
    %jit3A = arith.constant 1024 : i32
    %div3A = arith.divsi %mul3A_2, %jit3A : i32
    %sign3A = arith.constant 0 : i32
    %sign3A_3 = arith.cmpi sgt, %mul3A_2, %sign3A : i32
    %sign3A_4 = arith.extui %sign3A_3 : i1 to i32
    %sign3A_5 = arith.constant 0 : i32
    %sign3A_6 = arith.cmpi slt, %mul3A_2, %sign3A_5 : i32
    %sign3A_7 = arith.extui %sign3A_6 : i1 to i32
    %sign3A_8 = arith.subi %sign3A_4, %sign3A_7 : i32
    %sign3A_9 = arith.constant 0 : i32
    %sign3A_10 = arith.cmpi sgt, %jit3A, %sign3A_9 : i32
    %sign3A_11 = arith.extui %sign3A_10 : i1 to i32
    %sign3A_12 = arith.constant 0 : i32
    %sign3A_13 = arith.cmpi slt, %jit3A, %sign3A_12 : i32
    %sign3A_14 = arith.extui %sign3A_13 : i1 to i32
    %sign3A_15 = arith.subi %sign3A_11, %sign3A_14 : i32
    %ne3A = arith.cmpi ne, %sign3A_8, %sign3A_15 : i32
    %rem3A = arith.remsi %mul3A_2, %jit3A : i32
    %ne3A_16 = arith.constant 0 : i32
    %ne3A_17 = arith.cmpi ne, %rem3A, %ne3A_16 : i32
    %and3A = arith.andi %ne3A, %ne3A_17 : i1
    %sub3A = arith.constant 1 : i32
    %sub3A_18 = arith.subi %div3A, %sub3A : i32
    %select_n3A = arith.select %and3A, %sub3A_18, %div3A : i32
    %jit3A_19 = arith.constant 1024 : i32
    %eq3A = arith.constant 0 : i32
    %eq3A_20 = arith.cmpi eq, %jit3A_19, %eq3A : i32
    %jit3A_21 = arith.constant 1 : i32
    %select_n3A_22 = arith.select %eq3A_20, %jit3A_21, %jit3A_19 : i32
    %rem3A_23 = arith.remsi %mul3A_2, %select_n3A_22 : i32
    %ne3A_24 = arith.constant 0 : i32
    %ne3A_25 = arith.cmpi ne, %rem3A_23, %ne3A_24 : i32
    %lt3A = arith.constant 0 : i32
    %lt3A_26 = arith.cmpi slt, %rem3A_23, %lt3A : i32
    %lt3A_27 = arith.constant 0 : i32
    %lt3A_28 = arith.cmpi slt, %select_n3A_22, %lt3A_27 : i32
    %ne3A_29 = arith.xori %lt3A_26, %lt3A_28 : i1
    %and3A_30 = arith.andi %ne3A_29, %ne3A_25 : i1
    %add3A_31 = arith.addi %rem3A_23, %select_n3A_22 : i32
    %select_n3A_32 = arith.select %and3A_30, %add3A_31, %rem3A_23 : i32
    %eq3A_33 = arith.constant 0 : i32
    %eq3A_34 = arith.cmpi eq, %arg1, %eq3A_33 : i32
    %convert_element_type3A = arith.extui %eq3A_34 : i1 to i32
    %cond3A = arith.constant 0 : i32
    %cond3A_35 = arith.cmpi ne, %convert_element_type3A, %cond3A : i32
    scf.if %cond3A_35 {
      %scan3A_356 = arith.constant 0 : i32
      %scan3A_357 = arith.constant 0 : i32
      %scan3A_358 = arith.constant 512 : i32
      %scan3A_359 = arith.addi %scan3A_357, %scan3A_358 : i32
      %scan3A_360 = arith.constant 1 : i32
      scf.for %scan3A_362 = %scan3A_357 to %scan3A_359 step %scan3A_360  : i32 {
        %broadcast_in_dim3A_363 = arith.constant 0.000000e+00 : f32
        %broadcast_in_dim3A_364 = vector.broadcast %broadcast_in_dim3A_363 : f32 to vector<16xf32>
        %mul3A_365 = arith.constant 16 : i32
        %mul3A_366 = arith.muli %scan3A_362, %mul3A_365 : i32
        %swap3A_367 = arith.index_cast %mul3A_366 : i32 to index
        %swap3A_368 = tpu.vector_load %arg18[%swap3A_367] {strides = array<i32>} : memref<8192xf32, #tpu.memory_space<vmem>>, vector<16xf32>,
        %swap3A_369 = vector.shape_cast %swap3A_368 : vector<16xf32> to vector<16xf32>
        %swap3A_370 = vector.shape_cast %broadcast_in_dim3A_364 : vector<16xf32> to vector<16xf32>
        tpu.vector_store %arg18[%swap3A_367], %swap3A_370 {strides = array<i32>} : memref<8192xf32, #tpu.memory_space<vmem>>, vector<16xf32>,
      }
      %scan3A_361 = arith.constant 512 : i32
      "tpu.region"() ({
        %run_scoped3A = tpu.sem_alloc : memref<!tpu.dma_semaphore, #tpu.memory_space<semaphore_mem>>
        tpu.enqueue_dma source(%arg18 : memref<8192xf32, #tpu.memory_space<vmem>>) target(%arg19 : memref<8192xf32, #tpu.memory_space<vmem_shared>>) target_semaphore(%run_scoped3A : memref<!tpu.dma_semaphore, #tpu.memory_space<semaphore_mem>>)
        tpu.wait_dma2 semaphore(%run_scoped3A : memref<!tpu.dma_semaphore, #tpu.memory_space<semaphore_mem>>) src(%arg18 : memref<8192xf32, #tpu.memory_space<vmem>>) dst(%arg19 : memref<8192xf32, #tpu.memory_space<vmem_shared>>)
        tpu.yield
      }) : () -> ()
    } else {
    }
    %scan3A = arith.constant 0 : i32
    %scan3A_36 = arith.constant 0 : i32
    %scan3A_37 = arith.constant 4 : i32
    %scan3A_38 = arith.addi %scan3A_36, %scan3A_37 : i32
    %scan3A_39 = arith.constant 1 : i32
    scf.for %scan3A_356 = %scan3A_36 to %scan3A_38 step %scan3A_39  : i32 {
      %broadcast_in_dim3A_357 = arith.constant 1.000000e+00 : f32
      %broadcast_in_dim3A_358 = vector.broadcast %broadcast_in_dim3A_357 : f32 to vector<16xf32>
      %mul3A_359 = arith.constant 16 : i32
      %mul3A_360 = arith.muli %scan3A_356, %mul3A_359 : i32
      %swap3A_361 = arith.index_cast %mul3A_360 : i32 to index
      %swap3A_362 = tpu.vector_load %arg17[%swap3A_361] {strides = array<i32>} : memref<64xf32, #tpu.memory_space<vmem>>, vector<16xf32>,
      %swap3A_363 = vector.shape_cast %swap3A_362 : vector<16xf32> to vector<16xf32>
      %swap3A_364 = vector.shape_cast %broadcast_in_dim3A_358 : vector<16xf32> to vector<16xf32>
      tpu.vector_store %arg17[%swap3A_361], %swap3A_364 {strides = array<i32>} : memref<64xf32, #tpu.memory_space<vmem>>, vector<16xf32>,
    }
    %scan3A_40 = arith.constant 4 : i32
    %barrier3A = arith.constant 0 : index
    tpu.barrier barrier_id(%barrier3A)
    %add3A_41 = arith.constant 0 : i32
    %add3A_42 = arith.addi %mul3A_2, %add3A_41 : i32
    %add3A_43 = arith.constant 0 : i32
    %add3A_44 = arith.addi %select_n3A_32, %add3A_43 : i32
    "tpu.region"() ({
      %run_scoped3A = tpu.sem_alloc : memref<!tpu.dma_semaphore, #tpu.memory_space<semaphore_mem>>
      %dma_start3A_356 = tpu.memref_slice %arg3[%select_n3A, %add3A_44] : memref<16x1024xi32, #tpu.memory_space<hbm>> -> memref<1x64xi32, #tpu.memory_space<hbm>>
      %dma_start3A_357 = tpu.memref_squeeze %dma_start3A_356 : memref<1x64xi32, #tpu.memory_space<hbm>> -> memref<64xi32, #tpu.memory_space<hbm>>
      %dma_start3A_358 = tpu.memref_slice %arg3[%select_n3A, %add3A_44] : memref<16x1024xi32, #tpu.memory_space<hbm>> -> memref<1x64xi32, #tpu.memory_space<hbm>>
      %dma_start3A_359 = tpu.memref_squeeze %dma_start3A_358 : memref<1x64xi32, #tpu.memory_space<hbm>> -> memref<64xi32, #tpu.memory_space<hbm>>
      tpu.enqueue_dma source(%dma_start3A_359 : memref<64xi32, #tpu.memory_space<hbm>>) target(%arg8 : memref<64xi32, #tpu.memory_space<vmem>>) target_semaphore(%run_scoped3A : memref<!tpu.dma_semaphore, #tpu.memory_space<semaphore_mem>>)
      %dma_wait3A_360 = tpu.memref_slice %arg3[%select_n3A, %add3A_44] : memref<16x1024xi32, #tpu.memory_space<hbm>> -> memref<1x64xi32, #tpu.memory_space<hbm>>
      %dma_wait3A_361 = tpu.memref_squeeze %dma_wait3A_360 : memref<1x64xi32, #tpu.memory_space<hbm>> -> memref<64xi32, #tpu.memory_space<hbm>>
      %dma_wait3A_362 = tpu.memref_slice %arg3[%select_n3A, %add3A_44] : memref<16x1024xi32, #tpu.memory_space<hbm>> -> memref<1x64xi32, #tpu.memory_space<hbm>>
      %dma_wait3A_363 = tpu.memref_squeeze %dma_wait3A_362 : memref<1x64xi32, #tpu.memory_space<hbm>> -> memref<64xi32, #tpu.memory_space<hbm>>
      tpu.wait_dma2 semaphore(%run_scoped3A : memref<!tpu.dma_semaphore, #tpu.memory_space<semaphore_mem>>) src(%dma_wait3A_363 : memref<64xi32, #tpu.memory_space<hbm>>) dst(%arg8 : memref<64xi32, #tpu.memory_space<vmem>>)
      tpu.yield
    }) : () -> ()
    %dma_start3A = arith.constant 0 : i32
    %dma_start3A_45 = tpu.memref_slice %arg19[%dma_start3A] : memref<8192xf32, #tpu.memory_space<vmem_shared>> -> memref<8192xf32, #tpu.memory_space<vmem_shared>>
    tpu.enqueue_indirect_dma source(%arg17 : memref<64xf32, #tpu.memory_space<vmem>>) target(%dma_start3A_45 : memref<8192xf32, #tpu.memory_space<vmem_shared>>) offsets(%arg8 : memref<64xi32, #tpu.memory_space<vmem>>) semaphore(%arg24 : memref<!tpu.dma_semaphore, #tpu.memory_space<semaphore_mem>>) {add = true}
    %dma_start3A_46 = arith.constant 0 : i32
    %dma_start3A_47 = arith.constant 0 : i32
    %dma_start3A_48 = tpu.memref_slice %arg2[%dma_start3A_46, %dma_start3A_47] : memref<8192x256xf32, #tpu.memory_space<hbm>> -> memref<8192x256xf32, #tpu.memory_space<hbm>>
    tpu.enqueue_indirect_dma source(%dma_start3A_48 : memref<8192x256xf32, #tpu.memory_space<hbm>>) target(%arg10 : memref<64x256xf32, #tpu.memory_space<vmem>>) offsets(%arg8 : memref<64xi32, #tpu.memory_space<vmem>>) semaphore(%arg20 : memref<!tpu.dma_semaphore, #tpu.memory_space<semaphore_mem>>)
    %dma_start3A_49 = arith.constant 0 : i32
    %dma_start3A_50 = tpu.memref_slice %arg4[%add3A_42, %dma_start3A_49] : memref<16384x256xf32, #tpu.memory_space<hbm>> -> memref<64x256xf32, #tpu.memory_space<hbm>>
    %dma_start3A_51 = arith.constant 0 : i32
    %dma_start3A_52 = tpu.memref_slice %arg4[%add3A_42, %dma_start3A_51] : memref<16384x256xf32, #tpu.memory_space<hbm>> -> memref<64x256xf32, #tpu.memory_space<hbm>>
    tpu.enqueue_dma source(%dma_start3A_52 : memref<64x256xf32, #tpu.memory_space<hbm>>) target(%arg12 : memref<64x256xf32, #tpu.memory_space<vmem>>) target_semaphore(%arg20 : memref<!tpu.dma_semaphore, #tpu.memory_space<semaphore_mem>>)
    %broadcast_in_dim3A = arith.constant 0.000000e+00 : f32
    %broadcast_in_dim3A_53 = vector.broadcast %broadcast_in_dim3A : f32 to vector<16xf32>
    %broadcast_in_dim3A_54 = arith.constant 0.000000e+00 : f32
    %broadcast_in_dim3A_55 = vector.broadcast %broadcast_in_dim3A_54 : f32 to vector<16xf32>
    %add3A_56 = arith.constant 0 : i32
    %add3A_57 = arith.addi %mul3A_2, %add3A_56 : i32
    %add3A_58 = arith.constant 64 : i32
    %add3A_59 = arith.addi %mul3A_2, %add3A_58 : i32
    %add3A_60 = arith.constant 64 : i32
    %add3A_61 = arith.addi %select_n3A_32, %add3A_60 : i32
    "tpu.region"() ({
      %run_scoped3A = tpu.sem_alloc : memref<!tpu.dma_semaphore, #tpu.memory_space<semaphore_mem>>
      %dma_start3A_356 = tpu.memref_slice %arg3[%select_n3A, %add3A_61] : memref<16x1024xi32, #tpu.memory_space<hbm>> -> memref<1x64xi32, #tpu.memory_space<hbm>>
      %dma_start3A_357 = tpu.memref_squeeze %dma_start3A_356 : memref<1x64xi32, #tpu.memory_space<hbm>> -> memref<64xi32, #tpu.memory_space<hbm>>
      %dma_start3A_358 = tpu.memref_slice %arg3[%select_n3A, %add3A_61] : memref<16x1024xi32, #tpu.memory_space<hbm>> -> memref<1x64xi32, #tpu.memory_space<hbm>>
      %dma_start3A_359 = tpu.memref_squeeze %dma_start3A_358 : memref<1x64xi32, #tpu.memory_space<hbm>> -> memref<64xi32, #tpu.memory_space<hbm>>
      tpu.enqueue_dma source(%dma_start3A_359 : memref<64xi32, #tpu.memory_space<hbm>>) target(%arg9 : memref<64xi32, #tpu.memory_space<vmem>>) target_semaphore(%run_scoped3A : memref<!tpu.dma_semaphore, #tpu.memory_space<semaphore_mem>>)
      %dma_wait3A_360 = tpu.memref_slice %arg3[%select_n3A, %add3A_61] : memref<16x1024xi32, #tpu.memory_space<hbm>> -> memref<1x64xi32, #tpu.memory_space<hbm>>
      %dma_wait3A_361 = tpu.memref_squeeze %dma_wait3A_360 : memref<1x64xi32, #tpu.memory_space<hbm>> -> memref<64xi32, #tpu.memory_space<hbm>>
      %dma_wait3A_362 = tpu.memref_slice %arg3[%select_n3A, %add3A_61] : memref<16x1024xi32, #tpu.memory_space<hbm>> -> memref<1x64xi32, #tpu.memory_space<hbm>>
      %dma_wait3A_363 = tpu.memref_squeeze %dma_wait3A_362 : memref<1x64xi32, #tpu.memory_space<hbm>> -> memref<64xi32, #tpu.memory_space<hbm>>
      tpu.wait_dma2 semaphore(%run_scoped3A : memref<!tpu.dma_semaphore, #tpu.memory_space<semaphore_mem>>) src(%dma_wait3A_363 : memref<64xi32, #tpu.memory_space<hbm>>) dst(%arg9 : memref<64xi32, #tpu.memory_space<vmem>>)
      tpu.yield
    }) : () -> ()
    %dma_start3A_62 = arith.constant 0 : i32
    %dma_start3A_63 = tpu.memref_slice %arg19[%dma_start3A_62] : memref<8192xf32, #tpu.memory_space<vmem_shared>> -> memref<8192xf32, #tpu.memory_space<vmem_shared>>
    tpu.enqueue_indirect_dma source(%arg17 : memref<64xf32, #tpu.memory_space<vmem>>) target(%dma_start3A_63 : memref<8192xf32, #tpu.memory_space<vmem_shared>>) offsets(%arg9 : memref<64xi32, #tpu.memory_space<vmem>>) semaphore(%arg25 : memref<!tpu.dma_semaphore, #tpu.memory_space<semaphore_mem>>) {add = true}
    %dma_start3A_64 = arith.constant 0 : i32
    %dma_start3A_65 = arith.constant 0 : i32
    %dma_start3A_66 = tpu.memref_slice %arg2[%dma_start3A_64, %dma_start3A_65] : memref<8192x256xf32, #tpu.memory_space<hbm>> -> memref<8192x256xf32, #tpu.memory_space<hbm>>
    tpu.enqueue_indirect_dma source(%dma_start3A_66 : memref<8192x256xf32, #tpu.memory_space<hbm>>) target(%arg11 : memref<64x256xf32, #tpu.memory_space<vmem>>) offsets(%arg9 : memref<64xi32, #tpu.memory_space<vmem>>) semaphore(%arg21 : memref<!tpu.dma_semaphore, #tpu.memory_space<semaphore_mem>>)
    %dma_start3A_67 = arith.constant 0 : i32
    %dma_start3A_68 = tpu.memref_slice %arg4[%add3A_59, %dma_start3A_67] : memref<16384x256xf32, #tpu.memory_space<hbm>> -> memref<64x256xf32, #tpu.memory_space<hbm>>
    %dma_start3A_69 = arith.constant 0 : i32
    %dma_start3A_70 = tpu.memref_slice %arg4[%add3A_59, %dma_start3A_69] : memref<16384x256xf32, #tpu.memory_space<hbm>> -> memref<64x256xf32, #tpu.memory_space<hbm>>
    tpu.enqueue_dma source(%dma_start3A_70 : memref<64x256xf32, #tpu.memory_space<hbm>>) target(%arg13 : memref<64x256xf32, #tpu.memory_space<vmem>>) target_semaphore(%arg21 : memref<!tpu.dma_semaphore, #tpu.memory_space<semaphore_mem>>)
    %dma_wait3A = arith.constant 0 : i32
    %dma_wait3A_71 = arith.constant 0 : i32
    %dma_wait3A_72 = tpu.memref_slice %arg2[%dma_wait3A, %dma_wait3A_71] : memref<8192x256xf32, #tpu.memory_space<hbm>> -> memref<8192x256xf32, #tpu.memory_space<hbm>>
    tpu.wait_indirect_dma semaphore(%arg20 : memref<!tpu.dma_semaphore, #tpu.memory_space<semaphore_mem>>) src(%dma_wait3A_72 : memref<8192x256xf32, #tpu.memory_space<hbm>>) dst(%arg10 : memref<64x256xf32, #tpu.memory_space<vmem>>)
    %dma_wait3A_73 = arith.constant 0 : i32
    %dma_wait3A_74 = tpu.memref_slice %arg4[%add3A_42, %dma_wait3A_73] : memref<16384x256xf32, #tpu.memory_space<hbm>> -> memref<64x256xf32, #tpu.memory_space<hbm>>
    %dma_wait3A_75 = arith.constant 0 : i32
    %dma_wait3A_76 = tpu.memref_slice %arg4[%add3A_42, %dma_wait3A_75] : memref<16384x256xf32, #tpu.memory_space<hbm>> -> memref<64x256xf32, #tpu.memory_space<hbm>>
    tpu.wait_dma2 semaphore(%arg20 : memref<!tpu.dma_semaphore, #tpu.memory_space<semaphore_mem>>) src(%dma_wait3A_76 : memref<64x256xf32, #tpu.memory_space<hbm>>) dst(%arg12 : memref<64x256xf32, #tpu.memory_space<vmem>>)
    %scan3A_77 = arith.constant 0 : i32
    %scan3A_78 = arith.constant 64 : i32
    %scan3A_79 = arith.addi %scan3A_77, %scan3A_78 : i32
    %scan3A_80 = arith.constant 1 : i32
    %scan3A_81:2 = scf.for %scan3A_356 = %scan3A_77 to %scan3A_79 step %scan3A_80 iter_args(%scan3A_357 = %broadcast_in_dim3A_53, %scan3A_358 = %broadcast_in_dim3A_55) -> (vector<16xf32>, vector<16xf32>)  : i32 {
      %get3A = arith.index_cast %scan3A_356 : i32 to index
      %get3A_359 = arith.constant 0 : index
      %get3A_360 = tpu.vector_load %arg10[%get3A, %get3A_359] {strides = array<i32>} : memref<64x256xf32, #tpu.memory_space<vmem>>, vector<1x16xf32>,
      %get3A_361 = vector.shape_cast %get3A_360 : vector<1x16xf32> to vector<16xf32>
      %get3A_362 = arith.index_cast %scan3A_356 : i32 to index
      %get3A_363 = arith.constant 0 : index
      %get3A_364 = tpu.vector_load %arg12[%get3A_362, %get3A_363] {strides = array<i32>} : memref<64x256xf32, #tpu.memory_space<vmem>>, vector<1x16xf32>,
      %get3A_365 = vector.shape_cast %get3A_364 : vector<1x16xf32> to vector<16xf32>
      %get3A_366 = arith.index_cast %scan3A_356 : i32 to index
      %get3A_367 = arith.constant 16 : index
      %get3A_368 = tpu.vector_load %arg10[%get3A_366, %get3A_367] {strides = array<i32>} : memref<64x256xf32, #tpu.memory_space<vmem>>, vector<1x16xf32>,
      %get3A_369 = vector.shape_cast %get3A_368 : vector<1x16xf32> to vector<16xf32>
      %get3A_370 = arith.index_cast %scan3A_356 : i32 to index
      %get3A_371 = arith.constant 16 : index
      %get3A_372 = tpu.vector_load %arg12[%get3A_370, %get3A_371] {strides = array<i32>} : memref<64x256xf32, #tpu.memory_space<vmem>>, vector<1x16xf32>,
      %get3A_373 = vector.shape_cast %get3A_372 : vector<1x16xf32> to vector<16xf32>
      %sub3A_374 = arith.subf %get3A_361, %get3A_365 : vector<16xf32>
      %sub3A_375 = arith.subf %get3A_369, %get3A_373 : vector<16xf32>
      %add3A_376 = arith.addf %get3A_365, %sub3A_374 : vector<16xf32>
      %swap3A_377 = arith.index_cast %scan3A_356 : i32 to index
      %swap3A_378 = arith.constant 0 : index
      %swap3A_379 = tpu.vector_load %arg14[%swap3A_377, %swap3A_378] {strides = array<i32>} : memref<64x256xf32, #tpu.memory_space<vmem>>, vector<1x16xf32>,
      %swap3A_380 = vector.shape_cast %swap3A_379 : vector<1x16xf32> to vector<16xf32>
      %swap3A_381 = vector.shape_cast %add3A_376 : vector<16xf32> to vector<1x16xf32>
      tpu.vector_store %arg14[%swap3A_377, %swap3A_378], %swap3A_381 {strides = array<i32>} : memref<64x256xf32, #tpu.memory_space<vmem>>, vector<1x16xf32>,
      %add3A_382 = arith.addf %get3A_373, %sub3A_375 : vector<16xf32>
      %swap3A_383 = arith.index_cast %scan3A_356 : i32 to index
      %swap3A_384 = arith.constant 16 : index
      %swap3A_385 = tpu.vector_load %arg14[%swap3A_383, %swap3A_384] {strides = array<i32>} : memref<64x256xf32, #tpu.memory_space<vmem>>, vector<1x16xf32>,
      %swap3A_386 = vector.shape_cast %swap3A_385 : vector<1x16xf32> to vector<16xf32>
      %swap3A_387 = vector.shape_cast %add3A_382 : vector<16xf32> to vector<1x16xf32>
      tpu.vector_store %arg14[%swap3A_383, %swap3A_384], %swap3A_387 {strides = array<i32>} : memref<64x256xf32, #tpu.memory_space<vmem>>, vector<1x16xf32>,
      %mul3A_388 = arith.mulf %sub3A_374, %sub3A_374 : vector<16xf32>
      %add3A_389 = arith.addf %scan3A_357, %mul3A_388 : vector<16xf32>
      %mul3A_390 = arith.mulf %sub3A_375, %sub3A_375 : vector<16xf32>
      %add3A_391 = arith.addf %scan3A_358, %mul3A_390 : vector<16xf32>
      %get3A_392 = arith.index_cast %scan3A_356 : i32 to index
      %get3A_393 = arith.constant 32 : index
      %get3A_394 = tpu.vector_load %arg10[%get3A_392, %get3A_393] {strides = array<i32>} : memref<64x256xf32, #tpu.memory_space<vmem>>, vector<1x16xf32>,
      %get3A_395 = vector.shape_cast %get3A_394 : vector<1x16xf32> to vector<16xf32>
      %get3A_396 = arith.index_cast %scan3A_356 : i32 to index
      %get3A_397 = arith.constant 32 : index
      %get3A_398 = tpu.vector_load %arg12[%get3A_396, %get3A_397] {strides = array<i32>} : memref<64x256xf32, #tpu.memory_space<vmem>>, vector<1x16xf32>,
      %get3A_399 = vector.shape_cast %get3A_398 : vector<1x16xf32> to vector<16xf32>
      %get3A_400 = arith.index_cast %scan3A_356 : i32 to index
      %get3A_401 = arith.constant 48 : index
      %get3A_402 = tpu.vector_load %arg10[%get3A_400, %get3A_401] {strides = array<i32>} : memref<64x256xf32, #tpu.memory_space<vmem>>, vector<1x16xf32>,
      %get3A_403 = vector.shape_cast %get3A_402 : vector<1x16xf32> to vector<16xf32>
      %get3A_404 = arith.index_cast %scan3A_356 : i32 to index
      %get3A_405 = arith.constant 48 : index
      %get3A_406 = tpu.vector_load %arg12[%get3A_404, %get3A_405] {strides = array<i32>} : memref<64x256xf32, #tpu.memory_space<vmem>>, vector<1x16xf32>,
      %get3A_407 = vector.shape_cast %get3A_406 : vector<1x16xf32> to vector<16xf32>
      %sub3A_408 = arith.subf %get3A_395, %get3A_399 : vector<16xf32>
      %sub3A_409 = arith.subf %get3A_403, %get3A_407 : vector<16xf32>
      %add3A_410 = arith.addf %get3A_399, %sub3A_408 : vector<16xf32>
      %swap3A_411 = arith.index_cast %scan3A_356 : i32 to index
      %swap3A_412 = arith.constant 32 : index
      %swap3A_413 = tpu.vector_load %arg14[%swap3A_411, %swap3A_412] {strides = array<i32>} : memref<64x256xf32, #tpu.memory_space<vmem>>, vector<1x16xf32>,
      %swap3A_414 = vector.shape_cast %swap3A_413 : vector<1x16xf32> to vector<16xf32>
      %swap3A_415 = vector.shape_cast %add3A_410 : vector<16xf32> to vector<1x16xf32>
      tpu.vector_store %arg14[%swap3A_411, %swap3A_412], %swap3A_415 {strides = array<i32>} : memref<64x256xf32, #tpu.memory_space<vmem>>, vector<1x16xf32>,
      %add3A_416 = arith.addf %get3A_407, %sub3A_409 : vector<16xf32>
      %swap3A_417 = arith.index_cast %scan3A_356 : i32 to index
      %swap3A_418 = arith.constant 48 : index
      %swap3A_419 = tpu.vector_load %arg14[%swap3A_417, %swap3A_418] {strides = array<i32>} : memref<64x256xf32, #tpu.memory_space<vmem>>, vector<1x16xf32>,
      %swap3A_420 = vector.shape_cast %swap3A_419 : vector<1x16xf32> to vector<16xf32>
      %swap3A_421 = vector.shape_cast %add3A_416 : vector<16xf32> to vector<1x16xf32>
      tpu.vector_store %arg14[%swap3A_417, %swap3A_418], %swap3A_421 {strides = array<i32>} : memref<64x256xf32, #tpu.memory_space<vmem>>, vector<1x16xf32>,
      %mul3A_422 = arith.mulf %sub3A_408, %sub3A_408 : vector<16xf32>
      %add3A_423 = arith.addf %add3A_389, %mul3A_422 : vector<16xf32>
      %mul3A_424 = arith.mulf %sub3A_409, %sub3A_409 : vector<16xf32>
      %add3A_425 = arith.addf %add3A_391, %mul3A_424 : vector<16xf32>
      %get3A_426 = arith.index_cast %scan3A_356 : i32 to index
      %get3A_427 = arith.constant 64 : index
      %get3A_428 = tpu.vector_load %arg10[%get3A_426, %get3A_427] {strides = array<i32>} : memref<64x256xf32, #tpu.memory_space<vmem>>, vector<1x16xf32>,
      %get3A_429 = vector.shape_cast %get3A_428 : vector<1x16xf32> to vector<16xf32>
      %get3A_430 = arith.index_cast %scan3A_356 : i32 to index
      %get3A_431 = arith.constant 64 : index
      %get3A_432 = tpu.vector_load %arg12[%get3A_430, %get3A_431] {strides = array<i32>} : memref<64x256xf32, #tpu.memory_space<vmem>>, vector<1x16xf32>,
      %get3A_433 = vector.shape_cast %get3A_432 : vector<1x16xf32> to vector<16xf32>
      %get3A_434 = arith.index_cast %scan3A_356 : i32 to index
      %get3A_435 = arith.constant 80 : index
      %get3A_436 = tpu.vector_load %arg10[%get3A_434, %get3A_435] {strides = array<i32>} : memref<64x256xf32, #tpu.memory_space<vmem>>, vector<1x16xf32>,
      %get3A_437 = vector.shape_cast %get3A_436 : vector<1x16xf32> to vector<16xf32>
      %get3A_438 = arith.index_cast %scan3A_356 : i32 to index
      %get3A_439 = arith.constant 80 : index
      %get3A_440 = tpu.vector_load %arg12[%get3A_438, %get3A_439] {strides = array<i32>} : memref<64x256xf32, #tpu.memory_space<vmem>>, vector<1x16xf32>,
      %get3A_441 = vector.shape_cast %get3A_440 : vector<1x16xf32> to vector<16xf32>
      %sub3A_442 = arith.subf %get3A_429, %get3A_433 : vector<16xf32>
      %sub3A_443 = arith.subf %get3A_437, %get3A_441 : vector<16xf32>
      %add3A_444 = arith.addf %get3A_433, %sub3A_442 : vector<16xf32>
      %swap3A_445 = arith.index_cast %scan3A_356 : i32 to index
      %swap3A_446 = arith.constant 64 : index
      %swap3A_447 = tpu.vector_load %arg14[%swap3A_445, %swap3A_446] {strides = array<i32>} : memref<64x256xf32, #tpu.memory_space<vmem>>, vector<1x16xf32>,
      %swap3A_448 = vector.shape_cast %swap3A_447 : vector<1x16xf32> to vector<16xf32>
      %swap3A_449 = vector.shape_cast %add3A_444 : vector<16xf32> to vector<1x16xf32>
      tpu.vector_store %arg14[%swap3A_445, %swap3A_446], %swap3A_449 {strides = array<i32>} : memref<64x256xf32, #tpu.memory_space<vmem>>, vector<1x16xf32>,
      %add3A_450 = arith.addf %get3A_441, %sub3A_443 : vector<16xf32>
      %swap3A_451 = arith.index_cast %scan3A_356 : i32 to index
      %swap3A_452 = arith.constant 80 : index
      %swap3A_453 = tpu.vector_load %arg14[%swap3A_451, %swap3A_452] {strides = array<i32>} : memref<64x256xf32, #tpu.memory_space<vmem>>, vector<1x16xf32>,
      %swap3A_454 = vector.shape_cast %swap3A_453 : vector<1x16xf32> to vector<16xf32>
      %swap3A_455 = vector.shape_cast %add3A_450 : vector<16xf32> to vector<1x16xf32>
      tpu.vector_store %arg14[%swap3A_451, %swap3A_452], %swap3A_455 {strides = array<i32>} : memref<64x256xf32, #tpu.memory_space<vmem>>, vector<1x16xf32>,
      %mul3A_456 = arith.mulf %sub3A_442, %sub3A_442 : vector<16xf32>
      %add3A_457 = arith.addf %add3A_423, %mul3A_456 : vector<16xf32>
      %mul3A_458 = arith.mulf %sub3A_443, %sub3A_443 : vector<16xf32>
      %add3A_459 = arith.addf %add3A_425, %mul3A_458 : vector<16xf32>
      %get3A_460 = arith.index_cast %scan3A_356 : i32 to index
      %get3A_461 = arith.constant 96 : index
      %get3A_462 = tpu.vector_load %arg10[%get3A_460, %get3A_461] {strides = array<i32>} : memref<64x256xf32, #tpu.memory_space<vmem>>, vector<1x16xf32>,
      %get3A_463 = vector.shape_cast %get3A_462 : vector<1x16xf32> to vector<16xf32>
      %get3A_464 = arith.index_cast %scan3A_356 : i32 to index
      %get3A_465 = arith.constant 96 : index
      %get3A_466 = tpu.vector_load %arg12[%get3A_464, %get3A_465] {strides = array<i32>} : memref<64x256xf32, #tpu.memory_space<vmem>>, vector<1x16xf32>,
      %get3A_467 = vector.shape_cast %get3A_466 : vector<1x16xf32> to vector<16xf32>
      %get3A_468 = arith.index_cast %scan3A_356 : i32 to index
      %get3A_469 = arith.constant 112 : index
      %get3A_470 = tpu.vector_load %arg10[%get3A_468, %get3A_469] {strides = array<i32>} : memref<64x256xf32, #tpu.memory_space<vmem>>, vector<1x16xf32>,
      %get3A_471 = vector.shape_cast %get3A_470 : vector<1x16xf32> to vector<16xf32>
      %get3A_472 = arith.index_cast %scan3A_356 : i32 to index
      %get3A_473 = arith.constant 112 : index
      %get3A_474 = tpu.vector_load %arg12[%get3A_472, %get3A_473] {strides = array<i32>} : memref<64x256xf32, #tpu.memory_space<vmem>>, vector<1x16xf32>,
      %get3A_475 = vector.shape_cast %get3A_474 : vector<1x16xf32> to vector<16xf32>
      %sub3A_476 = arith.subf %get3A_463, %get3A_467 : vector<16xf32>
      %sub3A_477 = arith.subf %get3A_471, %get3A_475 : vector<16xf32>
      %add3A_478 = arith.addf %get3A_467, %sub3A_476 : vector<16xf32>
      %swap3A_479 = arith.index_cast %scan3A_356 : i32 to index
      %swap3A_480 = arith.constant 96 : index
      %swap3A_481 = tpu.vector_load %arg14[%swap3A_479, %swap3A_480] {strides = array<i32>} : memref<64x256xf32, #tpu.memory_space<vmem>>, vector<1x16xf32>,
      %swap3A_482 = vector.shape_cast %swap3A_481 : vector<1x16xf32> to vector<16xf32>
      %swap3A_483 = vector.shape_cast %add3A_478 : vector<16xf32> to vector<1x16xf32>
      tpu.vector_store %arg14[%swap3A_479, %swap3A_480], %swap3A_483 {strides = array<i32>} : memref<64x256xf32, #tpu.memory_space<vmem>>, vector<1x16xf32>,
      %add3A_484 = arith.addf %get3A_475, %sub3A_477 : vector<16xf32>
      %swap3A_485 = arith.index_cast %scan3A_356 : i32 to index
      %swap3A_486 = arith.constant 112 : index
      %swap3A_487 = tpu.vector_load %arg14[%swap3A_485, %swap3A_486] {strides = array<i32>} : memref<64x256xf32, #tpu.memory_space<vmem>>, vector<1x16xf32>,
      %swap3A_488 = vector.shape_cast %swap3A_487 : vector<1x16xf32> to vector<16xf32>
      %swap3A_489 = vector.shape_cast %add3A_484 : vector<16xf32> to vector<1x16xf32>
      tpu.vector_store %arg14[%swap3A_485, %swap3A_486], %swap3A_489 {strides = array<i32>} : memref<64x256xf32, #tpu.memory_space<vmem>>, vector<1x16xf32>,
      %mul3A_490 = arith.mulf %sub3A_476, %sub3A_476 : vector<16xf32>
      %add3A_491 = arith.addf %add3A_457, %mul3A_490 : vector<16xf32>
      %mul3A_492 = arith.mulf %sub3A_477, %sub3A_477 : vector<16xf32>
      %add3A_493 = arith.addf %add3A_459, %mul3A_492 : vector<16xf32>
      %get3A_494 = arith.index_cast %scan3A_356 : i32 to index
      %get3A_495 = arith.constant 128 : index
      %get3A_496 = tpu.vector_load %arg10[%get3A_494, %get3A_495] {strides = array<i32>} : memref<64x256xf32, #tpu.memory_space<vmem>>, vector<1x16xf32>,
      %get3A_497 = vector.shape_cast %get3A_496 : vector<1x16xf32> to vector<16xf32>
      %get3A_498 = arith.index_cast %scan3A_356 : i32 to index
      %get3A_499 = arith.constant 128 : index
      %get3A_500 = tpu.vector_load %arg12[%get3A_498, %get3A_499] {strides = array<i32>} : memref<64x256xf32, #tpu.memory_space<vmem>>, vector<1x16xf32>,
      %get3A_501 = vector.shape_cast %get3A_500 : vector<1x16xf32> to vector<16xf32>
      %get3A_502 = arith.index_cast %scan3A_356 : i32 to index
      %get3A_503 = arith.constant 144 : index
      %get3A_504 = tpu.vector_load %arg10[%get3A_502, %get3A_503] {strides = array<i32>} : memref<64x256xf32, #tpu.memory_space<vmem>>, vector<1x16xf32>,
      %get3A_505 = vector.shape_cast %get3A_504 : vector<1x16xf32> to vector<16xf32>
      %get3A_506 = arith.index_cast %scan3A_356 : i32 to index
      %get3A_507 = arith.constant 144 : index
      %get3A_508 = tpu.vector_load %arg12[%get3A_506, %get3A_507] {strides = array<i32>} : memref<64x256xf32, #tpu.memory_space<vmem>>, vector<1x16xf32>,
      %get3A_509 = vector.shape_cast %get3A_508 : vector<1x16xf32> to vector<16xf32>
      %sub3A_510 = arith.subf %get3A_497, %get3A_501 : vector<16xf32>
      %sub3A_511 = arith.subf %get3A_505, %get3A_509 : vector<16xf32>
      %add3A_512 = arith.addf %get3A_501, %sub3A_510 : vector<16xf32>
      %swap3A_513 = arith.index_cast %scan3A_356 : i32 to index
      %swap3A_514 = arith.constant 128 : index
      %swap3A_515 = tpu.vector_load %arg14[%swap3A_513, %swap3A_514] {strides = array<i32>} : memref<64x256xf32, #tpu.memory_space<vmem>>, vector<1x16xf32>,
      %swap3A_516 = vector.shape_cast %swap3A_515 : vector<1x16xf32> to vector<16xf32>
      %swap3A_517 = vector.shape_cast %add3A_512 : vector<16xf32> to vector<1x16xf32>
      tpu.vector_store %arg14[%swap3A_513, %swap3A_514], %swap3A_517 {strides = array<i32>} : memref<64x256xf32, #tpu.memory_space<vmem>>, vector<1x16xf32>,
      %add3A_518 = arith.addf %get3A_509, %sub3A_511 : vector<16xf32>
      %swap3A_519 = arith.index_cast %scan3A_356 : i32 to index
      %swap3A_520 = arith.constant 144 : index
      %swap3A_521 = tpu.vector_load %arg14[%swap3A_519, %swap3A_520] {strides = array<i32>} : memref<64x256xf32, #tpu.memory_space<vmem>>, vector<1x16xf32>,
      %swap3A_522 = vector.shape_cast %swap3A_521 : vector<1x16xf32> to vector<16xf32>
      %swap3A_523 = vector.shape_cast %add3A_518 : vector<16xf32> to vector<1x16xf32>
      tpu.vector_store %arg14[%swap3A_519, %swap3A_520], %swap3A_523 {strides = array<i32>} : memref<64x256xf32, #tpu.memory_space<vmem>>, vector<1x16xf32>,
      %mul3A_524 = arith.mulf %sub3A_510, %sub3A_510 : vector<16xf32>
      %add3A_525 = arith.addf %add3A_491, %mul3A_524 : vector<16xf32>
      %mul3A_526 = arith.mulf %sub3A_511, %sub3A_511 : vector<16xf32>
      %add3A_527 = arith.addf %add3A_493, %mul3A_526 : vector<16xf32>
      %get3A_528 = arith.index_cast %scan3A_356 : i32 to index
      %get3A_529 = arith.constant 160 : index
      %get3A_530 = tpu.vector_load %arg10[%get3A_528, %get3A_529] {strides = array<i32>} : memref<64x256xf32, #tpu.memory_space<vmem>>, vector<1x16xf32>,
      %get3A_531 = vector.shape_cast %get3A_530 : vector<1x16xf32> to vector<16xf32>
      %get3A_532 = arith.index_cast %scan3A_356 : i32 to index
      %get3A_533 = arith.constant 160 : index
      %get3A_534 = tpu.vector_load %arg12[%get3A_532, %get3A_533] {strides = array<i32>} : memref<64x256xf32, #tpu.memory_space<vmem>>, vector<1x16xf32>,
      %get3A_535 = vector.shape_cast %get3A_534 : vector<1x16xf32> to vector<16xf32>
      %get3A_536 = arith.index_cast %scan3A_356 : i32 to index
      %get3A_537 = arith.constant 176 : index
      %get3A_538 = tpu.vector_load %arg10[%get3A_536, %get3A_537] {strides = array<i32>} : memref<64x256xf32, #tpu.memory_space<vmem>>, vector<1x16xf32>,
      %get3A_539 = vector.shape_cast %get3A_538 : vector<1x16xf32> to vector<16xf32>
      %get3A_540 = arith.index_cast %scan3A_356 : i32 to index
      %get3A_541 = arith.constant 176 : index
      %get3A_542 = tpu.vector_load %arg12[%get3A_540, %get3A_541] {strides = array<i32>} : memref<64x256xf32, #tpu.memory_space<vmem>>, vector<1x16xf32>,
      %get3A_543 = vector.shape_cast %get3A_542 : vector<1x16xf32> to vector<16xf32>
      %sub3A_544 = arith.subf %get3A_531, %get3A_535 : vector<16xf32>
      %sub3A_545 = arith.subf %get3A_539, %get3A_543 : vector<16xf32>
      %add3A_546 = arith.addf %get3A_535, %sub3A_544 : vector<16xf32>
      %swap3A_547 = arith.index_cast %scan3A_356 : i32 to index
      %swap3A_548 = arith.constant 160 : index
      %swap3A_549 = tpu.vector_load %arg14[%swap3A_547, %swap3A_548] {strides = array<i32>} : memref<64x256xf32, #tpu.memory_space<vmem>>, vector<1x16xf32>,
      %swap3A_550 = vector.shape_cast %swap3A_549 : vector<1x16xf32> to vector<16xf32>
      %swap3A_551 = vector.shape_cast %add3A_546 : vector<16xf32> to vector<1x16xf32>
      tpu.vector_store %arg14[%swap3A_547, %swap3A_548], %swap3A_551 {strides = array<i32>} : memref<64x256xf32, #tpu.memory_space<vmem>>, vector<1x16xf32>,
      %add3A_552 = arith.addf %get3A_543, %sub3A_545 : vector<16xf32>
      %swap3A_553 = arith.index_cast %scan3A_356 : i32 to index
      %swap3A_554 = arith.constant 176 : index
      %swap3A_555 = tpu.vector_load %arg14[%swap3A_553, %swap3A_554] {strides = array<i32>} : memref<64x256xf32, #tpu.memory_space<vmem>>, vector<1x16xf32>,
      %swap3A_556 = vector.shape_cast %swap3A_555 : vector<1x16xf32> to vector<16xf32>
      %swap3A_557 = vector.shape_cast %add3A_552 : vector<16xf32> to vector<1x16xf32>
      tpu.vector_store %arg14[%swap3A_553, %swap3A_554], %swap3A_557 {strides = array<i32>} : memref<64x256xf32, #tpu.memory_space<vmem>>, vector<1x16xf32>,
      %mul3A_558 = arith.mulf %sub3A_544, %sub3A_544 : vector<16xf32>
      %add3A_559 = arith.addf %add3A_525, %mul3A_558 : vector<16xf32>
      %mul3A_560 = arith.mulf %sub3A_545, %sub3A_545 : vector<16xf32>
      %add3A_561 = arith.addf %add3A_527, %mul3A_560 : vector<16xf32>
      %get3A_562 = arith.index_cast %scan3A_356 : i32 to index
      %get3A_563 = arith.constant 192 : index
      %get3A_564 = tpu.vector_load %arg10[%get3A_562, %get3A_563] {strides = array<i32>} : memref<64x256xf32, #tpu.memory_space<vmem>>, vector<1x16xf32>,
      %get3A_565 = vector.shape_cast %get3A_564 : vector<1x16xf32> to vector<16xf32>
      %get3A_566 = arith.index_cast %scan3A_356 : i32 to index
      %get3A_567 = arith.constant 192 : index
      %get3A_568 = tpu.vector_load %arg12[%get3A_566, %get3A_567] {strides = array<i32>} : memref<64x256xf32, #tpu.memory_space<vmem>>, vector<1x16xf32>,
      %get3A_569 = vector.shape_cast %get3A_568 : vector<1x16xf32> to vector<16xf32>
      %get3A_570 = arith.index_cast %scan3A_356 : i32 to index
      %get3A_571 = arith.constant 208 : index
      %get3A_572 = tpu.vector_load %arg10[%get3A_570, %get3A_571] {strides = array<i32>} : memref<64x256xf32, #tpu.memory_space<vmem>>, vector<1x16xf32>,
      %get3A_573 = vector.shape_cast %get3A_572 : vector<1x16xf32> to vector<16xf32>
      %get3A_574 = arith.index_cast %scan3A_356 : i32 to index
      %get3A_575 = arith.constant 208 : index
      %get3A_576 = tpu.vector_load %arg12[%get3A_574, %get3A_575] {strides = array<i32>} : memref<64x256xf32, #tpu.memory_space<vmem>>, vector<1x16xf32>,
      %get3A_577 = vector.shape_cast %get3A_576 : vector<1x16xf32> to vector<16xf32>
      %sub3A_578 = arith.subf %get3A_565, %get3A_569 : vector<16xf32>
      %sub3A_579 = arith.subf %get3A_573, %get3A_577 : vector<16xf32>
      %add3A_580 = arith.addf %get3A_569, %sub3A_578 : vector<16xf32>
      %swap3A_581 = arith.index_cast %scan3A_356 : i32 to index
      %swap3A_582 = arith.constant 192 : index
      %swap3A_583 = tpu.vector_load %arg14[%swap3A_581, %swap3A_582] {strides = array<i32>} : memref<64x256xf32, #tpu.memory_space<vmem>>, vector<1x16xf32>,
      %swap3A_584 = vector.shape_cast %swap3A_583 : vector<1x16xf32> to vector<16xf32>
      %swap3A_585 = vector.shape_cast %add3A_580 : vector<16xf32> to vector<1x16xf32>
      tpu.vector_store %arg14[%swap3A_581, %swap3A_582], %swap3A_585 {strides = array<i32>} : memref<64x256xf32, #tpu.memory_space<vmem>>, vector<1x16xf32>,
      %add3A_586 = arith.addf %get3A_577, %sub3A_579 : vector<16xf32>
      %swap3A_587 = arith.index_cast %scan3A_356 : i32 to index
      %swap3A_588 = arith.constant 208 : index
      %swap3A_589 = tpu.vector_load %arg14[%swap3A_587, %swap3A_588] {strides = array<i32>} : memref<64x256xf32, #tpu.memory_space<vmem>>, vector<1x16xf32>,
      %swap3A_590 = vector.shape_cast %swap3A_589 : vector<1x16xf32> to vector<16xf32>
      %swap3A_591 = vector.shape_cast %add3A_586 : vector<16xf32> to vector<1x16xf32>
      tpu.vector_store %arg14[%swap3A_587, %swap3A_588], %swap3A_591 {strides = array<i32>} : memref<64x256xf32, #tpu.memory_space<vmem>>, vector<1x16xf32>,
      %mul3A_592 = arith.mulf %sub3A_578, %sub3A_578 : vector<16xf32>
      %add3A_593 = arith.addf %add3A_559, %mul3A_592 : vector<16xf32>
      %mul3A_594 = arith.mulf %sub3A_579, %sub3A_579 : vector<16xf32>
      %add3A_595 = arith.addf %add3A_561, %mul3A_594 : vector<16xf32>
      %get3A_596 = arith.index_cast %scan3A_356 : i32 to index
      %get3A_597 = arith.constant 224 : index
      %get3A_598 = tpu.vector_load %arg10[%get3A_596, %get3A_597] {strides = array<i32>} : memref<64x256xf32, #tpu.memory_space<vmem>>, vector<1x16xf32>,
      %get3A_599 = vector.shape_cast %get3A_598 : vector<1x16xf32> to vector<16xf32>
      %get3A_600 = arith.index_cast %scan3A_356 : i32 to index
      %get3A_601 = arith.constant 224 : index
      %get3A_602 = tpu.vector_load %arg12[%get3A_600, %get3A_601] {strides = array<i32>} : memref<64x256xf32, #tpu.memory_space<vmem>>, vector<1x16xf32>,
      %get3A_603 = vector.shape_cast %get3A_602 : vector<1x16xf32> to vector<16xf32>
      %get3A_604 = arith.index_cast %scan3A_356 : i32 to index
      %get3A_605 = arith.constant 240 : index
      %get3A_606 = tpu.vector_load %arg10[%get3A_604, %get3A_605] {strides = array<i32>} : memref<64x256xf32, #tpu.memory_space<vmem>>, vector<1x16xf32>,
      %get3A_607 = vector.shape_cast %get3A_606 : vector<1x16xf32> to vector<16xf32>
      %get3A_608 = arith.index_cast %scan3A_356 : i32 to index
      %get3A_609 = arith.constant 240 : index
      %get3A_610 = tpu.vector_load %arg12[%get3A_608, %get3A_609] {strides = array<i32>} : memref<64x256xf32, #tpu.memory_space<vmem>>, vector<1x16xf32>,
      %get3A_611 = vector.shape_cast %get3A_610 : vector<1x16xf32> to vector<16xf32>
      %sub3A_612 = arith.subf %get3A_599, %get3A_603 : vector<16xf32>
      %sub3A_613 = arith.subf %get3A_607, %get3A_611 : vector<16xf32>
      %add3A_614 = arith.addf %get3A_603, %sub3A_612 : vector<16xf32>
      %swap3A_615 = arith.index_cast %scan3A_356 : i32 to index
      %swap3A_616 = arith.constant 224 : index
      %swap3A_617 = tpu.vector_load %arg14[%swap3A_615, %swap3A_616] {strides = array<i32>} : memref<64x256xf32, #tpu.memory_space<vmem>>, vector<1x16xf32>,
      %swap3A_618 = vector.shape_cast %swap3A_617 : vector<1x16xf32> to vector<16xf32>
      %swap3A_619 = vector.shape_cast %add3A_614 : vector<16xf32> to vector<1x16xf32>
      tpu.vector_store %arg14[%swap3A_615, %swap3A_616], %swap3A_619 {strides = array<i32>} : memref<64x256xf32, #tpu.memory_space<vmem>>, vector<1x16xf32>,
      %add3A_620 = arith.addf %get3A_611, %sub3A_613 : vector<16xf32>
      %swap3A_621 = arith.index_cast %scan3A_356 : i32 to index
      %swap3A_622 = arith.constant 240 : index
      %swap3A_623 = tpu.vector_load %arg14[%swap3A_621, %swap3A_622] {strides = array<i32>} : memref<64x256xf32, #tpu.memory_space<vmem>>, vector<1x16xf32>,
      %swap3A_624 = vector.shape_cast %swap3A_623 : vector<1x16xf32> to vector<16xf32>
      %swap3A_625 = vector.shape_cast %add3A_620 : vector<16xf32> to vector<1x16xf32>
      tpu.vector_store %arg14[%swap3A_621, %swap3A_622], %swap3A_625 {strides = array<i32>} : memref<64x256xf32, #tpu.memory_space<vmem>>, vector<1x16xf32>,
      %mul3A_626 = arith.mulf %sub3A_612, %sub3A_612 : vector<16xf32>
      %add3A_627 = arith.addf %add3A_593, %mul3A_626 : vector<16xf32>
      %mul3A_628 = arith.mulf %sub3A_613, %sub3A_613 : vector<16xf32>
      %add3A_629 = arith.addf %add3A_595, %mul3A_628 : vector<16xf32>
      scf.yield %add3A_627, %add3A_629 : vector<16xf32>, vector<16xf32>
    }
    %scan3A_82 = arith.constant 64 : i32
    %dma_start3A_83 = arith.constant 0 : i32
    %dma_start3A_84 = tpu.memref_slice %arg5[%add3A_57, %dma_start3A_83] : memref<16384x256xf32, #tpu.memory_space<hbm>> -> memref<64x256xf32, #tpu.memory_space<hbm>>
    %dma_start3A_85 = arith.constant 0 : i32
    %dma_start3A_86 = tpu.memref_slice %arg5[%add3A_57, %dma_start3A_85] : memref<16384x256xf32, #tpu.memory_space<hbm>> -> memref<64x256xf32, #tpu.memory_space<hbm>>
    tpu.enqueue_dma source(%arg14 : memref<64x256xf32, #tpu.memory_space<vmem>>) target(%dma_start3A_86 : memref<64x256xf32, #tpu.memory_space<hbm>>) target_semaphore(%arg22 : memref<!tpu.dma_semaphore, #tpu.memory_space<semaphore_mem>>)
    %add3A_87 = arith.constant 64 : i32
    %add3A_88 = arith.addi %mul3A_2, %add3A_87 : i32
    %dma_wait3A_89 = arith.constant 0 : i32
    %dma_wait3A_90 = tpu.memref_slice %arg5[%add3A_57, %dma_wait3A_89] : memref<16384x256xf32, #tpu.memory_space<hbm>> -> memref<64x256xf32, #tpu.memory_space<hbm>>
    %dma_wait3A_91 = arith.constant 0 : i32
    %dma_wait3A_92 = tpu.memref_slice %arg5[%add3A_57, %dma_wait3A_91] : memref<16384x256xf32, #tpu.memory_space<hbm>> -> memref<64x256xf32, #tpu.memory_space<hbm>>
    tpu.wait_dma2 semaphore(%arg22 : memref<!tpu.dma_semaphore, #tpu.memory_space<semaphore_mem>>) src(%arg14 : memref<64x256xf32, #tpu.memory_space<vmem>>) dst(%dma_wait3A_92 : memref<64x256xf32, #tpu.memory_space<hbm>>)
    %add3A_93 = arith.constant 128 : i32
    %add3A_94 = arith.addi %mul3A_2, %add3A_93 : i32
    %dma_wait3A_95 = arith.constant 0 : i32
    %dma_wait3A_96 = tpu.memref_slice %arg19[%dma_wait3A_95] : memref<8192xf32, #tpu.memory_space<vmem_shared>> -> memref<8192xf32, #tpu.memory_space<vmem_shared>>
    tpu.wait_indirect_dma semaphore(%arg24 : memref<!tpu.dma_semaphore, #tpu.memory_space<semaphore_mem>>) src(%arg17 : memref<64xf32, #tpu.memory_space<vmem>>) dst(%dma_wait3A_96 : memref<8192xf32, #tpu.memory_space<vmem_shared>>)
    %add3A_97 = arith.constant 128 : i32
    %add3A_98 = arith.addi %select_n3A_32, %add3A_97 : i32
    "tpu.region"() ({
      %run_scoped3A = tpu.sem_alloc : memref<!tpu.dma_semaphore, #tpu.memory_space<semaphore_mem>>
      %dma_start3A_356 = tpu.memref_slice %arg3[%select_n3A, %add3A_98] : memref<16x1024xi32, #tpu.memory_space<hbm>> -> memref<1x64xi32, #tpu.memory_space<hbm>>
      %dma_start3A_357 = tpu.memref_squeeze %dma_start3A_356 : memref<1x64xi32, #tpu.memory_space<hbm>> -> memref<64xi32, #tpu.memory_space<hbm>>
      %dma_start3A_358 = tpu.memref_slice %arg3[%select_n3A, %add3A_98] : memref<16x1024xi32, #tpu.memory_space<hbm>> -> memref<1x64xi32, #tpu.memory_space<hbm>>
      %dma_start3A_359 = tpu.memref_squeeze %dma_start3A_358 : memref<1x64xi32, #tpu.memory_space<hbm>> -> memref<64xi32, #tpu.memory_space<hbm>>
      tpu.enqueue_dma source(%dma_start3A_359 : memref<64xi32, #tpu.memory_space<hbm>>) target(%arg8 : memref<64xi32, #tpu.memory_space<vmem>>) target_semaphore(%run_scoped3A : memref<!tpu.dma_semaphore, #tpu.memory_space<semaphore_mem>>)
      %dma_wait3A_360 = tpu.memref_slice %arg3[%select_n3A, %add3A_98] : memref<16x1024xi32, #tpu.memory_space<hbm>> -> memref<1x64xi32, #tpu.memory_space<hbm>>
      %dma_wait3A_361 = tpu.memref_squeeze %dma_wait3A_360 : memref<1x64xi32, #tpu.memory_space<hbm>> -> memref<64xi32, #tpu.memory_space<hbm>>
      %dma_wait3A_362 = tpu.memref_slice %arg3[%select_n3A, %add3A_98] : memref<16x1024xi32, #tpu.memory_space<hbm>> -> memref<1x64xi32, #tpu.memory_space<hbm>>
      %dma_wait3A_363 = tpu.memref_squeeze %dma_wait3A_362 : memref<1x64xi32, #tpu.memory_space<hbm>> -> memref<64xi32, #tpu.memory_space<hbm>>
      tpu.wait_dma2 semaphore(%run_scoped3A : memref<!tpu.dma_semaphore, #tpu.memory_space<semaphore_mem>>) src(%dma_wait3A_363 : memref<64xi32, #tpu.memory_space<hbm>>) dst(%arg8 : memref<64xi32, #tpu.memory_space<vmem>>)
      tpu.yield
    }) : () -> ()
    %dma_start3A_99 = arith.constant 0 : i32
    %dma_start3A_100 = tpu.memref_slice %arg19[%dma_start3A_99] : memref<8192xf32, #tpu.memory_space<vmem_shared>> -> memref<8192xf32, #tpu.memory_space<vmem_shared>>
    tpu.enqueue_indirect_dma source(%arg17 : memref<64xf32, #tpu.memory_space<vmem>>) target(%dma_start3A_100 : memref<8192xf32, #tpu.memory_space<vmem_shared>>) offsets(%arg8 : memref<64xi32, #tpu.memory_space<vmem>>) semaphore(%arg24 : memref<!tpu.dma_semaphore, #tpu.memory_space<semaphore_mem>>) {add = true}
    %dma_start3A_101 = arith.constant 0 : i32
    %dma_start3A_102 = arith.constant 0 : i32
    %dma_start3A_103 = tpu.memref_slice %arg2[%dma_start3A_101, %dma_start3A_102] : memref<8192x256xf32, #tpu.memory_space<hbm>> -> memref<8192x256xf32, #tpu.memory_space<hbm>>
    tpu.enqueue_indirect_dma source(%dma_start3A_103 : memref<8192x256xf32, #tpu.memory_space<hbm>>) target(%arg10 : memref<64x256xf32, #tpu.memory_space<vmem>>) offsets(%arg8 : memref<64xi32, #tpu.memory_space<vmem>>) semaphore(%arg20 : memref<!tpu.dma_semaphore, #tpu.memory_space<semaphore_mem>>)
    %dma_start3A_104 = arith.constant 0 : i32
    %dma_start3A_105 = tpu.memref_slice %arg4[%add3A_94, %dma_start3A_104] : memref<16384x256xf32, #tpu.memory_space<hbm>> -> memref<64x256xf32, #tpu.memory_space<hbm>>
    %dma_start3A_106 = arith.constant 0 : i32
    %dma_start3A_107 = tpu.memref_slice %arg4[%add3A_94, %dma_start3A_106] : memref<16384x256xf32, #tpu.memory_space<hbm>> -> memref<64x256xf32, #tpu.memory_space<hbm>>
    tpu.enqueue_dma source(%dma_start3A_107 : memref<64x256xf32, #tpu.memory_space<hbm>>) target(%arg12 : memref<64x256xf32, #tpu.memory_space<vmem>>) target_semaphore(%arg20 : memref<!tpu.dma_semaphore, #tpu.memory_space<semaphore_mem>>)
    %dma_wait3A_108 = arith.constant 0 : i32
    %dma_wait3A_109 = arith.constant 0 : i32
    %dma_wait3A_110 = tpu.memref_slice %arg2[%dma_wait3A_108, %dma_wait3A_109] : memref<8192x256xf32, #tpu.memory_space<hbm>> -> memref<8192x256xf32, #tpu.memory_space<hbm>>
    tpu.wait_indirect_dma semaphore(%arg21 : memref<!tpu.dma_semaphore, #tpu.memory_space<semaphore_mem>>) src(%dma_wait3A_110 : memref<8192x256xf32, #tpu.memory_space<hbm>>) dst(%arg11 : memref<64x256xf32, #tpu.memory_space<vmem>>)
    %dma_wait3A_111 = arith.constant 0 : i32
    %dma_wait3A_112 = tpu.memref_slice %arg4[%add3A_59, %dma_wait3A_111] : memref<16384x256xf32, #tpu.memory_space<hbm>> -> memref<64x256xf32, #tpu.memory_space<hbm>>
    %dma_wait3A_113 = arith.constant 0 : i32
    %dma_wait3A_114 = tpu.memref_slice %arg4[%add3A_59, %dma_wait3A_113] : memref<16384x256xf32, #tpu.memory_space<hbm>> -> memref<64x256xf32, #tpu.memory_space<hbm>>
    tpu.wait_dma2 semaphore(%arg21 : memref<!tpu.dma_semaphore, #tpu.memory_space<semaphore_mem>>) src(%dma_wait3A_114 : memref<64x256xf32, #tpu.memory_space<hbm>>) dst(%arg13 : memref<64x256xf32, #tpu.memory_space<vmem>>)
    %scan3A_115 = arith.constant 0 : i32
    %scan3A_116 = arith.constant 64 : i32
    %scan3A_117 = arith.addi %scan3A_115, %scan3A_116 : i32
    %scan3A_118 = arith.constant 1 : i32
    %scan3A_119:2 = scf.for %scan3A_356 = %scan3A_115 to %scan3A_117 step %scan3A_118 iter_args(%scan3A_357 = %scan3A_81#0, %scan3A_358 = %scan3A_81#1) -> (vector<16xf32>, vector<16xf32>)  : i32 {
      %get3A = arith.index_cast %scan3A_356 : i32 to index
      %get3A_359 = arith.constant 0 : index
      %get3A_360 = tpu.vector_load %arg11[%get3A, %get3A_359] {strides = array<i32>} : memref<64x256xf32, #tpu.memory_space<vmem>>, vector<1x16xf32>,
      %get3A_361 = vector.shape_cast %get3A_360 : vector<1x16xf32> to vector<16xf32>
      %get3A_362 = arith.index_cast %scan3A_356 : i32 to index
      %get3A_363 = arith.constant 0 : index
      %get3A_364 = tpu.vector_load %arg13[%get3A_362, %get3A_363] {strides = array<i32>} : memref<64x256xf32, #tpu.memory_space<vmem>>, vector<1x16xf32>,
      %get3A_365 = vector.shape_cast %get3A_364 : vector<1x16xf32> to vector<16xf32>
      %get3A_366 = arith.index_cast %scan3A_356 : i32 to index
      %get3A_367 = arith.constant 16 : index
      %get3A_368 = tpu.vector_load %arg11[%get3A_366, %get3A_367] {strides = array<i32>} : memref<64x256xf32, #tpu.memory_space<vmem>>, vector<1x16xf32>,
      %get3A_369 = vector.shape_cast %get3A_368 : vector<1x16xf32> to vector<16xf32>
      %get3A_370 = arith.index_cast %scan3A_356 : i32 to index
      %get3A_371 = arith.constant 16 : index
      %get3A_372 = tpu.vector_load %arg13[%get3A_370, %get3A_371] {strides = array<i32>} : memref<64x256xf32, #tpu.memory_space<vmem>>, vector<1x16xf32>,
      %get3A_373 = vector.shape_cast %get3A_372 : vector<1x16xf32> to vector<16xf32>
      %sub3A_374 = arith.subf %get3A_361, %get3A_365 : vector<16xf32>
      %sub3A_375 = arith.subf %get3A_369, %get3A_373 : vector<16xf32>
      %add3A_376 = arith.addf %get3A_365, %sub3A_374 : vector<16xf32>
      %swap3A_377 = arith.index_cast %scan3A_356 : i32 to index
      %swap3A_378 = arith.constant 0 : index
      %swap3A_379 = tpu.vector_load %arg15[%swap3A_377, %swap3A_378] {strides = array<i32>} : memref<64x256xf32, #tpu.memory_space<vmem>>, vector<1x16xf32>,
      %swap3A_380 = vector.shape_cast %swap3A_379 : vector<1x16xf32> to vector<16xf32>
      %swap3A_381 = vector.shape_cast %add3A_376 : vector<16xf32> to vector<1x16xf32>
      tpu.vector_store %arg15[%swap3A_377, %swap3A_378], %swap3A_381 {strides = array<i32>} : memref<64x256xf32, #tpu.memory_space<vmem>>, vector<1x16xf32>,
      %add3A_382 = arith.addf %get3A_373, %sub3A_375 : vector<16xf32>
      %swap3A_383 = arith.index_cast %scan3A_356 : i32 to index
      %swap3A_384 = arith.constant 16 : index
      %swap3A_385 = tpu.vector_load %arg15[%swap3A_383, %swap3A_384] {strides = array<i32>} : memref<64x256xf32, #tpu.memory_space<vmem>>, vector<1x16xf32>,
      %swap3A_386 = vector.shape_cast %swap3A_385 : vector<1x16xf32> to vector<16xf32>
      %swap3A_387 = vector.shape_cast %add3A_382 : vector<16xf32> to vector<1x16xf32>
      tpu.vector_store %arg15[%swap3A_383, %swap3A_384], %swap3A_387 {strides = array<i32>} : memref<64x256xf32, #tpu.memory_space<vmem>>, vector<1x16xf32>,
      %mul3A_388 = arith.mulf %sub3A_374, %sub3A_374 : vector<16xf32>
      %add3A_389 = arith.addf %scan3A_357, %mul3A_388 : vector<16xf32>
      %mul3A_390 = arith.mulf %sub3A_375, %sub3A_375 : vector<16xf32>
      %add3A_391 = arith.addf %scan3A_358, %mul3A_390 : vector<16xf32>
      %get3A_392 = arith.index_cast %scan3A_356 : i32 to index
      %get3A_393 = arith.constant 32 : index
      %get3A_394 = tpu.vector_load %arg11[%get3A_392, %get3A_393] {strides = array<i32>} : memref<64x256xf32, #tpu.memory_space<vmem>>, vector<1x16xf32>,
      %get3A_395 = vector.shape_cast %get3A_394 : vector<1x16xf32> to vector<16xf32>
      %get3A_396 = arith.index_cast %scan3A_356 : i32 to index
      %get3A_397 = arith.constant 32 : index
      %get3A_398 = tpu.vector_load %arg13[%get3A_396, %get3A_397] {strides = array<i32>} : memref<64x256xf32, #tpu.memory_space<vmem>>, vector<1x16xf32>,
      %get3A_399 = vector.shape_cast %get3A_398 : vector<1x16xf32> to vector<16xf32>
      %get3A_400 = arith.index_cast %scan3A_356 : i32 to index
      %get3A_401 = arith.constant 48 : index
      %get3A_402 = tpu.vector_load %arg11[%get3A_400, %get3A_401] {strides = array<i32>} : memref<64x256xf32, #tpu.memory_space<vmem>>, vector<1x16xf32>,
      %get3A_403 = vector.shape_cast %get3A_402 : vector<1x16xf32> to vector<16xf32>
      %get3A_404 = arith.index_cast %scan3A_356 : i32 to index
      %get3A_405 = arith.constant 48 : index
      %get3A_406 = tpu.vector_load %arg13[%get3A_404, %get3A_405] {strides = array<i32>} : memref<64x256xf32, #tpu.memory_space<vmem>>, vector<1x16xf32>,
      %get3A_407 = vector.shape_cast %get3A_406 : vector<1x16xf32> to vector<16xf32>
      %sub3A_408 = arith.subf %get3A_395, %get3A_399 : vector<16xf32>
      %sub3A_409 = arith.subf %get3A_403, %get3A_407 : vector<16xf32>
      %add3A_410 = arith.addf %get3A_399, %sub3A_408 : vector<16xf32>
      %swap3A_411 = arith.index_cast %scan3A_356 : i32 to index
      %swap3A_412 = arith.constant 32 : index
      %swap3A_413 = tpu.vector_load %arg15[%swap3A_411, %swap3A_412] {strides = array<i32>} : memref<64x256xf32, #tpu.memory_space<vmem>>, vector<1x16xf32>,
      %swap3A_414 = vector.shape_cast %swap3A_413 : vector<1x16xf32> to vector<16xf32>
      %swap3A_415 = vector.shape_cast %add3A_410 : vector<16xf32> to vector<1x16xf32>
      tpu.vector_store %arg15[%swap3A_411, %swap3A_412], %swap3A_415 {strides = array<i32>} : memref<64x256xf32, #tpu.memory_space<vmem>>, vector<1x16xf32>,
      %add3A_416 = arith.addf %get3A_407, %sub3A_409 : vector<16xf32>
      %swap3A_417 = arith.index_cast %scan3A_356 : i32 to index
      %swap3A_418 = arith.constant 48 : index
      %swap3A_419 = tpu.vector_load %arg15[%swap3A_417, %swap3A_418] {strides = array<i32>} : memref<64x256xf32, #tpu.memory_space<vmem>>, vector<1x16xf32>,
      %swap3A_420 = vector.shape_cast %swap3A_419 : vector<1x16xf32> to vector<16xf32>
      %swap3A_421 = vector.shape_cast %add3A_416 : vector<16xf32> to vector<1x16xf32>
      tpu.vector_store %arg15[%swap3A_417, %swap3A_418], %swap3A_421 {strides = array<i32>} : memref<64x256xf32, #tpu.memory_space<vmem>>, vector<1x16xf32>,
      %mul3A_422 = arith.mulf %sub3A_408, %sub3A_408 : vector<16xf32>
      %add3A_423 = arith.addf %add3A_389, %mul3A_422 : vector<16xf32>
      %mul3A_424 = arith.mulf %sub3A_409, %sub3A_409 : vector<16xf32>
      %add3A_425 = arith.addf %add3A_391, %mul3A_424 : vector<16xf32>
      %get3A_426 = arith.index_cast %scan3A_356 : i32 to index
      %get3A_427 = arith.constant 64 : index
      %get3A_428 = tpu.vector_load %arg11[%get3A_426, %get3A_427] {strides = array<i32>} : memref<64x256xf32, #tpu.memory_space<vmem>>, vector<1x16xf32>,
      %get3A_429 = vector.shape_cast %get3A_428 : vector<1x16xf32> to vector<16xf32>
      %get3A_430 = arith.index_cast %scan3A_356 : i32 to index
      %get3A_431 = arith.constant 64 : index
      %get3A_432 = tpu.vector_load %arg13[%get3A_430, %get3A_431] {strides = array<i32>} : memref<64x256xf32, #tpu.memory_space<vmem>>, vector<1x16xf32>,
      %get3A_433 = vector.shape_cast %get3A_432 : vector<1x16xf32> to vector<16xf32>
      %get3A_434 = arith.index_cast %scan3A_356 : i32 to index
      %get3A_435 = arith.constant 80 : index
      %get3A_436 = tpu.vector_load %arg11[%get3A_434, %get3A_435] {strides = array<i32>} : memref<64x256xf32, #tpu.memory_space<vmem>>, vector<1x16xf32>,
      %get3A_437 = vector.shape_cast %get3A_436 : vector<1x16xf32> to vector<16xf32>
      %get3A_438 = arith.index_cast %scan3A_356 : i32 to index
      %get3A_439 = arith.constant 80 : index
      %get3A_440 = tpu.vector_load %arg13[%get3A_438, %get3A_439] {strides = array<i32>} : memref<64x256xf32, #tpu.memory_space<vmem>>, vector<1x16xf32>,
      %get3A_441 = vector.shape_cast %get3A_440 : vector<1x16xf32> to vector<16xf32>
      %sub3A_442 = arith.subf %get3A_429, %get3A_433 : vector<16xf32>
      %sub3A_443 = arith.subf %get3A_437, %get3A_441 : vector<16xf32>
      %add3A_444 = arith.addf %get3A_433, %sub3A_442 : vector<16xf32>
      %swap3A_445 = arith.index_cast %scan3A_356 : i32 to index
      %swap3A_446 = arith.constant 64 : index
      %swap3A_447 = tpu.vector_load %arg15[%swap3A_445, %swap3A_446] {strides = array<i32>} : memref<64x256xf32, #tpu.memory_space<vmem>>, vector<1x16xf32>,
      %swap3A_448 = vector.shape_cast %swap3A_447 : vector<1x16xf32> to vector<16xf32>
      %swap3A_449 = vector.shape_cast %add3A_444 : vector<16xf32> to vector<1x16xf32>
      tpu.vector_store %arg15[%swap3A_445, %swap3A_446], %swap3A_449 {strides = array<i32>} : memref<64x256xf32, #tpu.memory_space<vmem>>, vector<1x16xf32>,
      %add3A_450 = arith.addf %get3A_441, %sub3A_443 : vector<16xf32>
      %swap3A_451 = arith.index_cast %scan3A_356 : i32 to index
      %swap3A_452 = arith.constant 80 : index
      %swap3A_453 = tpu.vector_load %arg15[%swap3A_451, %swap3A_452] {strides = array<i32>} : memref<64x256xf32, #tpu.memory_space<vmem>>, vector<1x16xf32>,
      %swap3A_454 = vector.shape_cast %swap3A_453 : vector<1x16xf32> to vector<16xf32>
      %swap3A_455 = vector.shape_cast %add3A_450 : vector<16xf32> to vector<1x16xf32>
      tpu.vector_store %arg15[%swap3A_451, %swap3A_452], %swap3A_455 {strides = array<i32>} : memref<64x256xf32, #tpu.memory_space<vmem>>, vector<1x16xf32>,
      %mul3A_456 = arith.mulf %sub3A_442, %sub3A_442 : vector<16xf32>
      %add3A_457 = arith.addf %add3A_423, %mul3A_456 : vector<16xf32>
      %mul3A_458 = arith.mulf %sub3A_443, %sub3A_443 : vector<16xf32>
      %add3A_459 = arith.addf %add3A_425, %mul3A_458 : vector<16xf32>
      %get3A_460 = arith.index_cast %scan3A_356 : i32 to index
      %get3A_461 = arith.constant 96 : index
      %get3A_462 = tpu.vector_load %arg11[%get3A_460, %get3A_461] {strides = array<i32>} : memref<64x256xf32, #tpu.memory_space<vmem>>, vector<1x16xf32>,
      %get3A_463 = vector.shape_cast %get3A_462 : vector<1x16xf32> to vector<16xf32>
      %get3A_464 = arith.index_cast %scan3A_356 : i32 to index
      %get3A_465 = arith.constant 96 : index
      %get3A_466 = tpu.vector_load %arg13[%get3A_464, %get3A_465] {strides = array<i32>} : memref<64x256xf32, #tpu.memory_space<vmem>>, vector<1x16xf32>,
      %get3A_467 = vector.shape_cast %get3A_466 : vector<1x16xf32> to vector<16xf32>
      %get3A_468 = arith.index_cast %scan3A_356 : i32 to index
      %get3A_469 = arith.constant 112 : index
      %get3A_470 = tpu.vector_load %arg11[%get3A_468, %get3A_469] {strides = array<i32>} : memref<64x256xf32, #tpu.memory_space<vmem>>, vector<1x16xf32>,
      %get3A_471 = vector.shape_cast %get3A_470 : vector<1x16xf32> to vector<16xf32>
      %get3A_472 = arith.index_cast %scan3A_356 : i32 to index
      %get3A_473 = arith.constant 112 : index
      %get3A_474 = tpu.vector_load %arg13[%get3A_472, %get3A_473] {strides = array<i32>} : memref<64x256xf32, #tpu.memory_space<vmem>>, vector<1x16xf32>,
      %get3A_475 = vector.shape_cast %get3A_474 : vector<1x16xf32> to vector<16xf32>
      %sub3A_476 = arith.subf %get3A_463, %get3A_467 : vector<16xf32>
      %sub3A_477 = arith.subf %get3A_471, %get3A_475 : vector<16xf32>
      %add3A_478 = arith.addf %get3A_467, %sub3A_476 : vector<16xf32>
      %swap3A_479 = arith.index_cast %scan3A_356 : i32 to index
      %swap3A_480 = arith.constant 96 : index
      %swap3A_481 = tpu.vector_load %arg15[%swap3A_479, %swap3A_480] {strides = array<i32>} : memref<64x256xf32, #tpu.memory_space<vmem>>, vector<1x16xf32>,
      %swap3A_482 = vector.shape_cast %swap3A_481 : vector<1x16xf32> to vector<16xf32>
      %swap3A_483 = vector.shape_cast %add3A_478 : vector<16xf32> to vector<1x16xf32>
      tpu.vector_store %arg15[%swap3A_479, %swap3A_480], %swap3A_483 {strides = array<i32>} : memref<64x256xf32, #tpu.memory_space<vmem>>, vector<1x16xf32>,
      %add3A_484 = arith.addf %get3A_475, %sub3A_477 : vector<16xf32>
      %swap3A_485 = arith.index_cast %scan3A_356 : i32 to index
      %swap3A_486 = arith.constant 112 : index
      %swap3A_487 = tpu.vector_load %arg15[%swap3A_485, %swap3A_486] {strides = array<i32>} : memref<64x256xf32, #tpu.memory_space<vmem>>, vector<1x16xf32>,
      %swap3A_488 = vector.shape_cast %swap3A_487 : vector<1x16xf32> to vector<16xf32>
      %swap3A_489 = vector.shape_cast %add3A_484 : vector<16xf32> to vector<1x16xf32>
      tpu.vector_store %arg15[%swap3A_485, %swap3A_486], %swap3A_489 {strides = array<i32>} : memref<64x256xf32, #tpu.memory_space<vmem>>, vector<1x16xf32>,
      %mul3A_490 = arith.mulf %sub3A_476, %sub3A_476 : vector<16xf32>
      %add3A_491 = arith.addf %add3A_457, %mul3A_490 : vector<16xf32>
      %mul3A_492 = arith.mulf %sub3A_477, %sub3A_477 : vector<16xf32>
      %add3A_493 = arith.addf %add3A_459, %mul3A_492 : vector<16xf32>
      %get3A_494 = arith.index_cast %scan3A_356 : i32 to index
      %get3A_495 = arith.constant 128 : index
      %get3A_496 = tpu.vector_load %arg11[%get3A_494, %get3A_495] {strides = array<i32>} : memref<64x256xf32, #tpu.memory_space<vmem>>, vector<1x16xf32>,
      %get3A_497 = vector.shape_cast %get3A_496 : vector<1x16xf32> to vector<16xf32>
      %get3A_498 = arith.index_cast %scan3A_356 : i32 to index
      %get3A_499 = arith.constant 128 : index
      %get3A_500 = tpu.vector_load %arg13[%get3A_498, %get3A_499] {strides = array<i32>} : memref<64x256xf32, #tpu.memory_space<vmem>>, vector<1x16xf32>,
      %get3A_501 = vector.shape_cast %get3A_500 : vector<1x16xf32> to vector<16xf32>
      %get3A_502 = arith.index_cast %scan3A_356 : i32 to index
      %get3A_503 = arith.constant 144 : index
      %get3A_504 = tpu.vector_load %arg11[%get3A_502, %get3A_503] {strides = array<i32>} : memref<64x256xf32, #tpu.memory_space<vmem>>, vector<1x16xf32>,
      %get3A_505 = vector.shape_cast %get3A_504 : vector<1x16xf32> to vector<16xf32>
      %get3A_506 = arith.index_cast %scan3A_356 : i32 to index
      %get3A_507 = arith.constant 144 : index
      %get3A_508 = tpu.vector_load %arg13[%get3A_506, %get3A_507] {strides = array<i32>} : memref<64x256xf32, #tpu.memory_space<vmem>>, vector<1x16xf32>,
      %get3A_509 = vector.shape_cast %get3A_508 : vector<1x16xf32> to vector<16xf32>
      %sub3A_510 = arith.subf %get3A_497, %get3A_501 : vector<16xf32>
      %sub3A_511 = arith.subf %get3A_505, %get3A_509 : vector<16xf32>
      %add3A_512 = arith.addf %get3A_501, %sub3A_510 : vector<16xf32>
      %swap3A_513 = arith.index_cast %scan3A_356 : i32 to index
      %swap3A_514 = arith.constant 128 : index
      %swap3A_515 = tpu.vector_load %arg15[%swap3A_513, %swap3A_514] {strides = array<i32>} : memref<64x256xf32, #tpu.memory_space<vmem>>, vector<1x16xf32>,
      %swap3A_516 = vector.shape_cast %swap3A_515 : vector<1x16xf32> to vector<16xf32>
      %swap3A_517 = vector.shape_cast %add3A_512 : vector<16xf32> to vector<1x16xf32>
      tpu.vector_store %arg15[%swap3A_513, %swap3A_514], %swap3A_517 {strides = array<i32>} : memref<64x256xf32, #tpu.memory_space<vmem>>, vector<1x16xf32>,
      %add3A_518 = arith.addf %get3A_509, %sub3A_511 : vector<16xf32>
      %swap3A_519 = arith.index_cast %scan3A_356 : i32 to index
      %swap3A_520 = arith.constant 144 : index
      %swap3A_521 = tpu.vector_load %arg15[%swap3A_519, %swap3A_520] {strides = array<i32>} : memref<64x256xf32, #tpu.memory_space<vmem>>, vector<1x16xf32>,
      %swap3A_522 = vector.shape_cast %swap3A_521 : vector<1x16xf32> to vector<16xf32>
      %swap3A_523 = vector.shape_cast %add3A_518 : vector<16xf32> to vector<1x16xf32>
      tpu.vector_store %arg15[%swap3A_519, %swap3A_520], %swap3A_523 {strides = array<i32>} : memref<64x256xf32, #tpu.memory_space<vmem>>, vector<1x16xf32>,
      %mul3A_524 = arith.mulf %sub3A_510, %sub3A_510 : vector<16xf32>
      %add3A_525 = arith.addf %add3A_491, %mul3A_524 : vector<16xf32>
      %mul3A_526 = arith.mulf %sub3A_511, %sub3A_511 : vector<16xf32>
      %add3A_527 = arith.addf %add3A_493, %mul3A_526 : vector<16xf32>
      %get3A_528 = arith.index_cast %scan3A_356 : i32 to index
      %get3A_529 = arith.constant 160 : index
      %get3A_530 = tpu.vector_load %arg11[%get3A_528, %get3A_529] {strides = array<i32>} : memref<64x256xf32, #tpu.memory_space<vmem>>, vector<1x16xf32>,
      %get3A_531 = vector.shape_cast %get3A_530 : vector<1x16xf32> to vector<16xf32>
      %get3A_532 = arith.index_cast %scan3A_356 : i32 to index
      %get3A_533 = arith.constant 160 : index
      %get3A_534 = tpu.vector_load %arg13[%get3A_532, %get3A_533] {strides = array<i32>} : memref<64x256xf32, #tpu.memory_space<vmem>>, vector<1x16xf32>,
      %get3A_535 = vector.shape_cast %get3A_534 : vector<1x16xf32> to vector<16xf32>
      %get3A_536 = arith.index_cast %scan3A_356 : i32 to index
      %get3A_537 = arith.constant 176 : index
      %get3A_538 = tpu.vector_load %arg11[%get3A_536, %get3A_537] {strides = array<i32>} : memref<64x256xf32, #tpu.memory_space<vmem>>, vector<1x16xf32>,
      %get3A_539 = vector.shape_cast %get3A_538 : vector<1x16xf32> to vector<16xf32>
      %get3A_540 = arith.index_cast %scan3A_356 : i32 to index
      %get3A_541 = arith.constant 176 : index
      %get3A_542 = tpu.vector_load %arg13[%get3A_540, %get3A_541] {strides = array<i32>} : memref<64x256xf32, #tpu.memory_space<vmem>>, vector<1x16xf32>,
      %get3A_543 = vector.shape_cast %get3A_542 : vector<1x16xf32> to vector<16xf32>
      %sub3A_544 = arith.subf %get3A_531, %get3A_535 : vector<16xf32>
      %sub3A_545 = arith.subf %get3A_539, %get3A_543 : vector<16xf32>
      %add3A_546 = arith.addf %get3A_535, %sub3A_544 : vector<16xf32>
      %swap3A_547 = arith.index_cast %scan3A_356 : i32 to index
      %swap3A_548 = arith.constant 160 : index
      %swap3A_549 = tpu.vector_load %arg15[%swap3A_547, %swap3A_548] {strides = array<i32>} : memref<64x256xf32, #tpu.memory_space<vmem>>, vector<1x16xf32>,
      %swap3A_550 = vector.shape_cast %swap3A_549 : vector<1x16xf32> to vector<16xf32>
      %swap3A_551 = vector.shape_cast %add3A_546 : vector<16xf32> to vector<1x16xf32>
      tpu.vector_store %arg15[%swap3A_547, %swap3A_548], %swap3A_551 {strides = array<i32>} : memref<64x256xf32, #tpu.memory_space<vmem>>, vector<1x16xf32>,
      %add3A_552 = arith.addf %get3A_543, %sub3A_545 : vector<16xf32>
      %swap3A_553 = arith.index_cast %scan3A_356 : i32 to index
      %swap3A_554 = arith.constant 176 : index
      %swap3A_555 = tpu.vector_load %arg15[%swap3A_553, %swap3A_554] {strides = array<i32>} : memref<64x256xf32, #tpu.memory_space<vmem>>, vector<1x16xf32>,
      %swap3A_556 = vector.shape_cast %swap3A_555 : vector<1x16xf32> to vector<16xf32>
      %swap3A_557 = vector.shape_cast %add3A_552 : vector<16xf32> to vector<1x16xf32>
      tpu.vector_store %arg15[%swap3A_553, %swap3A_554], %swap3A_557 {strides = array<i32>} : memref<64x256xf32, #tpu.memory_space<vmem>>, vector<1x16xf32>,
      %mul3A_558 = arith.mulf %sub3A_544, %sub3A_544 : vector<16xf32>
      %add3A_559 = arith.addf %add3A_525, %mul3A_558 : vector<16xf32>
      %mul3A_560 = arith.mulf %sub3A_545, %sub3A_545 : vector<16xf32>
      %add3A_561 = arith.addf %add3A_527, %mul3A_560 : vector<16xf32>
      %get3A_562 = arith.index_cast %scan3A_356 : i32 to index
      %get3A_563 = arith.constant 192 : index
      %get3A_564 = tpu.vector_load %arg11[%get3A_562, %get3A_563] {strides = array<i32>} : memref<64x256xf32, #tpu.memory_space<vmem>>, vector<1x16xf32>,
      %get3A_565 = vector.shape_cast %get3A_564 : vector<1x16xf32> to vector<16xf32>
      %get3A_566 = arith.index_cast %scan3A_356 : i32 to index
      %get3A_567 = arith.constant 192 : index
      %get3A_568 = tpu.vector_load %arg13[%get3A_566, %get3A_567] {strides = array<i32>} : memref<64x256xf32, #tpu.memory_space<vmem>>, vector<1x16xf32>,
      %get3A_569 = vector.shape_cast %get3A_568 : vector<1x16xf32> to vector<16xf32>
      %get3A_570 = arith.index_cast %scan3A_356 : i32 to index
      %get3A_571 = arith.constant 208 : index
      %get3A_572 = tpu.vector_load %arg11[%get3A_570, %get3A_571] {strides = array<i32>} : memref<64x256xf32, #tpu.memory_space<vmem>>, vector<1x16xf32>,
      %get3A_573 = vector.shape_cast %get3A_572 : vector<1x16xf32> to vector<16xf32>
      %get3A_574 = arith.index_cast %scan3A_356 : i32 to index
      %get3A_575 = arith.constant 208 : index
      %get3A_576 = tpu.vector_load %arg13[%get3A_574, %get3A_575] {strides = array<i32>} : memref<64x256xf32, #tpu.memory_space<vmem>>, vector<1x16xf32>,
      %get3A_577 = vector.shape_cast %get3A_576 : vector<1x16xf32> to vector<16xf32>
      %sub3A_578 = arith.subf %get3A_565, %get3A_569 : vector<16xf32>
      %sub3A_579 = arith.subf %get3A_573, %get3A_577 : vector<16xf32>
      %add3A_580 = arith.addf %get3A_569, %sub3A_578 : vector<16xf32>
      %swap3A_581 = arith.index_cast %scan3A_356 : i32 to index
      %swap3A_582 = arith.constant 192 : index
      %swap3A_583 = tpu.vector_load %arg15[%swap3A_581, %swap3A_582] {strides = array<i32>} : memref<64x256xf32, #tpu.memory_space<vmem>>, vector<1x16xf32>,
      %swap3A_584 = vector.shape_cast %swap3A_583 : vector<1x16xf32> to vector<16xf32>
      %swap3A_585 = vector.shape_cast %add3A_580 : vector<16xf32> to vector<1x16xf32>
      tpu.vector_store %arg15[%swap3A_581, %swap3A_582], %swap3A_585 {strides = array<i32>} : memref<64x256xf32, #tpu.memory_space<vmem>>, vector<1x16xf32>,
      %add3A_586 = arith.addf %get3A_577, %sub3A_579 : vector<16xf32>
      %swap3A_587 = arith.index_cast %scan3A_356 : i32 to index
      %swap3A_588 = arith.constant 208 : index
      %swap3A_589 = tpu.vector_load %arg15[%swap3A_587, %swap3A_588] {strides = array<i32>} : memref<64x256xf32, #tpu.memory_space<vmem>>, vector<1x16xf32>,
      %swap3A_590 = vector.shape_cast %swap3A_589 : vector<1x16xf32> to vector<16xf32>
      %swap3A_591 = vector.shape_cast %add3A_586 : vector<16xf32> to vector<1x16xf32>
      tpu.vector_store %arg15[%swap3A_587, %swap3A_588], %swap3A_591 {strides = array<i32>} : memref<64x256xf32, #tpu.memory_space<vmem>>, vector<1x16xf32>,
      %mul3A_592 = arith.mulf %sub3A_578, %sub3A_578 : vector<16xf32>
      %add3A_593 = arith.addf %add3A_559, %mul3A_592 : vector<16xf32>
      %mul3A_594 = arith.mulf %sub3A_579, %sub3A_579 : vector<16xf32>
      %add3A_595 = arith.addf %add3A_561, %mul3A_594 : vector<16xf32>
      %get3A_596 = arith.index_cast %scan3A_356 : i32 to index
      %get3A_597 = arith.constant 224 : index
      %get3A_598 = tpu.vector_load %arg11[%get3A_596, %get3A_597] {strides = array<i32>} : memref<64x256xf32, #tpu.memory_space<vmem>>, vector<1x16xf32>,
      %get3A_599 = vector.shape_cast %get3A_598 : vector<1x16xf32> to vector<16xf32>
      %get3A_600 = arith.index_cast %scan3A_356 : i32 to index
      %get3A_601 = arith.constant 224 : index
      %get3A_602 = tpu.vector_load %arg13[%get3A_600, %get3A_601] {strides = array<i32>} : memref<64x256xf32, #tpu.memory_space<vmem>>, vector<1x16xf32>,
      %get3A_603 = vector.shape_cast %get3A_602 : vector<1x16xf32> to vector<16xf32>
      %get3A_604 = arith.index_cast %scan3A_356 : i32 to index
      %get3A_605 = arith.constant 240 : index
      %get3A_606 = tpu.vector_load %arg11[%get3A_604, %get3A_605] {strides = array<i32>} : memref<64x256xf32, #tpu.memory_space<vmem>>, vector<1x16xf32>,
      %get3A_607 = vector.shape_cast %get3A_606 : vector<1x16xf32> to vector<16xf32>
      %get3A_608 = arith.index_cast %scan3A_356 : i32 to index
      %get3A_609 = arith.constant 240 : index
      %get3A_610 = tpu.vector_load %arg13[%get3A_608, %get3A_609] {strides = array<i32>} : memref<64x256xf32, #tpu.memory_space<vmem>>, vector<1x16xf32>,
      %get3A_611 = vector.shape_cast %get3A_610 : vector<1x16xf32> to vector<16xf32>
      %sub3A_612 = arith.subf %get3A_599, %get3A_603 : vector<16xf32>
      %sub3A_613 = arith.subf %get3A_607, %get3A_611 : vector<16xf32>
      %add3A_614 = arith.addf %get3A_603, %sub3A_612 : vector<16xf32>
      %swap3A_615 = arith.index_cast %scan3A_356 : i32 to index
      %swap3A_616 = arith.constant 224 : index
      %swap3A_617 = tpu.vector_load %arg15[%swap3A_615, %swap3A_616] {strides = array<i32>} : memref<64x256xf32, #tpu.memory_space<vmem>>, vector<1x16xf32>,
      %swap3A_618 = vector.shape_cast %swap3A_617 : vector<1x16xf32> to vector<16xf32>
      %swap3A_619 = vector.shape_cast %add3A_614 : vector<16xf32> to vector<1x16xf32>
      tpu.vector_store %arg15[%swap3A_615, %swap3A_616], %swap3A_619 {strides = array<i32>} : memref<64x256xf32, #tpu.memory_space<vmem>>, vector<1x16xf32>,
      %add3A_620 = arith.addf %get3A_611, %sub3A_613 : vector<16xf32>
      %swap3A_621 = arith.index_cast %scan3A_356 : i32 to index
      %swap3A_622 = arith.constant 240 : index
      %swap3A_623 = tpu.vector_load %arg15[%swap3A_621, %swap3A_622] {strides = array<i32>} : memref<64x256xf32, #tpu.memory_space<vmem>>, vector<1x16xf32>,
      %swap3A_624 = vector.shape_cast %swap3A_623 : vector<1x16xf32> to vector<16xf32>
      %swap3A_625 = vector.shape_cast %add3A_620 : vector<16xf32> to vector<1x16xf32>
      tpu.vector_store %arg15[%swap3A_621, %swap3A_622], %swap3A_625 {strides = array<i32>} : memref<64x256xf32, #tpu.memory_space<vmem>>, vector<1x16xf32>,
      %mul3A_626 = arith.mulf %sub3A_612, %sub3A_612 : vector<16xf32>
      %add3A_627 = arith.addf %add3A_593, %mul3A_626 : vector<16xf32>
      %mul3A_628 = arith.mulf %sub3A_613, %sub3A_613 : vector<16xf32>
      %add3A_629 = arith.addf %add3A_595, %mul3A_628 : vector<16xf32>
      scf.yield %add3A_627, %add3A_629 : vector<16xf32>, vector<16xf32>
    }
    %scan3A_120 = arith.constant 64 : i32
    %dma_start3A_121 = arith.constant 0 : i32
    %dma_start3A_122 = tpu.memref_slice %arg5[%add3A_88, %dma_start3A_121] : memref<16384x256xf32, #tpu.memory_space<hbm>> -> memref<64x256xf32, #tpu.memory_space<hbm>>
    %dma_start3A_123 = arith.constant 0 : i32
    %dma_start3A_124 = tpu.memref_slice %arg5[%add3A_88, %dma_start3A_123] : memref<16384x256xf32, #tpu.memory_space<hbm>> -> memref<64x256xf32, #tpu.memory_space<hbm>>
    tpu.enqueue_dma source(%arg15 : memref<64x256xf32, #tpu.memory_space<vmem>>) target(%dma_start3A_124 : memref<64x256xf32, #tpu.memory_space<hbm>>) target_semaphore(%arg23 : memref<!tpu.dma_semaphore, #tpu.memory_space<semaphore_mem>>)
    %add3A_125 = arith.constant 128 : i32
    %add3A_126 = arith.addi %mul3A_2, %add3A_125 : i32
    %dma_wait3A_127 = arith.constant 0 : i32
    %dma_wait3A_128 = tpu.memref_slice %arg5[%add3A_88, %dma_wait3A_127] : memref<16384x256xf32, #tpu.memory_space<hbm>> -> memref<64x256xf32, #tpu.memory_space<hbm>>
    %dma_wait3A_129 = arith.constant 0 : i32
    %dma_wait3A_130 = tpu.memref_slice %arg5[%add3A_88, %dma_wait3A_129] : memref<16384x256xf32, #tpu.memory_space<hbm>> -> memref<64x256xf32, #tpu.memory_space<hbm>>
    tpu.wait_dma2 semaphore(%arg23 : memref<!tpu.dma_semaphore, #tpu.memory_space<semaphore_mem>>) src(%arg15 : memref<64x256xf32, #tpu.memory_space<vmem>>) dst(%dma_wait3A_130 : memref<64x256xf32, #tpu.memory_space<hbm>>)
    %add3A_131 = arith.constant 192 : i32
    %add3A_132 = arith.addi %mul3A_2, %add3A_131 : i32
    %dma_wait3A_133 = arith.constant 0 : i32
    %dma_wait3A_134 = tpu.memref_slice %arg19[%dma_wait3A_133] : memref<8192xf32, #tpu.memory_space<vmem_shared>> -> memref<8192xf32, #tpu.memory_space<vmem_shared>>
    tpu.wait_indirect_dma semaphore(%arg25 : memref<!tpu.dma_semaphore, #tpu.memory_space<semaphore_mem>>) src(%arg17 : memref<64xf32, #tpu.memory_space<vmem>>) dst(%dma_wait3A_134 : memref<8192xf32, #tpu.memory_space<vmem_shared>>)
    %add3A_135 = arith.constant 192 : i32
    %add3A_136 = arith.addi %select_n3A_32, %add3A_135 : i32
    "tpu.region"() ({
      %run_scoped3A = tpu.sem_alloc : memref<!tpu.dma_semaphore, #tpu.memory_space<semaphore_mem>>
      %dma_start3A_356 = tpu.memref_slice %arg3[%select_n3A, %add3A_136] : memref<16x1024xi32, #tpu.memory_space<hbm>> -> memref<1x64xi32, #tpu.memory_space<hbm>>
      %dma_start3A_357 = tpu.memref_squeeze %dma_start3A_356 : memref<1x64xi32, #tpu.memory_space<hbm>> -> memref<64xi32, #tpu.memory_space<hbm>>
      %dma_start3A_358 = tpu.memref_slice %arg3[%select_n3A, %add3A_136] : memref<16x1024xi32, #tpu.memory_space<hbm>> -> memref<1x64xi32, #tpu.memory_space<hbm>>
      %dma_start3A_359 = tpu.memref_squeeze %dma_start3A_358 : memref<1x64xi32, #tpu.memory_space<hbm>> -> memref<64xi32, #tpu.memory_space<hbm>>
      tpu.enqueue_dma source(%dma_start3A_359 : memref<64xi32, #tpu.memory_space<hbm>>) target(%arg9 : memref<64xi32, #tpu.memory_space<vmem>>) target_semaphore(%run_scoped3A : memref<!tpu.dma_semaphore, #tpu.memory_space<semaphore_mem>>)
      %dma_wait3A_360 = tpu.memref_slice %arg3[%select_n3A, %add3A_136] : memref<16x1024xi32, #tpu.memory_space<hbm>> -> memref<1x64xi32, #tpu.memory_space<hbm>>
      %dma_wait3A_361 = tpu.memref_squeeze %dma_wait3A_360 : memref<1x64xi32, #tpu.memory_space<hbm>> -> memref<64xi32, #tpu.memory_space<hbm>>
      %dma_wait3A_362 = tpu.memref_slice %arg3[%select_n3A, %add3A_136] : memref<16x1024xi32, #tpu.memory_space<hbm>> -> memref<1x64xi32, #tpu.memory_space<hbm>>
      %dma_wait3A_363 = tpu.memref_squeeze %dma_wait3A_362 : memref<1x64xi32, #tpu.memory_space<hbm>> -> memref<64xi32, #tpu.memory_space<hbm>>
      tpu.wait_dma2 semaphore(%run_scoped3A : memref<!tpu.dma_semaphore, #tpu.memory_space<semaphore_mem>>) src(%dma_wait3A_363 : memref<64xi32, #tpu.memory_space<hbm>>) dst(%arg9 : memref<64xi32, #tpu.memory_space<vmem>>)
      tpu.yield
    }) : () -> ()
    %dma_start3A_137 = arith.constant 0 : i32
    %dma_start3A_138 = tpu.memref_slice %arg19[%dma_start3A_137] : memref<8192xf32, #tpu.memory_space<vmem_shared>> -> memref<8192xf32, #tpu.memory_space<vmem_shared>>
    tpu.enqueue_indirect_dma source(%arg17 : memref<64xf32, #tpu.memory_space<vmem>>) target(%dma_start3A_138 : memref<8192xf32, #tpu.memory_space<vmem_shared>>) offsets(%arg9 : memref<64xi32, #tpu.memory_space<vmem>>) semaphore(%arg25 : memref<!tpu.dma_semaphore, #tpu.memory_space<semaphore_mem>>) {add = true}
    %dma_start3A_139 = arith.constant 0 : i32
    %dma_start3A_140 = arith.constant 0 : i32
    %dma_start3A_141 = tpu.memref_slice %arg2[%dma_start3A_139, %dma_start3A_140] : memref<8192x256xf32, #tpu.memory_space<hbm>> -> memref<8192x256xf32, #tpu.memory_space<hbm>>
    tpu.enqueue_indirect_dma source(%dma_start3A_141 : memref<8192x256xf32, #tpu.memory_space<hbm>>) target(%arg11 : memref<64x256xf32, #tpu.memory_space<vmem>>) offsets(%arg9 : memref<64xi32, #tpu.memory_space<vmem>>) semaphore(%arg21 : memref<!tpu.dma_semaphore, #tpu.memory_space<semaphore_mem>>)
    %dma_start3A_142 = arith.constant 0 : i32
    %dma_start3A_143 = tpu.memref_slice %arg4[%add3A_132, %dma_start3A_142] : memref<16384x256xf32, #tpu.memory_space<hbm>> -> memref<64x256xf32, #tpu.memory_space<hbm>>
    %dma_start3A_144 = arith.constant 0 : i32
    %dma_start3A_145 = tpu.memref_slice %arg4[%add3A_132, %dma_start3A_144] : memref<16384x256xf32, #tpu.memory_space<hbm>> -> memref<64x256xf32, #tpu.memory_space<hbm>>
    tpu.enqueue_dma source(%dma_start3A_145 : memref<64x256xf32, #tpu.memory_space<hbm>>) target(%arg13 : memref<64x256xf32, #tpu.memory_space<vmem>>) target_semaphore(%arg21 : memref<!tpu.dma_semaphore, #tpu.memory_space<semaphore_mem>>)
    %dma_wait3A_146 = arith.constant 0 : i32
    %dma_wait3A_147 = arith.constant 0 : i32
    %dma_wait3A_148 = tpu.memref_slice %arg2[%dma_wait3A_146, %dma_wait3A_147] : memref<8192x256xf32, #tpu.memory_space<hbm>> -> memref<8192x256xf32, #tpu.memory_space<hbm>>
    tpu.wait_indirect_dma semaphore(%arg20 : memref<!tpu.dma_semaphore, #tpu.memory_space<semaphore_mem>>) src(%dma_wait3A_148 : memref<8192x256xf32, #tpu.memory_space<hbm>>) dst(%arg10 : memref<64x256xf32, #tpu.memory_space<vmem>>)
    %dma_wait3A_149 = arith.constant 0 : i32
    %dma_wait3A_150 = tpu.memref_slice %arg4[%add3A_94, %dma_wait3A_149] : memref<16384x256xf32, #tpu.memory_space<hbm>> -> memref<64x256xf32, #tpu.memory_space<hbm>>
    %dma_wait3A_151 = arith.constant 0 : i32
    %dma_wait3A_152 = tpu.memref_slice %arg4[%add3A_94, %dma_wait3A_151] : memref<16384x256xf32, #tpu.memory_space<hbm>> -> memref<64x256xf32, #tpu.memory_space<hbm>>
    tpu.wait_dma2 semaphore(%arg20 : memref<!tpu.dma_semaphore, #tpu.memory_space<semaphore_mem>>) src(%dma_wait3A_152 : memref<64x256xf32, #tpu.memory_space<hbm>>) dst(%arg12 : memref<64x256xf32, #tpu.memory_space<vmem>>)
    %scan3A_153 = arith.constant 0 : i32
    %scan3A_154 = arith.constant 64 : i32
    %scan3A_155 = arith.addi %scan3A_153, %scan3A_154 : i32
    %scan3A_156 = arith.constant 1 : i32
    %scan3A_157:2 = scf.for %scan3A_356 = %scan3A_153 to %scan3A_155 step %scan3A_156 iter_args(%scan3A_357 = %scan3A_119#0, %scan3A_358 = %scan3A_119#1) -> (vector<16xf32>, vector<16xf32>)  : i32 {
      %get3A = arith.index_cast %scan3A_356 : i32 to index
      %get3A_359 = arith.constant 0 : index
      %get3A_360 = tpu.vector_load %arg10[%get3A, %get3A_359] {strides = array<i32>} : memref<64x256xf32, #tpu.memory_space<vmem>>, vector<1x16xf32>,
      %get3A_361 = vector.shape_cast %get3A_360 : vector<1x16xf32> to vector<16xf32>
      %get3A_362 = arith.index_cast %scan3A_356 : i32 to index
      %get3A_363 = arith.constant 0 : index
      %get3A_364 = tpu.vector_load %arg12[%get3A_362, %get3A_363] {strides = array<i32>} : memref<64x256xf32, #tpu.memory_space<vmem>>, vector<1x16xf32>,
      %get3A_365 = vector.shape_cast %get3A_364 : vector<1x16xf32> to vector<16xf32>
      %get3A_366 = arith.index_cast %scan3A_356 : i32 to index
      %get3A_367 = arith.constant 16 : index
      %get3A_368 = tpu.vector_load %arg10[%get3A_366, %get3A_367] {strides = array<i32>} : memref<64x256xf32, #tpu.memory_space<vmem>>, vector<1x16xf32>,
      %get3A_369 = vector.shape_cast %get3A_368 : vector<1x16xf32> to vector<16xf32>
      %get3A_370 = arith.index_cast %scan3A_356 : i32 to index
      %get3A_371 = arith.constant 16 : index
      %get3A_372 = tpu.vector_load %arg12[%get3A_370, %get3A_371] {strides = array<i32>} : memref<64x256xf32, #tpu.memory_space<vmem>>, vector<1x16xf32>,
      %get3A_373 = vector.shape_cast %get3A_372 : vector<1x16xf32> to vector<16xf32>
      %sub3A_374 = arith.subf %get3A_361, %get3A_365 : vector<16xf32>
      %sub3A_375 = arith.subf %get3A_369, %get3A_373 : vector<16xf32>
      %add3A_376 = arith.addf %get3A_365, %sub3A_374 : vector<16xf32>
      %swap3A_377 = arith.index_cast %scan3A_356 : i32 to index
      %swap3A_378 = arith.constant 0 : index
      %swap3A_379 = tpu.vector_load %arg14[%swap3A_377, %swap3A_378] {strides = array<i32>} : memref<64x256xf32, #tpu.memory_space<vmem>>, vector<1x16xf32>,
      %swap3A_380 = vector.shape_cast %swap3A_379 : vector<1x16xf32> to vector<16xf32>
      %swap3A_381 = vector.shape_cast %add3A_376 : vector<16xf32> to vector<1x16xf32>
      tpu.vector_store %arg14[%swap3A_377, %swap3A_378], %swap3A_381 {strides = array<i32>} : memref<64x256xf32, #tpu.memory_space<vmem>>, vector<1x16xf32>,
      %add3A_382 = arith.addf %get3A_373, %sub3A_375 : vector<16xf32>
      %swap3A_383 = arith.index_cast %scan3A_356 : i32 to index
      %swap3A_384 = arith.constant 16 : index
      %swap3A_385 = tpu.vector_load %arg14[%swap3A_383, %swap3A_384] {strides = array<i32>} : memref<64x256xf32, #tpu.memory_space<vmem>>, vector<1x16xf32>,
      %swap3A_386 = vector.shape_cast %swap3A_385 : vector<1x16xf32> to vector<16xf32>
      %swap3A_387 = vector.shape_cast %add3A_382 : vector<16xf32> to vector<1x16xf32>
      tpu.vector_store %arg14[%swap3A_383, %swap3A_384], %swap3A_387 {strides = array<i32>} : memref<64x256xf32, #tpu.memory_space<vmem>>, vector<1x16xf32>,
      %mul3A_388 = arith.mulf %sub3A_374, %sub3A_374 : vector<16xf32>
      %add3A_389 = arith.addf %scan3A_357, %mul3A_388 : vector<16xf32>
      %mul3A_390 = arith.mulf %sub3A_375, %sub3A_375 : vector<16xf32>
      %add3A_391 = arith.addf %scan3A_358, %mul3A_390 : vector<16xf32>
      %get3A_392 = arith.index_cast %scan3A_356 : i32 to index
      %get3A_393 = arith.constant 32 : index
      %get3A_394 = tpu.vector_load %arg10[%get3A_392, %get3A_393] {strides = array<i32>} : memref<64x256xf32, #tpu.memory_space<vmem>>, vector<1x16xf32>,
      %get3A_395 = vector.shape_cast %get3A_394 : vector<1x16xf32> to vector<16xf32>
      %get3A_396 = arith.index_cast %scan3A_356 : i32 to index
      %get3A_397 = arith.constant 32 : index
      %get3A_398 = tpu.vector_load %arg12[%get3A_396, %get3A_397] {strides = array<i32>} : memref<64x256xf32, #tpu.memory_space<vmem>>, vector<1x16xf32>,
      %get3A_399 = vector.shape_cast %get3A_398 : vector<1x16xf32> to vector<16xf32>
      %get3A_400 = arith.index_cast %scan3A_356 : i32 to index
      %get3A_401 = arith.constant 48 : index
      %get3A_402 = tpu.vector_load %arg10[%get3A_400, %get3A_401] {strides = array<i32>} : memref<64x256xf32, #tpu.memory_space<vmem>>, vector<1x16xf32>,
      %get3A_403 = vector.shape_cast %get3A_402 : vector<1x16xf32> to vector<16xf32>
      %get3A_404 = arith.index_cast %scan3A_356 : i32 to index
      %get3A_405 = arith.constant 48 : index
      %get3A_406 = tpu.vector_load %arg12[%get3A_404, %get3A_405] {strides = array<i32>} : memref<64x256xf32, #tpu.memory_space<vmem>>, vector<1x16xf32>,
      %get3A_407 = vector.shape_cast %get3A_406 : vector<1x16xf32> to vector<16xf32>
      %sub3A_408 = arith.subf %get3A_395, %get3A_399 : vector<16xf32>
      %sub3A_409 = arith.subf %get3A_403, %get3A_407 : vector<16xf32>
      %add3A_410 = arith.addf %get3A_399, %sub3A_408 : vector<16xf32>
      %swap3A_411 = arith.index_cast %scan3A_356 : i32 to index
      %swap3A_412 = arith.constant 32 : index
      %swap3A_413 = tpu.vector_load %arg14[%swap3A_411, %swap3A_412] {strides = array<i32>} : memref<64x256xf32, #tpu.memory_space<vmem>>, vector<1x16xf32>,
      %swap3A_414 = vector.shape_cast %swap3A_413 : vector<1x16xf32> to vector<16xf32>
      %swap3A_415 = vector.shape_cast %add3A_410 : vector<16xf32> to vector<1x16xf32>
      tpu.vector_store %arg14[%swap3A_411, %swap3A_412], %swap3A_415 {strides = array<i32>} : memref<64x256xf32, #tpu.memory_space<vmem>>, vector<1x16xf32>,
      %add3A_416 = arith.addf %get3A_407, %sub3A_409 : vector<16xf32>
      %swap3A_417 = arith.index_cast %scan3A_356 : i32 to index
      %swap3A_418 = arith.constant 48 : index
      %swap3A_419 = tpu.vector_load %arg14[%swap3A_417, %swap3A_418] {strides = array<i32>} : memref<64x256xf32, #tpu.memory_space<vmem>>, vector<1x16xf32>,
      %swap3A_420 = vector.shape_cast %swap3A_419 : vector<1x16xf32> to vector<16xf32>
      %swap3A_421 = vector.shape_cast %add3A_416 : vector<16xf32> to vector<1x16xf32>
      tpu.vector_store %arg14[%swap3A_417, %swap3A_418], %swap3A_421 {strides = array<i32>} : memref<64x256xf32, #tpu.memory_space<vmem>>, vector<1x16xf32>,
      %mul3A_422 = arith.mulf %sub3A_408, %sub3A_408 : vector<16xf32>
      %add3A_423 = arith.addf %add3A_389, %mul3A_422 : vector<16xf32>
      %mul3A_424 = arith.mulf %sub3A_409, %sub3A_409 : vector<16xf32>
      %add3A_425 = arith.addf %add3A_391, %mul3A_424 : vector<16xf32>
      %get3A_426 = arith.index_cast %scan3A_356 : i32 to index
      %get3A_427 = arith.constant 64 : index
      %get3A_428 = tpu.vector_load %arg10[%get3A_426, %get3A_427] {strides = array<i32>} : memref<64x256xf32, #tpu.memory_space<vmem>>, vector<1x16xf32>,
      %get3A_429 = vector.shape_cast %get3A_428 : vector<1x16xf32> to vector<16xf32>
      %get3A_430 = arith.index_cast %scan3A_356 : i32 to index
      %get3A_431 = arith.constant 64 : index
      %get3A_432 = tpu.vector_load %arg12[%get3A_430, %get3A_431] {strides = array<i32>} : memref<64x256xf32, #tpu.memory_space<vmem>>, vector<1x16xf32>,
      %get3A_433 = vector.shape_cast %get3A_432 : vector<1x16xf32> to vector<16xf32>
      %get3A_434 = arith.index_cast %scan3A_356 : i32 to index
      %get3A_435 = arith.constant 80 : index
      %get3A_436 = tpu.vector_load %arg10[%get3A_434, %get3A_435] {strides = array<i32>} : memref<64x256xf32, #tpu.memory_space<vmem>>, vector<1x16xf32>,
      %get3A_437 = vector.shape_cast %get3A_436 : vector<1x16xf32> to vector<16xf32>
      %get3A_438 = arith.index_cast %scan3A_356 : i32 to index
      %get3A_439 = arith.constant 80 : index
      %get3A_440 = tpu.vector_load %arg12[%get3A_438, %get3A_439] {strides = array<i32>} : memref<64x256xf32, #tpu.memory_space<vmem>>, vector<1x16xf32>,
      %get3A_441 = vector.shape_cast %get3A_440 : vector<1x16xf32> to vector<16xf32>
      %sub3A_442 = arith.subf %get3A_429, %get3A_433 : vector<16xf32>
      %sub3A_443 = arith.subf %get3A_437, %get3A_441 : vector<16xf32>
      %add3A_444 = arith.addf %get3A_433, %sub3A_442 : vector<16xf32>
      %swap3A_445 = arith.index_cast %scan3A_356 : i32 to index
      %swap3A_446 = arith.constant 64 : index
      %swap3A_447 = tpu.vector_load %arg14[%swap3A_445, %swap3A_446] {strides = array<i32>} : memref<64x256xf32, #tpu.memory_space<vmem>>, vector<1x16xf32>,
      %swap3A_448 = vector.shape_cast %swap3A_447 : vector<1x16xf32> to vector<16xf32>
      %swap3A_449 = vector.shape_cast %add3A_444 : vector<16xf32> to vector<1x16xf32>
      tpu.vector_store %arg14[%swap3A_445, %swap3A_446], %swap3A_449 {strides = array<i32>} : memref<64x256xf32, #tpu.memory_space<vmem>>, vector<1x16xf32>,
      %add3A_450 = arith.addf %get3A_441, %sub3A_443 : vector<16xf32>
      %swap3A_451 = arith.index_cast %scan3A_356 : i32 to index
      %swap3A_452 = arith.constant 80 : index
      %swap3A_453 = tpu.vector_load %arg14[%swap3A_451, %swap3A_452] {strides = array<i32>} : memref<64x256xf32, #tpu.memory_space<vmem>>, vector<1x16xf32>,
      %swap3A_454 = vector.shape_cast %swap3A_453 : vector<1x16xf32> to vector<16xf32>
      %swap3A_455 = vector.shape_cast %add3A_450 : vector<16xf32> to vector<1x16xf32>
      tpu.vector_store %arg14[%swap3A_451, %swap3A_452], %swap3A_455 {strides = array<i32>} : memref<64x256xf32, #tpu.memory_space<vmem>>, vector<1x16xf32>,
      %mul3A_456 = arith.mulf %sub3A_442, %sub3A_442 : vector<16xf32>
      %add3A_457 = arith.addf %add3A_423, %mul3A_456 : vector<16xf32>
      %mul3A_458 = arith.mulf %sub3A_443, %sub3A_443 : vector<16xf32>
      %add3A_459 = arith.addf %add3A_425, %mul3A_458 : vector<16xf32>
      %get3A_460 = arith.index_cast %scan3A_356 : i32 to index
      %get3A_461 = arith.constant 96 : index
      %get3A_462 = tpu.vector_load %arg10[%get3A_460, %get3A_461] {strides = array<i32>} : memref<64x256xf32, #tpu.memory_space<vmem>>, vector<1x16xf32>,
      %get3A_463 = vector.shape_cast %get3A_462 : vector<1x16xf32> to vector<16xf32>
      %get3A_464 = arith.index_cast %scan3A_356 : i32 to index
      %get3A_465 = arith.constant 96 : index
      %get3A_466 = tpu.vector_load %arg12[%get3A_464, %get3A_465] {strides = array<i32>} : memref<64x256xf32, #tpu.memory_space<vmem>>, vector<1x16xf32>,
      %get3A_467 = vector.shape_cast %get3A_466 : vector<1x16xf32> to vector<16xf32>
      %get3A_468 = arith.index_cast %scan3A_356 : i32 to index
      %get3A_469 = arith.constant 112 : index
      %get3A_470 = tpu.vector_load %arg10[%get3A_468, %get3A_469] {strides = array<i32>} : memref<64x256xf32, #tpu.memory_space<vmem>>, vector<1x16xf32>,
      %get3A_471 = vector.shape_cast %get3A_470 : vector<1x16xf32> to vector<16xf32>
      %get3A_472 = arith.index_cast %scan3A_356 : i32 to index
      %get3A_473 = arith.constant 112 : index
      %get3A_474 = tpu.vector_load %arg12[%get3A_472, %get3A_473] {strides = array<i32>} : memref<64x256xf32, #tpu.memory_space<vmem>>, vector<1x16xf32>,
      %get3A_475 = vector.shape_cast %get3A_474 : vector<1x16xf32> to vector<16xf32>
      %sub3A_476 = arith.subf %get3A_463, %get3A_467 : vector<16xf32>
      %sub3A_477 = arith.subf %get3A_471, %get3A_475 : vector<16xf32>
      %add3A_478 = arith.addf %get3A_467, %sub3A_476 : vector<16xf32>
      %swap3A_479 = arith.index_cast %scan3A_356 : i32 to index
      %swap3A_480 = arith.constant 96 : index
      %swap3A_481 = tpu.vector_load %arg14[%swap3A_479, %swap3A_480] {strides = array<i32>} : memref<64x256xf32, #tpu.memory_space<vmem>>, vector<1x16xf32>,
      %swap3A_482 = vector.shape_cast %swap3A_481 : vector<1x16xf32> to vector<16xf32>
      %swap3A_483 = vector.shape_cast %add3A_478 : vector<16xf32> to vector<1x16xf32>
      tpu.vector_store %arg14[%swap3A_479, %swap3A_480], %swap3A_483 {strides = array<i32>} : memref<64x256xf32, #tpu.memory_space<vmem>>, vector<1x16xf32>,
      %add3A_484 = arith.addf %get3A_475, %sub3A_477 : vector<16xf32>
      %swap3A_485 = arith.index_cast %scan3A_356 : i32 to index
      %swap3A_486 = arith.constant 112 : index
      %swap3A_487 = tpu.vector_load %arg14[%swap3A_485, %swap3A_486] {strides = array<i32>} : memref<64x256xf32, #tpu.memory_space<vmem>>, vector<1x16xf32>,
      %swap3A_488 = vector.shape_cast %swap3A_487 : vector<1x16xf32> to vector<16xf32>
      %swap3A_489 = vector.shape_cast %add3A_484 : vector<16xf32> to vector<1x16xf32>
      tpu.vector_store %arg14[%swap3A_485, %swap3A_486], %swap3A_489 {strides = array<i32>} : memref<64x256xf32, #tpu.memory_space<vmem>>, vector<1x16xf32>,
      %mul3A_490 = arith.mulf %sub3A_476, %sub3A_476 : vector<16xf32>
      %add3A_491 = arith.addf %add3A_457, %mul3A_490 : vector<16xf32>
      %mul3A_492 = arith.mulf %sub3A_477, %sub3A_477 : vector<16xf32>
      %add3A_493 = arith.addf %add3A_459, %mul3A_492 : vector<16xf32>
      %get3A_494 = arith.index_cast %scan3A_356 : i32 to index
      %get3A_495 = arith.constant 128 : index
      %get3A_496 = tpu.vector_load %arg10[%get3A_494, %get3A_495] {strides = array<i32>} : memref<64x256xf32, #tpu.memory_space<vmem>>, vector<1x16xf32>,
      %get3A_497 = vector.shape_cast %get3A_496 : vector<1x16xf32> to vector<16xf32>
      %get3A_498 = arith.index_cast %scan3A_356 : i32 to index
      %get3A_499 = arith.constant 128 : index
      %get3A_500 = tpu.vector_load %arg12[%get3A_498, %get3A_499] {strides = array<i32>} : memref<64x256xf32, #tpu.memory_space<vmem>>, vector<1x16xf32>,
      %get3A_501 = vector.shape_cast %get3A_500 : vector<1x16xf32> to vector<16xf32>
      %get3A_502 = arith.index_cast %scan3A_356 : i32 to index
      %get3A_503 = arith.constant 144 : index
      %get3A_504 = tpu.vector_load %arg10[%get3A_502, %get3A_503] {strides = array<i32>} : memref<64x256xf32, #tpu.memory_space<vmem>>, vector<1x16xf32>,
      %get3A_505 = vector.shape_cast %get3A_504 : vector<1x16xf32> to vector<16xf32>
      %get3A_506 = arith.index_cast %scan3A_356 : i32 to index
      %get3A_507 = arith.constant 144 : index
      %get3A_508 = tpu.vector_load %arg12[%get3A_506, %get3A_507] {strides = array<i32>} : memref<64x256xf32, #tpu.memory_space<vmem>>, vector<1x16xf32>,
      %get3A_509 = vector.shape_cast %get3A_508 : vector<1x16xf32> to vector<16xf32>
      %sub3A_510 = arith.subf %get3A_497, %get3A_501 : vector<16xf32>
      %sub3A_511 = arith.subf %get3A_505, %get3A_509 : vector<16xf32>
      %add3A_512 = arith.addf %get3A_501, %sub3A_510 : vector<16xf32>
      %swap3A_513 = arith.index_cast %scan3A_356 : i32 to index
      %swap3A_514 = arith.constant 128 : index
      %swap3A_515 = tpu.vector_load %arg14[%swap3A_513, %swap3A_514] {strides = array<i32>} : memref<64x256xf32, #tpu.memory_space<vmem>>, vector<1x16xf32>,
      %swap3A_516 = vector.shape_cast %swap3A_515 : vector<1x16xf32> to vector<16xf32>
      %swap3A_517 = vector.shape_cast %add3A_512 : vector<16xf32> to vector<1x16xf32>
      tpu.vector_store %arg14[%swap3A_513, %swap3A_514], %swap3A_517 {strides = array<i32>} : memref<64x256xf32, #tpu.memory_space<vmem>>, vector<1x16xf32>,
      %add3A_518 = arith.addf %get3A_509, %sub3A_511 : vector<16xf32>
      %swap3A_519 = arith.index_cast %scan3A_356 : i32 to index
      %swap3A_520 = arith.constant 144 : index
      %swap3A_521 = tpu.vector_load %arg14[%swap3A_519, %swap3A_520] {strides = array<i32>} : memref<64x256xf32, #tpu.memory_space<vmem>>, vector<1x16xf32>,
      %swap3A_522 = vector.shape_cast %swap3A_521 : vector<1x16xf32> to vector<16xf32>
      %swap3A_523 = vector.shape_cast %add3A_518 : vector<16xf32> to vector<1x16xf32>
      tpu.vector_store %arg14[%swap3A_519, %swap3A_520], %swap3A_523 {strides = array<i32>} : memref<64x256xf32, #tpu.memory_space<vmem>>, vector<1x16xf32>,
      %mul3A_524 = arith.mulf %sub3A_510, %sub3A_510 : vector<16xf32>
      %add3A_525 = arith.addf %add3A_491, %mul3A_524 : vector<16xf32>
      %mul3A_526 = arith.mulf %sub3A_511, %sub3A_511 : vector<16xf32>
      %add3A_527 = arith.addf %add3A_493, %mul3A_526 : vector<16xf32>
      %get3A_528 = arith.index_cast %scan3A_356 : i32 to index
      %get3A_529 = arith.constant 160 : index
      %get3A_530 = tpu.vector_load %arg10[%get3A_528, %get3A_529] {strides = array<i32>} : memref<64x256xf32, #tpu.memory_space<vmem>>, vector<1x16xf32>,
      %get3A_531 = vector.shape_cast %get3A_530 : vector<1x16xf32> to vector<16xf32>
      %get3A_532 = arith.index_cast %scan3A_356 : i32 to index
      %get3A_533 = arith.constant 160 : index
      %get3A_534 = tpu.vector_load %arg12[%get3A_532, %get3A_533] {strides = array<i32>} : memref<64x256xf32, #tpu.memory_space<vmem>>, vector<1x16xf32>,
      %get3A_535 = vector.shape_cast %get3A_534 : vector<1x16xf32> to vector<16xf32>
      %get3A_536 = arith.index_cast %scan3A_356 : i32 to index
      %get3A_537 = arith.constant 176 : index
      %get3A_538 = tpu.vector_load %arg10[%get3A_536, %get3A_537] {strides = array<i32>} : memref<64x256xf32, #tpu.memory_space<vmem>>, vector<1x16xf32>,
      %get3A_539 = vector.shape_cast %get3A_538 : vector<1x16xf32> to vector<16xf32>
      %get3A_540 = arith.index_cast %scan3A_356 : i32 to index
      %get3A_541 = arith.constant 176 : index
      %get3A_542 = tpu.vector_load %arg12[%get3A_540, %get3A_541] {strides = array<i32>} : memref<64x256xf32, #tpu.memory_space<vmem>>, vector<1x16xf32>,
      %get3A_543 = vector.shape_cast %get3A_542 : vector<1x16xf32> to vector<16xf32>
      %sub3A_544 = arith.subf %get3A_531, %get3A_535 : vector<16xf32>
      %sub3A_545 = arith.subf %get3A_539, %get3A_543 : vector<16xf32>
      %add3A_546 = arith.addf %get3A_535, %sub3A_544 : vector<16xf32>
      %swap3A_547 = arith.index_cast %scan3A_356 : i32 to index
      %swap3A_548 = arith.constant 160 : index
      %swap3A_549 = tpu.vector_load %arg14[%swap3A_547, %swap3A_548] {strides = array<i32>} : memref<64x256xf32, #tpu.memory_space<vmem>>, vector<1x16xf32>,
      %swap3A_550 = vector.shape_cast %swap3A_549 : vector<1x16xf32> to vector<16xf32>
      %swap3A_551 = vector.shape_cast %add3A_546 : vector<16xf32> to vector<1x16xf32>
      tpu.vector_store %arg14[%swap3A_547, %swap3A_548], %swap3A_551 {strides = array<i32>} : memref<64x256xf32, #tpu.memory_space<vmem>>, vector<1x16xf32>,
      %add3A_552 = arith.addf %get3A_543, %sub3A_545 : vector<16xf32>
      %swap3A_553 = arith.index_cast %scan3A_356 : i32 to index
      %swap3A_554 = arith.constant 176 : index
      %swap3A_555 = tpu.vector_load %arg14[%swap3A_553, %swap3A_554] {strides = array<i32>} : memref<64x256xf32, #tpu.memory_space<vmem>>, vector<1x16xf32>,
      %swap3A_556 = vector.shape_cast %swap3A_555 : vector<1x16xf32> to vector<16xf32>
      %swap3A_557 = vector.shape_cast %add3A_552 : vector<16xf32> to vector<1x16xf32>
      tpu.vector_store %arg14[%swap3A_553, %swap3A_554], %swap3A_557 {strides = array<i32>} : memref<64x256xf32, #tpu.memory_space<vmem>>, vector<1x16xf32>,
      %mul3A_558 = arith.mulf %sub3A_544, %sub3A_544 : vector<16xf32>
      %add3A_559 = arith.addf %add3A_525, %mul3A_558 : vector<16xf32>
      %mul3A_560 = arith.mulf %sub3A_545, %sub3A_545 : vector<16xf32>
      %add3A_561 = arith.addf %add3A_527, %mul3A_560 : vector<16xf32>
      %get3A_562 = arith.index_cast %scan3A_356 : i32 to index
      %get3A_563 = arith.constant 192 : index
      %get3A_564 = tpu.vector_load %arg10[%get3A_562, %get3A_563] {strides = array<i32>} : memref<64x256xf32, #tpu.memory_space<vmem>>, vector<1x16xf32>,
      %get3A_565 = vector.shape_cast %get3A_564 : vector<1x16xf32> to vector<16xf32>
      %get3A_566 = arith.index_cast %scan3A_356 : i32 to index
      %get3A_567 = arith.constant 192 : index
      %get3A_568 = tpu.vector_load %arg12[%get3A_566, %get3A_567] {strides = array<i32>} : memref<64x256xf32, #tpu.memory_space<vmem>>, vector<1x16xf32>,
      %get3A_569 = vector.shape_cast %get3A_568 : vector<1x16xf32> to vector<16xf32>
      %get3A_570 = arith.index_cast %scan3A_356 : i32 to index
      %get3A_571 = arith.constant 208 : index
      %get3A_572 = tpu.vector_load %arg10[%get3A_570, %get3A_571] {strides = array<i32>} : memref<64x256xf32, #tpu.memory_space<vmem>>, vector<1x16xf32>,
      %get3A_573 = vector.shape_cast %get3A_572 : vector<1x16xf32> to vector<16xf32>
      %get3A_574 = arith.index_cast %scan3A_356 : i32 to index
      %get3A_575 = arith.constant 208 : index
      %get3A_576 = tpu.vector_load %arg12[%get3A_574, %get3A_575] {strides = array<i32>} : memref<64x256xf32, #tpu.memory_space<vmem>>, vector<1x16xf32>,
      %get3A_577 = vector.shape_cast %get3A_576 : vector<1x16xf32> to vector<16xf32>
      %sub3A_578 = arith.subf %get3A_565, %get3A_569 : vector<16xf32>
      %sub3A_579 = arith.subf %get3A_573, %get3A_577 : vector<16xf32>
      %add3A_580 = arith.addf %get3A_569, %sub3A_578 : vector<16xf32>
      %swap3A_581 = arith.index_cast %scan3A_356 : i32 to index
      %swap3A_582 = arith.constant 192 : index
      %swap3A_583 = tpu.vector_load %arg14[%swap3A_581, %swap3A_582] {strides = array<i32>} : memref<64x256xf32, #tpu.memory_space<vmem>>, vector<1x16xf32>,
      %swap3A_584 = vector.shape_cast %swap3A_583 : vector<1x16xf32> to vector<16xf32>
      %swap3A_585 = vector.shape_cast %add3A_580 : vector<16xf32> to vector<1x16xf32>
      tpu.vector_store %arg14[%swap3A_581, %swap3A_582], %swap3A_585 {strides = array<i32>} : memref<64x256xf32, #tpu.memory_space<vmem>>, vector<1x16xf32>,
      %add3A_586 = arith.addf %get3A_577, %sub3A_579 : vector<16xf32>
      %swap3A_587 = arith.index_cast %scan3A_356 : i32 to index
      %swap3A_588 = arith.constant 208 : index
      %swap3A_589 = tpu.vector_load %arg14[%swap3A_587, %swap3A_588] {strides = array<i32>} : memref<64x256xf32, #tpu.memory_space<vmem>>, vector<1x16xf32>,
      %swap3A_590 = vector.shape_cast %swap3A_589 : vector<1x16xf32> to vector<16xf32>
      %swap3A_591 = vector.shape_cast %add3A_586 : vector<16xf32> to vector<1x16xf32>
      tpu.vector_store %arg14[%swap3A_587, %swap3A_588], %swap3A_591 {strides = array<i32>} : memref<64x256xf32, #tpu.memory_space<vmem>>, vector<1x16xf32>,
      %mul3A_592 = arith.mulf %sub3A_578, %sub3A_578 : vector<16xf32>
      %add3A_593 = arith.addf %add3A_559, %mul3A_592 : vector<16xf32>
      %mul3A_594 = arith.mulf %sub3A_579, %sub3A_579 : vector<16xf32>
      %add3A_595 = arith.addf %add3A_561, %mul3A_594 : vector<16xf32>
      %get3A_596 = arith.index_cast %scan3A_356 : i32 to index
      %get3A_597 = arith.constant 224 : index
      %get3A_598 = tpu.vector_load %arg10[%get3A_596, %get3A_597] {strides = array<i32>} : memref<64x256xf32, #tpu.memory_space<vmem>>, vector<1x16xf32>,
      %get3A_599 = vector.shape_cast %get3A_598 : vector<1x16xf32> to vector<16xf32>
      %get3A_600 = arith.index_cast %scan3A_356 : i32 to index
      %get3A_601 = arith.constant 224 : index
      %get3A_602 = tpu.vector_load %arg12[%get3A_600, %get3A_601] {strides = array<i32>} : memref<64x256xf32, #tpu.memory_space<vmem>>, vector<1x16xf32>,
      %get3A_603 = vector.shape_cast %get3A_602 : vector<1x16xf32> to vector<16xf32>
      %get3A_604 = arith.index_cast %scan3A_356 : i32 to index
      %get3A_605 = arith.constant 240 : index
      %get3A_606 = tpu.vector_load %arg10[%get3A_604, %get3A_605] {strides = array<i32>} : memref<64x256xf32, #tpu.memory_space<vmem>>, vector<1x16xf32>,
      %get3A_607 = vector.shape_cast %get3A_606 : vector<1x16xf32> to vector<16xf32>
      %get3A_608 = arith.index_cast %scan3A_356 : i32 to index
      %get3A_609 = arith.constant 240 : index
      %get3A_610 = tpu.vector_load %arg12[%get3A_608, %get3A_609] {strides = array<i32>} : memref<64x256xf32, #tpu.memory_space<vmem>>, vector<1x16xf32>,
      %get3A_611 = vector.shape_cast %get3A_610 : vector<1x16xf32> to vector<16xf32>
      %sub3A_612 = arith.subf %get3A_599, %get3A_603 : vector<16xf32>
      %sub3A_613 = arith.subf %get3A_607, %get3A_611 : vector<16xf32>
      %add3A_614 = arith.addf %get3A_603, %sub3A_612 : vector<16xf32>
      %swap3A_615 = arith.index_cast %scan3A_356 : i32 to index
      %swap3A_616 = arith.constant 224 : index
      %swap3A_617 = tpu.vector_load %arg14[%swap3A_615, %swap3A_616] {strides = array<i32>} : memref<64x256xf32, #tpu.memory_space<vmem>>, vector<1x16xf32>,
      %swap3A_618 = vector.shape_cast %swap3A_617 : vector<1x16xf32> to vector<16xf32>
      %swap3A_619 = vector.shape_cast %add3A_614 : vector<16xf32> to vector<1x16xf32>
      tpu.vector_store %arg14[%swap3A_615, %swap3A_616], %swap3A_619 {strides = array<i32>} : memref<64x256xf32, #tpu.memory_space<vmem>>, vector<1x16xf32>,
      %add3A_620 = arith.addf %get3A_611, %sub3A_613 : vector<16xf32>
      %swap3A_621 = arith.index_cast %scan3A_356 : i32 to index
      %swap3A_622 = arith.constant 240 : index
      %swap3A_623 = tpu.vector_load %arg14[%swap3A_621, %swap3A_622] {strides = array<i32>} : memref<64x256xf32, #tpu.memory_space<vmem>>, vector<1x16xf32>,
      %swap3A_624 = vector.shape_cast %swap3A_623 : vector<1x16xf32> to vector<16xf32>
      %swap3A_625 = vector.shape_cast %add3A_620 : vector<16xf32> to vector<1x16xf32>
      tpu.vector_store %arg14[%swap3A_621, %swap3A_622], %swap3A_625 {strides = array<i32>} : memref<64x256xf32, #tpu.memory_space<vmem>>, vector<1x16xf32>,
      %mul3A_626 = arith.mulf %sub3A_612, %sub3A_612 : vector<16xf32>
      %add3A_627 = arith.addf %add3A_593, %mul3A_626 : vector<16xf32>
      %mul3A_628 = arith.mulf %sub3A_613, %sub3A_613 : vector<16xf32>
      %add3A_629 = arith.addf %add3A_595, %mul3A_628 : vector<16xf32>
      scf.yield %add3A_627, %add3A_629 : vector<16xf32>, vector<16xf32>
    }
    %scan3A_158 = arith.constant 64 : i32
    %dma_start3A_159 = arith.constant 0 : i32
    %dma_start3A_160 = tpu.memref_slice %arg5[%add3A_126, %dma_start3A_159] : memref<16384x256xf32, #tpu.memory_space<hbm>> -> memref<64x256xf32, #tpu.memory_space<hbm>>
    %dma_start3A_161 = arith.constant 0 : i32
    %dma_start3A_162 = tpu.memref_slice %arg5[%add3A_126, %dma_start3A_161] : memref<16384x256xf32, #tpu.memory_space<hbm>> -> memref<64x256xf32, #tpu.memory_space<hbm>>
    tpu.enqueue_dma source(%arg14 : memref<64x256xf32, #tpu.memory_space<vmem>>) target(%dma_start3A_162 : memref<64x256xf32, #tpu.memory_space<hbm>>) target_semaphore(%arg22 : memref<!tpu.dma_semaphore, #tpu.memory_space<semaphore_mem>>)
    %add3A_163 = arith.constant 192 : i32
    %add3A_164 = arith.addi %mul3A_2, %add3A_163 : i32
    %dma_wait3A_165 = arith.constant 0 : i32
    %dma_wait3A_166 = tpu.memref_slice %arg5[%add3A_126, %dma_wait3A_165] : memref<16384x256xf32, #tpu.memory_space<hbm>> -> memref<64x256xf32, #tpu.memory_space<hbm>>
    %dma_wait3A_167 = arith.constant 0 : i32
    %dma_wait3A_168 = tpu.memref_slice %arg5[%add3A_126, %dma_wait3A_167] : memref<16384x256xf32, #tpu.memory_space<hbm>> -> memref<64x256xf32, #tpu.memory_space<hbm>>
    tpu.wait_dma2 semaphore(%arg22 : memref<!tpu.dma_semaphore, #tpu.memory_space<semaphore_mem>>) src(%arg14 : memref<64x256xf32, #tpu.memory_space<vmem>>) dst(%dma_wait3A_168 : memref<64x256xf32, #tpu.memory_space<hbm>>)
    %add3A_169 = arith.constant 256 : i32
    %add3A_170 = arith.addi %mul3A_2, %add3A_169 : i32
    %dma_wait3A_171 = arith.constant 0 : i32
    %dma_wait3A_172 = tpu.memref_slice %arg19[%dma_wait3A_171] : memref<8192xf32, #tpu.memory_space<vmem_shared>> -> memref<8192xf32, #tpu.memory_space<vmem_shared>>
    tpu.wait_indirect_dma semaphore(%arg24 : memref<!tpu.dma_semaphore, #tpu.memory_space<semaphore_mem>>) src(%arg17 : memref<64xf32, #tpu.memory_space<vmem>>) dst(%dma_wait3A_172 : memref<8192xf32, #tpu.memory_space<vmem_shared>>)
    %add3A_173 = arith.constant 256 : i32
    %add3A_174 = arith.addi %select_n3A_32, %add3A_173 : i32
    "tpu.region"() ({
      %run_scoped3A = tpu.sem_alloc : memref<!tpu.dma_semaphore, #tpu.memory_space<semaphore_mem>>
      %dma_start3A_356 = tpu.memref_slice %arg3[%select_n3A, %add3A_174] : memref<16x1024xi32, #tpu.memory_space<hbm>> -> memref<1x64xi32, #tpu.memory_space<hbm>>
      %dma_start3A_357 = tpu.memref_squeeze %dma_start3A_356 : memref<1x64xi32, #tpu.memory_space<hbm>> -> memref<64xi32, #tpu.memory_space<hbm>>
      %dma_start3A_358 = tpu.memref_slice %arg3[%select_n3A, %add3A_174] : memref<16x1024xi32, #tpu.memory_space<hbm>> -> memref<1x64xi32, #tpu.memory_space<hbm>>
      %dma_start3A_359 = tpu.memref_squeeze %dma_start3A_358 : memref<1x64xi32, #tpu.memory_space<hbm>> -> memref<64xi32, #tpu.memory_space<hbm>>
      tpu.enqueue_dma source(%dma_start3A_359 : memref<64xi32, #tpu.memory_space<hbm>>) target(%arg8 : memref<64xi32, #tpu.memory_space<vmem>>) target_semaphore(%run_scoped3A : memref<!tpu.dma_semaphore, #tpu.memory_space<semaphore_mem>>)
      %dma_wait3A_360 = tpu.memref_slice %arg3[%select_n3A, %add3A_174] : memref<16x1024xi32, #tpu.memory_space<hbm>> -> memref<1x64xi32, #tpu.memory_space<hbm>>
      %dma_wait3A_361 = tpu.memref_squeeze %dma_wait3A_360 : memref<1x64xi32, #tpu.memory_space<hbm>> -> memref<64xi32, #tpu.memory_space<hbm>>
      %dma_wait3A_362 = tpu.memref_slice %arg3[%select_n3A, %add3A_174] : memref<16x1024xi32, #tpu.memory_space<hbm>> -> memref<1x64xi32, #tpu.memory_space<hbm>>
      %dma_wait3A_363 = tpu.memref_squeeze %dma_wait3A_362 : memref<1x64xi32, #tpu.memory_space<hbm>> -> memref<64xi32, #tpu.memory_space<hbm>>
      tpu.wait_dma2 semaphore(%run_scoped3A : memref<!tpu.dma_semaphore, #tpu.memory_space<semaphore_mem>>) src(%dma_wait3A_363 : memref<64xi32, #tpu.memory_space<hbm>>) dst(%arg8 : memref<64xi32, #tpu.memory_space<vmem>>)
      tpu.yield
    }) : () -> ()
    %dma_start3A_175 = arith.constant 0 : i32
    %dma_start3A_176 = tpu.memref_slice %arg19[%dma_start3A_175] : memref<8192xf32, #tpu.memory_space<vmem_shared>> -> memref<8192xf32, #tpu.memory_space<vmem_shared>>
    tpu.enqueue_indirect_dma source(%arg17 : memref<64xf32, #tpu.memory_space<vmem>>) target(%dma_start3A_176 : memref<8192xf32, #tpu.memory_space<vmem_shared>>) offsets(%arg8 : memref<64xi32, #tpu.memory_space<vmem>>) semaphore(%arg24 : memref<!tpu.dma_semaphore, #tpu.memory_space<semaphore_mem>>) {add = true}
    %dma_start3A_177 = arith.constant 0 : i32
    %dma_start3A_178 = arith.constant 0 : i32
    %dma_start3A_179 = tpu.memref_slice %arg2[%dma_start3A_177, %dma_start3A_178] : memref<8192x256xf32, #tpu.memory_space<hbm>> -> memref<8192x256xf32, #tpu.memory_space<hbm>>
    tpu.enqueue_indirect_dma source(%dma_start3A_179 : memref<8192x256xf32, #tpu.memory_space<hbm>>) target(%arg10 : memref<64x256xf32, #tpu.memory_space<vmem>>) offsets(%arg8 : memref<64xi32, #tpu.memory_space<vmem>>) semaphore(%arg20 : memref<!tpu.dma_semaphore, #tpu.memory_space<semaphore_mem>>)
    %dma_start3A_180 = arith.constant 0 : i32
    %dma_start3A_181 = tpu.memref_slice %arg4[%add3A_170, %dma_start3A_180] : memref<16384x256xf32, #tpu.memory_space<hbm>> -> memref<64x256xf32, #tpu.memory_space<hbm>>
    %dma_start3A_182 = arith.constant 0 : i32
    %dma_start3A_183 = tpu.memref_slice %arg4[%add3A_170, %dma_start3A_182] : memref<16384x256xf32, #tpu.memory_space<hbm>> -> memref<64x256xf32, #tpu.memory_space<hbm>>
    tpu.enqueue_dma source(%dma_start3A_183 : memref<64x256xf32, #tpu.memory_space<hbm>>) target(%arg12 : memref<64x256xf32, #tpu.memory_space<vmem>>) target_semaphore(%arg20 : memref<!tpu.dma_semaphore, #tpu.memory_space<semaphore_mem>>)
    %dma_wait3A_184 = arith.constant 0 : i32
    %dma_wait3A_185 = arith.constant 0 : i32
    %dma_wait3A_186 = tpu.memref_slice %arg2[%dma_wait3A_184, %dma_wait3A_185] : memref<8192x256xf32, #tpu.memory_space<hbm>> -> memref<8192x256xf32, #tpu.memory_space<hbm>>
    tpu.wait_indirect_dma semaphore(%arg21 : memref<!tpu.dma_semaphore, #tpu.memory_space<semaphore_mem>>) src(%dma_wait3A_186 : memref<8192x256xf32, #tpu.memory_space<hbm>>) dst(%arg11 : memref<64x256xf32, #tpu.memory_space<vmem>>)
    %dma_wait3A_187 = arith.constant 0 : i32
    %dma_wait3A_188 = tpu.memref_slice %arg4[%add3A_132, %dma_wait3A_187] : memref<16384x256xf32, #tpu.memory_space<hbm>> -> memref<64x256xf32, #tpu.memory_space<hbm>>
    %dma_wait3A_189 = arith.constant 0 : i32
    %dma_wait3A_190 = tpu.memref_slice %arg4[%add3A_132, %dma_wait3A_189] : memref<16384x256xf32, #tpu.memory_space<hbm>> -> memref<64x256xf32, #tpu.memory_space<hbm>>
    tpu.wait_dma2 semaphore(%arg21 : memref<!tpu.dma_semaphore, #tpu.memory_space<semaphore_mem>>) src(%dma_wait3A_190 : memref<64x256xf32, #tpu.memory_space<hbm>>) dst(%arg13 : memref<64x256xf32, #tpu.memory_space<vmem>>)
    %scan3A_191 = arith.constant 0 : i32
    %scan3A_192 = arith.constant 64 : i32
    %scan3A_193 = arith.addi %scan3A_191, %scan3A_192 : i32
    %scan3A_194 = arith.constant 1 : i32
    %scan3A_195:2 = scf.for %scan3A_356 = %scan3A_191 to %scan3A_193 step %scan3A_194 iter_args(%scan3A_357 = %scan3A_157#0, %scan3A_358 = %scan3A_157#1) -> (vector<16xf32>, vector<16xf32>)  : i32 {
      %get3A = arith.index_cast %scan3A_356 : i32 to index
      %get3A_359 = arith.constant 0 : index
      %get3A_360 = tpu.vector_load %arg11[%get3A, %get3A_359] {strides = array<i32>} : memref<64x256xf32, #tpu.memory_space<vmem>>, vector<1x16xf32>,
      %get3A_361 = vector.shape_cast %get3A_360 : vector<1x16xf32> to vector<16xf32>
      %get3A_362 = arith.index_cast %scan3A_356 : i32 to index
      %get3A_363 = arith.constant 0 : index
      %get3A_364 = tpu.vector_load %arg13[%get3A_362, %get3A_363] {strides = array<i32>} : memref<64x256xf32, #tpu.memory_space<vmem>>, vector<1x16xf32>,
      %get3A_365 = vector.shape_cast %get3A_364 : vector<1x16xf32> to vector<16xf32>
      %get3A_366 = arith.index_cast %scan3A_356 : i32 to index
      %get3A_367 = arith.constant 16 : index
      %get3A_368 = tpu.vector_load %arg11[%get3A_366, %get3A_367] {strides = array<i32>} : memref<64x256xf32, #tpu.memory_space<vmem>>, vector<1x16xf32>,
      %get3A_369 = vector.shape_cast %get3A_368 : vector<1x16xf32> to vector<16xf32>
      %get3A_370 = arith.index_cast %scan3A_356 : i32 to index
      %get3A_371 = arith.constant 16 : index
      %get3A_372 = tpu.vector_load %arg13[%get3A_370, %get3A_371] {strides = array<i32>} : memref<64x256xf32, #tpu.memory_space<vmem>>, vector<1x16xf32>,
      %get3A_373 = vector.shape_cast %get3A_372 : vector<1x16xf32> to vector<16xf32>
      %sub3A_374 = arith.subf %get3A_361, %get3A_365 : vector<16xf32>
      %sub3A_375 = arith.subf %get3A_369, %get3A_373 : vector<16xf32>
      %add3A_376 = arith.addf %get3A_365, %sub3A_374 : vector<16xf32>
      %swap3A_377 = arith.index_cast %scan3A_356 : i32 to index
      %swap3A_378 = arith.constant 0 : index
      %swap3A_379 = tpu.vector_load %arg15[%swap3A_377, %swap3A_378] {strides = array<i32>} : memref<64x256xf32, #tpu.memory_space<vmem>>, vector<1x16xf32>,
      %swap3A_380 = vector.shape_cast %swap3A_379 : vector<1x16xf32> to vector<16xf32>
      %swap3A_381 = vector.shape_cast %add3A_376 : vector<16xf32> to vector<1x16xf32>
      tpu.vector_store %arg15[%swap3A_377, %swap3A_378], %swap3A_381 {strides = array<i32>} : memref<64x256xf32, #tpu.memory_space<vmem>>, vector<1x16xf32>,
      %add3A_382 = arith.addf %get3A_373, %sub3A_375 : vector<16xf32>
      %swap3A_383 = arith.index_cast %scan3A_356 : i32 to index
      %swap3A_384 = arith.constant 16 : index
      %swap3A_385 = tpu.vector_load %arg15[%swap3A_383, %swap3A_384] {strides = array<i32>} : memref<64x256xf32, #tpu.memory_space<vmem>>, vector<1x16xf32>,
      %swap3A_386 = vector.shape_cast %swap3A_385 : vector<1x16xf32> to vector<16xf32>
      %swap3A_387 = vector.shape_cast %add3A_382 : vector<16xf32> to vector<1x16xf32>
      tpu.vector_store %arg15[%swap3A_383, %swap3A_384], %swap3A_387 {strides = array<i32>} : memref<64x256xf32, #tpu.memory_space<vmem>>, vector<1x16xf32>,
      %mul3A_388 = arith.mulf %sub3A_374, %sub3A_374 : vector<16xf32>
      %add3A_389 = arith.addf %scan3A_357, %mul3A_388 : vector<16xf32>
      %mul3A_390 = arith.mulf %sub3A_375, %sub3A_375 : vector<16xf32>
      %add3A_391 = arith.addf %scan3A_358, %mul3A_390 : vector<16xf32>
      %get3A_392 = arith.index_cast %scan3A_356 : i32 to index
      %get3A_393 = arith.constant 32 : index
      %get3A_394 = tpu.vector_load %arg11[%get3A_392, %get3A_393] {strides = array<i32>} : memref<64x256xf32, #tpu.memory_space<vmem>>, vector<1x16xf32>,
      %get3A_395 = vector.shape_cast %get3A_394 : vector<1x16xf32> to vector<16xf32>
      %get3A_396 = arith.index_cast %scan3A_356 : i32 to index
      %get3A_397 = arith.constant 32 : index
      %get3A_398 = tpu.vector_load %arg13[%get3A_396, %get3A_397] {strides = array<i32>} : memref<64x256xf32, #tpu.memory_space<vmem>>, vector<1x16xf32>,
      %get3A_399 = vector.shape_cast %get3A_398 : vector<1x16xf32> to vector<16xf32>
      %get3A_400 = arith.index_cast %scan3A_356 : i32 to index
      %get3A_401 = arith.constant 48 : index
      %get3A_402 = tpu.vector_load %arg11[%get3A_400, %get3A_401] {strides = array<i32>} : memref<64x256xf32, #tpu.memory_space<vmem>>, vector<1x16xf32>,
      %get3A_403 = vector.shape_cast %get3A_402 : vector<1x16xf32> to vector<16xf32>
      %get3A_404 = arith.index_cast %scan3A_356 : i32 to index
      %get3A_405 = arith.constant 48 : index
      %get3A_406 = tpu.vector_load %arg13[%get3A_404, %get3A_405] {strides = array<i32>} : memref<64x256xf32, #tpu.memory_space<vmem>>, vector<1x16xf32>,
      %get3A_407 = vector.shape_cast %get3A_406 : vector<1x16xf32> to vector<16xf32>
      %sub3A_408 = arith.subf %get3A_395, %get3A_399 : vector<16xf32>
      %sub3A_409 = arith.subf %get3A_403, %get3A_407 : vector<16xf32>
      %add3A_410 = arith.addf %get3A_399, %sub3A_408 : vector<16xf32>
      %swap3A_411 = arith.index_cast %scan3A_356 : i32 to index
      %swap3A_412 = arith.constant 32 : index
      %swap3A_413 = tpu.vector_load %arg15[%swap3A_411, %swap3A_412] {strides = array<i32>} : memref<64x256xf32, #tpu.memory_space<vmem>>, vector<1x16xf32>,
      %swap3A_414 = vector.shape_cast %swap3A_413 : vector<1x16xf32> to vector<16xf32>
      %swap3A_415 = vector.shape_cast %add3A_410 : vector<16xf32> to vector<1x16xf32>
      tpu.vector_store %arg15[%swap3A_411, %swap3A_412], %swap3A_415 {strides = array<i32>} : memref<64x256xf32, #tpu.memory_space<vmem>>, vector<1x16xf32>,
      %add3A_416 = arith.addf %get3A_407, %sub3A_409 : vector<16xf32>
      %swap3A_417 = arith.index_cast %scan3A_356 : i32 to index
      %swap3A_418 = arith.constant 48 : index
      %swap3A_419 = tpu.vector_load %arg15[%swap3A_417, %swap3A_418] {strides = array<i32>} : memref<64x256xf32, #tpu.memory_space<vmem>>, vector<1x16xf32>,
      %swap3A_420 = vector.shape_cast %swap3A_419 : vector<1x16xf32> to vector<16xf32>
      %swap3A_421 = vector.shape_cast %add3A_416 : vector<16xf32> to vector<1x16xf32>
      tpu.vector_store %arg15[%swap3A_417, %swap3A_418], %swap3A_421 {strides = array<i32>} : memref<64x256xf32, #tpu.memory_space<vmem>>, vector<1x16xf32>,
      %mul3A_422 = arith.mulf %sub3A_408, %sub3A_408 : vector<16xf32>
      %add3A_423 = arith.addf %add3A_389, %mul3A_422 : vector<16xf32>
      %mul3A_424 = arith.mulf %sub3A_409, %sub3A_409 : vector<16xf32>
      %add3A_425 = arith.addf %add3A_391, %mul3A_424 : vector<16xf32>
      %get3A_426 = arith.index_cast %scan3A_356 : i32 to index
      %get3A_427 = arith.constant 64 : index
      %get3A_428 = tpu.vector_load %arg11[%get3A_426, %get3A_427] {strides = array<i32>} : memref<64x256xf32, #tpu.memory_space<vmem>>, vector<1x16xf32>,
      %get3A_429 = vector.shape_cast %get3A_428 : vector<1x16xf32> to vector<16xf32>
      %get3A_430 = arith.index_cast %scan3A_356 : i32 to index
      %get3A_431 = arith.constant 64 : index
      %get3A_432 = tpu.vector_load %arg13[%get3A_430, %get3A_431] {strides = array<i32>} : memref<64x256xf32, #tpu.memory_space<vmem>>, vector<1x16xf32>,
      %get3A_433 = vector.shape_cast %get3A_432 : vector<1x16xf32> to vector<16xf32>
      %get3A_434 = arith.index_cast %scan3A_356 : i32 to index
      %get3A_435 = arith.constant 80 : index
      %get3A_436 = tpu.vector_load %arg11[%get3A_434, %get3A_435] {strides = array<i32>} : memref<64x256xf32, #tpu.memory_space<vmem>>, vector<1x16xf32>,
      %get3A_437 = vector.shape_cast %get3A_436 : vector<1x16xf32> to vector<16xf32>
      %get3A_438 = arith.index_cast %scan3A_356 : i32 to index
      %get3A_439 = arith.constant 80 : index
      %get3A_440 = tpu.vector_load %arg13[%get3A_438, %get3A_439] {strides = array<i32>} : memref<64x256xf32, #tpu.memory_space<vmem>>, vector<1x16xf32>,
      %get3A_441 = vector.shape_cast %get3A_440 : vector<1x16xf32> to vector<16xf32>
      %sub3A_442 = arith.subf %get3A_429, %get3A_433 : vector<16xf32>
      %sub3A_443 = arith.subf %get3A_437, %get3A_441 : vector<16xf32>
      %add3A_444 = arith.addf %get3A_433, %sub3A_442 : vector<16xf32>
      %swap3A_445 = arith.index_cast %scan3A_356 : i32 to index
      %swap3A_446 = arith.constant 64 : index
      %swap3A_447 = tpu.vector_load %arg15[%swap3A_445, %swap3A_446] {strides = array<i32>} : memref<64x256xf32, #tpu.memory_space<vmem>>, vector<1x16xf32>,
      %swap3A_448 = vector.shape_cast %swap3A_447 : vector<1x16xf32> to vector<16xf32>
      %swap3A_449 = vector.shape_cast %add3A_444 : vector<16xf32> to vector<1x16xf32>
      tpu.vector_store %arg15[%swap3A_445, %swap3A_446], %swap3A_449 {strides = array<i32>} : memref<64x256xf32, #tpu.memory_space<vmem>>, vector<1x16xf32>,
      %add3A_450 = arith.addf %get3A_441, %sub3A_443 : vector<16xf32>
      %swap3A_451 = arith.index_cast %scan3A_356 : i32 to index
      %swap3A_452 = arith.constant 80 : index
      %swap3A_453 = tpu.vector_load %arg15[%swap3A_451, %swap3A_452] {strides = array<i32>} : memref<64x256xf32, #tpu.memory_space<vmem>>, vector<1x16xf32>,
      %swap3A_454 = vector.shape_cast %swap3A_453 : vector<1x16xf32> to vector<16xf32>
      %swap3A_455 = vector.shape_cast %add3A_450 : vector<16xf32> to vector<1x16xf32>
      tpu.vector_store %arg15[%swap3A_451, %swap3A_452], %swap3A_455 {strides = array<i32>} : memref<64x256xf32, #tpu.memory_space<vmem>>, vector<1x16xf32>,
      %mul3A_456 = arith.mulf %sub3A_442, %sub3A_442 : vector<16xf32>
      %add3A_457 = arith.addf %add3A_423, %mul3A_456 : vector<16xf32>
      %mul3A_458 = arith.mulf %sub3A_443, %sub3A_443 : vector<16xf32>
      %add3A_459 = arith.addf %add3A_425, %mul3A_458 : vector<16xf32>
      %get3A_460 = arith.index_cast %scan3A_356 : i32 to index
      %get3A_461 = arith.constant 96 : index
      %get3A_462 = tpu.vector_load %arg11[%get3A_460, %get3A_461] {strides = array<i32>} : memref<64x256xf32, #tpu.memory_space<vmem>>, vector<1x16xf32>,
      %get3A_463 = vector.shape_cast %get3A_462 : vector<1x16xf32> to vector<16xf32>
      %get3A_464 = arith.index_cast %scan3A_356 : i32 to index
      %get3A_465 = arith.constant 96 : index
      %get3A_466 = tpu.vector_load %arg13[%get3A_464, %get3A_465] {strides = array<i32>} : memref<64x256xf32, #tpu.memory_space<vmem>>, vector<1x16xf32>,
      %get3A_467 = vector.shape_cast %get3A_466 : vector<1x16xf32> to vector<16xf32>
      %get3A_468 = arith.index_cast %scan3A_356 : i32 to index
      %get3A_469 = arith.constant 112 : index
      %get3A_470 = tpu.vector_load %arg11[%get3A_468, %get3A_469] {strides = array<i32>} : memref<64x256xf32, #tpu.memory_space<vmem>>, vector<1x16xf32>,
      %get3A_471 = vector.shape_cast %get3A_470 : vector<1x16xf32> to vector<16xf32>
      %get3A_472 = arith.index_cast %scan3A_356 : i32 to index
      %get3A_473 = arith.constant 112 : index
      %get3A_474 = tpu.vector_load %arg13[%get3A_472, %get3A_473] {strides = array<i32>} : memref<64x256xf32, #tpu.memory_space<vmem>>, vector<1x16xf32>,
      %get3A_475 = vector.shape_cast %get3A_474 : vector<1x16xf32> to vector<16xf32>
      %sub3A_476 = arith.subf %get3A_463, %get3A_467 : vector<16xf32>
      %sub3A_477 = arith.subf %get3A_471, %get3A_475 : vector<16xf32>
      %add3A_478 = arith.addf %get3A_467, %sub3A_476 : vector<16xf32>
      %swap3A_479 = arith.index_cast %scan3A_356 : i32 to index
      %swap3A_480 = arith.constant 96 : index
      %swap3A_481 = tpu.vector_load %arg15[%swap3A_479, %swap3A_480] {strides = array<i32>} : memref<64x256xf32, #tpu.memory_space<vmem>>, vector<1x16xf32>,
      %swap3A_482 = vector.shape_cast %swap3A_481 : vector<1x16xf32> to vector<16xf32>
      %swap3A_483 = vector.shape_cast %add3A_478 : vector<16xf32> to vector<1x16xf32>
      tpu.vector_store %arg15[%swap3A_479, %swap3A_480], %swap3A_483 {strides = array<i32>} : memref<64x256xf32, #tpu.memory_space<vmem>>, vector<1x16xf32>,
      %add3A_484 = arith.addf %get3A_475, %sub3A_477 : vector<16xf32>
      %swap3A_485 = arith.index_cast %scan3A_356 : i32 to index
      %swap3A_486 = arith.constant 112 : index
      %swap3A_487 = tpu.vector_load %arg15[%swap3A_485, %swap3A_486] {strides = array<i32>} : memref<64x256xf32, #tpu.memory_space<vmem>>, vector<1x16xf32>,
      %swap3A_488 = vector.shape_cast %swap3A_487 : vector<1x16xf32> to vector<16xf32>
      %swap3A_489 = vector.shape_cast %add3A_484 : vector<16xf32> to vector<1x16xf32>
      tpu.vector_store %arg15[%swap3A_485, %swap3A_486], %swap3A_489 {strides = array<i32>} : memref<64x256xf32, #tpu.memory_space<vmem>>, vector<1x16xf32>,
      %mul3A_490 = arith.mulf %sub3A_476, %sub3A_476 : vector<16xf32>
      %add3A_491 = arith.addf %add3A_457, %mul3A_490 : vector<16xf32>
      %mul3A_492 = arith.mulf %sub3A_477, %sub3A_477 : vector<16xf32>
      %add3A_493 = arith.addf %add3A_459, %mul3A_492 : vector<16xf32>
      %get3A_494 = arith.index_cast %scan3A_356 : i32 to index
      %get3A_495 = arith.constant 128 : index
      %get3A_496 = tpu.vector_load %arg11[%get3A_494, %get3A_495] {strides = array<i32>} : memref<64x256xf32, #tpu.memory_space<vmem>>, vector<1x16xf32>,
      %get3A_497 = vector.shape_cast %get3A_496 : vector<1x16xf32> to vector<16xf32>
      %get3A_498 = arith.index_cast %scan3A_356 : i32 to index
      %get3A_499 = arith.constant 128 : index
      %get3A_500 = tpu.vector_load %arg13[%get3A_498, %get3A_499] {strides = array<i32>} : memref<64x256xf32, #tpu.memory_space<vmem>>, vector<1x16xf32>,
      %get3A_501 = vector.shape_cast %get3A_500 : vector<1x16xf32> to vector<16xf32>
      %get3A_502 = arith.index_cast %scan3A_356 : i32 to index
      %get3A_503 = arith.constant 144 : index
      %get3A_504 = tpu.vector_load %arg11[%get3A_502, %get3A_503] {strides = array<i32>} : memref<64x256xf32, #tpu.memory_space<vmem>>, vector<1x16xf32>,
      %get3A_505 = vector.shape_cast %get3A_504 : vector<1x16xf32> to vector<16xf32>
      %get3A_506 = arith.index_cast %scan3A_356 : i32 to index
      %get3A_507 = arith.constant 144 : index
      %get3A_508 = tpu.vector_load %arg13[%get3A_506, %get3A_507] {strides = array<i32>} : memref<64x256xf32, #tpu.memory_space<vmem>>, vector<1x16xf32>,
      %get3A_509 = vector.shape_cast %get3A_508 : vector<1x16xf32> to vector<16xf32>
      %sub3A_510 = arith.subf %get3A_497, %get3A_501 : vector<16xf32>
      %sub3A_511 = arith.subf %get3A_505, %get3A_509 : vector<16xf32>
      %add3A_512 = arith.addf %get3A_501, %sub3A_510 : vector<16xf32>
      %swap3A_513 = arith.index_cast %scan3A_356 : i32 to index
      %swap3A_514 = arith.constant 128 : index
      %swap3A_515 = tpu.vector_load %arg15[%swap3A_513, %swap3A_514] {strides = array<i32>} : memref<64x256xf32, #tpu.memory_space<vmem>>, vector<1x16xf32>,
      %swap3A_516 = vector.shape_cast %swap3A_515 : vector<1x16xf32> to vector<16xf32>
      %swap3A_517 = vector.shape_cast %add3A_512 : vector<16xf32> to vector<1x16xf32>
      tpu.vector_store %arg15[%swap3A_513, %swap3A_514], %swap3A_517 {strides = array<i32>} : memref<64x256xf32, #tpu.memory_space<vmem>>, vector<1x16xf32>,
      %add3A_518 = arith.addf %get3A_509, %sub3A_511 : vector<16xf32>
      %swap3A_519 = arith.index_cast %scan3A_356 : i32 to index
      %swap3A_520 = arith.constant 144 : index
      %swap3A_521 = tpu.vector_load %arg15[%swap3A_519, %swap3A_520] {strides = array<i32>} : memref<64x256xf32, #tpu.memory_space<vmem>>, vector<1x16xf32>,
      %swap3A_522 = vector.shape_cast %swap3A_521 : vector<1x16xf32> to vector<16xf32>
      %swap3A_523 = vector.shape_cast %add3A_518 : vector<16xf32> to vector<1x16xf32>
      tpu.vector_store %arg15[%swap3A_519, %swap3A_520], %swap3A_523 {strides = array<i32>} : memref<64x256xf32, #tpu.memory_space<vmem>>, vector<1x16xf32>,
      %mul3A_524 = arith.mulf %sub3A_510, %sub3A_510 : vector<16xf32>
      %add3A_525 = arith.addf %add3A_491, %mul3A_524 : vector<16xf32>
      %mul3A_526 = arith.mulf %sub3A_511, %sub3A_511 : vector<16xf32>
      %add3A_527 = arith.addf %add3A_493, %mul3A_526 : vector<16xf32>
      %get3A_528 = arith.index_cast %scan3A_356 : i32 to index
      %get3A_529 = arith.constant 160 : index
      %get3A_530 = tpu.vector_load %arg11[%get3A_528, %get3A_529] {strides = array<i32>} : memref<64x256xf32, #tpu.memory_space<vmem>>, vector<1x16xf32>,
      %get3A_531 = vector.shape_cast %get3A_530 : vector<1x16xf32> to vector<16xf32>
      %get3A_532 = arith.index_cast %scan3A_356 : i32 to index
      %get3A_533 = arith.constant 160 : index
      %get3A_534 = tpu.vector_load %arg13[%get3A_532, %get3A_533] {strides = array<i32>} : memref<64x256xf32, #tpu.memory_space<vmem>>, vector<1x16xf32>,
      %get3A_535 = vector.shape_cast %get3A_534 : vector<1x16xf32> to vector<16xf32>
      %get3A_536 = arith.index_cast %scan3A_356 : i32 to index
      %get3A_537 = arith.constant 176 : index
      %get3A_538 = tpu.vector_load %arg11[%get3A_536, %get3A_537] {strides = array<i32>} : memref<64x256xf32, #tpu.memory_space<vmem>>, vector<1x16xf32>,
      %get3A_539 = vector.shape_cast %get3A_538 : vector<1x16xf32> to vector<16xf32>
      %get3A_540 = arith.index_cast %scan3A_356 : i32 to index
      %get3A_541 = arith.constant 176 : index
      %get3A_542 = tpu.vector_load %arg13[%get3A_540, %get3A_541] {strides = array<i32>} : memref<64x256xf32, #tpu.memory_space<vmem>>, vector<1x16xf32>,
      %get3A_543 = vector.shape_cast %get3A_542 : vector<1x16xf32> to vector<16xf32>
      %sub3A_544 = arith.subf %get3A_531, %get3A_535 : vector<16xf32>
      %sub3A_545 = arith.subf %get3A_539, %get3A_543 : vector<16xf32>
      %add3A_546 = arith.addf %get3A_535, %sub3A_544 : vector<16xf32>
      %swap3A_547 = arith.index_cast %scan3A_356 : i32 to index
      %swap3A_548 = arith.constant 160 : index
      %swap3A_549 = tpu.vector_load %arg15[%swap3A_547, %swap3A_548] {strides = array<i32>} : memref<64x256xf32, #tpu.memory_space<vmem>>, vector<1x16xf32>,
      %swap3A_550 = vector.shape_cast %swap3A_549 : vector<1x16xf32> to vector<16xf32>
      %swap3A_551 = vector.shape_cast %add3A_546 : vector<16xf32> to vector<1x16xf32>
      tpu.vector_store %arg15[%swap3A_547, %swap3A_548], %swap3A_551 {strides = array<i32>} : memref<64x256xf32, #tpu.memory_space<vmem>>, vector<1x16xf32>,
      %add3A_552 = arith.addf %get3A_543, %sub3A_545 : vector<16xf32>
      %swap3A_553 = arith.index_cast %scan3A_356 : i32 to index
      %swap3A_554 = arith.constant 176 : index
      %swap3A_555 = tpu.vector_load %arg15[%swap3A_553, %swap3A_554] {strides = array<i32>} : memref<64x256xf32, #tpu.memory_space<vmem>>, vector<1x16xf32>,
      %swap3A_556 = vector.shape_cast %swap3A_555 : vector<1x16xf32> to vector<16xf32>
      %swap3A_557 = vector.shape_cast %add3A_552 : vector<16xf32> to vector<1x16xf32>
      tpu.vector_store %arg15[%swap3A_553, %swap3A_554], %swap3A_557 {strides = array<i32>} : memref<64x256xf32, #tpu.memory_space<vmem>>, vector<1x16xf32>,
      %mul3A_558 = arith.mulf %sub3A_544, %sub3A_544 : vector<16xf32>
      %add3A_559 = arith.addf %add3A_525, %mul3A_558 : vector<16xf32>
      %mul3A_560 = arith.mulf %sub3A_545, %sub3A_545 : vector<16xf32>
      %add3A_561 = arith.addf %add3A_527, %mul3A_560 : vector<16xf32>
      %get3A_562 = arith.index_cast %scan3A_356 : i32 to index
      %get3A_563 = arith.constant 192 : index
      %get3A_564 = tpu.vector_load %arg11[%get3A_562, %get3A_563] {strides = array<i32>} : memref<64x256xf32, #tpu.memory_space<vmem>>, vector<1x16xf32>,
      %get3A_565 = vector.shape_cast %get3A_564 : vector<1x16xf32> to vector<16xf32>
      %get3A_566 = arith.index_cast %scan3A_356 : i32 to index
      %get3A_567 = arith.constant 192 : index
      %get3A_568 = tpu.vector_load %arg13[%get3A_566, %get3A_567] {strides = array<i32>} : memref<64x256xf32, #tpu.memory_space<vmem>>, vector<1x16xf32>,
      %get3A_569 = vector.shape_cast %get3A_568 : vector<1x16xf32> to vector<16xf32>
      %get3A_570 = arith.index_cast %scan3A_356 : i32 to index
      %get3A_571 = arith.constant 208 : index
      %get3A_572 = tpu.vector_load %arg11[%get3A_570, %get3A_571] {strides = array<i32>} : memref<64x256xf32, #tpu.memory_space<vmem>>, vector<1x16xf32>,
      %get3A_573 = vector.shape_cast %get3A_572 : vector<1x16xf32> to vector<16xf32>
      %get3A_574 = arith.index_cast %scan3A_356 : i32 to index
      %get3A_575 = arith.constant 208 : index
      %get3A_576 = tpu.vector_load %arg13[%get3A_574, %get3A_575] {strides = array<i32>} : memref<64x256xf32, #tpu.memory_space<vmem>>, vector<1x16xf32>,
      %get3A_577 = vector.shape_cast %get3A_576 : vector<1x16xf32> to vector<16xf32>
      %sub3A_578 = arith.subf %get3A_565, %get3A_569 : vector<16xf32>
      %sub3A_579 = arith.subf %get3A_573, %get3A_577 : vector<16xf32>
      %add3A_580 = arith.addf %get3A_569, %sub3A_578 : vector<16xf32>
      %swap3A_581 = arith.index_cast %scan3A_356 : i32 to index
      %swap3A_582 = arith.constant 192 : index
      %swap3A_583 = tpu.vector_load %arg15[%swap3A_581, %swap3A_582] {strides = array<i32>} : memref<64x256xf32, #tpu.memory_space<vmem>>, vector<1x16xf32>,
      %swap3A_584 = vector.shape_cast %swap3A_583 : vector<1x16xf32> to vector<16xf32>
      %swap3A_585 = vector.shape_cast %add3A_580 : vector<16xf32> to vector<1x16xf32>
      tpu.vector_store %arg15[%swap3A_581, %swap3A_582], %swap3A_585 {strides = array<i32>} : memref<64x256xf32, #tpu.memory_space<vmem>>, vector<1x16xf32>,
      %add3A_586 = arith.addf %get3A_577, %sub3A_579 : vector<16xf32>
      %swap3A_587 = arith.index_cast %scan3A_356 : i32 to index
      %swap3A_588 = arith.constant 208 : index
      %swap3A_589 = tpu.vector_load %arg15[%swap3A_587, %swap3A_588] {strides = array<i32>} : memref<64x256xf32, #tpu.memory_space<vmem>>, vector<1x16xf32>,
      %swap3A_590 = vector.shape_cast %swap3A_589 : vector<1x16xf32> to vector<16xf32>
      %swap3A_591 = vector.shape_cast %add3A_586 : vector<16xf32> to vector<1x16xf32>
      tpu.vector_store %arg15[%swap3A_587, %swap3A_588], %swap3A_591 {strides = array<i32>} : memref<64x256xf32, #tpu.memory_space<vmem>>, vector<1x16xf32>,
      %mul3A_592 = arith.mulf %sub3A_578, %sub3A_578 : vector<16xf32>
      %add3A_593 = arith.addf %add3A_559, %mul3A_592 : vector<16xf32>
      %mul3A_594 = arith.mulf %sub3A_579, %sub3A_579 : vector<16xf32>
      %add3A_595 = arith.addf %add3A_561, %mul3A_594 : vector<16xf32>
      %get3A_596 = arith.index_cast %scan3A_356 : i32 to index
      %get3A_597 = arith.constant 224 : index
      %get3A_598 = tpu.vector_load %arg11[%get3A_596, %get3A_597] {strides = array<i32>} : memref<64x256xf32, #tpu.memory_space<vmem>>, vector<1x16xf32>,
      %get3A_599 = vector.shape_cast %get3A_598 : vector<1x16xf32> to vector<16xf32>
      %get3A_600 = arith.index_cast %scan3A_356 : i32 to index
      %get3A_601 = arith.constant 224 : index
      %get3A_602 = tpu.vector_load %arg13[%get3A_600, %get3A_601] {strides = array<i32>} : memref<64x256xf32, #tpu.memory_space<vmem>>, vector<1x16xf32>,
      %get3A_603 = vector.shape_cast %get3A_602 : vector<1x16xf32> to vector<16xf32>
      %get3A_604 = arith.index_cast %scan3A_356 : i32 to index
      %get3A_605 = arith.constant 240 : index
      %get3A_606 = tpu.vector_load %arg11[%get3A_604, %get3A_605] {strides = array<i32>} : memref<64x256xf32, #tpu.memory_space<vmem>>, vector<1x16xf32>,
      %get3A_607 = vector.shape_cast %get3A_606 : vector<1x16xf32> to vector<16xf32>
      %get3A_608 = arith.index_cast %scan3A_356 : i32 to index
      %get3A_609 = arith.constant 240 : index
      %get3A_610 = tpu.vector_load %arg13[%get3A_608, %get3A_609] {strides = array<i32>} : memref<64x256xf32, #tpu.memory_space<vmem>>, vector<1x16xf32>,
      %get3A_611 = vector.shape_cast %get3A_610 : vector<1x16xf32> to vector<16xf32>
      %sub3A_612 = arith.subf %get3A_599, %get3A_603 : vector<16xf32>
      %sub3A_613 = arith.subf %get3A_607, %get3A_611 : vector<16xf32>
      %add3A_614 = arith.addf %get3A_603, %sub3A_612 : vector<16xf32>
      %swap3A_615 = arith.index_cast %scan3A_356 : i32 to index
      %swap3A_616 = arith.constant 224 : index
      %swap3A_617 = tpu.vector_load %arg15[%swap3A_615, %swap3A_616] {strides = array<i32>} : memref<64x256xf32, #tpu.memory_space<vmem>>, vector<1x16xf32>,
      %swap3A_618 = vector.shape_cast %swap3A_617 : vector<1x16xf32> to vector<16xf32>
      %swap3A_619 = vector.shape_cast %add3A_614 : vector<16xf32> to vector<1x16xf32>
      tpu.vector_store %arg15[%swap3A_615, %swap3A_616], %swap3A_619 {strides = array<i32>} : memref<64x256xf32, #tpu.memory_space<vmem>>, vector<1x16xf32>,
      %add3A_620 = arith.addf %get3A_611, %sub3A_613 : vector<16xf32>
      %swap3A_621 = arith.index_cast %scan3A_356 : i32 to index
      %swap3A_622 = arith.constant 240 : index
      %swap3A_623 = tpu.vector_load %arg15[%swap3A_621, %swap3A_622] {strides = array<i32>} : memref<64x256xf32, #tpu.memory_space<vmem>>, vector<1x16xf32>,
      %swap3A_624 = vector.shape_cast %swap3A_623 : vector<1x16xf32> to vector<16xf32>
      %swap3A_625 = vector.shape_cast %add3A_620 : vector<16xf32> to vector<1x16xf32>
      tpu.vector_store %arg15[%swap3A_621, %swap3A_622], %swap3A_625 {strides = array<i32>} : memref<64x256xf32, #tpu.memory_space<vmem>>, vector<1x16xf32>,
      %mul3A_626 = arith.mulf %sub3A_612, %sub3A_612 : vector<16xf32>
      %add3A_627 = arith.addf %add3A_593, %mul3A_626 : vector<16xf32>
      %mul3A_628 = arith.mulf %sub3A_613, %sub3A_613 : vector<16xf32>
      %add3A_629 = arith.addf %add3A_595, %mul3A_628 : vector<16xf32>
      scf.yield %add3A_627, %add3A_629 : vector<16xf32>, vector<16xf32>
    }
    %scan3A_196 = arith.constant 64 : i32
    %dma_start3A_197 = arith.constant 0 : i32
    %dma_start3A_198 = tpu.memref_slice %arg5[%add3A_164, %dma_start3A_197] : memref<16384x256xf32, #tpu.memory_space<hbm>> -> memref<64x256xf32, #tpu.memory_space<hbm>>
    %dma_start3A_199 = arith.constant 0 : i32
    %dma_start3A_200 = tpu.memref_slice %arg5[%add3A_164, %dma_start3A_199] : memref<16384x256xf32, #tpu.memory_space<hbm>> -> memref<64x256xf32, #tpu.memory_space<hbm>>
    tpu.enqueue_dma source(%arg15 : memref<64x256xf32, #tpu.memory_space<vmem>>) target(%dma_start3A_200 : memref<64x256xf32, #tpu.memory_space<hbm>>) target_semaphore(%arg23 : memref<!tpu.dma_semaphore, #tpu.memory_space<semaphore_mem>>)
    %add3A_201 = arith.constant 256 : i32
    %add3A_202 = arith.addi %mul3A_2, %add3A_201 : i32
    %dma_wait3A_203 = arith.constant 0 : i32
    %dma_wait3A_204 = tpu.memref_slice %arg5[%add3A_164, %dma_wait3A_203] : memref<16384x256xf32, #tpu.memory_space<hbm>> -> memref<64x256xf32, #tpu.memory_space<hbm>>
    %dma_wait3A_205 = arith.constant 0 : i32
    %dma_wait3A_206 = tpu.memref_slice %arg5[%add3A_164, %dma_wait3A_205] : memref<16384x256xf32, #tpu.memory_space<hbm>> -> memref<64x256xf32, #tpu.memory_space<hbm>>
    tpu.wait_dma2 semaphore(%arg23 : memref<!tpu.dma_semaphore, #tpu.memory_space<semaphore_mem>>) src(%arg15 : memref<64x256xf32, #tpu.memory_space<vmem>>) dst(%dma_wait3A_206 : memref<64x256xf32, #tpu.memory_space<hbm>>)
    %add3A_207 = arith.constant 320 : i32
    %add3A_208 = arith.addi %mul3A_2, %add3A_207 : i32
    %dma_wait3A_209 = arith.constant 0 : i32
    %dma_wait3A_210 = tpu.memref_slice %arg19[%dma_wait3A_209] : memref<8192xf32, #tpu.memory_space<vmem_shared>> -> memref<8192xf32, #tpu.memory_space<vmem_shared>>
    tpu.wait_indirect_dma semaphore(%arg25 : memref<!tpu.dma_semaphore, #tpu.memory_space<semaphore_mem>>) src(%arg17 : memref<64xf32, #tpu.memory_space<vmem>>) dst(%dma_wait3A_210 : memref<8192xf32, #tpu.memory_space<vmem_shared>>)
    %add3A_211 = arith.constant 320 : i32
    %add3A_212 = arith.addi %select_n3A_32, %add3A_211 : i32
    "tpu.region"() ({
      %run_scoped3A = tpu.sem_alloc : memref<!tpu.dma_semaphore, #tpu.memory_space<semaphore_mem>>
      %dma_start3A_356 = tpu.memref_slice %arg3[%select_n3A, %add3A_212] : memref<16x1024xi32, #tpu.memory_space<hbm>> -> memref<1x64xi32, #tpu.memory_space<hbm>>
      %dma_start3A_357 = tpu.memref_squeeze %dma_start3A_356 : memref<1x64xi32, #tpu.memory_space<hbm>> -> memref<64xi32, #tpu.memory_space<hbm>>
      %dma_start3A_358 = tpu.memref_slice %arg3[%select_n3A, %add3A_212] : memref<16x1024xi32, #tpu.memory_space<hbm>> -> memref<1x64xi32, #tpu.memory_space<hbm>>
      %dma_start3A_359 = tpu.memref_squeeze %dma_start3A_358 : memref<1x64xi32, #tpu.memory_space<hbm>> -> memref<64xi32, #tpu.memory_space<hbm>>
      tpu.enqueue_dma source(%dma_start3A_359 : memref<64xi32, #tpu.memory_space<hbm>>) target(%arg9 : memref<64xi32, #tpu.memory_space<vmem>>) target_semaphore(%run_scoped3A : memref<!tpu.dma_semaphore, #tpu.memory_space<semaphore_mem>>)
      %dma_wait3A_360 = tpu.memref_slice %arg3[%select_n3A, %add3A_212] : memref<16x1024xi32, #tpu.memory_space<hbm>> -> memref<1x64xi32, #tpu.memory_space<hbm>>
      %dma_wait3A_361 = tpu.memref_squeeze %dma_wait3A_360 : memref<1x64xi32, #tpu.memory_space<hbm>> -> memref<64xi32, #tpu.memory_space<hbm>>
      %dma_wait3A_362 = tpu.memref_slice %arg3[%select_n3A, %add3A_212] : memref<16x1024xi32, #tpu.memory_space<hbm>> -> memref<1x64xi32, #tpu.memory_space<hbm>>
      %dma_wait3A_363 = tpu.memref_squeeze %dma_wait3A_362 : memref<1x64xi32, #tpu.memory_space<hbm>> -> memref<64xi32, #tpu.memory_space<hbm>>
      tpu.wait_dma2 semaphore(%run_scoped3A : memref<!tpu.dma_semaphore, #tpu.memory_space<semaphore_mem>>) src(%dma_wait3A_363 : memref<64xi32, #tpu.memory_space<hbm>>) dst(%arg9 : memref<64xi32, #tpu.memory_space<vmem>>)
      tpu.yield
    }) : () -> ()
    %dma_start3A_213 = arith.constant 0 : i32
    %dma_start3A_214 = tpu.memref_slice %arg19[%dma_start3A_213] : memref<8192xf32, #tpu.memory_space<vmem_shared>> -> memref<8192xf32, #tpu.memory_space<vmem_shared>>
    tpu.enqueue_indirect_dma source(%arg17 : memref<64xf32, #tpu.memory_space<vmem>>) target(%dma_start3A_214 : memref<8192xf32, #tpu.memory_space<vmem_shared>>) offsets(%arg9 : memref<64xi32, #tpu.memory_space<vmem>>) semaphore(%arg25 : memref<!tpu.dma_semaphore, #tpu.memory_space<semaphore_mem>>) {add = true}
    %dma_start3A_215 = arith.constant 0 : i32
    %dma_start3A_216 = arith.constant 0 : i32
    %dma_start3A_217 = tpu.memref_slice %arg2[%dma_start3A_215, %dma_start3A_216] : memref<8192x256xf32, #tpu.memory_space<hbm>> -> memref<8192x256xf32, #tpu.memory_space<hbm>>
    tpu.enqueue_indirect_dma source(%dma_start3A_217 : memref<8192x256xf32, #tpu.memory_space<hbm>>) target(%arg11 : memref<64x256xf32, #tpu.memory_space<vmem>>) offsets(%arg9 : memref<64xi32, #tpu.memory_space<vmem>>) semaphore(%arg21 : memref<!tpu.dma_semaphore, #tpu.memory_space<semaphore_mem>>)
    %dma_start3A_218 = arith.constant 0 : i32
    %dma_start3A_219 = tpu.memref_slice %arg4[%add3A_208, %dma_start3A_218] : memref<16384x256xf32, #tpu.memory_space<hbm>> -> memref<64x256xf32, #tpu.memory_space<hbm>>
    %dma_start3A_220 = arith.constant 0 : i32
    %dma_start3A_221 = tpu.memref_slice %arg4[%add3A_208, %dma_start3A_220] : memref<16384x256xf32, #tpu.memory_space<hbm>> -> memref<64x256xf32, #tpu.memory_space<hbm>>
    tpu.enqueue_dma source(%dma_start3A_221 : memref<64x256xf32, #tpu.memory_space<hbm>>) target(%arg13 : memref<64x256xf32, #tpu.memory_space<vmem>>) target_semaphore(%arg21 : memref<!tpu.dma_semaphore, #tpu.memory_space<semaphore_mem>>)
    %dma_wait3A_222 = arith.constant 0 : i32
    %dma_wait3A_223 = arith.constant 0 : i32
    %dma_wait3A_224 = tpu.memref_slice %arg2[%dma_wait3A_222, %dma_wait3A_223] : memref<8192x256xf32, #tpu.memory_space<hbm>> -> memref<8192x256xf32, #tpu.memory_space<hbm>>
    tpu.wait_indirect_dma semaphore(%arg20 : memref<!tpu.dma_semaphore, #tpu.memory_space<semaphore_mem>>) src(%dma_wait3A_224 : memref<8192x256xf32, #tpu.memory_space<hbm>>) dst(%arg10 : memref<64x256xf32, #tpu.memory_space<vmem>>)
    %dma_wait3A_225 = arith.constant 0 : i32
    %dma_wait3A_226 = tpu.memref_slice %arg4[%add3A_170, %dma_wait3A_225] : memref<16384x256xf32, #tpu.memory_space<hbm>> -> memref<64x256xf32, #tpu.memory_space<hbm>>
    %dma_wait3A_227 = arith.constant 0 : i32
    %dma_wait3A_228 = tpu.memref_slice %arg4[%add3A_170, %dma_wait3A_227] : memref<16384x256xf32, #tpu.memory_space<hbm>> -> memref<64x256xf32, #tpu.memory_space<hbm>>
    tpu.wait_dma2 semaphore(%arg20 : memref<!tpu.dma_semaphore, #tpu.memory_space<semaphore_mem>>) src(%dma_wait3A_228 : memref<64x256xf32, #tpu.memory_space<hbm>>) dst(%arg12 : memref<64x256xf32, #tpu.memory_space<vmem>>)
    %scan3A_229 = arith.constant 0 : i32
    %scan3A_230 = arith.constant 64 : i32
    %scan3A_231 = arith.addi %scan3A_229, %scan3A_230 : i32
    %scan3A_232 = arith.constant 1 : i32
    %scan3A_233:2 = scf.for %scan3A_356 = %scan3A_229 to %scan3A_231 step %scan3A_232 iter_args(%scan3A_357 = %scan3A_195#0, %scan3A_358 = %scan3A_195#1) -> (vector<16xf32>, vector<16xf32>)  : i32 {
      %get3A = arith.index_cast %scan3A_356 : i32 to index
      %get3A_359 = arith.constant 0 : index
      %get3A_360 = tpu.vector_load %arg10[%get3A, %get3A_359] {strides = array<i32>} : memref<64x256xf32, #tpu.memory_space<vmem>>, vector<1x16xf32>,
      %get3A_361 = vector.shape_cast %get3A_360 : vector<1x16xf32> to vector<16xf32>
      %get3A_362 = arith.index_cast %scan3A_356 : i32 to index
      %get3A_363 = arith.constant 0 : index
      %get3A_364 = tpu.vector_load %arg12[%get3A_362, %get3A_363] {strides = array<i32>} : memref<64x256xf32, #tpu.memory_space<vmem>>, vector<1x16xf32>,
      %get3A_365 = vector.shape_cast %get3A_364 : vector<1x16xf32> to vector<16xf32>
      %get3A_366 = arith.index_cast %scan3A_356 : i32 to index
      %get3A_367 = arith.constant 16 : index
      %get3A_368 = tpu.vector_load %arg10[%get3A_366, %get3A_367] {strides = array<i32>} : memref<64x256xf32, #tpu.memory_space<vmem>>, vector<1x16xf32>,
      %get3A_369 = vector.shape_cast %get3A_368 : vector<1x16xf32> to vector<16xf32>
      %get3A_370 = arith.index_cast %scan3A_356 : i32 to index
      %get3A_371 = arith.constant 16 : index
      %get3A_372 = tpu.vector_load %arg12[%get3A_370, %get3A_371] {strides = array<i32>} : memref<64x256xf32, #tpu.memory_space<vmem>>, vector<1x16xf32>,
      %get3A_373 = vector.shape_cast %get3A_372 : vector<1x16xf32> to vector<16xf32>
      %sub3A_374 = arith.subf %get3A_361, %get3A_365 : vector<16xf32>
      %sub3A_375 = arith.subf %get3A_369, %get3A_373 : vector<16xf32>
      %add3A_376 = arith.addf %get3A_365, %sub3A_374 : vector<16xf32>
      %swap3A_377 = arith.index_cast %scan3A_356 : i32 to index
      %swap3A_378 = arith.constant 0 : index
      %swap3A_379 = tpu.vector_load %arg14[%swap3A_377, %swap3A_378] {strides = array<i32>} : memref<64x256xf32, #tpu.memory_space<vmem>>, vector<1x16xf32>,
      %swap3A_380 = vector.shape_cast %swap3A_379 : vector<1x16xf32> to vector<16xf32>
      %swap3A_381 = vector.shape_cast %add3A_376 : vector<16xf32> to vector<1x16xf32>
      tpu.vector_store %arg14[%swap3A_377, %swap3A_378], %swap3A_381 {strides = array<i32>} : memref<64x256xf32, #tpu.memory_space<vmem>>, vector<1x16xf32>,
      %add3A_382 = arith.addf %get3A_373, %sub3A_375 : vector<16xf32>
      %swap3A_383 = arith.index_cast %scan3A_356 : i32 to index
      %swap3A_384 = arith.constant 16 : index
      %swap3A_385 = tpu.vector_load %arg14[%swap3A_383, %swap3A_384] {strides = array<i32>} : memref<64x256xf32, #tpu.memory_space<vmem>>, vector<1x16xf32>,
      %swap3A_386 = vector.shape_cast %swap3A_385 : vector<1x16xf32> to vector<16xf32>
      %swap3A_387 = vector.shape_cast %add3A_382 : vector<16xf32> to vector<1x16xf32>
      tpu.vector_store %arg14[%swap3A_383, %swap3A_384], %swap3A_387 {strides = array<i32>} : memref<64x256xf32, #tpu.memory_space<vmem>>, vector<1x16xf32>,
      %mul3A_388 = arith.mulf %sub3A_374, %sub3A_374 : vector<16xf32>
      %add3A_389 = arith.addf %scan3A_357, %mul3A_388 : vector<16xf32>
      %mul3A_390 = arith.mulf %sub3A_375, %sub3A_375 : vector<16xf32>
      %add3A_391 = arith.addf %scan3A_358, %mul3A_390 : vector<16xf32>
      %get3A_392 = arith.index_cast %scan3A_356 : i32 to index
      %get3A_393 = arith.constant 32 : index
      %get3A_394 = tpu.vector_load %arg10[%get3A_392, %get3A_393] {strides = array<i32>} : memref<64x256xf32, #tpu.memory_space<vmem>>, vector<1x16xf32>,
      %get3A_395 = vector.shape_cast %get3A_394 : vector<1x16xf32> to vector<16xf32>
      %get3A_396 = arith.index_cast %scan3A_356 : i32 to index
      %get3A_397 = arith.constant 32 : index
      %get3A_398 = tpu.vector_load %arg12[%get3A_396, %get3A_397] {strides = array<i32>} : memref<64x256xf32, #tpu.memory_space<vmem>>, vector<1x16xf32>,
      %get3A_399 = vector.shape_cast %get3A_398 : vector<1x16xf32> to vector<16xf32>
      %get3A_400 = arith.index_cast %scan3A_356 : i32 to index
      %get3A_401 = arith.constant 48 : index
      %get3A_402 = tpu.vector_load %arg10[%get3A_400, %get3A_401] {strides = array<i32>} : memref<64x256xf32, #tpu.memory_space<vmem>>, vector<1x16xf32>,
      %get3A_403 = vector.shape_cast %get3A_402 : vector<1x16xf32> to vector<16xf32>
      %get3A_404 = arith.index_cast %scan3A_356 : i32 to index
      %get3A_405 = arith.constant 48 : index
      %get3A_406 = tpu.vector_load %arg12[%get3A_404, %get3A_405] {strides = array<i32>} : memref<64x256xf32, #tpu.memory_space<vmem>>, vector<1x16xf32>,
      %get3A_407 = vector.shape_cast %get3A_406 : vector<1x16xf32> to vector<16xf32>
      %sub3A_408 = arith.subf %get3A_395, %get3A_399 : vector<16xf32>
      %sub3A_409 = arith.subf %get3A_403, %get3A_407 : vector<16xf32>
      %add3A_410 = arith.addf %get3A_399, %sub3A_408 : vector<16xf32>
      %swap3A_411 = arith.index_cast %scan3A_356 : i32 to index
      %swap3A_412 = arith.constant 32 : index
      %swap3A_413 = tpu.vector_load %arg14[%swap3A_411, %swap3A_412] {strides = array<i32>} : memref<64x256xf32, #tpu.memory_space<vmem>>, vector<1x16xf32>,
      %swap3A_414 = vector.shape_cast %swap3A_413 : vector<1x16xf32> to vector<16xf32>
      %swap3A_415 = vector.shape_cast %add3A_410 : vector<16xf32> to vector<1x16xf32>
      tpu.vector_store %arg14[%swap3A_411, %swap3A_412], %swap3A_415 {strides = array<i32>} : memref<64x256xf32, #tpu.memory_space<vmem>>, vector<1x16xf32>,
      %add3A_416 = arith.addf %get3A_407, %sub3A_409 : vector<16xf32>
      %swap3A_417 = arith.index_cast %scan3A_356 : i32 to index
      %swap3A_418 = arith.constant 48 : index
      %swap3A_419 = tpu.vector_load %arg14[%swap3A_417, %swap3A_418] {strides = array<i32>} : memref<64x256xf32, #tpu.memory_space<vmem>>, vector<1x16xf32>,
      %swap3A_420 = vector.shape_cast %swap3A_419 : vector<1x16xf32> to vector<16xf32>
      %swap3A_421 = vector.shape_cast %add3A_416 : vector<16xf32> to vector<1x16xf32>
      tpu.vector_store %arg14[%swap3A_417, %swap3A_418], %swap3A_421 {strides = array<i32>} : memref<64x256xf32, #tpu.memory_space<vmem>>, vector<1x16xf32>,
      %mul3A_422 = arith.mulf %sub3A_408, %sub3A_408 : vector<16xf32>
      %add3A_423 = arith.addf %add3A_389, %mul3A_422 : vector<16xf32>
      %mul3A_424 = arith.mulf %sub3A_409, %sub3A_409 : vector<16xf32>
      %add3A_425 = arith.addf %add3A_391, %mul3A_424 : vector<16xf32>
      %get3A_426 = arith.index_cast %scan3A_356 : i32 to index
      %get3A_427 = arith.constant 64 : index
      %get3A_428 = tpu.vector_load %arg10[%get3A_426, %get3A_427] {strides = array<i32>} : memref<64x256xf32, #tpu.memory_space<vmem>>, vector<1x16xf32>,
      %get3A_429 = vector.shape_cast %get3A_428 : vector<1x16xf32> to vector<16xf32>
      %get3A_430 = arith.index_cast %scan3A_356 : i32 to index
      %get3A_431 = arith.constant 64 : index
      %get3A_432 = tpu.vector_load %arg12[%get3A_430, %get3A_431] {strides = array<i32>} : memref<64x256xf32, #tpu.memory_space<vmem>>, vector<1x16xf32>,
      %get3A_433 = vector.shape_cast %get3A_432 : vector<1x16xf32> to vector<16xf32>
      %get3A_434 = arith.index_cast %scan3A_356 : i32 to index
      %get3A_435 = arith.constant 80 : index
      %get3A_436 = tpu.vector_load %arg10[%get3A_434, %get3A_435] {strides = array<i32>} : memref<64x256xf32, #tpu.memory_space<vmem>>, vector<1x16xf32>,
      %get3A_437 = vector.shape_cast %get3A_436 : vector<1x16xf32> to vector<16xf32>
      %get3A_438 = arith.index_cast %scan3A_356 : i32 to index
      %get3A_439 = arith.constant 80 : index
      %get3A_440 = tpu.vector_load %arg12[%get3A_438, %get3A_439] {strides = array<i32>} : memref<64x256xf32, #tpu.memory_space<vmem>>, vector<1x16xf32>,
      %get3A_441 = vector.shape_cast %get3A_440 : vector<1x16xf32> to vector<16xf32>
      %sub3A_442 = arith.subf %get3A_429, %get3A_433 : vector<16xf32>
      %sub3A_443 = arith.subf %get3A_437, %get3A_441 : vector<16xf32>
      %add3A_444 = arith.addf %get3A_433, %sub3A_442 : vector<16xf32>
      %swap3A_445 = arith.index_cast %scan3A_356 : i32 to index
      %swap3A_446 = arith.constant 64 : index
      %swap3A_447 = tpu.vector_load %arg14[%swap3A_445, %swap3A_446] {strides = array<i32>} : memref<64x256xf32, #tpu.memory_space<vmem>>, vector<1x16xf32>,
      %swap3A_448 = vector.shape_cast %swap3A_447 : vector<1x16xf32> to vector<16xf32>
      %swap3A_449 = vector.shape_cast %add3A_444 : vector<16xf32> to vector<1x16xf32>
      tpu.vector_store %arg14[%swap3A_445, %swap3A_446], %swap3A_449 {strides = array<i32>} : memref<64x256xf32, #tpu.memory_space<vmem>>, vector<1x16xf32>,
      %add3A_450 = arith.addf %get3A_441, %sub3A_443 : vector<16xf32>
      %swap3A_451 = arith.index_cast %scan3A_356 : i32 to index
      %swap3A_452 = arith.constant 80 : index
      %swap3A_453 = tpu.vector_load %arg14[%swap3A_451, %swap3A_452] {strides = array<i32>} : memref<64x256xf32, #tpu.memory_space<vmem>>, vector<1x16xf32>,
      %swap3A_454 = vector.shape_cast %swap3A_453 : vector<1x16xf32> to vector<16xf32>
      %swap3A_455 = vector.shape_cast %add3A_450 : vector<16xf32> to vector<1x16xf32>
      tpu.vector_store %arg14[%swap3A_451, %swap3A_452], %swap3A_455 {strides = array<i32>} : memref<64x256xf32, #tpu.memory_space<vmem>>, vector<1x16xf32>,
      %mul3A_456 = arith.mulf %sub3A_442, %sub3A_442 : vector<16xf32>
      %add3A_457 = arith.addf %add3A_423, %mul3A_456 : vector<16xf32>
      %mul3A_458 = arith.mulf %sub3A_443, %sub3A_443 : vector<16xf32>
      %add3A_459 = arith.addf %add3A_425, %mul3A_458 : vector<16xf32>
      %get3A_460 = arith.index_cast %scan3A_356 : i32 to index
      %get3A_461 = arith.constant 96 : index
      %get3A_462 = tpu.vector_load %arg10[%get3A_460, %get3A_461] {strides = array<i32>} : memref<64x256xf32, #tpu.memory_space<vmem>>, vector<1x16xf32>,
      %get3A_463 = vector.shape_cast %get3A_462 : vector<1x16xf32> to vector<16xf32>
      %get3A_464 = arith.index_cast %scan3A_356 : i32 to index
      %get3A_465 = arith.constant 96 : index
      %get3A_466 = tpu.vector_load %arg12[%get3A_464, %get3A_465] {strides = array<i32>} : memref<64x256xf32, #tpu.memory_space<vmem>>, vector<1x16xf32>,
      %get3A_467 = vector.shape_cast %get3A_466 : vector<1x16xf32> to vector<16xf32>
      %get3A_468 = arith.index_cast %scan3A_356 : i32 to index
      %get3A_469 = arith.constant 112 : index
      %get3A_470 = tpu.vector_load %arg10[%get3A_468, %get3A_469] {strides = array<i32>} : memref<64x256xf32, #tpu.memory_space<vmem>>, vector<1x16xf32>,
      %get3A_471 = vector.shape_cast %get3A_470 : vector<1x16xf32> to vector<16xf32>
      %get3A_472 = arith.index_cast %scan3A_356 : i32 to index
      %get3A_473 = arith.constant 112 : index
      %get3A_474 = tpu.vector_load %arg12[%get3A_472, %get3A_473] {strides = array<i32>} : memref<64x256xf32, #tpu.memory_space<vmem>>, vector<1x16xf32>,
      %get3A_475 = vector.shape_cast %get3A_474 : vector<1x16xf32> to vector<16xf32>
      %sub3A_476 = arith.subf %get3A_463, %get3A_467 : vector<16xf32>
      %sub3A_477 = arith.subf %get3A_471, %get3A_475 : vector<16xf32>
      %add3A_478 = arith.addf %get3A_467, %sub3A_476 : vector<16xf32>
      %swap3A_479 = arith.index_cast %scan3A_356 : i32 to index
      %swap3A_480 = arith.constant 96 : index
      %swap3A_481 = tpu.vector_load %arg14[%swap3A_479, %swap3A_480] {strides = array<i32>} : memref<64x256xf32, #tpu.memory_space<vmem>>, vector<1x16xf32>,
      %swap3A_482 = vector.shape_cast %swap3A_481 : vector<1x16xf32> to vector<16xf32>
      %swap3A_483 = vector.shape_cast %add3A_478 : vector<16xf32> to vector<1x16xf32>
      tpu.vector_store %arg14[%swap3A_479, %swap3A_480], %swap3A_483 {strides = array<i32>} : memref<64x256xf32, #tpu.memory_space<vmem>>, vector<1x16xf32>,
      %add3A_484 = arith.addf %get3A_475, %sub3A_477 : vector<16xf32>
      %swap3A_485 = arith.index_cast %scan3A_356 : i32 to index
      %swap3A_486 = arith.constant 112 : index
      %swap3A_487 = tpu.vector_load %arg14[%swap3A_485, %swap3A_486] {strides = array<i32>} : memref<64x256xf32, #tpu.memory_space<vmem>>, vector<1x16xf32>,
      %swap3A_488 = vector.shape_cast %swap3A_487 : vector<1x16xf32> to vector<16xf32>
      %swap3A_489 = vector.shape_cast %add3A_484 : vector<16xf32> to vector<1x16xf32>
      tpu.vector_store %arg14[%swap3A_485, %swap3A_486], %swap3A_489 {strides = array<i32>} : memref<64x256xf32, #tpu.memory_space<vmem>>, vector<1x16xf32>,
      %mul3A_490 = arith.mulf %sub3A_476, %sub3A_476 : vector<16xf32>
      %add3A_491 = arith.addf %add3A_457, %mul3A_490 : vector<16xf32>
      %mul3A_492 = arith.mulf %sub3A_477, %sub3A_477 : vector<16xf32>
      %add3A_493 = arith.addf %add3A_459, %mul3A_492 : vector<16xf32>
      %get3A_494 = arith.index_cast %scan3A_356 : i32 to index
      %get3A_495 = arith.constant 128 : index
      %get3A_496 = tpu.vector_load %arg10[%get3A_494, %get3A_495] {strides = array<i32>} : memref<64x256xf32, #tpu.memory_space<vmem>>, vector<1x16xf32>,
      %get3A_497 = vector.shape_cast %get3A_496 : vector<1x16xf32> to vector<16xf32>
      %get3A_498 = arith.index_cast %scan3A_356 : i32 to index
      %get3A_499 = arith.constant 128 : index
      %get3A_500 = tpu.vector_load %arg12[%get3A_498, %get3A_499] {strides = array<i32>} : memref<64x256xf32, #tpu.memory_space<vmem>>, vector<1x16xf32>,
      %get3A_501 = vector.shape_cast %get3A_500 : vector<1x16xf32> to vector<16xf32>
      %get3A_502 = arith.index_cast %scan3A_356 : i32 to index
      %get3A_503 = arith.constant 144 : index
      %get3A_504 = tpu.vector_load %arg10[%get3A_502, %get3A_503] {strides = array<i32>} : memref<64x256xf32, #tpu.memory_space<vmem>>, vector<1x16xf32>,
      %get3A_505 = vector.shape_cast %get3A_504 : vector<1x16xf32> to vector<16xf32>
      %get3A_506 = arith.index_cast %scan3A_356 : i32 to index
      %get3A_507 = arith.constant 144 : index
      %get3A_508 = tpu.vector_load %arg12[%get3A_506, %get3A_507] {strides = array<i32>} : memref<64x256xf32, #tpu.memory_space<vmem>>, vector<1x16xf32>,
      %get3A_509 = vector.shape_cast %get3A_508 : vector<1x16xf32> to vector<16xf32>
      %sub3A_510 = arith.subf %get3A_497, %get3A_501 : vector<16xf32>
      %sub3A_511 = arith.subf %get3A_505, %get3A_509 : vector<16xf32>
      %add3A_512 = arith.addf %get3A_501, %sub3A_510 : vector<16xf32>
      %swap3A_513 = arith.index_cast %scan3A_356 : i32 to index
      %swap3A_514 = arith.constant 128 : index
      %swap3A_515 = tpu.vector_load %arg14[%swap3A_513, %swap3A_514] {strides = array<i32>} : memref<64x256xf32, #tpu.memory_space<vmem>>, vector<1x16xf32>,
      %swap3A_516 = vector.shape_cast %swap3A_515 : vector<1x16xf32> to vector<16xf32>
      %swap3A_517 = vector.shape_cast %add3A_512 : vector<16xf32> to vector<1x16xf32>
      tpu.vector_store %arg14[%swap3A_513, %swap3A_514], %swap3A_517 {strides = array<i32>} : memref<64x256xf32, #tpu.memory_space<vmem>>, vector<1x16xf32>,
      %add3A_518 = arith.addf %get3A_509, %sub3A_511 : vector<16xf32>
      %swap3A_519 = arith.index_cast %scan3A_356 : i32 to index
      %swap3A_520 = arith.constant 144 : index
      %swap3A_521 = tpu.vector_load %arg14[%swap3A_519, %swap3A_520] {strides = array<i32>} : memref<64x256xf32, #tpu.memory_space<vmem>>, vector<1x16xf32>,
      %swap3A_522 = vector.shape_cast %swap3A_521 : vector<1x16xf32> to vector<16xf32>
      %swap3A_523 = vector.shape_cast %add3A_518 : vector<16xf32> to vector<1x16xf32>
      tpu.vector_store %arg14[%swap3A_519, %swap3A_520], %swap3A_523 {strides = array<i32>} : memref<64x256xf32, #tpu.memory_space<vmem>>, vector<1x16xf32>,
      %mul3A_524 = arith.mulf %sub3A_510, %sub3A_510 : vector<16xf32>
      %add3A_525 = arith.addf %add3A_491, %mul3A_524 : vector<16xf32>
      %mul3A_526 = arith.mulf %sub3A_511, %sub3A_511 : vector<16xf32>
      %add3A_527 = arith.addf %add3A_493, %mul3A_526 : vector<16xf32>
      %get3A_528 = arith.index_cast %scan3A_356 : i32 to index
      %get3A_529 = arith.constant 160 : index
      %get3A_530 = tpu.vector_load %arg10[%get3A_528, %get3A_529] {strides = array<i32>} : memref<64x256xf32, #tpu.memory_space<vmem>>, vector<1x16xf32>,
      %get3A_531 = vector.shape_cast %get3A_530 : vector<1x16xf32> to vector<16xf32>
      %get3A_532 = arith.index_cast %scan3A_356 : i32 to index
      %get3A_533 = arith.constant 160 : index
      %get3A_534 = tpu.vector_load %arg12[%get3A_532, %get3A_533] {strides = array<i32>} : memref<64x256xf32, #tpu.memory_space<vmem>>, vector<1x16xf32>,
      %get3A_535 = vector.shape_cast %get3A_534 : vector<1x16xf32> to vector<16xf32>
      %get3A_536 = arith.index_cast %scan3A_356 : i32 to index
      %get3A_537 = arith.constant 176 : index
      %get3A_538 = tpu.vector_load %arg10[%get3A_536, %get3A_537] {strides = array<i32>} : memref<64x256xf32, #tpu.memory_space<vmem>>, vector<1x16xf32>,
      %get3A_539 = vector.shape_cast %get3A_538 : vector<1x16xf32> to vector<16xf32>
      %get3A_540 = arith.index_cast %scan3A_356 : i32 to index
      %get3A_541 = arith.constant 176 : index
      %get3A_542 = tpu.vector_load %arg12[%get3A_540, %get3A_541] {strides = array<i32>} : memref<64x256xf32, #tpu.memory_space<vmem>>, vector<1x16xf32>,
      %get3A_543 = vector.shape_cast %get3A_542 : vector<1x16xf32> to vector<16xf32>
      %sub3A_544 = arith.subf %get3A_531, %get3A_535 : vector<16xf32>
      %sub3A_545 = arith.subf %get3A_539, %get3A_543 : vector<16xf32>
      %add3A_546 = arith.addf %get3A_535, %sub3A_544 : vector<16xf32>
      %swap3A_547 = arith.index_cast %scan3A_356 : i32 to index
      %swap3A_548 = arith.constant 160 : index
      %swap3A_549 = tpu.vector_load %arg14[%swap3A_547, %swap3A_548] {strides = array<i32>} : memref<64x256xf32, #tpu.memory_space<vmem>>, vector<1x16xf32>,
      %swap3A_550 = vector.shape_cast %swap3A_549 : vector<1x16xf32> to vector<16xf32>
      %swap3A_551 = vector.shape_cast %add3A_546 : vector<16xf32> to vector<1x16xf32>
      tpu.vector_store %arg14[%swap3A_547, %swap3A_548], %swap3A_551 {strides = array<i32>} : memref<64x256xf32, #tpu.memory_space<vmem>>, vector<1x16xf32>,
      %add3A_552 = arith.addf %get3A_543, %sub3A_545 : vector<16xf32>
      %swap3A_553 = arith.index_cast %scan3A_356 : i32 to index
      %swap3A_554 = arith.constant 176 : index
      %swap3A_555 = tpu.vector_load %arg14[%swap3A_553, %swap3A_554] {strides = array<i32>} : memref<64x256xf32, #tpu.memory_space<vmem>>, vector<1x16xf32>,
      %swap3A_556 = vector.shape_cast %swap3A_555 : vector<1x16xf32> to vector<16xf32>
      %swap3A_557 = vector.shape_cast %add3A_552 : vector<16xf32> to vector<1x16xf32>
      tpu.vector_store %arg14[%swap3A_553, %swap3A_554], %swap3A_557 {strides = array<i32>} : memref<64x256xf32, #tpu.memory_space<vmem>>, vector<1x16xf32>,
      %mul3A_558 = arith.mulf %sub3A_544, %sub3A_544 : vector<16xf32>
      %add3A_559 = arith.addf %add3A_525, %mul3A_558 : vector<16xf32>
      %mul3A_560 = arith.mulf %sub3A_545, %sub3A_545 : vector<16xf32>
      %add3A_561 = arith.addf %add3A_527, %mul3A_560 : vector<16xf32>
      %get3A_562 = arith.index_cast %scan3A_356 : i32 to index
      %get3A_563 = arith.constant 192 : index
      %get3A_564 = tpu.vector_load %arg10[%get3A_562, %get3A_563] {strides = array<i32>} : memref<64x256xf32, #tpu.memory_space<vmem>>, vector<1x16xf32>,
      %get3A_565 = vector.shape_cast %get3A_564 : vector<1x16xf32> to vector<16xf32>
      %get3A_566 = arith.index_cast %scan3A_356 : i32 to index
      %get3A_567 = arith.constant 192 : index
      %get3A_568 = tpu.vector_load %arg12[%get3A_566, %get3A_567] {strides = array<i32>} : memref<64x256xf32, #tpu.memory_space<vmem>>, vector<1x16xf32>,
      %get3A_569 = vector.shape_cast %get3A_568 : vector<1x16xf32> to vector<16xf32>
      %get3A_570 = arith.index_cast %scan3A_356 : i32 to index
      %get3A_571 = arith.constant 208 : index
      %get3A_572 = tpu.vector_load %arg10[%get3A_570, %get3A_571] {strides = array<i32>} : memref<64x256xf32, #tpu.memory_space<vmem>>, vector<1x16xf32>,
      %get3A_573 = vector.shape_cast %get3A_572 : vector<1x16xf32> to vector<16xf32>
      %get3A_574 = arith.index_cast %scan3A_356 : i32 to index
      %get3A_575 = arith.constant 208 : index
      %get3A_576 = tpu.vector_load %arg12[%get3A_574, %get3A_575] {strides = array<i32>} : memref<64x256xf32, #tpu.memory_space<vmem>>, vector<1x16xf32>,
      %get3A_577 = vector.shape_cast %get3A_576 : vector<1x16xf32> to vector<16xf32>
      %sub3A_578 = arith.subf %get3A_565, %get3A_569 : vector<16xf32>
      %sub3A_579 = arith.subf %get3A_573, %get3A_577 : vector<16xf32>
      %add3A_580 = arith.addf %get3A_569, %sub3A_578 : vector<16xf32>
      %swap3A_581 = arith.index_cast %scan3A_356 : i32 to index
      %swap3A_582 = arith.constant 192 : index
      %swap3A_583 = tpu.vector_load %arg14[%swap3A_581, %swap3A_582] {strides = array<i32>} : memref<64x256xf32, #tpu.memory_space<vmem>>, vector<1x16xf32>,
      %swap3A_584 = vector.shape_cast %swap3A_583 : vector<1x16xf32> to vector<16xf32>
      %swap3A_585 = vector.shape_cast %add3A_580 : vector<16xf32> to vector<1x16xf32>
      tpu.vector_store %arg14[%swap3A_581, %swap3A_582], %swap3A_585 {strides = array<i32>} : memref<64x256xf32, #tpu.memory_space<vmem>>, vector<1x16xf32>,
      %add3A_586 = arith.addf %get3A_577, %sub3A_579 : vector<16xf32>
      %swap3A_587 = arith.index_cast %scan3A_356 : i32 to index
      %swap3A_588 = arith.constant 208 : index
      %swap3A_589 = tpu.vector_load %arg14[%swap3A_587, %swap3A_588] {strides = array<i32>} : memref<64x256xf32, #tpu.memory_space<vmem>>, vector<1x16xf32>,
      %swap3A_590 = vector.shape_cast %swap3A_589 : vector<1x16xf32> to vector<16xf32>
      %swap3A_591 = vector.shape_cast %add3A_586 : vector<16xf32> to vector<1x16xf32>
      tpu.vector_store %arg14[%swap3A_587, %swap3A_588], %swap3A_591 {strides = array<i32>} : memref<64x256xf32, #tpu.memory_space<vmem>>, vector<1x16xf32>,
      %mul3A_592 = arith.mulf %sub3A_578, %sub3A_578 : vector<16xf32>
      %add3A_593 = arith.addf %add3A_559, %mul3A_592 : vector<16xf32>
      %mul3A_594 = arith.mulf %sub3A_579, %sub3A_579 : vector<16xf32>
      %add3A_595 = arith.addf %add3A_561, %mul3A_594 : vector<16xf32>
      %get3A_596 = arith.index_cast %scan3A_356 : i32 to index
      %get3A_597 = arith.constant 224 : index
      %get3A_598 = tpu.vector_load %arg10[%get3A_596, %get3A_597] {strides = array<i32>} : memref<64x256xf32, #tpu.memory_space<vmem>>, vector<1x16xf32>,
      %get3A_599 = vector.shape_cast %get3A_598 : vector<1x16xf32> to vector<16xf32>
      %get3A_600 = arith.index_cast %scan3A_356 : i32 to index
      %get3A_601 = arith.constant 224 : index
      %get3A_602 = tpu.vector_load %arg12[%get3A_600, %get3A_601] {strides = array<i32>} : memref<64x256xf32, #tpu.memory_space<vmem>>, vector<1x16xf32>,
      %get3A_603 = vector.shape_cast %get3A_602 : vector<1x16xf32> to vector<16xf32>
      %get3A_604 = arith.index_cast %scan3A_356 : i32 to index
      %get3A_605 = arith.constant 240 : index
      %get3A_606 = tpu.vector_load %arg10[%get3A_604, %get3A_605] {strides = array<i32>} : memref<64x256xf32, #tpu.memory_space<vmem>>, vector<1x16xf32>,
      %get3A_607 = vector.shape_cast %get3A_606 : vector<1x16xf32> to vector<16xf32>
      %get3A_608 = arith.index_cast %scan3A_356 : i32 to index
      %get3A_609 = arith.constant 240 : index
      %get3A_610 = tpu.vector_load %arg12[%get3A_608, %get3A_609] {strides = array<i32>} : memref<64x256xf32, #tpu.memory_space<vmem>>, vector<1x16xf32>,
      %get3A_611 = vector.shape_cast %get3A_610 : vector<1x16xf32> to vector<16xf32>
      %sub3A_612 = arith.subf %get3A_599, %get3A_603 : vector<16xf32>
      %sub3A_613 = arith.subf %get3A_607, %get3A_611 : vector<16xf32>
      %add3A_614 = arith.addf %get3A_603, %sub3A_612 : vector<16xf32>
      %swap3A_615 = arith.index_cast %scan3A_356 : i32 to index
      %swap3A_616 = arith.constant 224 : index
      %swap3A_617 = tpu.vector_load %arg14[%swap3A_615, %swap3A_616] {strides = array<i32>} : memref<64x256xf32, #tpu.memory_space<vmem>>, vector<1x16xf32>,
      %swap3A_618 = vector.shape_cast %swap3A_617 : vector<1x16xf32> to vector<16xf32>
      %swap3A_619 = vector.shape_cast %add3A_614 : vector<16xf32> to vector<1x16xf32>
      tpu.vector_store %arg14[%swap3A_615, %swap3A_616], %swap3A_619 {strides = array<i32>} : memref<64x256xf32, #tpu.memory_space<vmem>>, vector<1x16xf32>,
      %add3A_620 = arith.addf %get3A_611, %sub3A_613 : vector<16xf32>
      %swap3A_621 = arith.index_cast %scan3A_356 : i32 to index
      %swap3A_622 = arith.constant 240 : index
      %swap3A_623 = tpu.vector_load %arg14[%swap3A_621, %swap3A_622] {strides = array<i32>} : memref<64x256xf32, #tpu.memory_space<vmem>>, vector<1x16xf32>,
      %swap3A_624 = vector.shape_cast %swap3A_623 : vector<1x16xf32> to vector<16xf32>
      %swap3A_625 = vector.shape_cast %add3A_620 : vector<16xf32> to vector<1x16xf32>
      tpu.vector_store %arg14[%swap3A_621, %swap3A_622], %swap3A_625 {strides = array<i32>} : memref<64x256xf32, #tpu.memory_space<vmem>>, vector<1x16xf32>,
      %mul3A_626 = arith.mulf %sub3A_612, %sub3A_612 : vector<16xf32>
      %add3A_627 = arith.addf %add3A_593, %mul3A_626 : vector<16xf32>
      %mul3A_628 = arith.mulf %sub3A_613, %sub3A_613 : vector<16xf32>
      %add3A_629 = arith.addf %add3A_595, %mul3A_628 : vector<16xf32>
      scf.yield %add3A_627, %add3A_629 : vector<16xf32>, vector<16xf32>
    }
    %scan3A_234 = arith.constant 64 : i32
    %dma_start3A_235 = arith.constant 0 : i32
    %dma_start3A_236 = tpu.memref_slice %arg5[%add3A_202, %dma_start3A_235] : memref<16384x256xf32, #tpu.memory_space<hbm>> -> memref<64x256xf32, #tpu.memory_space<hbm>>
    %dma_start3A_237 = arith.constant 0 : i32
    %dma_start3A_238 = tpu.memref_slice %arg5[%add3A_202, %dma_start3A_237] : memref<16384x256xf32, #tpu.memory_space<hbm>> -> memref<64x256xf32, #tpu.memory_space<hbm>>
    tpu.enqueue_dma source(%arg14 : memref<64x256xf32, #tpu.memory_space<vmem>>) target(%dma_start3A_238 : memref<64x256xf32, #tpu.memory_space<hbm>>) target_semaphore(%arg22 : memref<!tpu.dma_semaphore, #tpu.memory_space<semaphore_mem>>)
    %add3A_239 = arith.constant 320 : i32
    %add3A_240 = arith.addi %mul3A_2, %add3A_239 : i32
    %dma_wait3A_241 = arith.constant 0 : i32
    %dma_wait3A_242 = tpu.memref_slice %arg5[%add3A_202, %dma_wait3A_241] : memref<16384x256xf32, #tpu.memory_space<hbm>> -> memref<64x256xf32, #tpu.memory_space<hbm>>
    %dma_wait3A_243 = arith.constant 0 : i32
    %dma_wait3A_244 = tpu.memref_slice %arg5[%add3A_202, %dma_wait3A_243] : memref<16384x256xf32, #tpu.memory_space<hbm>> -> memref<64x256xf32, #tpu.memory_space<hbm>>
    tpu.wait_dma2 semaphore(%arg22 : memref<!tpu.dma_semaphore, #tpu.memory_space<semaphore_mem>>) src(%arg14 : memref<64x256xf32, #tpu.memory_space<vmem>>) dst(%dma_wait3A_244 : memref<64x256xf32, #tpu.memory_space<hbm>>)
    %add3A_245 = arith.constant 384 : i32
    %add3A_246 = arith.addi %mul3A_2, %add3A_245 : i32
    %dma_wait3A_247 = arith.constant 0 : i32
    %dma_wait3A_248 = tpu.memref_slice %arg19[%dma_wait3A_247] : memref<8192xf32, #tpu.memory_space<vmem_shared>> -> memref<8192xf32, #tpu.memory_space<vmem_shared>>
    tpu.wait_indirect_dma semaphore(%arg24 : memref<!tpu.dma_semaphore, #tpu.memory_space<semaphore_mem>>) src(%arg17 : memref<64xf32, #tpu.memory_space<vmem>>) dst(%dma_wait3A_248 : memref<8192xf32, #tpu.memory_space<vmem_shared>>)
    %add3A_249 = arith.constant 384 : i32
    %add3A_250 = arith.addi %select_n3A_32, %add3A_249 : i32
    "tpu.region"() ({
      %run_scoped3A = tpu.sem_alloc : memref<!tpu.dma_semaphore, #tpu.memory_space<semaphore_mem>>
      %dma_start3A_356 = tpu.memref_slice %arg3[%select_n3A, %add3A_250] : memref<16x1024xi32, #tpu.memory_space<hbm>> -> memref<1x64xi32, #tpu.memory_space<hbm>>
      %dma_start3A_357 = tpu.memref_squeeze %dma_start3A_356 : memref<1x64xi32, #tpu.memory_space<hbm>> -> memref<64xi32, #tpu.memory_space<hbm>>
      %dma_start3A_358 = tpu.memref_slice %arg3[%select_n3A, %add3A_250] : memref<16x1024xi32, #tpu.memory_space<hbm>> -> memref<1x64xi32, #tpu.memory_space<hbm>>
      %dma_start3A_359 = tpu.memref_squeeze %dma_start3A_358 : memref<1x64xi32, #tpu.memory_space<hbm>> -> memref<64xi32, #tpu.memory_space<hbm>>
      tpu.enqueue_dma source(%dma_start3A_359 : memref<64xi32, #tpu.memory_space<hbm>>) target(%arg8 : memref<64xi32, #tpu.memory_space<vmem>>) target_semaphore(%run_scoped3A : memref<!tpu.dma_semaphore, #tpu.memory_space<semaphore_mem>>)
      %dma_wait3A_360 = tpu.memref_slice %arg3[%select_n3A, %add3A_250] : memref<16x1024xi32, #tpu.memory_space<hbm>> -> memref<1x64xi32, #tpu.memory_space<hbm>>
      %dma_wait3A_361 = tpu.memref_squeeze %dma_wait3A_360 : memref<1x64xi32, #tpu.memory_space<hbm>> -> memref<64xi32, #tpu.memory_space<hbm>>
      %dma_wait3A_362 = tpu.memref_slice %arg3[%select_n3A, %add3A_250] : memref<16x1024xi32, #tpu.memory_space<hbm>> -> memref<1x64xi32, #tpu.memory_space<hbm>>
      %dma_wait3A_363 = tpu.memref_squeeze %dma_wait3A_362 : memref<1x64xi32, #tpu.memory_space<hbm>> -> memref<64xi32, #tpu.memory_space<hbm>>
      tpu.wait_dma2 semaphore(%run_scoped3A : memref<!tpu.dma_semaphore, #tpu.memory_space<semaphore_mem>>) src(%dma_wait3A_363 : memref<64xi32, #tpu.memory_space<hbm>>) dst(%arg8 : memref<64xi32, #tpu.memory_space<vmem>>)
      tpu.yield
    }) : () -> ()
    %dma_start3A_251 = arith.constant 0 : i32
    %dma_start3A_252 = tpu.memref_slice %arg19[%dma_start3A_251] : memref<8192xf32, #tpu.memory_space<vmem_shared>> -> memref<8192xf32, #tpu.memory_space<vmem_shared>>
    tpu.enqueue_indirect_dma source(%arg17 : memref<64xf32, #tpu.memory_space<vmem>>) target(%dma_start3A_252 : memref<8192xf32, #tpu.memory_space<vmem_shared>>) offsets(%arg8 : memref<64xi32, #tpu.memory_space<vmem>>) semaphore(%arg24 : memref<!tpu.dma_semaphore, #tpu.memory_space<semaphore_mem>>) {add = true}
    %dma_start3A_253 = arith.constant 0 : i32
    %dma_start3A_254 = arith.constant 0 : i32
    %dma_start3A_255 = tpu.memref_slice %arg2[%dma_start3A_253, %dma_start3A_254] : memref<8192x256xf32, #tpu.memory_space<hbm>> -> memref<8192x256xf32, #tpu.memory_space<hbm>>
    tpu.enqueue_indirect_dma source(%dma_start3A_255 : memref<8192x256xf32, #tpu.memory_space<hbm>>) target(%arg10 : memref<64x256xf32, #tpu.memory_space<vmem>>) offsets(%arg8 : memref<64xi32, #tpu.memory_space<vmem>>) semaphore(%arg20 : memref<!tpu.dma_semaphore, #tpu.memory_space<semaphore_mem>>)
    %dma_start3A_256 = arith.constant 0 : i32
    %dma_start3A_257 = tpu.memref_slice %arg4[%add3A_246, %dma_start3A_256] : memref<16384x256xf32, #tpu.memory_space<hbm>> -> memref<64x256xf32, #tpu.memory_space<hbm>>
    %dma_start3A_258 = arith.constant 0 : i32
    %dma_start3A_259 = tpu.memref_slice %arg4[%add3A_246, %dma_start3A_258] : memref<16384x256xf32, #tpu.memory_space<hbm>> -> memref<64x256xf32, #tpu.memory_space<hbm>>
    tpu.enqueue_dma source(%dma_start3A_259 : memref<64x256xf32, #tpu.memory_space<hbm>>) target(%arg12 : memref<64x256xf32, #tpu.memory_space<vmem>>) target_semaphore(%arg20 : memref<!tpu.dma_semaphore, #tpu.memory_space<semaphore_mem>>)
    %dma_wait3A_260 = arith.constant 0 : i32
    %dma_wait3A_261 = arith.constant 0 : i32
    %dma_wait3A_262 = tpu.memref_slice %arg2[%dma_wait3A_260, %dma_wait3A_261] : memref<8192x256xf32, #tpu.memory_space<hbm>> -> memref<8192x256xf32, #tpu.memory_space<hbm>>
    tpu.wait_indirect_dma semaphore(%arg21 : memref<!tpu.dma_semaphore, #tpu.memory_space<semaphore_mem>>) src(%dma_wait3A_262 : memref<8192x256xf32, #tpu.memory_space<hbm>>) dst(%arg11 : memref<64x256xf32, #tpu.memory_space<vmem>>)
    %dma_wait3A_263 = arith.constant 0 : i32
    %dma_wait3A_264 = tpu.memref_slice %arg4[%add3A_208, %dma_wait3A_263] : memref<16384x256xf32, #tpu.memory_space<hbm>> -> memref<64x256xf32, #tpu.memory_space<hbm>>
    %dma_wait3A_265 = arith.constant 0 : i32
    %dma_wait3A_266 = tpu.memref_slice %arg4[%add3A_208, %dma_wait3A_265] : memref<16384x256xf32, #tpu.memory_space<hbm>> -> memref<64x256xf32, #tpu.memory_space<hbm>>
    tpu.wait_dma2 semaphore(%arg21 : memref<!tpu.dma_semaphore, #tpu.memory_space<semaphore_mem>>) src(%dma_wait3A_266 : memref<64x256xf32, #tpu.memory_space<hbm>>) dst(%arg13 : memref<64x256xf32, #tpu.memory_space<vmem>>)
    %scan3A_267 = arith.constant 0 : i32
    %scan3A_268 = arith.constant 64 : i32
    %scan3A_269 = arith.addi %scan3A_267, %scan3A_268 : i32
    %scan3A_270 = arith.constant 1 : i32
    %scan3A_271:2 = scf.for %scan3A_356 = %scan3A_267 to %scan3A_269 step %scan3A_270 iter_args(%scan3A_357 = %scan3A_233#0, %scan3A_358 = %scan3A_233#1) -> (vector<16xf32>, vector<16xf32>)  : i32 {
      %get3A = arith.index_cast %scan3A_356 : i32 to index
      %get3A_359 = arith.constant 0 : index
      %get3A_360 = tpu.vector_load %arg11[%get3A, %get3A_359] {strides = array<i32>} : memref<64x256xf32, #tpu.memory_space<vmem>>, vector<1x16xf32>,
      %get3A_361 = vector.shape_cast %get3A_360 : vector<1x16xf32> to vector<16xf32>
      %get3A_362 = arith.index_cast %scan3A_356 : i32 to index
      %get3A_363 = arith.constant 0 : index
      %get3A_364 = tpu.vector_load %arg13[%get3A_362, %get3A_363] {strides = array<i32>} : memref<64x256xf32, #tpu.memory_space<vmem>>, vector<1x16xf32>,
      %get3A_365 = vector.shape_cast %get3A_364 : vector<1x16xf32> to vector<16xf32>
      %get3A_366 = arith.index_cast %scan3A_356 : i32 to index
      %get3A_367 = arith.constant 16 : index
      %get3A_368 = tpu.vector_load %arg11[%get3A_366, %get3A_367] {strides = array<i32>} : memref<64x256xf32, #tpu.memory_space<vmem>>, vector<1x16xf32>,
      %get3A_369 = vector.shape_cast %get3A_368 : vector<1x16xf32> to vector<16xf32>
      %get3A_370 = arith.index_cast %scan3A_356 : i32 to index
      %get3A_371 = arith.constant 16 : index
      %get3A_372 = tpu.vector_load %arg13[%get3A_370, %get3A_371] {strides = array<i32>} : memref<64x256xf32, #tpu.memory_space<vmem>>, vector<1x16xf32>,
      %get3A_373 = vector.shape_cast %get3A_372 : vector<1x16xf32> to vector<16xf32>
      %sub3A_374 = arith.subf %get3A_361, %get3A_365 : vector<16xf32>
      %sub3A_375 = arith.subf %get3A_369, %get3A_373 : vector<16xf32>
      %add3A_376 = arith.addf %get3A_365, %sub3A_374 : vector<16xf32>
      %swap3A_377 = arith.index_cast %scan3A_356 : i32 to index
      %swap3A_378 = arith.constant 0 : index
      %swap3A_379 = tpu.vector_load %arg15[%swap3A_377, %swap3A_378] {strides = array<i32>} : memref<64x256xf32, #tpu.memory_space<vmem>>, vector<1x16xf32>,
      %swap3A_380 = vector.shape_cast %swap3A_379 : vector<1x16xf32> to vector<16xf32>
      %swap3A_381 = vector.shape_cast %add3A_376 : vector<16xf32> to vector<1x16xf32>
      tpu.vector_store %arg15[%swap3A_377, %swap3A_378], %swap3A_381 {strides = array<i32>} : memref<64x256xf32, #tpu.memory_space<vmem>>, vector<1x16xf32>,
      %add3A_382 = arith.addf %get3A_373, %sub3A_375 : vector<16xf32>
      %swap3A_383 = arith.index_cast %scan3A_356 : i32 to index
      %swap3A_384 = arith.constant 16 : index
      %swap3A_385 = tpu.vector_load %arg15[%swap3A_383, %swap3A_384] {strides = array<i32>} : memref<64x256xf32, #tpu.memory_space<vmem>>, vector<1x16xf32>,
      %swap3A_386 = vector.shape_cast %swap3A_385 : vector<1x16xf32> to vector<16xf32>
      %swap3A_387 = vector.shape_cast %add3A_382 : vector<16xf32> to vector<1x16xf32>
      tpu.vector_store %arg15[%swap3A_383, %swap3A_384], %swap3A_387 {strides = array<i32>} : memref<64x256xf32, #tpu.memory_space<vmem>>, vector<1x16xf32>,
      %mul3A_388 = arith.mulf %sub3A_374, %sub3A_374 : vector<16xf32>
      %add3A_389 = arith.addf %scan3A_357, %mul3A_388 : vector<16xf32>
      %mul3A_390 = arith.mulf %sub3A_375, %sub3A_375 : vector<16xf32>
      %add3A_391 = arith.addf %scan3A_358, %mul3A_390 : vector<16xf32>
      %get3A_392 = arith.index_cast %scan3A_356 : i32 to index
      %get3A_393 = arith.constant 32 : index
      %get3A_394 = tpu.vector_load %arg11[%get3A_392, %get3A_393] {strides = array<i32>} : memref<64x256xf32, #tpu.memory_space<vmem>>, vector<1x16xf32>,
      %get3A_395 = vector.shape_cast %get3A_394 : vector<1x16xf32> to vector<16xf32>
      %get3A_396 = arith.index_cast %scan3A_356 : i32 to index
      %get3A_397 = arith.constant 32 : index
      %get3A_398 = tpu.vector_load %arg13[%get3A_396, %get3A_397] {strides = array<i32>} : memref<64x256xf32, #tpu.memory_space<vmem>>, vector<1x16xf32>,
      %get3A_399 = vector.shape_cast %get3A_398 : vector<1x16xf32> to vector<16xf32>
      %get3A_400 = arith.index_cast %scan3A_356 : i32 to index
      %get3A_401 = arith.constant 48 : index
      %get3A_402 = tpu.vector_load %arg11[%get3A_400, %get3A_401] {strides = array<i32>} : memref<64x256xf32, #tpu.memory_space<vmem>>, vector<1x16xf32>,
      %get3A_403 = vector.shape_cast %get3A_402 : vector<1x16xf32> to vector<16xf32>
      %get3A_404 = arith.index_cast %scan3A_356 : i32 to index
      %get3A_405 = arith.constant 48 : index
      %get3A_406 = tpu.vector_load %arg13[%get3A_404, %get3A_405] {strides = array<i32>} : memref<64x256xf32, #tpu.memory_space<vmem>>, vector<1x16xf32>,
      %get3A_407 = vector.shape_cast %get3A_406 : vector<1x16xf32> to vector<16xf32>
      %sub3A_408 = arith.subf %get3A_395, %get3A_399 : vector<16xf32>
      %sub3A_409 = arith.subf %get3A_403, %get3A_407 : vector<16xf32>
      %add3A_410 = arith.addf %get3A_399, %sub3A_408 : vector<16xf32>
      %swap3A_411 = arith.index_cast %scan3A_356 : i32 to index
      %swap3A_412 = arith.constant 32 : index
      %swap3A_413 = tpu.vector_load %arg15[%swap3A_411, %swap3A_412] {strides = array<i32>} : memref<64x256xf32, #tpu.memory_space<vmem>>, vector<1x16xf32>,
      %swap3A_414 = vector.shape_cast %swap3A_413 : vector<1x16xf32> to vector<16xf32>
      %swap3A_415 = vector.shape_cast %add3A_410 : vector<16xf32> to vector<1x16xf32>
      tpu.vector_store %arg15[%swap3A_411, %swap3A_412], %swap3A_415 {strides = array<i32>} : memref<64x256xf32, #tpu.memory_space<vmem>>, vector<1x16xf32>,
      %add3A_416 = arith.addf %get3A_407, %sub3A_409 : vector<16xf32>
      %swap3A_417 = arith.index_cast %scan3A_356 : i32 to index
      %swap3A_418 = arith.constant 48 : index
      %swap3A_419 = tpu.vector_load %arg15[%swap3A_417, %swap3A_418] {strides = array<i32>} : memref<64x256xf32, #tpu.memory_space<vmem>>, vector<1x16xf32>,
      %swap3A_420 = vector.shape_cast %swap3A_419 : vector<1x16xf32> to vector<16xf32>
      %swap3A_421 = vector.shape_cast %add3A_416 : vector<16xf32> to vector<1x16xf32>
      tpu.vector_store %arg15[%swap3A_417, %swap3A_418], %swap3A_421 {strides = array<i32>} : memref<64x256xf32, #tpu.memory_space<vmem>>, vector<1x16xf32>,
      %mul3A_422 = arith.mulf %sub3A_408, %sub3A_408 : vector<16xf32>
      %add3A_423 = arith.addf %add3A_389, %mul3A_422 : vector<16xf32>
      %mul3A_424 = arith.mulf %sub3A_409, %sub3A_409 : vector<16xf32>
      %add3A_425 = arith.addf %add3A_391, %mul3A_424 : vector<16xf32>
      %get3A_426 = arith.index_cast %scan3A_356 : i32 to index
      %get3A_427 = arith.constant 64 : index
      %get3A_428 = tpu.vector_load %arg11[%get3A_426, %get3A_427] {strides = array<i32>} : memref<64x256xf32, #tpu.memory_space<vmem>>, vector<1x16xf32>,
      %get3A_429 = vector.shape_cast %get3A_428 : vector<1x16xf32> to vector<16xf32>
      %get3A_430 = arith.index_cast %scan3A_356 : i32 to index
      %get3A_431 = arith.constant 64 : index
      %get3A_432 = tpu.vector_load %arg13[%get3A_430, %get3A_431] {strides = array<i32>} : memref<64x256xf32, #tpu.memory_space<vmem>>, vector<1x16xf32>,
      %get3A_433 = vector.shape_cast %get3A_432 : vector<1x16xf32> to vector<16xf32>
      %get3A_434 = arith.index_cast %scan3A_356 : i32 to index
      %get3A_435 = arith.constant 80 : index
      %get3A_436 = tpu.vector_load %arg11[%get3A_434, %get3A_435] {strides = array<i32>} : memref<64x256xf32, #tpu.memory_space<vmem>>, vector<1x16xf32>,
      %get3A_437 = vector.shape_cast %get3A_436 : vector<1x16xf32> to vector<16xf32>
      %get3A_438 = arith.index_cast %scan3A_356 : i32 to index
      %get3A_439 = arith.constant 80 : index
      %get3A_440 = tpu.vector_load %arg13[%get3A_438, %get3A_439] {strides = array<i32>} : memref<64x256xf32, #tpu.memory_space<vmem>>, vector<1x16xf32>,
      %get3A_441 = vector.shape_cast %get3A_440 : vector<1x16xf32> to vector<16xf32>
      %sub3A_442 = arith.subf %get3A_429, %get3A_433 : vector<16xf32>
      %sub3A_443 = arith.subf %get3A_437, %get3A_441 : vector<16xf32>
      %add3A_444 = arith.addf %get3A_433, %sub3A_442 : vector<16xf32>
      %swap3A_445 = arith.index_cast %scan3A_356 : i32 to index
      %swap3A_446 = arith.constant 64 : index
      %swap3A_447 = tpu.vector_load %arg15[%swap3A_445, %swap3A_446] {strides = array<i32>} : memref<64x256xf32, #tpu.memory_space<vmem>>, vector<1x16xf32>,
      %swap3A_448 = vector.shape_cast %swap3A_447 : vector<1x16xf32> to vector<16xf32>
      %swap3A_449 = vector.shape_cast %add3A_444 : vector<16xf32> to vector<1x16xf32>
      tpu.vector_store %arg15[%swap3A_445, %swap3A_446], %swap3A_449 {strides = array<i32>} : memref<64x256xf32, #tpu.memory_space<vmem>>, vector<1x16xf32>,
      %add3A_450 = arith.addf %get3A_441, %sub3A_443 : vector<16xf32>
      %swap3A_451 = arith.index_cast %scan3A_356 : i32 to index
      %swap3A_452 = arith.constant 80 : index
      %swap3A_453 = tpu.vector_load %arg15[%swap3A_451, %swap3A_452] {strides = array<i32>} : memref<64x256xf32, #tpu.memory_space<vmem>>, vector<1x16xf32>,
      %swap3A_454 = vector.shape_cast %swap3A_453 : vector<1x16xf32> to vector<16xf32>
      %swap3A_455 = vector.shape_cast %add3A_450 : vector<16xf32> to vector<1x16xf32>
      tpu.vector_store %arg15[%swap3A_451, %swap3A_452], %swap3A_455 {strides = array<i32>} : memref<64x256xf32, #tpu.memory_space<vmem>>, vector<1x16xf32>,
      %mul3A_456 = arith.mulf %sub3A_442, %sub3A_442 : vector<16xf32>
      %add3A_457 = arith.addf %add3A_423, %mul3A_456 : vector<16xf32>
      %mul3A_458 = arith.mulf %sub3A_443, %sub3A_443 : vector<16xf32>
      %add3A_459 = arith.addf %add3A_425, %mul3A_458 : vector<16xf32>
      %get3A_460 = arith.index_cast %scan3A_356 : i32 to index
      %get3A_461 = arith.constant 96 : index
      %get3A_462 = tpu.vector_load %arg11[%get3A_460, %get3A_461] {strides = array<i32>} : memref<64x256xf32, #tpu.memory_space<vmem>>, vector<1x16xf32>,
      %get3A_463 = vector.shape_cast %get3A_462 : vector<1x16xf32> to vector<16xf32>
      %get3A_464 = arith.index_cast %scan3A_356 : i32 to index
      %get3A_465 = arith.constant 96 : index
      %get3A_466 = tpu.vector_load %arg13[%get3A_464, %get3A_465] {strides = array<i32>} : memref<64x256xf32, #tpu.memory_space<vmem>>, vector<1x16xf32>,
      %get3A_467 = vector.shape_cast %get3A_466 : vector<1x16xf32> to vector<16xf32>
      %get3A_468 = arith.index_cast %scan3A_356 : i32 to index
      %get3A_469 = arith.constant 112 : index
      %get3A_470 = tpu.vector_load %arg11[%get3A_468, %get3A_469] {strides = array<i32>} : memref<64x256xf32, #tpu.memory_space<vmem>>, vector<1x16xf32>,
      %get3A_471 = vector.shape_cast %get3A_470 : vector<1x16xf32> to vector<16xf32>
      %get3A_472 = arith.index_cast %scan3A_356 : i32 to index
      %get3A_473 = arith.constant 112 : index
      %get3A_474 = tpu.vector_load %arg13[%get3A_472, %get3A_473] {strides = array<i32>} : memref<64x256xf32, #tpu.memory_space<vmem>>, vector<1x16xf32>,
      %get3A_475 = vector.shape_cast %get3A_474 : vector<1x16xf32> to vector<16xf32>
      %sub3A_476 = arith.subf %get3A_463, %get3A_467 : vector<16xf32>
      %sub3A_477 = arith.subf %get3A_471, %get3A_475 : vector<16xf32>
      %add3A_478 = arith.addf %get3A_467, %sub3A_476 : vector<16xf32>
      %swap3A_479 = arith.index_cast %scan3A_356 : i32 to index
      %swap3A_480 = arith.constant 96 : index
      %swap3A_481 = tpu.vector_load %arg15[%swap3A_479, %swap3A_480] {strides = array<i32>} : memref<64x256xf32, #tpu.memory_space<vmem>>, vector<1x16xf32>,
      %swap3A_482 = vector.shape_cast %swap3A_481 : vector<1x16xf32> to vector<16xf32>
      %swap3A_483 = vector.shape_cast %add3A_478 : vector<16xf32> to vector<1x16xf32>
      tpu.vector_store %arg15[%swap3A_479, %swap3A_480], %swap3A_483 {strides = array<i32>} : memref<64x256xf32, #tpu.memory_space<vmem>>, vector<1x16xf32>,
      %add3A_484 = arith.addf %get3A_475, %sub3A_477 : vector<16xf32>
      %swap3A_485 = arith.index_cast %scan3A_356 : i32 to index
      %swap3A_486 = arith.constant 112 : index
      %swap3A_487 = tpu.vector_load %arg15[%swap3A_485, %swap3A_486] {strides = array<i32>} : memref<64x256xf32, #tpu.memory_space<vmem>>, vector<1x16xf32>,
      %swap3A_488 = vector.shape_cast %swap3A_487 : vector<1x16xf32> to vector<16xf32>
      %swap3A_489 = vector.shape_cast %add3A_484 : vector<16xf32> to vector<1x16xf32>
      tpu.vector_store %arg15[%swap3A_485, %swap3A_486], %swap3A_489 {strides = array<i32>} : memref<64x256xf32, #tpu.memory_space<vmem>>, vector<1x16xf32>,
      %mul3A_490 = arith.mulf %sub3A_476, %sub3A_476 : vector<16xf32>
      %add3A_491 = arith.addf %add3A_457, %mul3A_490 : vector<16xf32>
      %mul3A_492 = arith.mulf %sub3A_477, %sub3A_477 : vector<16xf32>
      %add3A_493 = arith.addf %add3A_459, %mul3A_492 : vector<16xf32>
      %get3A_494 = arith.index_cast %scan3A_356 : i32 to index
      %get3A_495 = arith.constant 128 : index
      %get3A_496 = tpu.vector_load %arg11[%get3A_494, %get3A_495] {strides = array<i32>} : memref<64x256xf32, #tpu.memory_space<vmem>>, vector<1x16xf32>,
      %get3A_497 = vector.shape_cast %get3A_496 : vector<1x16xf32> to vector<16xf32>
      %get3A_498 = arith.index_cast %scan3A_356 : i32 to index
      %get3A_499 = arith.constant 128 : index
      %get3A_500 = tpu.vector_load %arg13[%get3A_498, %get3A_499] {strides = array<i32>} : memref<64x256xf32, #tpu.memory_space<vmem>>, vector<1x16xf32>,
      %get3A_501 = vector.shape_cast %get3A_500 : vector<1x16xf32> to vector<16xf32>
      %get3A_502 = arith.index_cast %scan3A_356 : i32 to index
      %get3A_503 = arith.constant 144 : index
      %get3A_504 = tpu.vector_load %arg11[%get3A_502, %get3A_503] {strides = array<i32>} : memref<64x256xf32, #tpu.memory_space<vmem>>, vector<1x16xf32>,
      %get3A_505 = vector.shape_cast %get3A_504 : vector<1x16xf32> to vector<16xf32>
      %get3A_506 = arith.index_cast %scan3A_356 : i32 to index
      %get3A_507 = arith.constant 144 : index
      %get3A_508 = tpu.vector_load %arg13[%get3A_506, %get3A_507] {strides = array<i32>} : memref<64x256xf32, #tpu.memory_space<vmem>>, vector<1x16xf32>,
      %get3A_509 = vector.shape_cast %get3A_508 : vector<1x16xf32> to vector<16xf32>
      %sub3A_510 = arith.subf %get3A_497, %get3A_501 : vector<16xf32>
      %sub3A_511 = arith.subf %get3A_505, %get3A_509 : vector<16xf32>
      %add3A_512 = arith.addf %get3A_501, %sub3A_510 : vector<16xf32>
      %swap3A_513 = arith.index_cast %scan3A_356 : i32 to index
      %swap3A_514 = arith.constant 128 : index
      %swap3A_515 = tpu.vector_load %arg15[%swap3A_513, %swap3A_514] {strides = array<i32>} : memref<64x256xf32, #tpu.memory_space<vmem>>, vector<1x16xf32>,
      %swap3A_516 = vector.shape_cast %swap3A_515 : vector<1x16xf32> to vector<16xf32>
      %swap3A_517 = vector.shape_cast %add3A_512 : vector<16xf32> to vector<1x16xf32>
      tpu.vector_store %arg15[%swap3A_513, %swap3A_514], %swap3A_517 {strides = array<i32>} : memref<64x256xf32, #tpu.memory_space<vmem>>, vector<1x16xf32>,
      %add3A_518 = arith.addf %get3A_509, %sub3A_511 : vector<16xf32>
      %swap3A_519 = arith.index_cast %scan3A_356 : i32 to index
      %swap3A_520 = arith.constant 144 : index
      %swap3A_521 = tpu.vector_load %arg15[%swap3A_519, %swap3A_520] {strides = array<i32>} : memref<64x256xf32, #tpu.memory_space<vmem>>, vector<1x16xf32>,
      %swap3A_522 = vector.shape_cast %swap3A_521 : vector<1x16xf32> to vector<16xf32>
      %swap3A_523 = vector.shape_cast %add3A_518 : vector<16xf32> to vector<1x16xf32>
      tpu.vector_store %arg15[%swap3A_519, %swap3A_520], %swap3A_523 {strides = array<i32>} : memref<64x256xf32, #tpu.memory_space<vmem>>, vector<1x16xf32>,
      %mul3A_524 = arith.mulf %sub3A_510, %sub3A_510 : vector<16xf32>
      %add3A_525 = arith.addf %add3A_491, %mul3A_524 : vector<16xf32>
      %mul3A_526 = arith.mulf %sub3A_511, %sub3A_511 : vector<16xf32>
      %add3A_527 = arith.addf %add3A_493, %mul3A_526 : vector<16xf32>
      %get3A_528 = arith.index_cast %scan3A_356 : i32 to index
      %get3A_529 = arith.constant 160 : index
      %get3A_530 = tpu.vector_load %arg11[%get3A_528, %get3A_529] {strides = array<i32>} : memref<64x256xf32, #tpu.memory_space<vmem>>, vector<1x16xf32>,
      %get3A_531 = vector.shape_cast %get3A_530 : vector<1x16xf32> to vector<16xf32>
      %get3A_532 = arith.index_cast %scan3A_356 : i32 to index
      %get3A_533 = arith.constant 160 : index
      %get3A_534 = tpu.vector_load %arg13[%get3A_532, %get3A_533] {strides = array<i32>} : memref<64x256xf32, #tpu.memory_space<vmem>>, vector<1x16xf32>,
      %get3A_535 = vector.shape_cast %get3A_534 : vector<1x16xf32> to vector<16xf32>
      %get3A_536 = arith.index_cast %scan3A_356 : i32 to index
      %get3A_537 = arith.constant 176 : index
      %get3A_538 = tpu.vector_load %arg11[%get3A_536, %get3A_537] {strides = array<i32>} : memref<64x256xf32, #tpu.memory_space<vmem>>, vector<1x16xf32>,
      %get3A_539 = vector.shape_cast %get3A_538 : vector<1x16xf32> to vector<16xf32>
      %get3A_540 = arith.index_cast %scan3A_356 : i32 to index
      %get3A_541 = arith.constant 176 : index
      %get3A_542 = tpu.vector_load %arg13[%get3A_540, %get3A_541] {strides = array<i32>} : memref<64x256xf32, #tpu.memory_space<vmem>>, vector<1x16xf32>,
      %get3A_543 = vector.shape_cast %get3A_542 : vector<1x16xf32> to vector<16xf32>
      %sub3A_544 = arith.subf %get3A_531, %get3A_535 : vector<16xf32>
      %sub3A_545 = arith.subf %get3A_539, %get3A_543 : vector<16xf32>
      %add3A_546 = arith.addf %get3A_535, %sub3A_544 : vector<16xf32>
      %swap3A_547 = arith.index_cast %scan3A_356 : i32 to index
      %swap3A_548 = arith.constant 160 : index
      %swap3A_549 = tpu.vector_load %arg15[%swap3A_547, %swap3A_548] {strides = array<i32>} : memref<64x256xf32, #tpu.memory_space<vmem>>, vector<1x16xf32>,
      %swap3A_550 = vector.shape_cast %swap3A_549 : vector<1x16xf32> to vector<16xf32>
      %swap3A_551 = vector.shape_cast %add3A_546 : vector<16xf32> to vector<1x16xf32>
      tpu.vector_store %arg15[%swap3A_547, %swap3A_548], %swap3A_551 {strides = array<i32>} : memref<64x256xf32, #tpu.memory_space<vmem>>, vector<1x16xf32>,
      %add3A_552 = arith.addf %get3A_543, %sub3A_545 : vector<16xf32>
      %swap3A_553 = arith.index_cast %scan3A_356 : i32 to index
      %swap3A_554 = arith.constant 176 : index
      %swap3A_555 = tpu.vector_load %arg15[%swap3A_553, %swap3A_554] {strides = array<i32>} : memref<64x256xf32, #tpu.memory_space<vmem>>, vector<1x16xf32>,
      %swap3A_556 = vector.shape_cast %swap3A_555 : vector<1x16xf32> to vector<16xf32>
      %swap3A_557 = vector.shape_cast %add3A_552 : vector<16xf32> to vector<1x16xf32>
      tpu.vector_store %arg15[%swap3A_553, %swap3A_554], %swap3A_557 {strides = array<i32>} : memref<64x256xf32, #tpu.memory_space<vmem>>, vector<1x16xf32>,
      %mul3A_558 = arith.mulf %sub3A_544, %sub3A_544 : vector<16xf32>
      %add3A_559 = arith.addf %add3A_525, %mul3A_558 : vector<16xf32>
      %mul3A_560 = arith.mulf %sub3A_545, %sub3A_545 : vector<16xf32>
      %add3A_561 = arith.addf %add3A_527, %mul3A_560 : vector<16xf32>
      %get3A_562 = arith.index_cast %scan3A_356 : i32 to index
      %get3A_563 = arith.constant 192 : index
      %get3A_564 = tpu.vector_load %arg11[%get3A_562, %get3A_563] {strides = array<i32>} : memref<64x256xf32, #tpu.memory_space<vmem>>, vector<1x16xf32>,
      %get3A_565 = vector.shape_cast %get3A_564 : vector<1x16xf32> to vector<16xf32>
      %get3A_566 = arith.index_cast %scan3A_356 : i32 to index
      %get3A_567 = arith.constant 192 : index
      %get3A_568 = tpu.vector_load %arg13[%get3A_566, %get3A_567] {strides = array<i32>} : memref<64x256xf32, #tpu.memory_space<vmem>>, vector<1x16xf32>,
      %get3A_569 = vector.shape_cast %get3A_568 : vector<1x16xf32> to vector<16xf32>
      %get3A_570 = arith.index_cast %scan3A_356 : i32 to index
      %get3A_571 = arith.constant 208 : index
      %get3A_572 = tpu.vector_load %arg11[%get3A_570, %get3A_571] {strides = array<i32>} : memref<64x256xf32, #tpu.memory_space<vmem>>, vector<1x16xf32>,
      %get3A_573 = vector.shape_cast %get3A_572 : vector<1x16xf32> to vector<16xf32>
      %get3A_574 = arith.index_cast %scan3A_356 : i32 to index
      %get3A_575 = arith.constant 208 : index
      %get3A_576 = tpu.vector_load %arg13[%get3A_574, %get3A_575] {strides = array<i32>} : memref<64x256xf32, #tpu.memory_space<vmem>>, vector<1x16xf32>,
      %get3A_577 = vector.shape_cast %get3A_576 : vector<1x16xf32> to vector<16xf32>
      %sub3A_578 = arith.subf %get3A_565, %get3A_569 : vector<16xf32>
      %sub3A_579 = arith.subf %get3A_573, %get3A_577 : vector<16xf32>
      %add3A_580 = arith.addf %get3A_569, %sub3A_578 : vector<16xf32>
      %swap3A_581 = arith.index_cast %scan3A_356 : i32 to index
      %swap3A_582 = arith.constant 192 : index
      %swap3A_583 = tpu.vector_load %arg15[%swap3A_581, %swap3A_582] {strides = array<i32>} : memref<64x256xf32, #tpu.memory_space<vmem>>, vector<1x16xf32>,
      %swap3A_584 = vector.shape_cast %swap3A_583 : vector<1x16xf32> to vector<16xf32>
      %swap3A_585 = vector.shape_cast %add3A_580 : vector<16xf32> to vector<1x16xf32>
      tpu.vector_store %arg15[%swap3A_581, %swap3A_582], %swap3A_585 {strides = array<i32>} : memref<64x256xf32, #tpu.memory_space<vmem>>, vector<1x16xf32>,
      %add3A_586 = arith.addf %get3A_577, %sub3A_579 : vector<16xf32>
      %swap3A_587 = arith.index_cast %scan3A_356 : i32 to index
      %swap3A_588 = arith.constant 208 : index
      %swap3A_589 = tpu.vector_load %arg15[%swap3A_587, %swap3A_588] {strides = array<i32>} : memref<64x256xf32, #tpu.memory_space<vmem>>, vector<1x16xf32>,
      %swap3A_590 = vector.shape_cast %swap3A_589 : vector<1x16xf32> to vector<16xf32>
      %swap3A_591 = vector.shape_cast %add3A_586 : vector<16xf32> to vector<1x16xf32>
      tpu.vector_store %arg15[%swap3A_587, %swap3A_588], %swap3A_591 {strides = array<i32>} : memref<64x256xf32, #tpu.memory_space<vmem>>, vector<1x16xf32>,
      %mul3A_592 = arith.mulf %sub3A_578, %sub3A_578 : vector<16xf32>
      %add3A_593 = arith.addf %add3A_559, %mul3A_592 : vector<16xf32>
      %mul3A_594 = arith.mulf %sub3A_579, %sub3A_579 : vector<16xf32>
      %add3A_595 = arith.addf %add3A_561, %mul3A_594 : vector<16xf32>
      %get3A_596 = arith.index_cast %scan3A_356 : i32 to index
      %get3A_597 = arith.constant 224 : index
      %get3A_598 = tpu.vector_load %arg11[%get3A_596, %get3A_597] {strides = array<i32>} : memref<64x256xf32, #tpu.memory_space<vmem>>, vector<1x16xf32>,
      %get3A_599 = vector.shape_cast %get3A_598 : vector<1x16xf32> to vector<16xf32>
      %get3A_600 = arith.index_cast %scan3A_356 : i32 to index
      %get3A_601 = arith.constant 224 : index
      %get3A_602 = tpu.vector_load %arg13[%get3A_600, %get3A_601] {strides = array<i32>} : memref<64x256xf32, #tpu.memory_space<vmem>>, vector<1x16xf32>,
      %get3A_603 = vector.shape_cast %get3A_602 : vector<1x16xf32> to vector<16xf32>
      %get3A_604 = arith.index_cast %scan3A_356 : i32 to index
      %get3A_605 = arith.constant 240 : index
      %get3A_606 = tpu.vector_load %arg11[%get3A_604, %get3A_605] {strides = array<i32>} : memref<64x256xf32, #tpu.memory_space<vmem>>, vector<1x16xf32>,
      %get3A_607 = vector.shape_cast %get3A_606 : vector<1x16xf32> to vector<16xf32>
      %get3A_608 = arith.index_cast %scan3A_356 : i32 to index
      %get3A_609 = arith.constant 240 : index
      %get3A_610 = tpu.vector_load %arg13[%get3A_608, %get3A_609] {strides = array<i32>} : memref<64x256xf32, #tpu.memory_space<vmem>>, vector<1x16xf32>,
      %get3A_611 = vector.shape_cast %get3A_610 : vector<1x16xf32> to vector<16xf32>
      %sub3A_612 = arith.subf %get3A_599, %get3A_603 : vector<16xf32>
      %sub3A_613 = arith.subf %get3A_607, %get3A_611 : vector<16xf32>
      %add3A_614 = arith.addf %get3A_603, %sub3A_612 : vector<16xf32>
      %swap3A_615 = arith.index_cast %scan3A_356 : i32 to index
      %swap3A_616 = arith.constant 224 : index
      %swap3A_617 = tpu.vector_load %arg15[%swap3A_615, %swap3A_616] {strides = array<i32>} : memref<64x256xf32, #tpu.memory_space<vmem>>, vector<1x16xf32>,
      %swap3A_618 = vector.shape_cast %swap3A_617 : vector<1x16xf32> to vector<16xf32>
      %swap3A_619 = vector.shape_cast %add3A_614 : vector<16xf32> to vector<1x16xf32>
      tpu.vector_store %arg15[%swap3A_615, %swap3A_616], %swap3A_619 {strides = array<i32>} : memref<64x256xf32, #tpu.memory_space<vmem>>, vector<1x16xf32>,
      %add3A_620 = arith.addf %get3A_611, %sub3A_613 : vector<16xf32>
      %swap3A_621 = arith.index_cast %scan3A_356 : i32 to index
      %swap3A_622 = arith.constant 240 : index
      %swap3A_623 = tpu.vector_load %arg15[%swap3A_621, %swap3A_622] {strides = array<i32>} : memref<64x256xf32, #tpu.memory_space<vmem>>, vector<1x16xf32>,
      %swap3A_624 = vector.shape_cast %swap3A_623 : vector<1x16xf32> to vector<16xf32>
      %swap3A_625 = vector.shape_cast %add3A_620 : vector<16xf32> to vector<1x16xf32>
      tpu.vector_store %arg15[%swap3A_621, %swap3A_622], %swap3A_625 {strides = array<i32>} : memref<64x256xf32, #tpu.memory_space<vmem>>, vector<1x16xf32>,
      %mul3A_626 = arith.mulf %sub3A_612, %sub3A_612 : vector<16xf32>
      %add3A_627 = arith.addf %add3A_593, %mul3A_626 : vector<16xf32>
      %mul3A_628 = arith.mulf %sub3A_613, %sub3A_613 : vector<16xf32>
      %add3A_629 = arith.addf %add3A_595, %mul3A_628 : vector<16xf32>
      scf.yield %add3A_627, %add3A_629 : vector<16xf32>, vector<16xf32>
    }
    %scan3A_272 = arith.constant 64 : i32
    %dma_start3A_273 = arith.constant 0 : i32
    %dma_start3A_274 = tpu.memref_slice %arg5[%add3A_240, %dma_start3A_273] : memref<16384x256xf32, #tpu.memory_space<hbm>> -> memref<64x256xf32, #tpu.memory_space<hbm>>
    %dma_start3A_275 = arith.constant 0 : i32
    %dma_start3A_276 = tpu.memref_slice %arg5[%add3A_240, %dma_start3A_275] : memref<16384x256xf32, #tpu.memory_space<hbm>> -> memref<64x256xf32, #tpu.memory_space<hbm>>
    tpu.enqueue_dma source(%arg15 : memref<64x256xf32, #tpu.memory_space<vmem>>) target(%dma_start3A_276 : memref<64x256xf32, #tpu.memory_space<hbm>>) target_semaphore(%arg23 : memref<!tpu.dma_semaphore, #tpu.memory_space<semaphore_mem>>)
    %add3A_277 = arith.constant 384 : i32
    %add3A_278 = arith.addi %mul3A_2, %add3A_277 : i32
    %dma_wait3A_279 = arith.constant 0 : i32
    %dma_wait3A_280 = tpu.memref_slice %arg5[%add3A_240, %dma_wait3A_279] : memref<16384x256xf32, #tpu.memory_space<hbm>> -> memref<64x256xf32, #tpu.memory_space<hbm>>
    %dma_wait3A_281 = arith.constant 0 : i32
    %dma_wait3A_282 = tpu.memref_slice %arg5[%add3A_240, %dma_wait3A_281] : memref<16384x256xf32, #tpu.memory_space<hbm>> -> memref<64x256xf32, #tpu.memory_space<hbm>>
    tpu.wait_dma2 semaphore(%arg23 : memref<!tpu.dma_semaphore, #tpu.memory_space<semaphore_mem>>) src(%arg15 : memref<64x256xf32, #tpu.memory_space<vmem>>) dst(%dma_wait3A_282 : memref<64x256xf32, #tpu.memory_space<hbm>>)
    %add3A_283 = arith.constant 448 : i32
    %add3A_284 = arith.addi %mul3A_2, %add3A_283 : i32
    %dma_wait3A_285 = arith.constant 0 : i32
    %dma_wait3A_286 = tpu.memref_slice %arg19[%dma_wait3A_285] : memref<8192xf32, #tpu.memory_space<vmem_shared>> -> memref<8192xf32, #tpu.memory_space<vmem_shared>>
    tpu.wait_indirect_dma semaphore(%arg25 : memref<!tpu.dma_semaphore, #tpu.memory_space<semaphore_mem>>) src(%arg17 : memref<64xf32, #tpu.memory_space<vmem>>) dst(%dma_wait3A_286 : memref<8192xf32, #tpu.memory_space<vmem_shared>>)
    %add3A_287 = arith.constant 448 : i32
    %add3A_288 = arith.addi %select_n3A_32, %add3A_287 : i32
    "tpu.region"() ({
      %run_scoped3A = tpu.sem_alloc : memref<!tpu.dma_semaphore, #tpu.memory_space<semaphore_mem>>
      %dma_start3A_356 = tpu.memref_slice %arg3[%select_n3A, %add3A_288] : memref<16x1024xi32, #tpu.memory_space<hbm>> -> memref<1x64xi32, #tpu.memory_space<hbm>>
      %dma_start3A_357 = tpu.memref_squeeze %dma_start3A_356 : memref<1x64xi32, #tpu.memory_space<hbm>> -> memref<64xi32, #tpu.memory_space<hbm>>
      %dma_start3A_358 = tpu.memref_slice %arg3[%select_n3A, %add3A_288] : memref<16x1024xi32, #tpu.memory_space<hbm>> -> memref<1x64xi32, #tpu.memory_space<hbm>>
      %dma_start3A_359 = tpu.memref_squeeze %dma_start3A_358 : memref<1x64xi32, #tpu.memory_space<hbm>> -> memref<64xi32, #tpu.memory_space<hbm>>
      tpu.enqueue_dma source(%dma_start3A_359 : memref<64xi32, #tpu.memory_space<hbm>>) target(%arg9 : memref<64xi32, #tpu.memory_space<vmem>>) target_semaphore(%run_scoped3A : memref<!tpu.dma_semaphore, #tpu.memory_space<semaphore_mem>>)
      %dma_wait3A_360 = tpu.memref_slice %arg3[%select_n3A, %add3A_288] : memref<16x1024xi32, #tpu.memory_space<hbm>> -> memref<1x64xi32, #tpu.memory_space<hbm>>
      %dma_wait3A_361 = tpu.memref_squeeze %dma_wait3A_360 : memref<1x64xi32, #tpu.memory_space<hbm>> -> memref<64xi32, #tpu.memory_space<hbm>>
      %dma_wait3A_362 = tpu.memref_slice %arg3[%select_n3A, %add3A_288] : memref<16x1024xi32, #tpu.memory_space<hbm>> -> memref<1x64xi32, #tpu.memory_space<hbm>>
      %dma_wait3A_363 = tpu.memref_squeeze %dma_wait3A_362 : memref<1x64xi32, #tpu.memory_space<hbm>> -> memref<64xi32, #tpu.memory_space<hbm>>
      tpu.wait_dma2 semaphore(%run_scoped3A : memref<!tpu.dma_semaphore, #tpu.memory_space<semaphore_mem>>) src(%dma_wait3A_363 : memref<64xi32, #tpu.memory_space<hbm>>) dst(%arg9 : memref<64xi32, #tpu.memory_space<vmem>>)
      tpu.yield
    }) : () -> ()
    %dma_start3A_289 = arith.constant 0 : i32
    %dma_start3A_290 = tpu.memref_slice %arg19[%dma_start3A_289] : memref<8192xf32, #tpu.memory_space<vmem_shared>> -> memref<8192xf32, #tpu.memory_space<vmem_shared>>
    tpu.enqueue_indirect_dma source(%arg17 : memref<64xf32, #tpu.memory_space<vmem>>) target(%dma_start3A_290 : memref<8192xf32, #tpu.memory_space<vmem_shared>>) offsets(%arg9 : memref<64xi32, #tpu.memory_space<vmem>>) semaphore(%arg25 : memref<!tpu.dma_semaphore, #tpu.memory_space<semaphore_mem>>) {add = true}
    %dma_start3A_291 = arith.constant 0 : i32
    %dma_start3A_292 = arith.constant 0 : i32
    %dma_start3A_293 = tpu.memref_slice %arg2[%dma_start3A_291, %dma_start3A_292] : memref<8192x256xf32, #tpu.memory_space<hbm>> -> memref<8192x256xf32, #tpu.memory_space<hbm>>
    tpu.enqueue_indirect_dma source(%dma_start3A_293 : memref<8192x256xf32, #tpu.memory_space<hbm>>) target(%arg11 : memref<64x256xf32, #tpu.memory_space<vmem>>) offsets(%arg9 : memref<64xi32, #tpu.memory_space<vmem>>) semaphore(%arg21 : memref<!tpu.dma_semaphore, #tpu.memory_space<semaphore_mem>>)
    %dma_start3A_294 = arith.constant 0 : i32
    %dma_start3A_295 = tpu.memref_slice %arg4[%add3A_284, %dma_start3A_294] : memref<16384x256xf32, #tpu.memory_space<hbm>> -> memref<64x256xf32, #tpu.memory_space<hbm>>
    %dma_start3A_296 = arith.constant 0 : i32
    %dma_start3A_297 = tpu.memref_slice %arg4[%add3A_284, %dma_start3A_296] : memref<16384x256xf32, #tpu.memory_space<hbm>> -> memref<64x256xf32, #tpu.memory_space<hbm>>
    tpu.enqueue_dma source(%dma_start3A_297 : memref<64x256xf32, #tpu.memory_space<hbm>>) target(%arg13 : memref<64x256xf32, #tpu.memory_space<vmem>>) target_semaphore(%arg21 : memref<!tpu.dma_semaphore, #tpu.memory_space<semaphore_mem>>)
    %dma_wait3A_298 = arith.constant 0 : i32
    %dma_wait3A_299 = arith.constant 0 : i32
    %dma_wait3A_300 = tpu.memref_slice %arg2[%dma_wait3A_298, %dma_wait3A_299] : memref<8192x256xf32, #tpu.memory_space<hbm>> -> memref<8192x256xf32, #tpu.memory_space<hbm>>
    tpu.wait_indirect_dma semaphore(%arg20 : memref<!tpu.dma_semaphore, #tpu.memory_space<semaphore_mem>>) src(%dma_wait3A_300 : memref<8192x256xf32, #tpu.memory_space<hbm>>) dst(%arg10 : memref<64x256xf32, #tpu.memory_space<vmem>>)
    %dma_wait3A_301 = arith.constant 0 : i32
    %dma_wait3A_302 = tpu.memref_slice %arg4[%add3A_246, %dma_wait3A_301] : memref<16384x256xf32, #tpu.memory_space<hbm>> -> memref<64x256xf32, #tpu.memory_space<hbm>>
    %dma_wait3A_303 = arith.constant 0 : i32
    %dma_wait3A_304 = tpu.memref_slice %arg4[%add3A_246, %dma_wait3A_303] : memref<16384x256xf32, #tpu.memory_space<hbm>> -> memref<64x256xf32, #tpu.memory_space<hbm>>
    tpu.wait_dma2 semaphore(%arg20 : memref<!tpu.dma_semaphore, #tpu.memory_space<semaphore_mem>>) src(%dma_wait3A_304 : memref<64x256xf32, #tpu.memory_space<hbm>>) dst(%arg12 : memref<64x256xf32, #tpu.memory_space<vmem>>)
    %scan3A_305 = arith.constant 0 : i32
    %scan3A_306 = arith.constant 64 : i32
    %scan3A_307 = arith.addi %scan3A_305, %scan3A_306 : i32
    %scan3A_308 = arith.constant 1 : i32
    %scan3A_309:2 = scf.for %scan3A_356 = %scan3A_305 to %scan3A_307 step %scan3A_308 iter_args(%scan3A_357 = %scan3A_271#0, %scan3A_358 = %scan3A_271#1) -> (vector<16xf32>, vector<16xf32>)  : i32 {
      %get3A = arith.index_cast %scan3A_356 : i32 to index
      %get3A_359 = arith.constant 0 : index
      %get3A_360 = tpu.vector_load %arg10[%get3A, %get3A_359] {strides = array<i32>} : memref<64x256xf32, #tpu.memory_space<vmem>>, vector<1x16xf32>,
      %get3A_361 = vector.shape_cast %get3A_360 : vector<1x16xf32> to vector<16xf32>
      %get3A_362 = arith.index_cast %scan3A_356 : i32 to index
      %get3A_363 = arith.constant 0 : index
      %get3A_364 = tpu.vector_load %arg12[%get3A_362, %get3A_363] {strides = array<i32>} : memref<64x256xf32, #tpu.memory_space<vmem>>, vector<1x16xf32>,
      %get3A_365 = vector.shape_cast %get3A_364 : vector<1x16xf32> to vector<16xf32>
      %get3A_366 = arith.index_cast %scan3A_356 : i32 to index
      %get3A_367 = arith.constant 16 : index
      %get3A_368 = tpu.vector_load %arg10[%get3A_366, %get3A_367] {strides = array<i32>} : memref<64x256xf32, #tpu.memory_space<vmem>>, vector<1x16xf32>,
      %get3A_369 = vector.shape_cast %get3A_368 : vector<1x16xf32> to vector<16xf32>
      %get3A_370 = arith.index_cast %scan3A_356 : i32 to index
      %get3A_371 = arith.constant 16 : index
      %get3A_372 = tpu.vector_load %arg12[%get3A_370, %get3A_371] {strides = array<i32>} : memref<64x256xf32, #tpu.memory_space<vmem>>, vector<1x16xf32>,
      %get3A_373 = vector.shape_cast %get3A_372 : vector<1x16xf32> to vector<16xf32>
      %sub3A_374 = arith.subf %get3A_361, %get3A_365 : vector<16xf32>
      %sub3A_375 = arith.subf %get3A_369, %get3A_373 : vector<16xf32>
      %add3A_376 = arith.addf %get3A_365, %sub3A_374 : vector<16xf32>
      %swap3A_377 = arith.index_cast %scan3A_356 : i32 to index
      %swap3A_378 = arith.constant 0 : index
      %swap3A_379 = tpu.vector_load %arg14[%swap3A_377, %swap3A_378] {strides = array<i32>} : memref<64x256xf32, #tpu.memory_space<vmem>>, vector<1x16xf32>,
      %swap3A_380 = vector.shape_cast %swap3A_379 : vector<1x16xf32> to vector<16xf32>
      %swap3A_381 = vector.shape_cast %add3A_376 : vector<16xf32> to vector<1x16xf32>
      tpu.vector_store %arg14[%swap3A_377, %swap3A_378], %swap3A_381 {strides = array<i32>} : memref<64x256xf32, #tpu.memory_space<vmem>>, vector<1x16xf32>,
      %add3A_382 = arith.addf %get3A_373, %sub3A_375 : vector<16xf32>
      %swap3A_383 = arith.index_cast %scan3A_356 : i32 to index
      %swap3A_384 = arith.constant 16 : index
      %swap3A_385 = tpu.vector_load %arg14[%swap3A_383, %swap3A_384] {strides = array<i32>} : memref<64x256xf32, #tpu.memory_space<vmem>>, vector<1x16xf32>,
      %swap3A_386 = vector.shape_cast %swap3A_385 : vector<1x16xf32> to vector<16xf32>
      %swap3A_387 = vector.shape_cast %add3A_382 : vector<16xf32> to vector<1x16xf32>
      tpu.vector_store %arg14[%swap3A_383, %swap3A_384], %swap3A_387 {strides = array<i32>} : memref<64x256xf32, #tpu.memory_space<vmem>>, vector<1x16xf32>,
      %mul3A_388 = arith.mulf %sub3A_374, %sub3A_374 : vector<16xf32>
      %add3A_389 = arith.addf %scan3A_357, %mul3A_388 : vector<16xf32>
      %mul3A_390 = arith.mulf %sub3A_375, %sub3A_375 : vector<16xf32>
      %add3A_391 = arith.addf %scan3A_358, %mul3A_390 : vector<16xf32>
      %get3A_392 = arith.index_cast %scan3A_356 : i32 to index
      %get3A_393 = arith.constant 32 : index
      %get3A_394 = tpu.vector_load %arg10[%get3A_392, %get3A_393] {strides = array<i32>} : memref<64x256xf32, #tpu.memory_space<vmem>>, vector<1x16xf32>,
      %get3A_395 = vector.shape_cast %get3A_394 : vector<1x16xf32> to vector<16xf32>
      %get3A_396 = arith.index_cast %scan3A_356 : i32 to index
      %get3A_397 = arith.constant 32 : index
      %get3A_398 = tpu.vector_load %arg12[%get3A_396, %get3A_397] {strides = array<i32>} : memref<64x256xf32, #tpu.memory_space<vmem>>, vector<1x16xf32>,
      %get3A_399 = vector.shape_cast %get3A_398 : vector<1x16xf32> to vector<16xf32>
      %get3A_400 = arith.index_cast %scan3A_356 : i32 to index
      %get3A_401 = arith.constant 48 : index
      %get3A_402 = tpu.vector_load %arg10[%get3A_400, %get3A_401] {strides = array<i32>} : memref<64x256xf32, #tpu.memory_space<vmem>>, vector<1x16xf32>,
      %get3A_403 = vector.shape_cast %get3A_402 : vector<1x16xf32> to vector<16xf32>
      %get3A_404 = arith.index_cast %scan3A_356 : i32 to index
      %get3A_405 = arith.constant 48 : index
      %get3A_406 = tpu.vector_load %arg12[%get3A_404, %get3A_405] {strides = array<i32>} : memref<64x256xf32, #tpu.memory_space<vmem>>, vector<1x16xf32>,
      %get3A_407 = vector.shape_cast %get3A_406 : vector<1x16xf32> to vector<16xf32>
      %sub3A_408 = arith.subf %get3A_395, %get3A_399 : vector<16xf32>
      %sub3A_409 = arith.subf %get3A_403, %get3A_407 : vector<16xf32>
      %add3A_410 = arith.addf %get3A_399, %sub3A_408 : vector<16xf32>
      %swap3A_411 = arith.index_cast %scan3A_356 : i32 to index
      %swap3A_412 = arith.constant 32 : index
      %swap3A_413 = tpu.vector_load %arg14[%swap3A_411, %swap3A_412] {strides = array<i32>} : memref<64x256xf32, #tpu.memory_space<vmem>>, vector<1x16xf32>,
      %swap3A_414 = vector.shape_cast %swap3A_413 : vector<1x16xf32> to vector<16xf32>
      %swap3A_415 = vector.shape_cast %add3A_410 : vector<16xf32> to vector<1x16xf32>
      tpu.vector_store %arg14[%swap3A_411, %swap3A_412], %swap3A_415 {strides = array<i32>} : memref<64x256xf32, #tpu.memory_space<vmem>>, vector<1x16xf32>,
      %add3A_416 = arith.addf %get3A_407, %sub3A_409 : vector<16xf32>
      %swap3A_417 = arith.index_cast %scan3A_356 : i32 to index
      %swap3A_418 = arith.constant 48 : index
      %swap3A_419 = tpu.vector_load %arg14[%swap3A_417, %swap3A_418] {strides = array<i32>} : memref<64x256xf32, #tpu.memory_space<vmem>>, vector<1x16xf32>,
      %swap3A_420 = vector.shape_cast %swap3A_419 : vector<1x16xf32> to vector<16xf32>
      %swap3A_421 = vector.shape_cast %add3A_416 : vector<16xf32> to vector<1x16xf32>
      tpu.vector_store %arg14[%swap3A_417, %swap3A_418], %swap3A_421 {strides = array<i32>} : memref<64x256xf32, #tpu.memory_space<vmem>>, vector<1x16xf32>,
      %mul3A_422 = arith.mulf %sub3A_408, %sub3A_408 : vector<16xf32>
      %add3A_423 = arith.addf %add3A_389, %mul3A_422 : vector<16xf32>
      %mul3A_424 = arith.mulf %sub3A_409, %sub3A_409 : vector<16xf32>
      %add3A_425 = arith.addf %add3A_391, %mul3A_424 : vector<16xf32>
      %get3A_426 = arith.index_cast %scan3A_356 : i32 to index
      %get3A_427 = arith.constant 64 : index
      %get3A_428 = tpu.vector_load %arg10[%get3A_426, %get3A_427] {strides = array<i32>} : memref<64x256xf32, #tpu.memory_space<vmem>>, vector<1x16xf32>,
      %get3A_429 = vector.shape_cast %get3A_428 : vector<1x16xf32> to vector<16xf32>
      %get3A_430 = arith.index_cast %scan3A_356 : i32 to index
      %get3A_431 = arith.constant 64 : index
      %get3A_432 = tpu.vector_load %arg12[%get3A_430, %get3A_431] {strides = array<i32>} : memref<64x256xf32, #tpu.memory_space<vmem>>, vector<1x16xf32>,
      %get3A_433 = vector.shape_cast %get3A_432 : vector<1x16xf32> to vector<16xf32>
      %get3A_434 = arith.index_cast %scan3A_356 : i32 to index
      %get3A_435 = arith.constant 80 : index
      %get3A_436 = tpu.vector_load %arg10[%get3A_434, %get3A_435] {strides = array<i32>} : memref<64x256xf32, #tpu.memory_space<vmem>>, vector<1x16xf32>,
      %get3A_437 = vector.shape_cast %get3A_436 : vector<1x16xf32> to vector<16xf32>
      %get3A_438 = arith.index_cast %scan3A_356 : i32 to index
      %get3A_439 = arith.constant 80 : index
      %get3A_440 = tpu.vector_load %arg12[%get3A_438, %get3A_439] {strides = array<i32>} : memref<64x256xf32, #tpu.memory_space<vmem>>, vector<1x16xf32>,
      %get3A_441 = vector.shape_cast %get3A_440 : vector<1x16xf32> to vector<16xf32>
      %sub3A_442 = arith.subf %get3A_429, %get3A_433 : vector<16xf32>
      %sub3A_443 = arith.subf %get3A_437, %get3A_441 : vector<16xf32>
      %add3A_444 = arith.addf %get3A_433, %sub3A_442 : vector<16xf32>
      %swap3A_445 = arith.index_cast %scan3A_356 : i32 to index
      %swap3A_446 = arith.constant 64 : index
      %swap3A_447 = tpu.vector_load %arg14[%swap3A_445, %swap3A_446] {strides = array<i32>} : memref<64x256xf32, #tpu.memory_space<vmem>>, vector<1x16xf32>,
      %swap3A_448 = vector.shape_cast %swap3A_447 : vector<1x16xf32> to vector<16xf32>
      %swap3A_449 = vector.shape_cast %add3A_444 : vector<16xf32> to vector<1x16xf32>
      tpu.vector_store %arg14[%swap3A_445, %swap3A_446], %swap3A_449 {strides = array<i32>} : memref<64x256xf32, #tpu.memory_space<vmem>>, vector<1x16xf32>,
      %add3A_450 = arith.addf %get3A_441, %sub3A_443 : vector<16xf32>
      %swap3A_451 = arith.index_cast %scan3A_356 : i32 to index
      %swap3A_452 = arith.constant 80 : index
      %swap3A_453 = tpu.vector_load %arg14[%swap3A_451, %swap3A_452] {strides = array<i32>} : memref<64x256xf32, #tpu.memory_space<vmem>>, vector<1x16xf32>,
      %swap3A_454 = vector.shape_cast %swap3A_453 : vector<1x16xf32> to vector<16xf32>
      %swap3A_455 = vector.shape_cast %add3A_450 : vector<16xf32> to vector<1x16xf32>
      tpu.vector_store %arg14[%swap3A_451, %swap3A_452], %swap3A_455 {strides = array<i32>} : memref<64x256xf32, #tpu.memory_space<vmem>>, vector<1x16xf32>,
      %mul3A_456 = arith.mulf %sub3A_442, %sub3A_442 : vector<16xf32>
      %add3A_457 = arith.addf %add3A_423, %mul3A_456 : vector<16xf32>
      %mul3A_458 = arith.mulf %sub3A_443, %sub3A_443 : vector<16xf32>
      %add3A_459 = arith.addf %add3A_425, %mul3A_458 : vector<16xf32>
      %get3A_460 = arith.index_cast %scan3A_356 : i32 to index
      %get3A_461 = arith.constant 96 : index
      %get3A_462 = tpu.vector_load %arg10[%get3A_460, %get3A_461] {strides = array<i32>} : memref<64x256xf32, #tpu.memory_space<vmem>>, vector<1x16xf32>,
      %get3A_463 = vector.shape_cast %get3A_462 : vector<1x16xf32> to vector<16xf32>
      %get3A_464 = arith.index_cast %scan3A_356 : i32 to index
      %get3A_465 = arith.constant 96 : index
      %get3A_466 = tpu.vector_load %arg12[%get3A_464, %get3A_465] {strides = array<i32>} : memref<64x256xf32, #tpu.memory_space<vmem>>, vector<1x16xf32>,
      %get3A_467 = vector.shape_cast %get3A_466 : vector<1x16xf32> to vector<16xf32>
      %get3A_468 = arith.index_cast %scan3A_356 : i32 to index
      %get3A_469 = arith.constant 112 : index
      %get3A_470 = tpu.vector_load %arg10[%get3A_468, %get3A_469] {strides = array<i32>} : memref<64x256xf32, #tpu.memory_space<vmem>>, vector<1x16xf32>,
      %get3A_471 = vector.shape_cast %get3A_470 : vector<1x16xf32> to vector<16xf32>
      %get3A_472 = arith.index_cast %scan3A_356 : i32 to index
      %get3A_473 = arith.constant 112 : index
      %get3A_474 = tpu.vector_load %arg12[%get3A_472, %get3A_473] {strides = array<i32>} : memref<64x256xf32, #tpu.memory_space<vmem>>, vector<1x16xf32>,
      %get3A_475 = vector.shape_cast %get3A_474 : vector<1x16xf32> to vector<16xf32>
      %sub3A_476 = arith.subf %get3A_463, %get3A_467 : vector<16xf32>
      %sub3A_477 = arith.subf %get3A_471, %get3A_475 : vector<16xf32>
      %add3A_478 = arith.addf %get3A_467, %sub3A_476 : vector<16xf32>
      %swap3A_479 = arith.index_cast %scan3A_356 : i32 to index
      %swap3A_480 = arith.constant 96 : index
      %swap3A_481 = tpu.vector_load %arg14[%swap3A_479, %swap3A_480] {strides = array<i32>} : memref<64x256xf32, #tpu.memory_space<vmem>>, vector<1x16xf32>,
      %swap3A_482 = vector.shape_cast %swap3A_481 : vector<1x16xf32> to vector<16xf32>
      %swap3A_483 = vector.shape_cast %add3A_478 : vector<16xf32> to vector<1x16xf32>
      tpu.vector_store %arg14[%swap3A_479, %swap3A_480], %swap3A_483 {strides = array<i32>} : memref<64x256xf32, #tpu.memory_space<vmem>>, vector<1x16xf32>,
      %add3A_484 = arith.addf %get3A_475, %sub3A_477 : vector<16xf32>
      %swap3A_485 = arith.index_cast %scan3A_356 : i32 to index
      %swap3A_486 = arith.constant 112 : index
      %swap3A_487 = tpu.vector_load %arg14[%swap3A_485, %swap3A_486] {strides = array<i32>} : memref<64x256xf32, #tpu.memory_space<vmem>>, vector<1x16xf32>,
      %swap3A_488 = vector.shape_cast %swap3A_487 : vector<1x16xf32> to vector<16xf32>
      %swap3A_489 = vector.shape_cast %add3A_484 : vector<16xf32> to vector<1x16xf32>
      tpu.vector_store %arg14[%swap3A_485, %swap3A_486], %swap3A_489 {strides = array<i32>} : memref<64x256xf32, #tpu.memory_space<vmem>>, vector<1x16xf32>,
      %mul3A_490 = arith.mulf %sub3A_476, %sub3A_476 : vector<16xf32>
      %add3A_491 = arith.addf %add3A_457, %mul3A_490 : vector<16xf32>
      %mul3A_492 = arith.mulf %sub3A_477, %sub3A_477 : vector<16xf32>
      %add3A_493 = arith.addf %add3A_459, %mul3A_492 : vector<16xf32>
      %get3A_494 = arith.index_cast %scan3A_356 : i32 to index
      %get3A_495 = arith.constant 128 : index
      %get3A_496 = tpu.vector_load %arg10[%get3A_494, %get3A_495] {strides = array<i32>} : memref<64x256xf32, #tpu.memory_space<vmem>>, vector<1x16xf32>,
      %get3A_497 = vector.shape_cast %get3A_496 : vector<1x16xf32> to vector<16xf32>
      %get3A_498 = arith.index_cast %scan3A_356 : i32 to index
      %get3A_499 = arith.constant 128 : index
      %get3A_500 = tpu.vector_load %arg12[%get3A_498, %get3A_499] {strides = array<i32>} : memref<64x256xf32, #tpu.memory_space<vmem>>, vector<1x16xf32>,
      %get3A_501 = vector.shape_cast %get3A_500 : vector<1x16xf32> to vector<16xf32>
      %get3A_502 = arith.index_cast %scan3A_356 : i32 to index
      %get3A_503 = arith.constant 144 : index
      %get3A_504 = tpu.vector_load %arg10[%get3A_502, %get3A_503] {strides = array<i32>} : memref<64x256xf32, #tpu.memory_space<vmem>>, vector<1x16xf32>,
      %get3A_505 = vector.shape_cast %get3A_504 : vector<1x16xf32> to vector<16xf32>
      %get3A_506 = arith.index_cast %scan3A_356 : i32 to index
      %get3A_507 = arith.constant 144 : index
      %get3A_508 = tpu.vector_load %arg12[%get3A_506, %get3A_507] {strides = array<i32>} : memref<64x256xf32, #tpu.memory_space<vmem>>, vector<1x16xf32>,
      %get3A_509 = vector.shape_cast %get3A_508 : vector<1x16xf32> to vector<16xf32>
      %sub3A_510 = arith.subf %get3A_497, %get3A_501 : vector<16xf32>
      %sub3A_511 = arith.subf %get3A_505, %get3A_509 : vector<16xf32>
      %add3A_512 = arith.addf %get3A_501, %sub3A_510 : vector<16xf32>
      %swap3A_513 = arith.index_cast %scan3A_356 : i32 to index
      %swap3A_514 = arith.constant 128 : index
      %swap3A_515 = tpu.vector_load %arg14[%swap3A_513, %swap3A_514] {strides = array<i32>} : memref<64x256xf32, #tpu.memory_space<vmem>>, vector<1x16xf32>,
      %swap3A_516 = vector.shape_cast %swap3A_515 : vector<1x16xf32> to vector<16xf32>
      %swap3A_517 = vector.shape_cast %add3A_512 : vector<16xf32> to vector<1x16xf32>
      tpu.vector_store %arg14[%swap3A_513, %swap3A_514], %swap3A_517 {strides = array<i32>} : memref<64x256xf32, #tpu.memory_space<vmem>>, vector<1x16xf32>,
      %add3A_518 = arith.addf %get3A_509, %sub3A_511 : vector<16xf32>
      %swap3A_519 = arith.index_cast %scan3A_356 : i32 to index
      %swap3A_520 = arith.constant 144 : index
      %swap3A_521 = tpu.vector_load %arg14[%swap3A_519, %swap3A_520] {strides = array<i32>} : memref<64x256xf32, #tpu.memory_space<vmem>>, vector<1x16xf32>,
      %swap3A_522 = vector.shape_cast %swap3A_521 : vector<1x16xf32> to vector<16xf32>
      %swap3A_523 = vector.shape_cast %add3A_518 : vector<16xf32> to vector<1x16xf32>
      tpu.vector_store %arg14[%swap3A_519, %swap3A_520], %swap3A_523 {strides = array<i32>} : memref<64x256xf32, #tpu.memory_space<vmem>>, vector<1x16xf32>,
      %mul3A_524 = arith.mulf %sub3A_510, %sub3A_510 : vector<16xf32>
      %add3A_525 = arith.addf %add3A_491, %mul3A_524 : vector<16xf32>
      %mul3A_526 = arith.mulf %sub3A_511, %sub3A_511 : vector<16xf32>
      %add3A_527 = arith.addf %add3A_493, %mul3A_526 : vector<16xf32>
      %get3A_528 = arith.index_cast %scan3A_356 : i32 to index
      %get3A_529 = arith.constant 160 : index
      %get3A_530 = tpu.vector_load %arg10[%get3A_528, %get3A_529] {strides = array<i32>} : memref<64x256xf32, #tpu.memory_space<vmem>>, vector<1x16xf32>,
      %get3A_531 = vector.shape_cast %get3A_530 : vector<1x16xf32> to vector<16xf32>
      %get3A_532 = arith.index_cast %scan3A_356 : i32 to index
      %get3A_533 = arith.constant 160 : index
      %get3A_534 = tpu.vector_load %arg12[%get3A_532, %get3A_533] {strides = array<i32>} : memref<64x256xf32, #tpu.memory_space<vmem>>, vector<1x16xf32>,
      %get3A_535 = vector.shape_cast %get3A_534 : vector<1x16xf32> to vector<16xf32>
      %get3A_536 = arith.index_cast %scan3A_356 : i32 to index
      %get3A_537 = arith.constant 176 : index
      %get3A_538 = tpu.vector_load %arg10[%get3A_536, %get3A_537] {strides = array<i32>} : memref<64x256xf32, #tpu.memory_space<vmem>>, vector<1x16xf32>,
      %get3A_539 = vector.shape_cast %get3A_538 : vector<1x16xf32> to vector<16xf32>
      %get3A_540 = arith.index_cast %scan3A_356 : i32 to index
      %get3A_541 = arith.constant 176 : index
      %get3A_542 = tpu.vector_load %arg12[%get3A_540, %get3A_541] {strides = array<i32>} : memref<64x256xf32, #tpu.memory_space<vmem>>, vector<1x16xf32>,
      %get3A_543 = vector.shape_cast %get3A_542 : vector<1x16xf32> to vector<16xf32>
      %sub3A_544 = arith.subf %get3A_531, %get3A_535 : vector<16xf32>
      %sub3A_545 = arith.subf %get3A_539, %get3A_543 : vector<16xf32>
      %add3A_546 = arith.addf %get3A_535, %sub3A_544 : vector<16xf32>
      %swap3A_547 = arith.index_cast %scan3A_356 : i32 to index
      %swap3A_548 = arith.constant 160 : index
      %swap3A_549 = tpu.vector_load %arg14[%swap3A_547, %swap3A_548] {strides = array<i32>} : memref<64x256xf32, #tpu.memory_space<vmem>>, vector<1x16xf32>,
      %swap3A_550 = vector.shape_cast %swap3A_549 : vector<1x16xf32> to vector<16xf32>
      %swap3A_551 = vector.shape_cast %add3A_546 : vector<16xf32> to vector<1x16xf32>
      tpu.vector_store %arg14[%swap3A_547, %swap3A_548], %swap3A_551 {strides = array<i32>} : memref<64x256xf32, #tpu.memory_space<vmem>>, vector<1x16xf32>,
      %add3A_552 = arith.addf %get3A_543, %sub3A_545 : vector<16xf32>
      %swap3A_553 = arith.index_cast %scan3A_356 : i32 to index
      %swap3A_554 = arith.constant 176 : index
      %swap3A_555 = tpu.vector_load %arg14[%swap3A_553, %swap3A_554] {strides = array<i32>} : memref<64x256xf32, #tpu.memory_space<vmem>>, vector<1x16xf32>,
      %swap3A_556 = vector.shape_cast %swap3A_555 : vector<1x16xf32> to vector<16xf32>
      %swap3A_557 = vector.shape_cast %add3A_552 : vector<16xf32> to vector<1x16xf32>
      tpu.vector_store %arg14[%swap3A_553, %swap3A_554], %swap3A_557 {strides = array<i32>} : memref<64x256xf32, #tpu.memory_space<vmem>>, vector<1x16xf32>,
      %mul3A_558 = arith.mulf %sub3A_544, %sub3A_544 : vector<16xf32>
      %add3A_559 = arith.addf %add3A_525, %mul3A_558 : vector<16xf32>
      %mul3A_560 = arith.mulf %sub3A_545, %sub3A_545 : vector<16xf32>
      %add3A_561 = arith.addf %add3A_527, %mul3A_560 : vector<16xf32>
      %get3A_562 = arith.index_cast %scan3A_356 : i32 to index
      %get3A_563 = arith.constant 192 : index
      %get3A_564 = tpu.vector_load %arg10[%get3A_562, %get3A_563] {strides = array<i32>} : memref<64x256xf32, #tpu.memory_space<vmem>>, vector<1x16xf32>,
      %get3A_565 = vector.shape_cast %get3A_564 : vector<1x16xf32> to vector<16xf32>
      %get3A_566 = arith.index_cast %scan3A_356 : i32 to index
      %get3A_567 = arith.constant 192 : index
      %get3A_568 = tpu.vector_load %arg12[%get3A_566, %get3A_567] {strides = array<i32>} : memref<64x256xf32, #tpu.memory_space<vmem>>, vector<1x16xf32>,
      %get3A_569 = vector.shape_cast %get3A_568 : vector<1x16xf32> to vector<16xf32>
      %get3A_570 = arith.index_cast %scan3A_356 : i32 to index
      %get3A_571 = arith.constant 208 : index
      %get3A_572 = tpu.vector_load %arg10[%get3A_570, %get3A_571] {strides = array<i32>} : memref<64x256xf32, #tpu.memory_space<vmem>>, vector<1x16xf32>,
      %get3A_573 = vector.shape_cast %get3A_572 : vector<1x16xf32> to vector<16xf32>
      %get3A_574 = arith.index_cast %scan3A_356 : i32 to index
      %get3A_575 = arith.constant 208 : index
      %get3A_576 = tpu.vector_load %arg12[%get3A_574, %get3A_575] {strides = array<i32>} : memref<64x256xf32, #tpu.memory_space<vmem>>, vector<1x16xf32>,
      %get3A_577 = vector.shape_cast %get3A_576 : vector<1x16xf32> to vector<16xf32>
      %sub3A_578 = arith.subf %get3A_565, %get3A_569 : vector<16xf32>
      %sub3A_579 = arith.subf %get3A_573, %get3A_577 : vector<16xf32>
      %add3A_580 = arith.addf %get3A_569, %sub3A_578 : vector<16xf32>
      %swap3A_581 = arith.index_cast %scan3A_356 : i32 to index
      %swap3A_582 = arith.constant 192 : index
      %swap3A_583 = tpu.vector_load %arg14[%swap3A_581, %swap3A_582] {strides = array<i32>} : memref<64x256xf32, #tpu.memory_space<vmem>>, vector<1x16xf32>,
      %swap3A_584 = vector.shape_cast %swap3A_583 : vector<1x16xf32> to vector<16xf32>
      %swap3A_585 = vector.shape_cast %add3A_580 : vector<16xf32> to vector<1x16xf32>
      tpu.vector_store %arg14[%swap3A_581, %swap3A_582], %swap3A_585 {strides = array<i32>} : memref<64x256xf32, #tpu.memory_space<vmem>>, vector<1x16xf32>,
      %add3A_586 = arith.addf %get3A_577, %sub3A_579 : vector<16xf32>
      %swap3A_587 = arith.index_cast %scan3A_356 : i32 to index
      %swap3A_588 = arith.constant 208 : index
      %swap3A_589 = tpu.vector_load %arg14[%swap3A_587, %swap3A_588] {strides = array<i32>} : memref<64x256xf32, #tpu.memory_space<vmem>>, vector<1x16xf32>,
      %swap3A_590 = vector.shape_cast %swap3A_589 : vector<1x16xf32> to vector<16xf32>
      %swap3A_591 = vector.shape_cast %add3A_586 : vector<16xf32> to vector<1x16xf32>
      tpu.vector_store %arg14[%swap3A_587, %swap3A_588], %swap3A_591 {strides = array<i32>} : memref<64x256xf32, #tpu.memory_space<vmem>>, vector<1x16xf32>,
      %mul3A_592 = arith.mulf %sub3A_578, %sub3A_578 : vector<16xf32>
      %add3A_593 = arith.addf %add3A_559, %mul3A_592 : vector<16xf32>
      %mul3A_594 = arith.mulf %sub3A_579, %sub3A_579 : vector<16xf32>
      %add3A_595 = arith.addf %add3A_561, %mul3A_594 : vector<16xf32>
      %get3A_596 = arith.index_cast %scan3A_356 : i32 to index
      %get3A_597 = arith.constant 224 : index
      %get3A_598 = tpu.vector_load %arg10[%get3A_596, %get3A_597] {strides = array<i32>} : memref<64x256xf32, #tpu.memory_space<vmem>>, vector<1x16xf32>,
      %get3A_599 = vector.shape_cast %get3A_598 : vector<1x16xf32> to vector<16xf32>
      %get3A_600 = arith.index_cast %scan3A_356 : i32 to index
      %get3A_601 = arith.constant 224 : index
      %get3A_602 = tpu.vector_load %arg12[%get3A_600, %get3A_601] {strides = array<i32>} : memref<64x256xf32, #tpu.memory_space<vmem>>, vector<1x16xf32>,
      %get3A_603 = vector.shape_cast %get3A_602 : vector<1x16xf32> to vector<16xf32>
      %get3A_604 = arith.index_cast %scan3A_356 : i32 to index
      %get3A_605 = arith.constant 240 : index
      %get3A_606 = tpu.vector_load %arg10[%get3A_604, %get3A_605] {strides = array<i32>} : memref<64x256xf32, #tpu.memory_space<vmem>>, vector<1x16xf32>,
      %get3A_607 = vector.shape_cast %get3A_606 : vector<1x16xf32> to vector<16xf32>
      %get3A_608 = arith.index_cast %scan3A_356 : i32 to index
      %get3A_609 = arith.constant 240 : index
      %get3A_610 = tpu.vector_load %arg12[%get3A_608, %get3A_609] {strides = array<i32>} : memref<64x256xf32, #tpu.memory_space<vmem>>, vector<1x16xf32>,
      %get3A_611 = vector.shape_cast %get3A_610 : vector<1x16xf32> to vector<16xf32>
      %sub3A_612 = arith.subf %get3A_599, %get3A_603 : vector<16xf32>
      %sub3A_613 = arith.subf %get3A_607, %get3A_611 : vector<16xf32>
      %add3A_614 = arith.addf %get3A_603, %sub3A_612 : vector<16xf32>
      %swap3A_615 = arith.index_cast %scan3A_356 : i32 to index
      %swap3A_616 = arith.constant 224 : index
      %swap3A_617 = tpu.vector_load %arg14[%swap3A_615, %swap3A_616] {strides = array<i32>} : memref<64x256xf32, #tpu.memory_space<vmem>>, vector<1x16xf32>,
      %swap3A_618 = vector.shape_cast %swap3A_617 : vector<1x16xf32> to vector<16xf32>
      %swap3A_619 = vector.shape_cast %add3A_614 : vector<16xf32> to vector<1x16xf32>
      tpu.vector_store %arg14[%swap3A_615, %swap3A_616], %swap3A_619 {strides = array<i32>} : memref<64x256xf32, #tpu.memory_space<vmem>>, vector<1x16xf32>,
      %add3A_620 = arith.addf %get3A_611, %sub3A_613 : vector<16xf32>
      %swap3A_621 = arith.index_cast %scan3A_356 : i32 to index
      %swap3A_622 = arith.constant 240 : index
      %swap3A_623 = tpu.vector_load %arg14[%swap3A_621, %swap3A_622] {strides = array<i32>} : memref<64x256xf32, #tpu.memory_space<vmem>>, vector<1x16xf32>,
      %swap3A_624 = vector.shape_cast %swap3A_623 : vector<1x16xf32> to vector<16xf32>
      %swap3A_625 = vector.shape_cast %add3A_620 : vector<16xf32> to vector<1x16xf32>
      tpu.vector_store %arg14[%swap3A_621, %swap3A_622], %swap3A_625 {strides = array<i32>} : memref<64x256xf32, #tpu.memory_space<vmem>>, vector<1x16xf32>,
      %mul3A_626 = arith.mulf %sub3A_612, %sub3A_612 : vector<16xf32>
      %add3A_627 = arith.addf %add3A_593, %mul3A_626 : vector<16xf32>
      %mul3A_628 = arith.mulf %sub3A_613, %sub3A_613 : vector<16xf32>
      %add3A_629 = arith.addf %add3A_595, %mul3A_628 : vector<16xf32>
      scf.yield %add3A_627, %add3A_629 : vector<16xf32>, vector<16xf32>
    }
    %scan3A_310 = arith.constant 64 : i32
    %dma_start3A_311 = arith.constant 0 : i32
    %dma_start3A_312 = tpu.memref_slice %arg5[%add3A_278, %dma_start3A_311] : memref<16384x256xf32, #tpu.memory_space<hbm>> -> memref<64x256xf32, #tpu.memory_space<hbm>>
    %dma_start3A_313 = arith.constant 0 : i32
    %dma_start3A_314 = tpu.memref_slice %arg5[%add3A_278, %dma_start3A_313] : memref<16384x256xf32, #tpu.memory_space<hbm>> -> memref<64x256xf32, #tpu.memory_space<hbm>>
    tpu.enqueue_dma source(%arg14 : memref<64x256xf32, #tpu.memory_space<vmem>>) target(%dma_start3A_314 : memref<64x256xf32, #tpu.memory_space<hbm>>) target_semaphore(%arg22 : memref<!tpu.dma_semaphore, #tpu.memory_space<semaphore_mem>>)
    %add3A_315 = arith.constant 448 : i32
    %add3A_316 = arith.addi %mul3A_2, %add3A_315 : i32
    %dma_wait3A_317 = arith.constant 0 : i32
    %dma_wait3A_318 = arith.constant 0 : i32
    %dma_wait3A_319 = tpu.memref_slice %arg2[%dma_wait3A_317, %dma_wait3A_318] : memref<8192x256xf32, #tpu.memory_space<hbm>> -> memref<8192x256xf32, #tpu.memory_space<hbm>>
    tpu.wait_indirect_dma semaphore(%arg21 : memref<!tpu.dma_semaphore, #tpu.memory_space<semaphore_mem>>) src(%dma_wait3A_319 : memref<8192x256xf32, #tpu.memory_space<hbm>>) dst(%arg11 : memref<64x256xf32, #tpu.memory_space<vmem>>)
    %dma_wait3A_320 = arith.constant 0 : i32
    %dma_wait3A_321 = tpu.memref_slice %arg4[%add3A_284, %dma_wait3A_320] : memref<16384x256xf32, #tpu.memory_space<hbm>> -> memref<64x256xf32, #tpu.memory_space<hbm>>
    %dma_wait3A_322 = arith.constant 0 : i32
    %dma_wait3A_323 = tpu.memref_slice %arg4[%add3A_284, %dma_wait3A_322] : memref<16384x256xf32, #tpu.memory_space<hbm>> -> memref<64x256xf32, #tpu.memory_space<hbm>>
    tpu.wait_dma2 semaphore(%arg21 : memref<!tpu.dma_semaphore, #tpu.memory_space<semaphore_mem>>) src(%dma_wait3A_323 : memref<64x256xf32, #tpu.memory_space<hbm>>) dst(%arg13 : memref<64x256xf32, #tpu.memory_space<vmem>>)
    %scan3A_324 = arith.constant 0 : i32
    %scan3A_325 = arith.constant 64 : i32
    %scan3A_326 = arith.addi %scan3A_324, %scan3A_325 : i32
    %scan3A_327 = arith.constant 1 : i32
    %scan3A_328:2 = scf.for %scan3A_356 = %scan3A_324 to %scan3A_326 step %scan3A_327 iter_args(%scan3A_357 = %scan3A_309#0, %scan3A_358 = %scan3A_309#1) -> (vector<16xf32>, vector<16xf32>)  : i32 {
      %get3A = arith.index_cast %scan3A_356 : i32 to index
      %get3A_359 = arith.constant 0 : index
      %get3A_360 = tpu.vector_load %arg11[%get3A, %get3A_359] {strides = array<i32>} : memref<64x256xf32, #tpu.memory_space<vmem>>, vector<1x16xf32>,
      %get3A_361 = vector.shape_cast %get3A_360 : vector<1x16xf32> to vector<16xf32>
      %get3A_362 = arith.index_cast %scan3A_356 : i32 to index
      %get3A_363 = arith.constant 0 : index
      %get3A_364 = tpu.vector_load %arg13[%get3A_362, %get3A_363] {strides = array<i32>} : memref<64x256xf32, #tpu.memory_space<vmem>>, vector<1x16xf32>,
      %get3A_365 = vector.shape_cast %get3A_364 : vector<1x16xf32> to vector<16xf32>
      %get3A_366 = arith.index_cast %scan3A_356 : i32 to index
      %get3A_367 = arith.constant 16 : index
      %get3A_368 = tpu.vector_load %arg11[%get3A_366, %get3A_367] {strides = array<i32>} : memref<64x256xf32, #tpu.memory_space<vmem>>, vector<1x16xf32>,
      %get3A_369 = vector.shape_cast %get3A_368 : vector<1x16xf32> to vector<16xf32>
      %get3A_370 = arith.index_cast %scan3A_356 : i32 to index
      %get3A_371 = arith.constant 16 : index
      %get3A_372 = tpu.vector_load %arg13[%get3A_370, %get3A_371] {strides = array<i32>} : memref<64x256xf32, #tpu.memory_space<vmem>>, vector<1x16xf32>,
      %get3A_373 = vector.shape_cast %get3A_372 : vector<1x16xf32> to vector<16xf32>
      %sub3A_374 = arith.subf %get3A_361, %get3A_365 : vector<16xf32>
      %sub3A_375 = arith.subf %get3A_369, %get3A_373 : vector<16xf32>
      %add3A_376 = arith.addf %get3A_365, %sub3A_374 : vector<16xf32>
      %swap3A_377 = arith.index_cast %scan3A_356 : i32 to index
      %swap3A_378 = arith.constant 0 : index
      %swap3A_379 = tpu.vector_load %arg15[%swap3A_377, %swap3A_378] {strides = array<i32>} : memref<64x256xf32, #tpu.memory_space<vmem>>, vector<1x16xf32>,
      %swap3A_380 = vector.shape_cast %swap3A_379 : vector<1x16xf32> to vector<16xf32>
      %swap3A_381 = vector.shape_cast %add3A_376 : vector<16xf32> to vector<1x16xf32>
      tpu.vector_store %arg15[%swap3A_377, %swap3A_378], %swap3A_381 {strides = array<i32>} : memref<64x256xf32, #tpu.memory_space<vmem>>, vector<1x16xf32>,
      %add3A_382 = arith.addf %get3A_373, %sub3A_375 : vector<16xf32>
      %swap3A_383 = arith.index_cast %scan3A_356 : i32 to index
      %swap3A_384 = arith.constant 16 : index
      %swap3A_385 = tpu.vector_load %arg15[%swap3A_383, %swap3A_384] {strides = array<i32>} : memref<64x256xf32, #tpu.memory_space<vmem>>, vector<1x16xf32>,
      %swap3A_386 = vector.shape_cast %swap3A_385 : vector<1x16xf32> to vector<16xf32>
      %swap3A_387 = vector.shape_cast %add3A_382 : vector<16xf32> to vector<1x16xf32>
      tpu.vector_store %arg15[%swap3A_383, %swap3A_384], %swap3A_387 {strides = array<i32>} : memref<64x256xf32, #tpu.memory_space<vmem>>, vector<1x16xf32>,
      %mul3A_388 = arith.mulf %sub3A_374, %sub3A_374 : vector<16xf32>
      %add3A_389 = arith.addf %scan3A_357, %mul3A_388 : vector<16xf32>
      %mul3A_390 = arith.mulf %sub3A_375, %sub3A_375 : vector<16xf32>
      %add3A_391 = arith.addf %scan3A_358, %mul3A_390 : vector<16xf32>
      %get3A_392 = arith.index_cast %scan3A_356 : i32 to index
      %get3A_393 = arith.constant 32 : index
      %get3A_394 = tpu.vector_load %arg11[%get3A_392, %get3A_393] {strides = array<i32>} : memref<64x256xf32, #tpu.memory_space<vmem>>, vector<1x16xf32>,
      %get3A_395 = vector.shape_cast %get3A_394 : vector<1x16xf32> to vector<16xf32>
      %get3A_396 = arith.index_cast %scan3A_356 : i32 to index
      %get3A_397 = arith.constant 32 : index
      %get3A_398 = tpu.vector_load %arg13[%get3A_396, %get3A_397] {strides = array<i32>} : memref<64x256xf32, #tpu.memory_space<vmem>>, vector<1x16xf32>,
      %get3A_399 = vector.shape_cast %get3A_398 : vector<1x16xf32> to vector<16xf32>
      %get3A_400 = arith.index_cast %scan3A_356 : i32 to index
      %get3A_401 = arith.constant 48 : index
      %get3A_402 = tpu.vector_load %arg11[%get3A_400, %get3A_401] {strides = array<i32>} : memref<64x256xf32, #tpu.memory_space<vmem>>, vector<1x16xf32>,
      %get3A_403 = vector.shape_cast %get3A_402 : vector<1x16xf32> to vector<16xf32>
      %get3A_404 = arith.index_cast %scan3A_356 : i32 to index
      %get3A_405 = arith.constant 48 : index
      %get3A_406 = tpu.vector_load %arg13[%get3A_404, %get3A_405] {strides = array<i32>} : memref<64x256xf32, #tpu.memory_space<vmem>>, vector<1x16xf32>,
      %get3A_407 = vector.shape_cast %get3A_406 : vector<1x16xf32> to vector<16xf32>
      %sub3A_408 = arith.subf %get3A_395, %get3A_399 : vector<16xf32>
      %sub3A_409 = arith.subf %get3A_403, %get3A_407 : vector<16xf32>
      %add3A_410 = arith.addf %get3A_399, %sub3A_408 : vector<16xf32>
      %swap3A_411 = arith.index_cast %scan3A_356 : i32 to index
      %swap3A_412 = arith.constant 32 : index
      %swap3A_413 = tpu.vector_load %arg15[%swap3A_411, %swap3A_412] {strides = array<i32>} : memref<64x256xf32, #tpu.memory_space<vmem>>, vector<1x16xf32>,
      %swap3A_414 = vector.shape_cast %swap3A_413 : vector<1x16xf32> to vector<16xf32>
      %swap3A_415 = vector.shape_cast %add3A_410 : vector<16xf32> to vector<1x16xf32>
      tpu.vector_store %arg15[%swap3A_411, %swap3A_412], %swap3A_415 {strides = array<i32>} : memref<64x256xf32, #tpu.memory_space<vmem>>, vector<1x16xf32>,
      %add3A_416 = arith.addf %get3A_407, %sub3A_409 : vector<16xf32>
      %swap3A_417 = arith.index_cast %scan3A_356 : i32 to index
      %swap3A_418 = arith.constant 48 : index
      %swap3A_419 = tpu.vector_load %arg15[%swap3A_417, %swap3A_418] {strides = array<i32>} : memref<64x256xf32, #tpu.memory_space<vmem>>, vector<1x16xf32>,
      %swap3A_420 = vector.shape_cast %swap3A_419 : vector<1x16xf32> to vector<16xf32>
      %swap3A_421 = vector.shape_cast %add3A_416 : vector<16xf32> to vector<1x16xf32>
      tpu.vector_store %arg15[%swap3A_417, %swap3A_418], %swap3A_421 {strides = array<i32>} : memref<64x256xf32, #tpu.memory_space<vmem>>, vector<1x16xf32>,
      %mul3A_422 = arith.mulf %sub3A_408, %sub3A_408 : vector<16xf32>
      %add3A_423 = arith.addf %add3A_389, %mul3A_422 : vector<16xf32>
      %mul3A_424 = arith.mulf %sub3A_409, %sub3A_409 : vector<16xf32>
      %add3A_425 = arith.addf %add3A_391, %mul3A_424 : vector<16xf32>
      %get3A_426 = arith.index_cast %scan3A_356 : i32 to index
      %get3A_427 = arith.constant 64 : index
      %get3A_428 = tpu.vector_load %arg11[%get3A_426, %get3A_427] {strides = array<i32>} : memref<64x256xf32, #tpu.memory_space<vmem>>, vector<1x16xf32>,
      %get3A_429 = vector.shape_cast %get3A_428 : vector<1x16xf32> to vector<16xf32>
      %get3A_430 = arith.index_cast %scan3A_356 : i32 to index
      %get3A_431 = arith.constant 64 : index
      %get3A_432 = tpu.vector_load %arg13[%get3A_430, %get3A_431] {strides = array<i32>} : memref<64x256xf32, #tpu.memory_space<vmem>>, vector<1x16xf32>,
      %get3A_433 = vector.shape_cast %get3A_432 : vector<1x16xf32> to vector<16xf32>
      %get3A_434 = arith.index_cast %scan3A_356 : i32 to index
      %get3A_435 = arith.constant 80 : index
      %get3A_436 = tpu.vector_load %arg11[%get3A_434, %get3A_435] {strides = array<i32>} : memref<64x256xf32, #tpu.memory_space<vmem>>, vector<1x16xf32>,
      %get3A_437 = vector.shape_cast %get3A_436 : vector<1x16xf32> to vector<16xf32>
      %get3A_438 = arith.index_cast %scan3A_356 : i32 to index
      %get3A_439 = arith.constant 80 : index
      %get3A_440 = tpu.vector_load %arg13[%get3A_438, %get3A_439] {strides = array<i32>} : memref<64x256xf32, #tpu.memory_space<vmem>>, vector<1x16xf32>,
      %get3A_441 = vector.shape_cast %get3A_440 : vector<1x16xf32> to vector<16xf32>
      %sub3A_442 = arith.subf %get3A_429, %get3A_433 : vector<16xf32>
      %sub3A_443 = arith.subf %get3A_437, %get3A_441 : vector<16xf32>
      %add3A_444 = arith.addf %get3A_433, %sub3A_442 : vector<16xf32>
      %swap3A_445 = arith.index_cast %scan3A_356 : i32 to index
      %swap3A_446 = arith.constant 64 : index
      %swap3A_447 = tpu.vector_load %arg15[%swap3A_445, %swap3A_446] {strides = array<i32>} : memref<64x256xf32, #tpu.memory_space<vmem>>, vector<1x16xf32>,
      %swap3A_448 = vector.shape_cast %swap3A_447 : vector<1x16xf32> to vector<16xf32>
      %swap3A_449 = vector.shape_cast %add3A_444 : vector<16xf32> to vector<1x16xf32>
      tpu.vector_store %arg15[%swap3A_445, %swap3A_446], %swap3A_449 {strides = array<i32>} : memref<64x256xf32, #tpu.memory_space<vmem>>, vector<1x16xf32>,
      %add3A_450 = arith.addf %get3A_441, %sub3A_443 : vector<16xf32>
      %swap3A_451 = arith.index_cast %scan3A_356 : i32 to index
      %swap3A_452 = arith.constant 80 : index
      %swap3A_453 = tpu.vector_load %arg15[%swap3A_451, %swap3A_452] {strides = array<i32>} : memref<64x256xf32, #tpu.memory_space<vmem>>, vector<1x16xf32>,
      %swap3A_454 = vector.shape_cast %swap3A_453 : vector<1x16xf32> to vector<16xf32>
      %swap3A_455 = vector.shape_cast %add3A_450 : vector<16xf32> to vector<1x16xf32>
      tpu.vector_store %arg15[%swap3A_451, %swap3A_452], %swap3A_455 {strides = array<i32>} : memref<64x256xf32, #tpu.memory_space<vmem>>, vector<1x16xf32>,
      %mul3A_456 = arith.mulf %sub3A_442, %sub3A_442 : vector<16xf32>
      %add3A_457 = arith.addf %add3A_423, %mul3A_456 : vector<16xf32>
      %mul3A_458 = arith.mulf %sub3A_443, %sub3A_443 : vector<16xf32>
      %add3A_459 = arith.addf %add3A_425, %mul3A_458 : vector<16xf32>
      %get3A_460 = arith.index_cast %scan3A_356 : i32 to index
      %get3A_461 = arith.constant 96 : index
      %get3A_462 = tpu.vector_load %arg11[%get3A_460, %get3A_461] {strides = array<i32>} : memref<64x256xf32, #tpu.memory_space<vmem>>, vector<1x16xf32>,
      %get3A_463 = vector.shape_cast %get3A_462 : vector<1x16xf32> to vector<16xf32>
      %get3A_464 = arith.index_cast %scan3A_356 : i32 to index
      %get3A_465 = arith.constant 96 : index
      %get3A_466 = tpu.vector_load %arg13[%get3A_464, %get3A_465] {strides = array<i32>} : memref<64x256xf32, #tpu.memory_space<vmem>>, vector<1x16xf32>,
      %get3A_467 = vector.shape_cast %get3A_466 : vector<1x16xf32> to vector<16xf32>
      %get3A_468 = arith.index_cast %scan3A_356 : i32 to index
      %get3A_469 = arith.constant 112 : index
      %get3A_470 = tpu.vector_load %arg11[%get3A_468, %get3A_469] {strides = array<i32>} : memref<64x256xf32, #tpu.memory_space<vmem>>, vector<1x16xf32>,
      %get3A_471 = vector.shape_cast %get3A_470 : vector<1x16xf32> to vector<16xf32>
      %get3A_472 = arith.index_cast %scan3A_356 : i32 to index
      %get3A_473 = arith.constant 112 : index
      %get3A_474 = tpu.vector_load %arg13[%get3A_472, %get3A_473] {strides = array<i32>} : memref<64x256xf32, #tpu.memory_space<vmem>>, vector<1x16xf32>,
      %get3A_475 = vector.shape_cast %get3A_474 : vector<1x16xf32> to vector<16xf32>
      %sub3A_476 = arith.subf %get3A_463, %get3A_467 : vector<16xf32>
      %sub3A_477 = arith.subf %get3A_471, %get3A_475 : vector<16xf32>
      %add3A_478 = arith.addf %get3A_467, %sub3A_476 : vector<16xf32>
      %swap3A_479 = arith.index_cast %scan3A_356 : i32 to index
      %swap3A_480 = arith.constant 96 : index
      %swap3A_481 = tpu.vector_load %arg15[%swap3A_479, %swap3A_480] {strides = array<i32>} : memref<64x256xf32, #tpu.memory_space<vmem>>, vector<1x16xf32>,
      %swap3A_482 = vector.shape_cast %swap3A_481 : vector<1x16xf32> to vector<16xf32>
      %swap3A_483 = vector.shape_cast %add3A_478 : vector<16xf32> to vector<1x16xf32>
      tpu.vector_store %arg15[%swap3A_479, %swap3A_480], %swap3A_483 {strides = array<i32>} : memref<64x256xf32, #tpu.memory_space<vmem>>, vector<1x16xf32>,
      %add3A_484 = arith.addf %get3A_475, %sub3A_477 : vector<16xf32>
      %swap3A_485 = arith.index_cast %scan3A_356 : i32 to index
      %swap3A_486 = arith.constant 112 : index
      %swap3A_487 = tpu.vector_load %arg15[%swap3A_485, %swap3A_486] {strides = array<i32>} : memref<64x256xf32, #tpu.memory_space<vmem>>, vector<1x16xf32>,
      %swap3A_488 = vector.shape_cast %swap3A_487 : vector<1x16xf32> to vector<16xf32>
      %swap3A_489 = vector.shape_cast %add3A_484 : vector<16xf32> to vector<1x16xf32>
      tpu.vector_store %arg15[%swap3A_485, %swap3A_486], %swap3A_489 {strides = array<i32>} : memref<64x256xf32, #tpu.memory_space<vmem>>, vector<1x16xf32>,
      %mul3A_490 = arith.mulf %sub3A_476, %sub3A_476 : vector<16xf32>
      %add3A_491 = arith.addf %add3A_457, %mul3A_490 : vector<16xf32>
      %mul3A_492 = arith.mulf %sub3A_477, %sub3A_477 : vector<16xf32>
      %add3A_493 = arith.addf %add3A_459, %mul3A_492 : vector<16xf32>
      %get3A_494 = arith.index_cast %scan3A_356 : i32 to index
      %get3A_495 = arith.constant 128 : index
      %get3A_496 = tpu.vector_load %arg11[%get3A_494, %get3A_495] {strides = array<i32>} : memref<64x256xf32, #tpu.memory_space<vmem>>, vector<1x16xf32>,
      %get3A_497 = vector.shape_cast %get3A_496 : vector<1x16xf32> to vector<16xf32>
      %get3A_498 = arith.index_cast %scan3A_356 : i32 to index
      %get3A_499 = arith.constant 128 : index
      %get3A_500 = tpu.vector_load %arg13[%get3A_498, %get3A_499] {strides = array<i32>} : memref<64x256xf32, #tpu.memory_space<vmem>>, vector<1x16xf32>,
      %get3A_501 = vector.shape_cast %get3A_500 : vector<1x16xf32> to vector<16xf32>
      %get3A_502 = arith.index_cast %scan3A_356 : i32 to index
      %get3A_503 = arith.constant 144 : index
      %get3A_504 = tpu.vector_load %arg11[%get3A_502, %get3A_503] {strides = array<i32>} : memref<64x256xf32, #tpu.memory_space<vmem>>, vector<1x16xf32>,
      %get3A_505 = vector.shape_cast %get3A_504 : vector<1x16xf32> to vector<16xf32>
      %get3A_506 = arith.index_cast %scan3A_356 : i32 to index
      %get3A_507 = arith.constant 144 : index
      %get3A_508 = tpu.vector_load %arg13[%get3A_506, %get3A_507] {strides = array<i32>} : memref<64x256xf32, #tpu.memory_space<vmem>>, vector<1x16xf32>,
      %get3A_509 = vector.shape_cast %get3A_508 : vector<1x16xf32> to vector<16xf32>
      %sub3A_510 = arith.subf %get3A_497, %get3A_501 : vector<16xf32>
      %sub3A_511 = arith.subf %get3A_505, %get3A_509 : vector<16xf32>
      %add3A_512 = arith.addf %get3A_501, %sub3A_510 : vector<16xf32>
      %swap3A_513 = arith.index_cast %scan3A_356 : i32 to index
      %swap3A_514 = arith.constant 128 : index
      %swap3A_515 = tpu.vector_load %arg15[%swap3A_513, %swap3A_514] {strides = array<i32>} : memref<64x256xf32, #tpu.memory_space<vmem>>, vector<1x16xf32>,
      %swap3A_516 = vector.shape_cast %swap3A_515 : vector<1x16xf32> to vector<16xf32>
      %swap3A_517 = vector.shape_cast %add3A_512 : vector<16xf32> to vector<1x16xf32>
      tpu.vector_store %arg15[%swap3A_513, %swap3A_514], %swap3A_517 {strides = array<i32>} : memref<64x256xf32, #tpu.memory_space<vmem>>, vector<1x16xf32>,
      %add3A_518 = arith.addf %get3A_509, %sub3A_511 : vector<16xf32>
      %swap3A_519 = arith.index_cast %scan3A_356 : i32 to index
      %swap3A_520 = arith.constant 144 : index
      %swap3A_521 = tpu.vector_load %arg15[%swap3A_519, %swap3A_520] {strides = array<i32>} : memref<64x256xf32, #tpu.memory_space<vmem>>, vector<1x16xf32>,
      %swap3A_522 = vector.shape_cast %swap3A_521 : vector<1x16xf32> to vector<16xf32>
      %swap3A_523 = vector.shape_cast %add3A_518 : vector<16xf32> to vector<1x16xf32>
      tpu.vector_store %arg15[%swap3A_519, %swap3A_520], %swap3A_523 {strides = array<i32>} : memref<64x256xf32, #tpu.memory_space<vmem>>, vector<1x16xf32>,
      %mul3A_524 = arith.mulf %sub3A_510, %sub3A_510 : vector<16xf32>
      %add3A_525 = arith.addf %add3A_491, %mul3A_524 : vector<16xf32>
      %mul3A_526 = arith.mulf %sub3A_511, %sub3A_511 : vector<16xf32>
      %add3A_527 = arith.addf %add3A_493, %mul3A_526 : vector<16xf32>
      %get3A_528 = arith.index_cast %scan3A_356 : i32 to index
      %get3A_529 = arith.constant 160 : index
      %get3A_530 = tpu.vector_load %arg11[%get3A_528, %get3A_529] {strides = array<i32>} : memref<64x256xf32, #tpu.memory_space<vmem>>, vector<1x16xf32>,
      %get3A_531 = vector.shape_cast %get3A_530 : vector<1x16xf32> to vector<16xf32>
      %get3A_532 = arith.index_cast %scan3A_356 : i32 to index
      %get3A_533 = arith.constant 160 : index
      %get3A_534 = tpu.vector_load %arg13[%get3A_532, %get3A_533] {strides = array<i32>} : memref<64x256xf32, #tpu.memory_space<vmem>>, vector<1x16xf32>,
      %get3A_535 = vector.shape_cast %get3A_534 : vector<1x16xf32> to vector<16xf32>
      %get3A_536 = arith.index_cast %scan3A_356 : i32 to index
      %get3A_537 = arith.constant 176 : index
      %get3A_538 = tpu.vector_load %arg11[%get3A_536, %get3A_537] {strides = array<i32>} : memref<64x256xf32, #tpu.memory_space<vmem>>, vector<1x16xf32>,
      %get3A_539 = vector.shape_cast %get3A_538 : vector<1x16xf32> to vector<16xf32>
      %get3A_540 = arith.index_cast %scan3A_356 : i32 to index
      %get3A_541 = arith.constant 176 : index
      %get3A_542 = tpu.vector_load %arg13[%get3A_540, %get3A_541] {strides = array<i32>} : memref<64x256xf32, #tpu.memory_space<vmem>>, vector<1x16xf32>,
      %get3A_543 = vector.shape_cast %get3A_542 : vector<1x16xf32> to vector<16xf32>
      %sub3A_544 = arith.subf %get3A_531, %get3A_535 : vector<16xf32>
      %sub3A_545 = arith.subf %get3A_539, %get3A_543 : vector<16xf32>
      %add3A_546 = arith.addf %get3A_535, %sub3A_544 : vector<16xf32>
      %swap3A_547 = arith.index_cast %scan3A_356 : i32 to index
      %swap3A_548 = arith.constant 160 : index
      %swap3A_549 = tpu.vector_load %arg15[%swap3A_547, %swap3A_548] {strides = array<i32>} : memref<64x256xf32, #tpu.memory_space<vmem>>, vector<1x16xf32>,
      %swap3A_550 = vector.shape_cast %swap3A_549 : vector<1x16xf32> to vector<16xf32>
      %swap3A_551 = vector.shape_cast %add3A_546 : vector<16xf32> to vector<1x16xf32>
      tpu.vector_store %arg15[%swap3A_547, %swap3A_548], %swap3A_551 {strides = array<i32>} : memref<64x256xf32, #tpu.memory_space<vmem>>, vector<1x16xf32>,
      %add3A_552 = arith.addf %get3A_543, %sub3A_545 : vector<16xf32>
      %swap3A_553 = arith.index_cast %scan3A_356 : i32 to index
      %swap3A_554 = arith.constant 176 : index
      %swap3A_555 = tpu.vector_load %arg15[%swap3A_553, %swap3A_554] {strides = array<i32>} : memref<64x256xf32, #tpu.memory_space<vmem>>, vector<1x16xf32>,
      %swap3A_556 = vector.shape_cast %swap3A_555 : vector<1x16xf32> to vector<16xf32>
      %swap3A_557 = vector.shape_cast %add3A_552 : vector<16xf32> to vector<1x16xf32>
      tpu.vector_store %arg15[%swap3A_553, %swap3A_554], %swap3A_557 {strides = array<i32>} : memref<64x256xf32, #tpu.memory_space<vmem>>, vector<1x16xf32>,
      %mul3A_558 = arith.mulf %sub3A_544, %sub3A_544 : vector<16xf32>
      %add3A_559 = arith.addf %add3A_525, %mul3A_558 : vector<16xf32>
      %mul3A_560 = arith.mulf %sub3A_545, %sub3A_545 : vector<16xf32>
      %add3A_561 = arith.addf %add3A_527, %mul3A_560 : vector<16xf32>
      %get3A_562 = arith.index_cast %scan3A_356 : i32 to index
      %get3A_563 = arith.constant 192 : index
      %get3A_564 = tpu.vector_load %arg11[%get3A_562, %get3A_563] {strides = array<i32>} : memref<64x256xf32, #tpu.memory_space<vmem>>, vector<1x16xf32>,
      %get3A_565 = vector.shape_cast %get3A_564 : vector<1x16xf32> to vector<16xf32>
      %get3A_566 = arith.index_cast %scan3A_356 : i32 to index
      %get3A_567 = arith.constant 192 : index
      %get3A_568 = tpu.vector_load %arg13[%get3A_566, %get3A_567] {strides = array<i32>} : memref<64x256xf32, #tpu.memory_space<vmem>>, vector<1x16xf32>,
      %get3A_569 = vector.shape_cast %get3A_568 : vector<1x16xf32> to vector<16xf32>
      %get3A_570 = arith.index_cast %scan3A_356 : i32 to index
      %get3A_571 = arith.constant 208 : index
      %get3A_572 = tpu.vector_load %arg11[%get3A_570, %get3A_571] {strides = array<i32>} : memref<64x256xf32, #tpu.memory_space<vmem>>, vector<1x16xf32>,
      %get3A_573 = vector.shape_cast %get3A_572 : vector<1x16xf32> to vector<16xf32>
      %get3A_574 = arith.index_cast %scan3A_356 : i32 to index
      %get3A_575 = arith.constant 208 : index
      %get3A_576 = tpu.vector_load %arg13[%get3A_574, %get3A_575] {strides = array<i32>} : memref<64x256xf32, #tpu.memory_space<vmem>>, vector<1x16xf32>,
      %get3A_577 = vector.shape_cast %get3A_576 : vector<1x16xf32> to vector<16xf32>
      %sub3A_578 = arith.subf %get3A_565, %get3A_569 : vector<16xf32>
      %sub3A_579 = arith.subf %get3A_573, %get3A_577 : vector<16xf32>
      %add3A_580 = arith.addf %get3A_569, %sub3A_578 : vector<16xf32>
      %swap3A_581 = arith.index_cast %scan3A_356 : i32 to index
      %swap3A_582 = arith.constant 192 : index
      %swap3A_583 = tpu.vector_load %arg15[%swap3A_581, %swap3A_582] {strides = array<i32>} : memref<64x256xf32, #tpu.memory_space<vmem>>, vector<1x16xf32>,
      %swap3A_584 = vector.shape_cast %swap3A_583 : vector<1x16xf32> to vector<16xf32>
      %swap3A_585 = vector.shape_cast %add3A_580 : vector<16xf32> to vector<1x16xf32>
      tpu.vector_store %arg15[%swap3A_581, %swap3A_582], %swap3A_585 {strides = array<i32>} : memref<64x256xf32, #tpu.memory_space<vmem>>, vector<1x16xf32>,
      %add3A_586 = arith.addf %get3A_577, %sub3A_579 : vector<16xf32>
      %swap3A_587 = arith.index_cast %scan3A_356 : i32 to index
      %swap3A_588 = arith.constant 208 : index
      %swap3A_589 = tpu.vector_load %arg15[%swap3A_587, %swap3A_588] {strides = array<i32>} : memref<64x256xf32, #tpu.memory_space<vmem>>, vector<1x16xf32>,
      %swap3A_590 = vector.shape_cast %swap3A_589 : vector<1x16xf32> to vector<16xf32>
      %swap3A_591 = vector.shape_cast %add3A_586 : vector<16xf32> to vector<1x16xf32>
      tpu.vector_store %arg15[%swap3A_587, %swap3A_588], %swap3A_591 {strides = array<i32>} : memref<64x256xf32, #tpu.memory_space<vmem>>, vector<1x16xf32>,
      %mul3A_592 = arith.mulf %sub3A_578, %sub3A_578 : vector<16xf32>
      %add3A_593 = arith.addf %add3A_559, %mul3A_592 : vector<16xf32>
      %mul3A_594 = arith.mulf %sub3A_579, %sub3A_579 : vector<16xf32>
      %add3A_595 = arith.addf %add3A_561, %mul3A_594 : vector<16xf32>
      %get3A_596 = arith.index_cast %scan3A_356 : i32 to index
      %get3A_597 = arith.constant 224 : index
      %get3A_598 = tpu.vector_load %arg11[%get3A_596, %get3A_597] {strides = array<i32>} : memref<64x256xf32, #tpu.memory_space<vmem>>, vector<1x16xf32>,
      %get3A_599 = vector.shape_cast %get3A_598 : vector<1x16xf32> to vector<16xf32>
      %get3A_600 = arith.index_cast %scan3A_356 : i32 to index
      %get3A_601 = arith.constant 224 : index
      %get3A_602 = tpu.vector_load %arg13[%get3A_600, %get3A_601] {strides = array<i32>} : memref<64x256xf32, #tpu.memory_space<vmem>>, vector<1x16xf32>,
      %get3A_603 = vector.shape_cast %get3A_602 : vector<1x16xf32> to vector<16xf32>
      %get3A_604 = arith.index_cast %scan3A_356 : i32 to index
      %get3A_605 = arith.constant 240 : index
      %get3A_606 = tpu.vector_load %arg11[%get3A_604, %get3A_605] {strides = array<i32>} : memref<64x256xf32, #tpu.memory_space<vmem>>, vector<1x16xf32>,
      %get3A_607 = vector.shape_cast %get3A_606 : vector<1x16xf32> to vector<16xf32>
      %get3A_608 = arith.index_cast %scan3A_356 : i32 to index
      %get3A_609 = arith.constant 240 : index
      %get3A_610 = tpu.vector_load %arg13[%get3A_608, %get3A_609] {strides = array<i32>} : memref<64x256xf32, #tpu.memory_space<vmem>>, vector<1x16xf32>,
      %get3A_611 = vector.shape_cast %get3A_610 : vector<1x16xf32> to vector<16xf32>
      %sub3A_612 = arith.subf %get3A_599, %get3A_603 : vector<16xf32>
      %sub3A_613 = arith.subf %get3A_607, %get3A_611 : vector<16xf32>
      %add3A_614 = arith.addf %get3A_603, %sub3A_612 : vector<16xf32>
      %swap3A_615 = arith.index_cast %scan3A_356 : i32 to index
      %swap3A_616 = arith.constant 224 : index
      %swap3A_617 = tpu.vector_load %arg15[%swap3A_615, %swap3A_616] {strides = array<i32>} : memref<64x256xf32, #tpu.memory_space<vmem>>, vector<1x16xf32>,
      %swap3A_618 = vector.shape_cast %swap3A_617 : vector<1x16xf32> to vector<16xf32>
      %swap3A_619 = vector.shape_cast %add3A_614 : vector<16xf32> to vector<1x16xf32>
      tpu.vector_store %arg15[%swap3A_615, %swap3A_616], %swap3A_619 {strides = array<i32>} : memref<64x256xf32, #tpu.memory_space<vmem>>, vector<1x16xf32>,
      %add3A_620 = arith.addf %get3A_611, %sub3A_613 : vector<16xf32>
      %swap3A_621 = arith.index_cast %scan3A_356 : i32 to index
      %swap3A_622 = arith.constant 240 : index
      %swap3A_623 = tpu.vector_load %arg15[%swap3A_621, %swap3A_622] {strides = array<i32>} : memref<64x256xf32, #tpu.memory_space<vmem>>, vector<1x16xf32>,
      %swap3A_624 = vector.shape_cast %swap3A_623 : vector<1x16xf32> to vector<16xf32>
      %swap3A_625 = vector.shape_cast %add3A_620 : vector<16xf32> to vector<1x16xf32>
      tpu.vector_store %arg15[%swap3A_621, %swap3A_622], %swap3A_625 {strides = array<i32>} : memref<64x256xf32, #tpu.memory_space<vmem>>, vector<1x16xf32>,
      %mul3A_626 = arith.mulf %sub3A_612, %sub3A_612 : vector<16xf32>
      %add3A_627 = arith.addf %add3A_593, %mul3A_626 : vector<16xf32>
      %mul3A_628 = arith.mulf %sub3A_613, %sub3A_613 : vector<16xf32>
      %add3A_629 = arith.addf %add3A_595, %mul3A_628 : vector<16xf32>
      scf.yield %add3A_627, %add3A_629 : vector<16xf32>, vector<16xf32>
    }
    %scan3A_329 = arith.constant 64 : i32
    %dma_start3A_330 = arith.constant 0 : i32
    %dma_start3A_331 = tpu.memref_slice %arg5[%add3A_316, %dma_start3A_330] : memref<16384x256xf32, #tpu.memory_space<hbm>> -> memref<64x256xf32, #tpu.memory_space<hbm>>
    %dma_start3A_332 = arith.constant 0 : i32
    %dma_start3A_333 = tpu.memref_slice %arg5[%add3A_316, %dma_start3A_332] : memref<16384x256xf32, #tpu.memory_space<hbm>> -> memref<64x256xf32, #tpu.memory_space<hbm>>
    tpu.enqueue_dma source(%arg15 : memref<64x256xf32, #tpu.memory_space<vmem>>) target(%dma_start3A_333 : memref<64x256xf32, #tpu.memory_space<hbm>>) target_semaphore(%arg23 : memref<!tpu.dma_semaphore, #tpu.memory_space<semaphore_mem>>)
    %dma_wait3A_334 = arith.constant 0 : i32
    %dma_wait3A_335 = tpu.memref_slice %arg5[%add3A_278, %dma_wait3A_334] : memref<16384x256xf32, #tpu.memory_space<hbm>> -> memref<64x256xf32, #tpu.memory_space<hbm>>
    %dma_wait3A_336 = arith.constant 0 : i32
    %dma_wait3A_337 = tpu.memref_slice %arg5[%add3A_278, %dma_wait3A_336] : memref<16384x256xf32, #tpu.memory_space<hbm>> -> memref<64x256xf32, #tpu.memory_space<hbm>>
    tpu.wait_dma2 semaphore(%arg22 : memref<!tpu.dma_semaphore, #tpu.memory_space<semaphore_mem>>) src(%arg14 : memref<64x256xf32, #tpu.memory_space<vmem>>) dst(%dma_wait3A_337 : memref<64x256xf32, #tpu.memory_space<hbm>>)
    %dma_wait3A_338 = arith.constant 0 : i32
    %dma_wait3A_339 = tpu.memref_slice %arg5[%add3A_316, %dma_wait3A_338] : memref<16384x256xf32, #tpu.memory_space<hbm>> -> memref<64x256xf32, #tpu.memory_space<hbm>>
    %dma_wait3A_340 = arith.constant 0 : i32
    %dma_wait3A_341 = tpu.memref_slice %arg5[%add3A_316, %dma_wait3A_340] : memref<16384x256xf32, #tpu.memory_space<hbm>> -> memref<64x256xf32, #tpu.memory_space<hbm>>
    tpu.wait_dma2 semaphore(%arg23 : memref<!tpu.dma_semaphore, #tpu.memory_space<semaphore_mem>>) src(%arg15 : memref<64x256xf32, #tpu.memory_space<vmem>>) dst(%dma_wait3A_341 : memref<64x256xf32, #tpu.memory_space<hbm>>)
    %dma_wait3A_342 = arith.constant 0 : i32
    %dma_wait3A_343 = tpu.memref_slice %arg19[%dma_wait3A_342] : memref<8192xf32, #tpu.memory_space<vmem_shared>> -> memref<8192xf32, #tpu.memory_space<vmem_shared>>
    tpu.wait_indirect_dma semaphore(%arg24 : memref<!tpu.dma_semaphore, #tpu.memory_space<semaphore_mem>>) src(%arg17 : memref<64xf32, #tpu.memory_space<vmem>>) dst(%dma_wait3A_343 : memref<8192xf32, #tpu.memory_space<vmem_shared>>)
    %dma_wait3A_344 = arith.constant 0 : i32
    %dma_wait3A_345 = tpu.memref_slice %arg19[%dma_wait3A_344] : memref<8192xf32, #tpu.memory_space<vmem_shared>> -> memref<8192xf32, #tpu.memory_space<vmem_shared>>
    tpu.wait_indirect_dma semaphore(%arg25 : memref<!tpu.dma_semaphore, #tpu.memory_space<semaphore_mem>>) src(%arg17 : memref<64xf32, #tpu.memory_space<vmem>>) dst(%dma_wait3A_345 : memref<8192xf32, #tpu.memory_space<vmem_shared>>)
    %add3A_346 = arith.addf %scan3A_328#0, %scan3A_328#1 : vector<16xf32>
    %swap3A = arith.constant 0 : index
    %swap3A_347 = tpu.vector_load %arg16[%swap3A] {strides = array<i32>} : memref<16xf32, #tpu.memory_space<vmem>>, vector<16xf32>,
    %swap3A_348 = vector.shape_cast %swap3A_347 : vector<16xf32> to vector<16xf32>
    %swap3A_349 = vector.shape_cast %add3A_346 : vector<16xf32> to vector<16xf32>
    tpu.vector_store %arg16[%swap3A], %swap3A_349 {strides = array<i32>} : memref<16xf32, #tpu.memory_space<vmem>>, vector<16xf32>,
    "tpu.region"() ({
      %run_scoped3A = tpu.sem_alloc : memref<!tpu.dma_semaphore, #tpu.memory_space<semaphore_mem>>
      %dma_start3A_356 = arith.constant 0 : i32
      %dma_start3A_357 = tpu.memref_slice %arg6[%add3A, %dma_start3A_356] : memref<32x16xf32, #tpu.memory_space<hbm>> -> memref<1x16xf32, #tpu.memory_space<hbm>>
      %dma_start3A_358 = tpu.memref_squeeze %dma_start3A_357 : memref<1x16xf32, #tpu.memory_space<hbm>> -> memref<16xf32, #tpu.memory_space<hbm>>
      %dma_start3A_359 = arith.constant 0 : i32
      %dma_start3A_360 = tpu.memref_slice %arg6[%add3A, %dma_start3A_359] : memref<32x16xf32, #tpu.memory_space<hbm>> -> memref<1x16xf32, #tpu.memory_space<hbm>>
      %dma_start3A_361 = tpu.memref_squeeze %dma_start3A_360 : memref<1x16xf32, #tpu.memory_space<hbm>> -> memref<16xf32, #tpu.memory_space<hbm>>
      tpu.enqueue_dma source(%arg16 : memref<16xf32, #tpu.memory_space<vmem>>) target(%dma_start3A_361 : memref<16xf32, #tpu.memory_space<hbm>>) target_semaphore(%run_scoped3A : memref<!tpu.dma_semaphore, #tpu.memory_space<semaphore_mem>>)
      %dma_wait3A_362 = arith.constant 0 : i32
      %dma_wait3A_363 = tpu.memref_slice %arg6[%add3A, %dma_wait3A_362] : memref<32x16xf32, #tpu.memory_space<hbm>> -> memref<1x16xf32, #tpu.memory_space<hbm>>
      %dma_wait3A_364 = tpu.memref_squeeze %dma_wait3A_363 : memref<1x16xf32, #tpu.memory_space<hbm>> -> memref<16xf32, #tpu.memory_space<hbm>>
      %dma_wait3A_365 = arith.constant 0 : i32
      %dma_wait3A_366 = tpu.memref_slice %arg6[%add3A, %dma_wait3A_365] : memref<32x16xf32, #tpu.memory_space<hbm>> -> memref<1x16xf32, #tpu.memory_space<hbm>>
      %dma_wait3A_367 = tpu.memref_squeeze %dma_wait3A_366 : memref<1x16xf32, #tpu.memory_space<hbm>> -> memref<16xf32, #tpu.memory_space<hbm>>
      tpu.wait_dma2 semaphore(%run_scoped3A : memref<!tpu.dma_semaphore, #tpu.memory_space<semaphore_mem>>) src(%arg16 : memref<16xf32, #tpu.memory_space<vmem>>) dst(%dma_wait3A_367 : memref<16xf32, #tpu.memory_space<hbm>>)
      tpu.yield
    }) : () -> ()
    %barrier3A_350 = arith.constant 0 : index
    tpu.barrier barrier_id(%barrier3A_350)
    %eq3A_351 = arith.constant 0 : i32
    %eq3A_352 = arith.cmpi eq, %arg1, %eq3A_351 : i32
    %convert_element_type3A_353 = arith.extui %eq3A_352 : i1 to i32
    %cond3A_354 = arith.constant 0 : i32
    %cond3A_355 = arith.cmpi ne, %convert_element_type3A_353, %cond3A_354 : i32
    scf.if %cond3A_355 {
      "tpu.region"() ({
        %run_scoped3A = tpu.sem_alloc : memref<!tpu.dma_semaphore, #tpu.memory_space<semaphore_mem>>
        tpu.enqueue_dma source(%arg19 : memref<8192xf32, #tpu.memory_space<vmem_shared>>) target(%arg18 : memref<8192xf32, #tpu.memory_space<vmem>>) target_semaphore(%run_scoped3A : memref<!tpu.dma_semaphore, #tpu.memory_space<semaphore_mem>>)
        tpu.wait_dma2 semaphore(%run_scoped3A : memref<!tpu.dma_semaphore, #tpu.memory_space<semaphore_mem>>) src(%arg19 : memref<8192xf32, #tpu.memory_space<vmem_shared>>) dst(%arg18 : memref<8192xf32, #tpu.memory_space<vmem>>)
        tpu.yield
      }) : () -> ()
      "tpu.region"() ({
        %run_scoped3A = tpu.sem_alloc : memref<!tpu.dma_semaphore, #tpu.memory_space<semaphore_mem>>
        %dma_start3A_356 = arith.constant 0 : i32
        %dma_start3A_357 = tpu.memref_slice %arg7[%arg0, %dma_start3A_356] : memref<2x8192xf32, #tpu.memory_space<hbm>> -> memref<1x8192xf32, #tpu.memory_space<hbm>>
        %dma_start3A_358 = tpu.memref_squeeze %dma_start3A_357 : memref<1x8192xf32, #tpu.memory_space<hbm>> -> memref<8192xf32, #tpu.memory_space<hbm>>
        %dma_start3A_359 = arith.constant 0 : i32
        %dma_start3A_360 = tpu.memref_slice %arg7[%arg0, %dma_start3A_359] : memref<2x8192xf32, #tpu.memory_space<hbm>> -> memref<1x8192xf32, #tpu.memory_space<hbm>>
        %dma_start3A_361 = tpu.memref_squeeze %dma_start3A_360 : memref<1x8192xf32, #tpu.memory_space<hbm>> -> memref<8192xf32, #tpu.memory_space<hbm>>
        tpu.enqueue_dma source(%arg18 : memref<8192xf32, #tpu.memory_space<vmem>>) target(%dma_start3A_361 : memref<8192xf32, #tpu.memory_space<hbm>>) target_semaphore(%run_scoped3A : memref<!tpu.dma_semaphore, #tpu.memory_space<semaphore_mem>>)
        %dma_wait3A_362 = arith.constant 0 : i32
        %dma_wait3A_363 = tpu.memref_slice %arg7[%arg0, %dma_wait3A_362] : memref<2x8192xf32, #tpu.memory_space<hbm>> -> memref<1x8192xf32, #tpu.memory_space<hbm>>
        %dma_wait3A_364 = tpu.memref_squeeze %dma_wait3A_363 : memref<1x8192xf32, #tpu.memory_space<hbm>> -> memref<8192xf32, #tpu.memory_space<hbm>>
        %dma_wait3A_365 = arith.constant 0 : i32
        %dma_wait3A_366 = tpu.memref_slice %arg7[%arg0, %dma_wait3A_365] : memref<2x8192xf32, #tpu.memory_space<hbm>> -> memref<1x8192xf32, #tpu.memory_space<hbm>>
        %dma_wait3A_367 = tpu.memref_squeeze %dma_wait3A_366 : memref<1x8192xf32, #tpu.memory_space<hbm>> -> memref<8192xf32, #tpu.memory_space<hbm>>
        tpu.wait_dma2 semaphore(%run_scoped3A : memref<!tpu.dma_semaphore, #tpu.memory_space<semaphore_mem>>) src(%arg18 : memref<8192xf32, #tpu.memory_space<vmem>>) dst(%dma_wait3A_367 : memref<8192xf32, #tpu.memory_space<hbm>>)
        tpu.yield
      }) : () -> ()
    } else {
    }
    return
  }
}

module attributes {stable_mosaic.version = 14 : i64} {
  func.func @_tc_finish_kernel(%arg0: memref<2x8192xf32, #tpu.memory_space<vmem>>, %arg1: memref<32x16xf32, #tpu.memory_space<vmem>>, %arg2: memref<1x1xf32, #tpu.memory_space<smem>>, %arg3: memref<1x1xf32, #tpu.memory_space<smem>>) attributes {dimension_semantics = [], scalar_prefetch = 0 : i64, scratch_operands = 0 : i64, tpu.core_type = #tpu.core_type<tc>} {
    %get3A = arith.constant 0 : index
    %get3A_0 = arith.constant 0 : index
    %get3A_1 = vector.load %arg0[%get3A, %get3A_0] : memref<2x8192xf32, #tpu.memory_space<vmem>>, vector<2x8192xf32>
    %reduce_sum3A = arith.constant dense<0.000000e+00> : vector<8192xf32>
    %reduce_sum3A_2 = vector.multi_reduction <add>, %get3A_1, %reduce_sum3A [0] : vector<2x8192xf32> to vector<8192xf32>
    %broadcast_in_dim3A = vector.shape_cast %reduce_sum3A_2 : vector<8192xf32> to vector<1x8192xf32>
    %mul3A = arith.constant 6.10351563E-5 : f32
    %mul3A_3 = vector.broadcast %mul3A : f32 to vector<1x8192xf32>
    %mul3A_4 = arith.mulf %broadcast_in_dim3A, %mul3A_3 : vector<1x8192xf32>
    %add3A = arith.constant 1.000000e-10 : f32
    %add3A_5 = vector.broadcast %add3A : f32 to vector<1x8192xf32>
    %add3A_6 = arith.addf %mul3A_4, %add3A_5 : vector<1x8192xf32>
    %log3A = math.log %add3A_6 : vector<1x8192xf32>
    %mul3A_7 = arith.mulf %mul3A_4, %log3A : vector<1x8192xf32>
    %reduce_sum3A_8 = vector.shape_cast %mul3A_7 : vector<1x8192xf32> to vector<1x1x8192xf32>
    %reduce_sum3A_9 = arith.constant dense<0.000000e+00> : vector<1xf32>
    %reduce_sum3A_10 = vector.multi_reduction <add>, %reduce_sum3A_8, %reduce_sum3A_9 [1, 2] : vector<1x1x8192xf32> to vector<1xf32>
    %reduce_sum3A_11 = vector.shape_cast %reduce_sum3A_10 : vector<1xf32> to vector<1x1x1xf32>
    %reduce_sum3A_12 = vector.extract %reduce_sum3A_11[0, 0, 0] : f32 from vector<1x1x1xf32>
    %neg3A = arith.constant 0.000000e+00 : f32
    %neg3A_13 = arith.subf %neg3A, %reduce_sum3A_12 : f32
    %exp3A = math.exp %neg3A_13 : f32
    %swap3A = arith.constant 0 : index
    %swap3A_14 = arith.constant 0 : index
    %swap3A_15 = memref.load %arg3[%swap3A, %swap3A_14] : memref<1x1xf32, #tpu.memory_space<smem>>
    memref.store %exp3A, %arg3[%swap3A, %swap3A_14] : memref<1x1xf32, #tpu.memory_space<smem>>
    %get3A_16 = arith.constant 0 : index
    %get3A_17 = arith.constant 0 : index
    %get3A_18 = vector.load %arg1[%get3A_16, %get3A_17] : memref<32x16xf32, #tpu.memory_space<vmem>>, vector<32x16xf32>
    %reduce_sum3A_19 = vector.shape_cast %get3A_18 : vector<32x16xf32> to vector<1x32x16xf32>
    %reduce_sum3A_20 = arith.constant dense<0.000000e+00> : vector<1xf32>
    %reduce_sum3A_21 = vector.multi_reduction <add>, %reduce_sum3A_19, %reduce_sum3A_20 [1, 2] : vector<1x32x16xf32> to vector<1xf32>
    %reduce_sum3A_22 = vector.shape_cast %reduce_sum3A_21 : vector<1xf32> to vector<1x1x1xf32>
    %reduce_sum3A_23 = vector.extract %reduce_sum3A_22[0, 0, 0] : f32 from vector<1x1x1xf32>
    %div3A = arith.constant 0x4A800000 : f32
    %div3A_24 = arith.divf %reduce_sum3A_23, %div3A : f32
    %mul3A_25 = arith.constant 2.500000e-01 : f32
    %mul3A_26 = arith.mulf %div3A_24, %mul3A_25 : f32
    %swap3A_27 = arith.constant 0 : index
    %swap3A_28 = arith.constant 0 : index
    %swap3A_29 = memref.load %arg2[%swap3A_27, %swap3A_28] : memref<1x1xf32, #tpu.memory_space<smem>>
    memref.store %mul3A_26, %arg2[%swap3A_27, %swap3A_28] : memref<1x1xf32, #tpu.memory_space<smem>>
    return
  }
}

</mosaic_0001>

<sc_bundles>
// kernel: kernel.4.cloned.1.call-start
scs
__scs_entry_jumppad:
0x0: {  	(pc) =	sbr.rel $0x88, $3  }
0x1: {  	(tag) =	ssettag $0x0;
	lr =	simm.s32 $0x1  }
0x2: {  	[smem:$0x3F9F] =	sst lr;
	_ =	strace $0xD0000000  }
0x3: {  	_ = 	snop  }
0x4: {  	_ = 	snop  }
0x5: {  	_ = 	snop  }
0x6: {  	_ = 	snop  }
0x7: {  	_ = 	snop  }
__scs_overlays_trampoline_lowered:
0x8: {  	[smem:$0x3FAE] =	sst s0  }
0x9: {  	[smem:$0x3FAF] =	sst s1  }
0xa: {  	[smem:$0x3FB0] =	sst s2  }
0xb: {  	[smem:$0x3FB1] =	sst s3  }
0xc: {  	[smem:$0x3FB2] =	sst s4  }
0xd: {  	[smem:$0x3FB3] =	sst s5  }
0xe: {  	[smem:$0x3FB4] =	sst s6  }
0xf: {  	[smem:$0x3FB5] =	sst s7  }
0x10: {  	[smem:$0x3FB6] =	sst s8  }
0x11: {  	[smem:$0x3FB7] =	sst s9;
	s0 =	simm.s32 @!p0 $0x0  }
0x12: {  	s1 =	sld [smem:$0x3F9D];
	s0 =	simm.s32 @p0 $0x1  }
0x13: {  	[smem:$0x3FB8] =	sst s0;
	s0 =	simm.s32 @!p1 $0x0  }
0x14: {  	s2 =	sld [smem:$0x3F9C];
	s0 =	simm.s32 @p1 $0x1  }
0x15: {  	[smem:$0x3FB9] =	sst s0;
	s0 =	simm.s32 @!p2 $0x0  }
0x16: {  	s3 =	sld [smem:$0x3FDB];
	s0 =	simm.s32 @p2 $0x1  }
0x17: {  	s4 =	simm.s32 $0x1BF5;
	[smem:$0x3FBB] =	sst s0  }
0x18: {  	s0 =	sld [smem:$0x3F9E];
	_ =	swait.ge [sflag:s4], $0x0  }
0x19: {  	s7 =	sld [smem:$0x3F9F]  }
0x1a: {  	s8 =	sadd.s32 $0xFFFFE003, lr  }
0x1b: {  	s9 =	sadd.s32 $0xFFFFFEF7, lr;
	s5 =	simm.s32 $0xFFFFFFFF;
	p2 =	slt.u32 s8, $0xFFFFF086  }
0x1c: {  	p1 =	slt.u32 s9, $0xF7A;
	s5 =	simm.s32 @!p2 $0x0  }
0x1d: {  	s5 =	simm.s32 @p1 $0x1;
	p0 =	seq.s32 s7, s2  }
0x1e: {  	s7 =	smul.u32 @!p0 $0xF7A, s2;
	p2 =	seq.s32 @!p0 s5, $0x0  }
0x1f: {  	s9 =	smul.u32 $0xF7A, s1;
	s8 =	simm.s32 @!p0 $0x1BF5;
	p2 =	por !p2, p0  }
0x20: {  	[sflag:s8] =	ssyncset.s32 @!p0 $0xFFFFF086;
	s6 =	sadd.s32 @!p0 s3, s7;
	s7 =	simm.s32 @!p0 $0x108  }
0x21: {  	s3 =	sadd.s32 s3, s9;
	s6 =	sadd.s32 @!p0 $0x88, s6;
	s7 =	simm.s32 @p2 $0x1082  }
0x22: {  	[simem:s7], [sflag:s8] =	dma.local @!p0 [hbm:s6], $0xF7A  }
0x23: {  	s9 =	sor.u32 $0xD0000000, s2;
	s6 =	simm.s32 $0x108;
	_ =	swait.ge @!p0 [sflag:s8], $0x0  }
0x24: {  	s3 =	sadd.s32 $0x88, s3;
	s6 =	simm.s32 @!p1 $0x1082;
	[sflag:s4] =	ssyncset.s32 $0xFFFFF086  }
0x25: {  	[simem:s6], [sflag:s4] =	dma.local [hbm:s3], $0xF7A  }
0x26: {  	[smem:$0x3F9F] =	sst s1;
	(tag) =	ssettag s2;
	_ =	strace s9  }
0x27: {  	s1 =	sld [smem:$0x3FAF]  }
0x28: {  	s2 =	sld [smem:$0x3FB0]  }
0x29: {  	s4 =	sld [smem:$0x3FB2]  }
0x2a: {  	p0 =	seq.s32 s5, $0x0;
	s5 =	sld [smem:$0x3FB3]  }
0x2b: {  	s6 =	sld [smem:$0x3FB4]  }
0x2c: {  	s7 =	sld [smem:$0x3FB5]  }
0x2d: {  	s3 =	simm.s32 $0x108;
	s8 =	sld [smem:$0x3FB6]  }
0x2e: {  	s3 =	simm.s32 @!p0 $0x1082;
	s9 =	sld [smem:$0x3FB7]  }
0x2f: {  	lr =	sadd.s32 s0, s3;
	s0 =	sld [smem:$0x3FAE]  }
0x30: {  	s3 =	sld [smem:$0x3FB1]  }
0x31: {  	[smem:$0x3FBA] =	sst s10  }
0x32: {  	s10 =	sld [smem:$0x3FB8];
	_ =	sdelay $0x3  }
0x33: {  	p0 =	seq.s32 s10, $0x1;
	s10 =	sld [smem:$0x3FBA];
	_ =	sdelay $0x3  }
0x34: {  	[smem:$0x3FBA] =	sst s10  }
0x35: {  	s10 =	sld [smem:$0x3FB9];
	_ =	sdelay $0x3  }
0x36: {  	p1 =	seq.s32 s10, $0x1;
	s10 =	sld [smem:$0x3FBA];
	_ =	sdelay $0x3  }
0x37: {  	[smem:$0x3FBA] =	sst s10  }
0x38: {  	s10 =	sld [smem:$0x3FBB]  }
0x39: {  	_ = 	snop;
	(pc) =	sbr.ind lr, $3  }
0x3a: {  	_ = 	snop  }
0x3b: {  	_ = 	snop  }
0x3c: {  	p2 =	seq.s32 s10, $0x1;
	s10 =	sld [smem:$0x3FBA]  }
0x3d: {  	_ =	shalt  }
0x3e: {  	_ =	shalt  }
0x3f: {  	_ =	shalt  }
0x40: {  	_ =	shalt  }
0x41: {  	_ =	shalt  }
0x42: {  	_ =	shalt  }
0x43: {  	_ =	shalt  }
0x44: {  	_ =	shalt  }
0x45: {  	_ =	shalt  }
0x46: {  	_ =	shalt  }
0x47: {  	_ =	shalt  }
0x48: {  	_ =	shalt  }
0x49: {  	_ =	shalt  }
0x4a: {  	_ =	shalt  }
0x4b: {  	_ =	shalt  }
0x4c: {  	_ =	shalt  }
0x4d: {  	_ =	shalt  }
0x4e: {  	_ =	shalt  }
0x4f: {  	_ =	shalt  }
0x50: {  	_ =	shalt  }
0x51: {  	_ =	shalt  }
0x52: {  	_ =	shalt  }
0x53: {  	_ =	shalt  }
0x54: {  	_ =	shalt  }
0x55: {  	_ =	shalt  }
0x56: {  	_ =	shalt  }
0x57: {  	_ =	shalt  }
0x58: {  	_ =	shalt  }
0x59: {  	_ =	shalt  }
0x5a: {  	_ =	shalt  }
0x5b: {  	_ =	shalt  }
0x5c: {  	_ =	shalt  }
0x5d: {  	_ =	shalt  }
0x5e: {  	_ =	shalt  }
0x5f: {  	_ =	shalt  }
0x60: {  	_ =	shalt  }
0x61: {  	_ =	shalt  }
0x62: {  	_ =	shalt  }
0x63: {  	_ =	shalt  }
0x64: {  	_ =	shalt  }
0x65: {  	_ =	shalt  }
0x66: {  	_ =	shalt  }
0x67: {  	_ =	shalt  }
0x68: {  	_ =	shalt  }
0x69: {  	_ =	shalt  }
0x6a: {  	_ =	shalt  }
0x6b: {  	_ =	shalt  }
0x6c: {  	_ =	shalt  }
0x6d: {  	_ =	shalt  }
0x6e: {  	_ =	shalt  }
0x6f: {  	_ =	shalt  }
0x70: {  	_ =	shalt  }
0x71: {  	_ =	shalt  }
0x72: {  	_ =	shalt  }
0x73: {  	_ =	shalt  }
0x74: {  	_ =	shalt  }
0x75: {  	_ =	shalt  }
0x76: {  	_ =	shalt  }
0x77: {  	_ =	shalt  }
0x78: {  	_ =	shalt  }
0x79: {  	_ =	shalt  }
0x7a: {  	_ =	shalt  }
0x7b: {  	_ =	shalt  }
0x7c: {  	_ =	shalt  }
0x7d: {  	_ =	shalt  }
0x7e: {  	_ =	shalt  }
0x7f: {  	_ =	shalt  }
0x80: {  	_ =	shalt  }
0x81: {  	_ =	shalt  }
0x82: {  	_ =	shalt  }
0x83: {  	_ =	shalt  }
0x84: {  	_ =	shalt  }
0x85: {  	_ =	shalt  }
0x86: {  	_ =	shalt  }
0x87: {  	_ =	shalt  }
.Lfunc_end0:
.L_simem_size_0:
called_computation_lowered:
.L_overlay_start_0:
0x88: {  	s2 =	sld [smem:$0x3FD9]  }
0x89: {  	s3 =	sld [smem:$0x3FFE];
	_ =	sdelay $0x1  }
0x8a: {  	s1 =	srdreg.scid  }
0x8b: {  	s0 =	sand.u32 $0x1, s1  }
0x8c: {  	s14 =	sshll.u32 s0, $0xA;
	s2 =	sadd.s32 s3, s2  }
0x8d: {  	s2 =	sadd.s32 s2, s14  }
0x8e: {  	[smem:$0x3FC6] =	sst s2  }
0x8f: {  	_ = 	snop  }
0x90: {  	s2 =	sld [smem:$0x3FD0];
	_ =	sdelay $0x1  }
0x91: {  	s15 =	sld [smem:$0x3FC9]  }
0x92: {  	s5 =	simm.s32 $0xA;
	s6 =	simm.s32 $0x10;
	s4 =	sld [smem:$0x3FC8]  }
0x93: {  	[smem:s6], [sflag:s5] =	dma.local [hbm:s2], $0x1  }
0x94: {  	_ =	swait.eq [sflag:s5], $0x1  }
0x95: {  	[sflag:s5] =	ssyncset.done $0x0  }
0x96: {  	s16 =	sld [smem:$0x10];
	[sflag:s5] =	ssyncadd.s32 $0xFFFFFFFF  }
0x97: {  	s17 =	sld [smem:$0x12];
	(tm) =	ssettm $0x1  }
0x98: {  	s18 =	sld [smem:$0x3FFB];
	_ =	sdelay $0x3  }
0x99: {  	_ =	strace s18  }
0x9a: {  	s6 =	sld [smem:$0x3FFC];
	_ =	sdelay $0x3  }
0x9b: {  	_ =	strace s6  }
0x9c: {  	s6 =	sld [smem:$0x3FFD];
	_ =	sdelay $0x3  }
0x9d: {  	_ =	strace s6  }
0x9e: {  	_ =	strace $0x8FFFFFFF  }
0x9f: {  	s19 =	sld [smem:$0x3FDB];
	_ =	sdelay $0x1  }
0xa0: {  	s7 =	simm.s32 $_scs_section_size  }
0xa1: {  	s8 =	simm.s32 $_size__tile_overlayer_lowered;
	s9 =	simm.s32 $_tile_overlayer_lowered  }
0xa2: {  	s22 =	simm.s32 $0x1BFF;
	s21 =	sshll.u32 s9, $0x1;
	s6 =	sadd.s32 s7, s19  }
0xa3: {  	s10 =	simm.s32 $0x0;
	s20 =	sshll.u32 s8, $0x1;
	s8 =	sadd.s32 s21, s6  }
0xa4: {  	[timem:s10], [sflag:s22] =	dma.local [hbm:s8], s20  }
0xa5: {  	_ =	swait.ge [sflag:s22], s20  }
0xa6: {  	s7 =	ssub.s32 $0x0, s20;
	[sflag:s22] =	ssyncset.done $0x0  }
0xa7: {  	[sflag:s22] =	ssyncadd.s32 s7;
	_ =	sdelay $0x1  }
0xa8: {  	s23 =	simm.s32 $0x1B8B  }
0xa9: {  	_ =	swait.ge [sflag:s23], $0x1  }
0xaa: {  	[sflag:s23] =	ssyncset.done $0x0  }
0xab: {  	s25 =	simm.s32 $0x1B8E;
	s24 =	sld [smem:$0x3FFE];
	[sflag:s23] =	ssyncadd.s32 $0xFFFFFFFF  }
0xac: {  	s26 =	simm.s32 $execute0_lowered;
	[smem:$0x3FD2] =	sst s25  }
0xad: {  	s8 =	sshll.u32 s26, $0x1;
	_ =	strace $0x80000046;
	[dreg:$0x1] =	wrdreg $0xFFFFFFFF  }
0xae: {  	s28 =	simm.s32 $_size_execute0_lowered;
	s6 =	sadd.s32 s6, s8;
	[dreg:$0x0] =	wrdreg $0x0  }
0xaf: {  	s8 =	sshll.u32 s28, $0x1;
	[dreg:$0x2] =	wrdreg s6  }
0xb0: {  	[dreg:$0x3] =	wrdreg s8  }
0xb1: {  	[dreg:$0x4] =	wrdreg $0xC0  }
0xb2: {  	_ =	task [dreg:s10], $0x5FFFF  }
0xb3: {  	[dreg:$0x1] =	wrdreg $0xFFFFFFFF  }
0xb4: {  	[dreg:$0x0] =	wrdreg $0x60  }
0xb5: {  	[dreg:$0x2] =	wrdreg s4  }
0xb6: {  	[dreg:$0x3] =	wrdreg s17  }
0xb7: {  	[dreg:$0x4] =	wrdreg s15  }
0xb8: {  	[dreg:$0x5] =	wrdreg s16  }
0xb9: {  	[dreg:$0x6] =	wrdreg s24  }
0xba: {  	[dreg:$0x7] =	wrdreg $0x1A2000  }
0xbb: {  	[dreg:$0x8] =	wrdreg $0x9  }
0xbc: {  	_ =	task.clear_ibuf [dreg:s10], $0x9FFFF;
	_ =	strace $0x90000046  }
0xbd: {  	s29 =	simm.s32 $0x9;
	_ =	strace $0x80000048  }
0xbe: {  	_ =	swait.ge [sflag:s29], $0x1  }
0xbf: {  	[sflag:s29] =	ssyncadd.s32 $0xFFFFFFFF  }
0xc0: {  	_ =	strace $0x90000048  }
0xc1: {  	_ =	sfence  }
0xc2: {  	s30 =	sld [smem:$0x0];
	_ =	sdelay $0x2  }
0xc3: {  	s31 =	sshll.u32 s1, $0xD;
	s1 =	sshrl.u32 s1, $0x2  }
0xc4: {  	s3 =	sand.u32 $0x4000, s31;
	s1 =	sadd.s32 s1, s30  }
0xc5: {  	s0 =	sor.u32 s3, s0;
	s1 =	sshll.u32 s1, $0x11  }
0xc6: {  	s0 =	sor.u32 s1, s0  }
0xc7: {  	s0 =	sadd.s32 $0x8F2B, s0  }
0xc8: {  	[sflag:s0] =	ssyncadd.remote.s32 $0x1  }
0xc9: {  	_ =	sfence.sel $0xFFFF  }
0xca: {  	[dreg:$0x0] =	wrdreg $0xFFFFFFFF;
	(pc) =	sbr.abs _section_cstart, $3  }
0xcb: {  	[dreg:$0x1] =	wrdreg $0xFFFFFFFF  }
0xcc: {  	_ =	task.clear_ibuf [dreg:s10], $0x2FFFF;
	_ =	strace $0x9FFFFFFF  }
0xcd: {  	(tm) =	ssettm $0x7FFFFFFF  }
tec
execute0_lowered:
.L_overlay_start_1:
0x0: {  	(tag) =	ssettag $0x1  }
0x1: {  	s0 =	rddreg [dreg:$0x1]  }
0x2: {  	s1 =	rddreg [dreg:$0x2]  }
0x3: {  	s2 =	rddreg [dreg:$0x3];
	s3 =	srdreg.scid  }
0x4: {  	s4 =	stileid.u32;
	s8 =	simm.s32 $0x0;
	s28 =	rddreg [dreg:$0x5]  }
0x5: {  	s29 =	simm.s32 $0x2;
	s30 =	simm.s32 $0x14100;
	s31 =	simm.s32 $0x4  }
0x6: {  	s3 =	sand.u32 $0x1, s3;
	s5 =	sshll.u32 s4, $0xA;
	s7 =	sshll.u32 s4, $0x7  }
0x7: {  	[smem:$0x7FF] =	sst s8;
	s14 =	sshll.u32 s4, $0x1;
	s16 =	sadd.s32 $0x8, s0  }
0x8: {  	p0 =	sne.s32 s4, $0x0;
	s6 =	sshll.u32 s3, $0xC;
	s5 =	sand.u32 $0x2000, s5  }
0x9: {  	s13 =	sand.u32 $0x380, s7;
	s9 =	ssub.s32 $0x2, s3;
	s5 =	sor.u32 s6, s5  }
0xa: {  	s6 =	sor.u32 s3, s14;
	s10 =	sshrl.u32 s9, $0x1;
	s8 =	sor.u32 s13, s5  }
0xb: {  	s9 =	ssub.s32 s9, s10;
	s5 =	sor.u32 s7, s5;
	s8 =	sshrl.u32 s8, $0x3  }
0xc: {  	s7 =	sshll.u32 s6, $0xE;
	s10 =	simm.s32 $0x8100;
	s15 =	sadd.s32 s0, s8  }
0xd: {  	s17 =	sor.u32 $0x800, s7;
	s11 =	sadd.s32 s8, s16;
	[dreg:$0x7] =	wrdreg s15  }
0xe: {  	s19 =	sor.u32 $0x1000, s7;
	s13 =	sadd.s32 s1, s17;
	[dreg:$0x8] =	wrdreg s11  }
0xf: {  	s20 =	sor.u32 $0x1800, s7;
	s14 =	sadd.s32 s1, s19;
	[dreg:$0x9] =	wrdreg s13  }
0x10: {  	s5 =	sshrl.u32 s5, $0x3;
	s21 =	sadd.s32 s1, s20;
	[dreg:$0xb] =	wrdreg s14  }
0x11: {  	s24 =	sor.u32 $0x2000, s7;
	s22 =	sadd.s32 s2, s19;
	[dreg:$0xe] =	wrdreg s21  }
0x12: {  	s26 =	sor.u32 $0x2800, s7;
	s25 =	sadd.s32 s1, s24;
	[dreg:$0xf] =	wrdreg s22  }
0x13: {  	s12 =	sor.u32 $0x80, s5;
	s8 =	sor.u32 $0x100, s8;
	[dreg:$0x11] =	wrdreg s25  }
0x14: {  	s18 =	sadd.s32 s0, s12;
	s14 =	sadd.s32 s2, s24;
	s24 =	rddreg [dreg:$0x0]  }
0x15: {  	s5 =	sor.u32 $0x180, s5;
	s11 =	sadd.s32 s2, s17;
	[dreg:$0xa] =	wrdreg s18  }
0x16: {  	s19 =	sor.u32 $0x3800, s7;
	s12 =	sadd.s32 s12, s16;
	[dreg:$0xc] =	wrdreg s11  }
0x17: {  	s23 =	sadd.s32 s0, s8;
	s8 =	sadd.s32 s8, s16;
	[dreg:$0xd] =	wrdreg s12  }
0x18: {  	s0 =	sadd.s32 s0, s5;
	s13 =	sadd.s32 s1, s26;
	[dreg:$0x10] =	wrdreg s23  }
0x19: {  	s15 =	sadd.s32 s2, s26;
	s17 =	sor.u32 $0x3000, s7;
	[dreg:$0x13] =	wrdreg s8  }
0x1a: {  	s21 =	sadd.s32 s2, s19;
	s22 =	sshll.u32 s6, $0x4;
	[dreg:$0x14] =	wrdreg s0  }
0x1b: {  	s25 =	sshll.u32 s3, $0x4;
	s26 =	smax.u32 s9, $0x1;
	[dreg:$0x16] =	wrdreg s13  }
0x1c: {  	s9 =	simm.s32 $0x3900;
	s3 =	simm.s32 $0x0;
	[dreg:$0x17] =	wrdreg s14  }
0x1d: {  	s11 =	sadd.s32 s2, s20;
	[dreg:$0x18] =	wrdreg s15;
	s18 =	sadd.s32 s2, s7  }
0x1e: {  	s20 =	sadd.s32 s1, s17;
	s0 =	sadd.s32 s2, s17;
	[dreg:$0x1e] =	wrdreg s21  }
0x1f: {  	s23 =	rddreg [dreg:$0x4];
	s12 =	simm.s32 $0x4100;
	s13 =	simm.s32 $0x4900  }
0x20: {  	s14 =	simm.s32 $0x5100;
	s15 =	simm.s32 $0x5900;
	[dreg:$0x12] =	wrdreg s11  }
0x21: {  	s17 =	simm.s32 $0x6900;
	s21 =	simm.s32 $0x1;
	[dreg:$0x1a] =	wrdreg s18  }
0x22: {  	s2 =	simm.s32 $0x6;
	s11 =	sadd.s32 s5, s16;
	[dreg:$0x1b] =	wrdreg s20  }
0x23: {  	s16 =	sadd.s32 s1, s7;
	s1 =	sadd.s32 s1, s19;
	[dreg:$0x1d] =	wrdreg s0  }
0x24: {  	s0 =	sadd.s32 s22, s23;
	s18 =	simm.s32 $0x7100;
	[dreg:$0x15] =	wrdreg s11  }
0x25: {  	s19 =	simm.s32 $0x7900;
	s20 =	simm.s32 $0xC100;
	[dreg:$0x19] =	wrdreg s16  }
0x26: {  	s22 =	simm.s32 $0x10100;
	[dreg:$0x1c] =	wrdreg s1;
	s1 =	sadd.s32 s23, s25  }
0x27: {  	s0 =	sadd.s32 $0x800, s0;
	s11 =	simm.s32 $0x80;
	s16 =	simm.s32 $0x6100  }
0x28: {  	v0 =	vimm.f32 $0.0e+00;
	v4 =	vlaneseq.u32;
	s23 =	simm.s32 $0x3;
	s25 =	simm.s32 $0x5;
	[dreg:$0x1f] =	wrdreg s1  }
0x29: {  	v1 =	vimm.f32 $1.000000000e+00;
	vm0 =	vmmov $0xffff;
	v3 =	vshrl.u32 v4, $0x3;
	s1 =	simm.s32 $0x18180;
	_ =	strace $0x80000047;
	[smem:$0x7FC] =	sst s0  }
0x2a: {  	v2 =	vand.u32 $0x7, v4;
	v4 =	vor.u32 $0x8, v4;
	v3 =	vmul.u32 $0x8, v3;
	[smem:$0x7FD] =	sst s26;
	s26 =	simm.s32 $0x7;
	s0 =	simm.s32 $0x40  }
.LBB2_1:
.Ltmp0:
0x2b: {  	(pc) =	sbr.rel @p0 .LBB2_5-.Ltmp0, $1  }
0x2c: {  	_ =	sdelay $0x3  }
0x2d: {  	s4 =	simm.s32 $0x40;
	s5 =	simm.s32 $0x0  }
.LBB2_3:
0x2e: {  	p1 =	sne.s32 s4, $0x7FC0;
	[tilespmem:s5+$0x18200] =	vst v0;
	s5 =	smov.u32 s4;
	s4 =	sadd.s32 $0x40, s4  }
.Ltmp1:
0x2f: {  	(pc) =	sbr.rel @p1 .LBB2_3-.Ltmp1, $2  }
0x30: {  	_ =	sdelay $0x2  }
0x31: {  	s5 =	sshra.s32 s5, $0x2  }
0x32: {  	[tilespmem:s5+$0x18200] =	vst v0;
	s4 =	simm.s32 $0x18200  }
0x33: {  	[spmem:s28] =	stream.linear.scatter [tilespmem:s4], [sflag:$0x7], $0x2000, $0x38;
	[tilespmem:$0x1A400] =	vst v63  }
0x34: {  	_ =	swait.ge [sflag:s26], $0x2000  }
0x35: {  	[sflag:s26] =	ssyncset.done $0x0  }
0x36: {  	[sflag:s26] =	ssyncadd.s32 $0xFFFFE000  }
.LBB2_5:
0x37: {  	[tilespmem:$0x18180] =	vst v1  }
0x38: {  	[tilespmem:$0x18190] =	vst v1  }
0x39: {  	[tilespmem:$0x181A0] =	vst v1  }
0x3a: {  	[tilespmem:$0x181B0] =	vst v1  }
0x3b: {  	[bflag:$0x0] =	sbarrier.arrive $0xFFFF  }
0x3c: {  	s4 =	simm.s32 $0x0;
	s5 =	rddreg [dreg:$0x7]  }
0x3d: {  	[tilespmem:s4], [sflag:$0x7] =	stream.linear.gather [hbm4b:s5+s4], $0x40, $0x38;
	[tilespmem:$0x1A400] =	vst v63  }
0x3e: {  	_ =	swait.ge [sflag:s26], $0x40  }
0x3f: {  	[sflag:s26] =	ssyncset.done $0x0  }
0x40: {  	[sflag:s26] =	ssyncadd.s32 $0xFFFFFFC0  }
0x41: {  	[spmem:s28] =	stream.indirect.scatter.add.f32 [tilespmem:s1], [sflag:$0x5], $0x1, s4, s0, $0xb8;
	[tilespmem:$0x1A400] =	vst v63  }
0x42: {  	v5 =	vld [tilespmem:$0x0];
	_ =	sdelay $0x4  }
0x43: {  	v6 =	vshll.u32 v5, $0x1  }
0x44: {  	v5 =	vand.u32 $0x7, v5;
	v6 =	vand.u32 $0xFFFFFFF0, v6  }
0x45: {  	v5 =	vor.u32 v5, v6  }
0x46: {  	v6 =	vperm.xlane v5, v2;
	_ =	sdelay $0x1  }
0x47: {  	v5 =	vperm.xlane v5, v4;
	v6 =	vadd.s32 v3, v6;
	_ =	sdelay $0x1  }
0x48: {  	v5 =	vadd.s32 v3, v5;
	_ =	sdelay $0x1  }
0x49: {  	s6 =	simm.s32 $0x100  }
0x4a: {  	[tilespmem:s6], [sflag:$0x1] =	stream.indirect_vreg.gather [hbm4b:s24+s4], $0x80, v6, vm0, $0xb8;
	[tilespmem:$0x1A400] =	vst v63  }
0x4b: {  	s7 =	simm.s32 $0x900  }
0x4c: {  	[tilespmem:s7], [sflag:$0x1] =	stream.indirect_vreg.gather [hbm4b:s24+s4], $0x80, v5, vm0, $0xb8;
	[tilespmem:$0x1A400] =	vst v63  }
0x4d: {  	v5 =	vld [tilespmem:$0x10];
	_ =	sdelay $0x4  }
0x4e: {  	v6 =	vshll.u32 v5, $0x1  }
0x4f: {  	v5 =	vand.u32 $0x7, v5;
	v6 =	vand.u32 $0xFFFFFFF0, v6  }
0x50: {  	v5 =	vor.u32 v5, v6  }
0x51: {  	v6 =	vperm.xlane v5, v2;
	_ =	sdelay $0x1  }
0x52: {  	v5 =	vperm.xlane v5, v4;
	v6 =	vadd.s32 v3, v6;
	_ =	sdelay $0x1  }
0x53: {  	v5 =	vadd.s32 v3, v5;
	_ =	sdelay $0x1  }
0x54: {  	s8 =	simm.s32 $0x1100  }
0x55: {  	[tilespmem:s8], [sflag:$0x1] =	stream.indirect_vreg.gather [hbm4b:s24+s4], $0x80, v6, vm0, $0xb8;
	[tilespmem:$0x1A400] =	vst v63  }
0x56: {  	s6 =	simm.s32 $0x1900  }
0x57: {  	[tilespmem:s6], [sflag:$0x1] =	stream.indirect_vreg.gather [hbm4b:s24+s4], $0x80, v5, vm0, $0xb8;
	[tilespmem:$0x1A400] =	vst v63  }
0x58: {  	v5 =	vld [tilespmem:$0x20];
	_ =	sdelay $0x4  }
0x59: {  	v6 =	vshll.u32 v5, $0x1  }
0x5a: {  	v5 =	vand.u32 $0x7, v5;
	v6 =	vand.u32 $0xFFFFFFF0, v6  }
0x5b: {  	v5 =	vor.u32 v5, v6  }
0x5c: {  	v6 =	vperm.xlane v5, v2;
	_ =	sdelay $0x1  }
0x5d: {  	v5 =	vperm.xlane v5, v4;
	v6 =	vadd.s32 v3, v6;
	_ =	sdelay $0x1  }
0x5e: {  	v5 =	vadd.s32 v3, v5;
	_ =	sdelay $0x1  }
0x5f: {  	s7 =	simm.s32 $0x2100  }
0x60: {  	[tilespmem:s7], [sflag:$0x1] =	stream.indirect_vreg.gather [hbm4b:s24+s4], $0x80, v6, vm0, $0xb8;
	[tilespmem:$0x1A400] =	vst v63  }
0x61: {  	s8 =	simm.s32 $0x2900  }
0x62: {  	[tilespmem:s8], [sflag:$0x1] =	stream.indirect_vreg.gather [hbm4b:s24+s4], $0x80, v5, vm0, $0xb8;
	[tilespmem:$0x1A400] =	vst v63  }
0x63: {  	v5 =	vld [tilespmem:$0x30];
	_ =	sdelay $0x4  }
0x64: {  	v6 =	vshll.u32 v5, $0x1  }
0x65: {  	v5 =	vand.u32 $0x7, v5;
	v6 =	vand.u32 $0xFFFFFFF0, v6  }
0x66: {  	v5 =	vor.u32 v5, v6  }
0x67: {  	v6 =	vperm.xlane v5, v2;
	_ =	sdelay $0x1  }
0x68: {  	v5 =	vperm.xlane v5, v4;
	v6 =	vadd.s32 v3, v6;
	_ =	sdelay $0x1  }
0x69: {  	v5 =	vadd.s32 v3, v5;
	_ =	sdelay $0x1  }
0x6a: {  	s6 =	simm.s32 $0x3100  }
0x6b: {  	[tilespmem:s6], [sflag:$0x1] =	stream.indirect_vreg.gather [hbm4b:s24+s4], $0x80, v6, vm0, $0xb8;
	[tilespmem:$0x1A400] =	vst v63  }
0x6c: {  	_ = 	snop  }
0x6d: {  	[tilespmem:s9], [sflag:$0x1] =	stream.indirect_vreg.gather [hbm4b:s24+s4], $0x80, v5, vm0, $0xb8;
	[tilespmem:$0x1A400] =	vst v63  }
0x6e: {  	s7 =	rddreg [dreg:$0x19]  }
0x6f: {  	[tilespmem:s10], [sflag:$0x1] =	stream.linear.gather [hbm4b:s7+s4], $0x4000, $0x38;
	[tilespmem:$0x1A400] =	vst v63  }
0x70: {  	s8 =	rddreg [dreg:$0x8]  }
0x71: {  	[tilespmem:s11], [sflag:$0x7] =	stream.linear.gather [hbm4b:s8+s4], $0x40, $0x38;
	[tilespmem:$0x1A400] =	vst v63  }
0x72: {  	_ =	swait.ge [sflag:s26], $0x40  }
0x73: {  	[sflag:s26] =	ssyncset.done $0x0  }
0x74: {  	[sflag:s26] =	ssyncadd.s32 $0xFFFFFFC0  }
0x75: {  	[spmem:s28] =	stream.indirect.scatter.add.f32 [tilespmem:s1], [sflag:$0x6], $0x1, s11, s0, $0xb8;
	[tilespmem:$0x1A400] =	vst v63  }
0x76: {  	v5 =	vld [tilespmem:$0x80];
	_ =	sdelay $0x4  }
0x77: {  	v6 =	vshll.u32 v5, $0x1  }
0x78: {  	v5 =	vand.u32 $0x7, v5;
	v6 =	vand.u32 $0xFFFFFFF0, v6  }
0x79: {  	v5 =	vor.u32 v5, v6  }
0x7a: {  	v6 =	vperm.xlane v5, v2;
	_ =	sdelay $0x1  }
0x7b: {  	v5 =	vperm.xlane v5, v4;
	v6 =	vadd.s32 v3, v6;
	_ =	sdelay $0x1  }
0x7c: {  	v5 =	vadd.s32 v3, v5;
	_ =	sdelay $0x2  }
0x7d: {  	[tilespmem:s12], [sflag:$0x2] =	stream.indirect_vreg.gather [hbm4b:s24+s4], $0x80, v6, vm0, $0xb8;
	[tilespmem:$0x1A400] =	vst v63  }
0x7e: {  	_ = 	snop  }
0x7f: {  	[tilespmem:s13], [sflag:$0x2] =	stream.indirect_vreg.gather [hbm4b:s24+s4], $0x80, v5, vm0, $0xb8;
	[tilespmem:$0x1A400] =	vst v63  }
0x80: {  	v5 =	vld [tilespmem:$0x90];
	_ =	sdelay $0x4  }
0x81: {  	v6 =	vshll.u32 v5, $0x1  }
0x82: {  	v5 =	vand.u32 $0x7, v5;
	v6 =	vand.u32 $0xFFFFFFF0, v6  }
0x83: {  	v5 =	vor.u32 v5, v6  }
0x84: {  	v6 =	vperm.xlane v5, v2;
	_ =	sdelay $0x1  }
0x85: {  	v5 =	vperm.xlane v5, v4;
	v6 =	vadd.s32 v3, v6;
	_ =	sdelay $0x1  }
0x86: {  	v5 =	vadd.s32 v3, v5;
	_ =	sdelay $0x2  }
0x87: {  	[tilespmem:s14], [sflag:$0x2] =	stream.indirect_vreg.gather [hbm4b:s24+s4], $0x80, v6, vm0, $0xb8;
	[tilespmem:$0x1A400] =	vst v63  }
0x88: {  	_ = 	snop  }
0x89: {  	[tilespmem:s15], [sflag:$0x2] =	stream.indirect_vreg.gather [hbm4b:s24+s4], $0x80, v5, vm0, $0xb8;
	[tilespmem:$0x1A400] =	vst v63  }
0x8a: {  	v5 =	vld [tilespmem:$0xA0];
	_ =	sdelay $0x4  }
0x8b: {  	v6 =	vshll.u32 v5, $0x1  }
0x8c: {  	v5 =	vand.u32 $0x7, v5;
	v6 =	vand.u32 $0xFFFFFFF0, v6  }
0x8d: {  	v5 =	vor.u32 v5, v6  }
0x8e: {  	v6 =	vperm.xlane v5, v2;
	_ =	sdelay $0x1  }
0x8f: {  	v5 =	vperm.xlane v5, v4;
	v6 =	vadd.s32 v3, v6;
	_ =	sdelay $0x1  }
0x90: {  	v5 =	vadd.s32 v3, v5;
	_ =	sdelay $0x2  }
0x91: {  	[tilespmem:s16], [sflag:$0x2] =	stream.indirect_vreg.gather [hbm4b:s24+s4], $0x80, v6, vm0, $0xb8;
	[tilespmem:$0x1A400] =	vst v63  }
0x92: {  	_ = 	snop  }
0x93: {  	[tilespmem:s17], [sflag:$0x2] =	stream.indirect_vreg.gather [hbm4b:s24+s4], $0x80, v5, vm0, $0xb8;
	[tilespmem:$0x1A400] =	vst v63  }
0x94: {  	v5 =	vld [tilespmem:$0xB0];
	_ =	sdelay $0x4  }
0x95: {  	v6 =	vshll.u32 v5, $0x1  }
0x96: {  	v5 =	vand.u32 $0x7, v5;
	v6 =	vand.u32 $0xFFFFFFF0, v6  }
0x97: {  	v5 =	vor.u32 v5, v6  }
0x98: {  	v6 =	vperm.xlane v5, v2;
	_ =	sdelay $0x1  }
0x99: {  	v5 =	vperm.xlane v5, v4;
	v6 =	vadd.s32 v3, v6;
	_ =	sdelay $0x1  }
0x9a: {  	v5 =	vadd.s32 v3, v5;
	_ =	sdelay $0x2  }
0x9b: {  	[tilespmem:s18], [sflag:$0x2] =	stream.indirect_vreg.gather [hbm4b:s24+s4], $0x80, v6, vm0, $0xb8;
	[tilespmem:$0x1A400] =	vst v63  }
0x9c: {  	_ = 	snop  }
0x9d: {  	[tilespmem:s19], [sflag:$0x2] =	stream.indirect_vreg.gather [hbm4b:s24+s4], $0x80, v5, vm0, $0xb8;
	[tilespmem:$0x1A400] =	vst v63  }
0x9e: {  	s6 =	rddreg [dreg:$0x9]  }
0x9f: {  	[tilespmem:s20], [sflag:$0x2] =	stream.linear.gather [hbm4b:s6+s4], $0x4000, $0x38;
	[tilespmem:$0x1A400] =	vst v63  }
0xa0: {  	_ =	swait.ge [sflag:s21], $0x4000  }
0xa1: {  	[sflag:s21] =	ssyncset.done $0x0  }
0xa2: {  	[sflag:s21] =	ssyncadd.s32 $0xFFFFC000  }
0xa3: {  	_ =	swait.ge [sflag:s21], $0x4000  }
0xa4: {  	s7 =	sand.u32 $0x3800, s4;
	s4 =	sand.u32 $0x380, s4;
	[sflag:s21] =	ssyncset.done $0x0  }
0xa5: {  	s4 =	sor.u32 s4, s7;
	[sflag:s21] =	ssyncadd.s32 $0xFFFFC000  }
0xa6: {  	v12 =	vld [tilespmem:s4+$0x560]  }
0xa7: {  	v24 =	vld [tilespmem:s4+$0x8560]  }
0xa8: {  	v13 =	vld [tilespmem:s4+$0x540]  }
0xa9: {  	v20 =	vld [tilespmem:s4+$0x8540]  }
0xaa: {  	v14 =	vld [tilespmem:s4+$0x520]  }
0xab: {  	v25 =	vld [tilespmem:s4+$0x8520]  }
0xac: {  	v15 =	vld [tilespmem:s4+$0x500]  }
0xad: {  	v23 =	vld [tilespmem:s4+$0x8500]  }
0xae: {  	v9 =	vld [tilespmem:s4+$0x160]  }
0xaf: {  	v18 =	vld [tilespmem:s4+$0x8160]  }
0xb0: {  	v7 =	vld [tilespmem:s4+$0x140]  }
0xb1: {  	v21 =	vld [tilespmem:s4+$0x8140]  }
0xb2: {  	v10 =	vld [tilespmem:s4+$0x150]  }
0xb3: {  	v5 =	vld [tilespmem:s4+$0x120]  }
0xb4: {  	v19 =	vld [tilespmem:s4+$0x8120]  }
0xb5: {  	v6 =	vld [tilespmem:s4+$0x100]  }
0xb6: {  	v17 =	vld [tilespmem:s4+$0x8100]  }
0xb7: {  	v8 =	vld [tilespmem:s4+$0x110]  }
0xb8: {  	v22 =	vld [tilespmem:s4+$0x8110]  }
0xb9: {  	v11 =	vld [tilespmem:s4+$0x130]  }
0xba: {  	v26 =	vld [tilespmem:s4+$0x8130]  }
0xbb: {  	v27 =	vld [tilespmem:s4+$0x8150]  }
0xbc: {  	v16 =	vld [tilespmem:s4+$0x170]  }
0xbd: {  	v28 =	vld [tilespmem:s4+$0x8170]  }
0xbe: {  	v29 =	vld [tilespmem:s4+$0x510]  }
0xbf: {  	v30 =	vld [tilespmem:s4+$0x8510]  }
0xc0: {  	v31 =	vld [tilespmem:s4+$0x530]  }
0xc1: {  	v32 =	vld [tilespmem:s4+$0x8530]  }
0xc2: {  	v33 =	vld [tilespmem:s4+$0x550];
	v36 =	vsub.f32 v6, v17;
	v38 =	vsub.f32 v8, v22  }
0xc3: {  	s8 =	simm.s32 $0x100;
	s6 =	simm.s32 $0x80;
	v34 =	vld [tilespmem:s4+$0x8550];
	v39 =	vsub.f32 v5, v19;
	v43 =	vsub.f32 v11, v26  }
0xc4: {  	s5 =	sand.u32 $0x3800, s8;
	s7 =	sand.u32 $0x380, s6;
	v35 =	vld [tilespmem:s4+$0x570];
	v45 =	vsub.f32 v7, v21;
	v46 =	vsub.f32 v10, v27  }
0xc5: {  	v41 =	vimm.f32 $0.0e+00;
	s5 =	sor.u32 s7, s5;
	v37 =	vld [tilespmem:s4+$0x8570];
	v47 =	vsub.f32 v9, v18;
	v49 =	vsub.f32 v15, v23  }
0xc6: {  	v6 =	vld [tilespmem:s5+$0x560];
	v29 =	vsub.f32 v29, v30;
	v53 =	vsub.f32 v14, v25;
	v40 =	vmul.f32 v36, v36  }
0xc7: {  	v5 =	vld [tilespmem:s5+$0x8560];
	v31 =	vsub.f32 v31, v32;
	v55 =	vsub.f32 v13, v20;
	v42 =	vmul.f32 v38, v38  }
0xc8: {  	v8 =	vld [tilespmem:s5+$0x540];
	v33 =	vsub.f32 v33, v34;
	v44 =	vmul.f32 v39, v39;
	v40 =	vadd.f32 v40, v41  }
0xc9: {  	v7 =	vld [tilespmem:s5+$0x8540];
	v59 =	vsub.f32 v12, v24;
	v61 =	vmul.f32 v43, v43;
	v10 =	vadd.f32 v42, v41  }
0xca: {  	v11 =	vld [tilespmem:s5+$0x520];
	v35 =	vsub.f32 v35, v37;
	v62 =	vmul.f32 v45, v45;
	v40 =	vadd.f32 v44, v40  }
0xcb: {  	v9 =	vld [tilespmem:s5+$0x8520];
	v48 =	vmul.f32 v46, v46;
	v44 =	vsub.f32 v16, v28;
	v41 =	vadd.f32 v61, v10  }
0xcc: {  	v36 =	vadd.f32 v36, v17;
	v63 =	vmul.f32 v47, v47;
	v17 =	vld [tilespmem:s5+$0x160];
	v40 =	vadd.f32 v62, v40  }
0xcd: {  	v22 =	vadd.f32 v38, v22;
	v16 =	vld [tilespmem:s5+$0x500];
	v15 =	vadd.f32 v48, v41;
	v52 =	vmul.f32 v44, v44  }
0xce: {  	v54 =	vmul.f32 v49, v49;
	v39 =	vadd.f32 v39, v19;
	v10 =	vld [tilespmem:s5+$0x8500];
	[tilespmem:s4+$0x10100] =	vst v36;
	v40 =	vadd.f32 v63, v40  }
0xcf: {  	v13 =	vadd.f32 v43, v26;
	v14 =	vld [tilespmem:s5+$0x8160];
	[tilespmem:s4+$0x10110] =	vst v22;
	v22 =	vmul.f32 v29, v29;
	v15 =	vadd.f32 v52, v15  }
0xd0: {  	v26 =	vmul.f32 v53, v53;
	v12 =	vadd.f32 v45, v21;
	v56 =	vadd.f32 v54, v40  }
0xd1: {  	v58 =	vmul.f32 v31, v31;
	v27 =	vadd.f32 v46, v27;
	v19 =	vld [tilespmem:s5+$0x140];
	[tilespmem:s4+$0x10120] =	vst v39;
	v57 =	vadd.f32 v22, v15  }
0xd2: {  	v62 =	vadd.f32 v47, v18;
	v15 =	vld [tilespmem:s5+$0x8140];
	[tilespmem:s4+$0x10130] =	vst v13;
	v13 =	vmul.f32 v55, v55;
	v21 =	vadd.f32 v26, v56  }
0xd3: {  	v60 =	vmul.f32 v33, v33;
	v28 =	vadd.f32 v44, v28;
	v26 =	vadd.f32 v58, v57  }
0xd4: {  	v63 =	vadd.f32 v49, v23;
	v22 =	vld [tilespmem:s5+$0x150];
	[tilespmem:s4+$0x10140] =	vst v12;
	v13 =	vadd.f32 v13, v21  }
0xd5: {  	v61 =	vmul.f32 v35, v35;
	v21 =	vld [tilespmem:s5+$0x120];
	v26 =	vadd.f32 v60, v26;
	[tilespmem:s4+$0x10150] =	vst v27;
	v27 =	vadd.f32 v29, v30  }
0xd6: {  	v12 =	vmul.f32 v59, v59;
	v30 =	vadd.f32 v53, v25;
	v25 =	vadd.f32 v33, v34  }
0xd7: {  	v29 =	vadd.f32 v59, v24;
	v24 =	vadd.f32 v35, v37;
	v18 =	vld [tilespmem:s5+$0x8120];
	[tilespmem:s4+$0x10160] =	vst v62  }
0xd8: {  	v12 =	vadd.f32 v12, v13;
	v13 =	vadd.f32 v61, v26;
	v23 =	vld [tilespmem:s5+$0x100];
	[tilespmem:s4+$0x10170] =	vst v28  }
0xd9: {  	s7 =	simm.s32 $0x200;
	v26 =	vadd.f32 v31, v32;
	v28 =	vadd.f32 v55, v20;
	v20 =	vld [tilespmem:s5+$0x8100];
	[tilespmem:s4+$0x10500] =	vst v63  }
.LBB2_6:
0xda: {  	p1 =	sne.s32 s7, $0x3F00;
	v31 =	vld [tilespmem:s5+$0x110];
	[tilespmem:s4+$0x10510] =	vst v27  }
0xdb: {  	v27 =	vld [tilespmem:s5+$0x8110];
	[tilespmem:s4+$0x10520] =	vst v30  }
0xdc: {  	v30 =	vld [tilespmem:s5+$0x130];
	[tilespmem:s4+$0x10530] =	vst v26  }
0xdd: {  	v26 =	vld [tilespmem:s5+$0x8130];
	[tilespmem:s4+$0x10540] =	vst v28  }
0xde: {  	v28 =	vld [tilespmem:s5+$0x8150];
	[tilespmem:s4+$0x10550] =	vst v25  }
0xdf: {  	v25 =	vld [tilespmem:s5+$0x170];
	[tilespmem:s4+$0x10560] =	vst v29  }
0xe0: {  	v23 =	vsub.f32 v23, v20;
	v29 =	vsub.f32 v31, v27;
	v31 =	vld [tilespmem:s5+$0x8170];
	[tilespmem:s4+$0x10570] =	vst v24;
	s4 =	smov.u32 s5  }
0xe1: {  	v21 =	vsub.f32 v21, v18;
	v24 =	vld [tilespmem:s4+$0x510]  }
0xe2: {  	v32 =	vmul.f32 v23, v23;
	v33 =	vmul.f32 v29, v29;
	v30 =	vsub.f32 v30, v26;
	v34 =	vld [tilespmem:s4+$0x8510]  }
0xe3: {  	v36 =	vsub.f32 v19, v15;
	v35 =	vmul.f32 v21, v21;
	v22 =	vsub.f32 v22, v28;
	v19 =	vld [tilespmem:s4+$0x530]  }
0xe4: {  	v12 =	vadd.f32 v32, v12;
	v13 =	vadd.f32 v33, v13;
	v32 =	vmul.f32 v30, v30;
	v33 =	vld [tilespmem:s4+$0x8530]  }
0xe5: {  	v38 =	vsub.f32 v17, v14;
	v37 =	vmul.f32 v36, v36;
	v25 =	vsub.f32 v25, v31;
	v17 =	vld [tilespmem:s4+$0x550]  }
0xe6: {  	s6 =	sadd.s32 $0x80, s6;
	v12 =	vadd.f32 v35, v12;
	v13 =	vadd.f32 v32, v13;
	v32 =	vmul.f32 v22, v22;
	v35 =	vld [tilespmem:s4+$0x8550]  }
0xe7: {  	v40 =	vsub.f32 v16, v10;
	s8 =	sand.u32 $0x380, s6;
	v39 =	vmul.f32 v38, v38;
	s5 =	sand.u32 $0x3800, s7;
	v24 =	vsub.f32 v24, v34;
	v16 =	vld [tilespmem:s4+$0x570]  }
0xe8: {  	s5 =	sor.u32 s8, s5;
	v12 =	vadd.f32 v37, v12;
	v13 =	vadd.f32 v32, v13;
	v32 =	vmul.f32 v25, v25;
	v37 =	vld [tilespmem:s4+$0x8570]  }
0xe9: {  	v43 =	vsub.f32 v11, v9;
	v42 =	vmul.f32 v40, v40;
	v41 =	vld [tilespmem:s5+$0x560];
	v44 =	vsub.f32 v19, v33  }
0xea: {  	v11 =	vadd.f32 v39, v12;
	v45 =	vld [tilespmem:s5+$0x8560];
	v12 =	vadd.f32 v32, v13;
	v13 =	vmul.f32 v24, v24  }
0xeb: {  	v19 =	vmul.f32 v43, v43;
	v32 =	vsub.f32 v8, v7;
	v8 =	vld [tilespmem:s5+$0x540];
	v39 =	vsub.f32 v17, v35  }
0xec: {  	v17 =	vadd.f32 v42, v11;
	v46 =	vld [tilespmem:s5+$0x8540];
	v12 =	vadd.f32 v13, v12;
	v13 =	vmul.f32 v44, v44  }
0xed: {  	v47 =	vsub.f32 v6, v5;
	v42 =	vmul.f32 v32, v32;
	v11 =	vld [tilespmem:s5+$0x520];
	v48 =	vsub.f32 v16, v37  }
0xee: {  	v17 =	vadd.f32 v19, v17;
	v49 =	vld [tilespmem:s5+$0x8520];
	v12 =	vadd.f32 v13, v12;
	v13 =	vmul.f32 v39, v39;
	v6 =	vmovc v41  }
0xef: {  	v19 =	vadd.f32 v23, v20;
	v20 =	vadd.f32 v29, v27;
	v23 =	vmul.f32 v47, v47;
	v16 =	vld [tilespmem:s5+$0x500]  }
0xf0: {  	v27 =	vadd.f32 v42, v17;
	v41 =	vmul.f32 v48, v48;
	v29 =	vld [tilespmem:s5+$0x8500];
	v13 =	vadd.f32 v13, v12  }
0xf1: {  	v18 =	vadd.f32 v21, v18;
	v21 =	vadd.f32 v30, v26;
	v17 =	vld [tilespmem:s5+$0x160];
	[tilespmem:s4+$0x10100] =	vst v19  }
0xf2: {  	v12 =	vadd.f32 v23, v27;
	v42 =	vld [tilespmem:s5+$0x8160];
	[tilespmem:s4+$0x10110] =	vst v20;
	v13 =	vadd.f32 v41, v13  }
0xf3: {  	v20 =	vadd.f32 v22, v28;
	v19 =	vld [tilespmem:s5+$0x140];
	[tilespmem:s4+$0x10120] =	vst v18;
	v18 =	vadd.f32 v36, v15  }
0xf4: {  	v31 =	vadd.f32 v25, v31;
	v23 =	vadd.f32 v38, v14;
	v15 =	vld [tilespmem:s5+$0x8140];
	[tilespmem:s4+$0x10130] =	vst v21  }
.Ltmp2:
0xf5: {  	v27 =	vadd.f32 v24, v34;
	v36 =	vadd.f32 v40, v10;
	v22 =	vld [tilespmem:s5+$0x150];
	[tilespmem:s4+$0x10140] =	vst v18;
	v10 =	vmov v29;
	(pc) =	sbr.rel @p1 .LBB2_6-.Ltmp2, $4  }
0xf6: {  	v30 =	vadd.f32 v43, v9;
	v26 =	vadd.f32 v44, v33;
	v9 =	vmov v49;
	v21 =	vld [tilespmem:s5+$0x120];
	[tilespmem:s4+$0x10150] =	vst v20  }
0xf7: {  	v25 =	vadd.f32 v39, v35;
	v28 =	vadd.f32 v32, v7;
	v7 =	vmovc v46;
	v18 =	vld [tilespmem:s5+$0x8120];
	[tilespmem:s4+$0x10160] =	vst v23;
	v14 =	vmov v42  }
0xf8: {  	v24 =	vadd.f32 v48, v37;
	v29 =	vadd.f32 v47, v5;
	v5 =	vmov v45;
	v23 =	vld [tilespmem:s5+$0x100];
	[tilespmem:s4+$0x10170] =	vst v31  }
0xf9: {  	s7 =	sadd.s32 $0x100, s7;
	v20 =	vld [tilespmem:s5+$0x8100];
	[tilespmem:s4+$0x10500] =	vst v36  }
0xfa: {  	v31 =	vld [tilespmem:s5+$0x110];
	[tilespmem:s4+$0x10510] =	vst v27  }
0xfb: {  	v27 =	vld [tilespmem:s5+$0x8110];
	[tilespmem:s4+$0x10520] =	vst v30  }
0xfc: {  	v30 =	vld [tilespmem:s5+$0x130];
	[tilespmem:s4+$0x10530] =	vst v26  }
0xfd: {  	v32 =	vld [tilespmem:s5+$0x8130];
	[tilespmem:s4+$0x10540] =	vst v28  }
0xfe: {  	v28 =	vld [tilespmem:s5+$0x8150];
	[tilespmem:s4+$0x10550] =	vst v25  }
0xff: {  	v33 =	vld [tilespmem:s5+$0x170];
	[tilespmem:s4+$0x10560] =	vst v29  }
0x100: {  	v29 =	vld [tilespmem:s5+$0x8170];
	[tilespmem:s4+$0x10570] =	vst v24;
	v24 =	vsub.f32 v23, v20  }
0x101: {  	v25 =	vsub.f32 v31, v27  }
0x102: {  	v26 =	vsub.f32 v21, v18;
	v20 =	vadd.f32 v24, v20  }
0x103: {  	v34 =	vld [tilespmem:s5+$0x510];
	v21 =	vsub.f32 v30, v32;
	v39 =	vadd.f32 v25, v27  }
0x104: {  	v35 =	vld [tilespmem:s5+$0x8510];
	v27 =	vsub.f32 v19, v15;
	v19 =	vadd.f32 v26, v18;
	[tilespmem:s5+$0x10100] =	vst v20  }
0x105: {  	v36 =	vld [tilespmem:s5+$0x530];
	v18 =	vsub.f32 v22, v28;
	v20 =	vadd.f32 v21, v32;
	[tilespmem:s5+$0x10110] =	vst v39  }
0x106: {  	v17 =	vsub.f32 v17, v14;
	v37 =	vld [tilespmem:s5+$0x8530];
	[tilespmem:s5+$0x10120] =	vst v19;
	v19 =	vadd.f32 v27, v15  }
0x107: {  	v23 =	vld [tilespmem:s5+$0x550];
	v15 =	vsub.f32 v33, v29;
	v22 =	vadd.f32 v18, v28;
	[tilespmem:s5+$0x10130] =	vst v20  }
0x108: {  	v16 =	vsub.f32 v16, v10;
	v38 =	vld [tilespmem:s5+$0x570];
	v20 =	vadd.f32 v17, v14;
	[tilespmem:s5+$0x10140] =	vst v19  }
0x109: {  	v30 =	vld [tilespmem:s5+$0x8570];
	v28 =	vsub.f32 v8, v7;
	v19 =	vadd.f32 v15, v29;
	[tilespmem:s5+$0x10150] =	vst v22  }
0x10a: {  	v31 =	vld [tilespmem:s5+$0x8550];
	v8 =	vsub.f32 v6, v5;
	v22 =	vadd.f32 v16, v10;
	[tilespmem:s5+$0x10160] =	vst v20  }
0x10b: {  	v14 =	vsub.f32 v34, v35;
	v7 =	vadd.f32 v28, v7;
	[tilespmem:s5+$0x10170] =	vst v19  }
0x10c: {  	v11 =	vsub.f32 v11, v9;
	v5 =	vadd.f32 v8, v5;
	[tilespmem:s5+$0x10500] =	vst v22  }
0x10d: {  	v10 =	vsub.f32 v36, v37;
	v20 =	vadd.f32 v14, v35;
	[tilespmem:s5+$0x10540] =	vst v7  }
0x10e: {  	v6 =	vsub.f32 v38, v30;
	v19 =	vadd.f32 v11, v9;
	[tilespmem:s5+$0x10560] =	vst v5  }
0x10f: {  	v9 =	vsub.f32 v23, v31;
	v22 =	vadd.f32 v10, v37;
	[tilespmem:s5+$0x10510] =	vst v20  }
0x110: {  	v7 =	vadd.f32 v6, v30;
	[tilespmem:s5+$0x10520] =	vst v19  }
0x111: {  	v19 =	vadd.f32 v9, v31;
	[tilespmem:s5+$0x10530] =	vst v22  }
0x112: {  	[tilespmem:s5+$0x10570] =	vst v7  }
0x113: {  	s6 =	rddreg [dreg:$0x1a];
	s4 =	simm.s32 $0x0;
	[tilespmem:s5+$0x10550] =	vst v19  }
0x114: {  	[hbm4b:s6+s4] =	stream.linear.scatter [tilespmem:s22], [sflag:$0x3], $0x4000, $0x38;
	[tilespmem:$0x1A400] =	vst v63  }
0x115: {  	_ =	swait.ge [sflag:s23], $0x4000  }
0x116: {  	[sflag:s23] =	ssyncset.done $0x0  }
0x117: {  	[sflag:s23] =	ssyncadd.s32 $0xFFFFC000  }
0x118: {  	_ =	swait.ge [sflag:s25], $0x40  }
0x119: {  	[sflag:s25] =	ssyncset.done $0x0  }
0x11a: {  	s7 =	rddreg [dreg:$0xa];
	[sflag:s25] =	ssyncadd.s32 $0xFFFFFFC0  }
0x11b: {  	[tilespmem:s4], [sflag:$0x7] =	stream.linear.gather [hbm4b:s7+s4], $0x40, $0x38;
	[tilespmem:$0x1A400] =	vst v63  }
0x11c: {  	_ =	swait.ge [sflag:s26], $0x40  }
0x11d: {  	[sflag:s26] =	ssyncset.done $0x0  }
0x11e: {  	[sflag:s26] =	ssyncadd.s32 $0xFFFFFFC0  }
0x11f: {  	[spmem:s28] =	stream.indirect.scatter.add.f32 [tilespmem:s1], [sflag:$0x5], $0x1, s4, s0, $0xb8;
	[tilespmem:$0x1A400] =	vst v63  }
0x120: {  	v5 =	vld [tilespmem:$0x0];
	_ =	sdelay $0x4  }
0x121: {  	v7 =	vshll.u32 v5, $0x1  }
0x122: {  	v5 =	vand.u32 $0x7, v5;
	v7 =	vand.u32 $0xFFFFFFF0, v7  }
0x123: {  	v5 =	vor.u32 v5, v7  }
0x124: {  	v7 =	vperm.xlane v5, v2;
	_ =	sdelay $0x1  }
0x125: {  	v5 =	vperm.xlane v5, v4;
	v7 =	vadd.s32 v3, v7;
	_ =	sdelay $0x1  }
0x126: {  	v5 =	vadd.s32 v3, v5;
	_ =	sdelay $0x1  }
0x127: {  	s8 =	simm.s32 $0x100  }
0x128: {  	[tilespmem:s8], [sflag:$0x1] =	stream.indirect_vreg.gather [hbm4b:s24+s4], $0x80, v7, vm0, $0xb8;
	[tilespmem:$0x1A400] =	vst v63  }
0x129: {  	s6 =	simm.s32 $0x900  }
0x12a: {  	[tilespmem:s6], [sflag:$0x1] =	stream.indirect_vreg.gather [hbm4b:s24+s4], $0x80, v5, vm0, $0xb8;
	[tilespmem:$0x1A400] =	vst v63  }
0x12b: {  	v5 =	vld [tilespmem:$0x10];
	_ =	sdelay $0x4  }
0x12c: {  	v7 =	vshll.u32 v5, $0x1  }
0x12d: {  	v5 =	vand.u32 $0x7, v5;
	v7 =	vand.u32 $0xFFFFFFF0, v7  }
0x12e: {  	v5 =	vor.u32 v5, v7  }
0x12f: {  	v7 =	vperm.xlane v5, v2;
	_ =	sdelay $0x1  }
0x130: {  	v5 =	vperm.xlane v5, v4;
	v7 =	vadd.s32 v3, v7;
	_ =	sdelay $0x1  }
0x131: {  	v5 =	vadd.s32 v3, v5;
	_ =	sdelay $0x1  }
0x132: {  	s7 =	simm.s32 $0x1100  }
0x133: {  	[tilespmem:s7], [sflag:$0x1] =	stream.indirect_vreg.gather [hbm4b:s24+s4], $0x80, v7, vm0, $0xb8;
	[tilespmem:$0x1A400] =	vst v63  }
0x134: {  	s8 =	simm.s32 $0x1900  }
0x135: {  	[tilespmem:s8], [sflag:$0x1] =	stream.indirect_vreg.gather [hbm4b:s24+s4], $0x80, v5, vm0, $0xb8;
	[tilespmem:$0x1A400] =	vst v63  }
0x136: {  	v5 =	vld [tilespmem:$0x20];
	_ =	sdelay $0x4  }
0x137: {  	v7 =	vshll.u32 v5, $0x1  }
0x138: {  	v5 =	vand.u32 $0x7, v5;
	v7 =	vand.u32 $0xFFFFFFF0, v7  }
0x139: {  	v5 =	vor.u32 v5, v7  }
0x13a: {  	v7 =	vperm.xlane v5, v2;
	_ =	sdelay $0x1  }
0x13b: {  	v5 =	vperm.xlane v5, v4;
	v7 =	vadd.s32 v3, v7;
	_ =	sdelay $0x1  }
0x13c: {  	v5 =	vadd.s32 v3, v5;
	_ =	sdelay $0x1  }
0x13d: {  	s6 =	simm.s32 $0x2100  }
0x13e: {  	[tilespmem:s6], [sflag:$0x1] =	stream.indirect_vreg.gather [hbm4b:s24+s4], $0x80, v7, vm0, $0xb8;
	[tilespmem:$0x1A400] =	vst v63  }
0x13f: {  	s7 =	simm.s32 $0x2900  }
0x140: {  	[tilespmem:s7], [sflag:$0x1] =	stream.indirect_vreg.gather [hbm4b:s24+s4], $0x80, v5, vm0, $0xb8;
	[tilespmem:$0x1A400] =	vst v63  }
0x141: {  	v5 =	vld [tilespmem:$0x30];
	_ =	sdelay $0x4  }
0x142: {  	v7 =	vshll.u32 v5, $0x1  }
0x143: {  	v5 =	vand.u32 $0x7, v5;
	v7 =	vand.u32 $0xFFFFFFF0, v7  }
0x144: {  	v5 =	vor.u32 v5, v7  }
0x145: {  	v7 =	vperm.xlane v5, v2;
	_ =	sdelay $0x1  }
0x146: {  	v5 =	vperm.xlane v5, v4;
	v7 =	vadd.s32 v3, v7;
	_ =	sdelay $0x1  }
0x147: {  	v5 =	vadd.s32 v3, v5;
	_ =	sdelay $0x1  }
0x148: {  	s8 =	simm.s32 $0x3100  }
0x149: {  	[tilespmem:s8], [sflag:$0x1] =	stream.indirect_vreg.gather [hbm4b:s24+s4], $0x80, v7, vm0, $0xb8;
	[tilespmem:$0x1A400] =	vst v63  }
0x14a: {  	_ = 	snop  }
0x14b: {  	[tilespmem:s9], [sflag:$0x1] =	stream.indirect_vreg.gather [hbm4b:s24+s4], $0x80, v5, vm0, $0xb8;
	[tilespmem:$0x1A400] =	vst v63  }
0x14c: {  	s6 =	rddreg [dreg:$0xb]  }
0x14d: {  	[tilespmem:s10], [sflag:$0x1] =	stream.linear.gather [hbm4b:s6+s4], $0x4000, $0x38;
	[tilespmem:$0x1A400] =	vst v63  }
0x14e: {  	_ =	swait.ge [sflag:s29], $0x4000  }
0x14f: {  	[sflag:s29] =	ssyncset.done $0x0  }
0x150: {  	[sflag:s29] =	ssyncadd.s32 $0xFFFFC000  }
0x151: {  	_ =	swait.ge [sflag:s29], $0x4000  }
0x152: {  	s7 =	sand.u32 $0x3800, s4;
	s4 =	sand.u32 $0x380, s4;
	[sflag:s29] =	ssyncset.done $0x0  }
0x153: {  	s4 =	sor.u32 s4, s7;
	[sflag:s29] =	ssyncadd.s32 $0xFFFFC000  }
0x154: {  	v30 =	vld [tilespmem:s4+$0x4560]  }
0x155: {  	v19 =	vld [tilespmem:s4+$0xC560]  }
0x156: {  	v31 =	vld [tilespmem:s4+$0x4540]  }
0x157: {  	v20 =	vld [tilespmem:s4+$0xC540]  }
0x158: {  	v59 =	vld [tilespmem:s4+$0x4520]  }
0x159: {  	v22 =	vld [tilespmem:s4+$0xC520]  }
0x15a: {  	v60 =	vld [tilespmem:s4+$0x4500]  }
0x15b: {  	v23 =	vld [tilespmem:s4+$0xC500]  }
0x15c: {  	v61 =	vld [tilespmem:s4+$0x4160]  }
0x15d: {  	v29 =	vld [tilespmem:s4+$0xC160]  }
0x15e: {  	v7 =	vld [tilespmem:s4+$0x4140]  }
0x15f: {  	v35 =	vld [tilespmem:s4+$0xC140]  }
0x160: {  	v24 =	vmul.f32 v24, v24;
	v25 =	vmul.f32 v25, v25;
	v62 =	vld [tilespmem:s4+$0x4150]  }
0x161: {  	v26 =	vmul.f32 v26, v26;
	v5 =	vld [tilespmem:s4+$0x4120]  }
0x162: {  	v12 =	vadd.f32 v24, v12;
	v13 =	vadd.f32 v25, v13;
	v21 =	vmul.f32 v21, v21;
	v63 =	vld [tilespmem:s4+$0xC120]  }
0x163: {  	v27 =	vmul.f32 v27, v27;
	v52 =	vld [tilespmem:s4+$0x4100]  }
0x164: {  	v18 =	vmul.f32 v18, v18;
	v12 =	vadd.f32 v26, v12;
	v13 =	vadd.f32 v21, v13;
	v53 =	vld [tilespmem:s4+$0xC100]  }
0x165: {  	v17 =	vmul.f32 v17, v17;
	v40 =	vld [tilespmem:s4+$0x4110]  }
0x166: {  	v15 =	vmul.f32 v15, v15;
	v12 =	vadd.f32 v27, v12;
	v13 =	vadd.f32 v18, v13;
	v41 =	vld [tilespmem:s4+$0xC110]  }
0x167: {  	v16 =	vmul.f32 v16, v16;
	v24 =	vld [tilespmem:s4+$0x4130]  }
0x168: {  	v14 =	vmul.f32 v14, v14;
	v12 =	vadd.f32 v17, v12;
	v13 =	vadd.f32 v15, v13;
	v25 =	vld [tilespmem:s4+$0xC130]  }
0x169: {  	v11 =	vmul.f32 v11, v11;
	v26 =	vld [tilespmem:s4+$0xC150]  }
0x16a: {  	v10 =	vmul.f32 v10, v10;
	v12 =	vadd.f32 v16, v12;
	v13 =	vadd.f32 v14, v13;
	v21 =	vld [tilespmem:s4+$0x4170]  }
0x16b: {  	v9 =	vmul.f32 v9, v9;
	v27 =	vld [tilespmem:s4+$0xC170]  }
0x16c: {  	v14 =	vmul.f32 v28, v28;
	v11 =	vadd.f32 v11, v12;
	v10 =	vadd.f32 v10, v13;
	v18 =	vld [tilespmem:s4+$0x4510]  }
0x16d: {  	v8 =	vmul.f32 v8, v8;
	v42 =	vld [tilespmem:s4+$0xC510]  }
0x16e: {  	v11 =	vadd.f32 v14, v11;
	v9 =	vadd.f32 v9, v10;
	v10 =	vmul.f32 v6, v6;
	v15 =	vld [tilespmem:s4+$0x4530]  }
0x16f: {  	v43 =	vld [tilespmem:s4+$0xC530]  }
0x170: {  	v11 =	vadd.f32 v8, v11;
	v9 =	vadd.f32 v10, v9;
	v44 =	vld [tilespmem:s4+$0x4550]  }
0x171: {  	s8 =	simm.s32 $0x100;
	s6 =	simm.s32 $0x80;
	v45 =	vld [tilespmem:s4+$0xC550];
	v13 =	vsub.f32 v52, v53;
	v14 =	vsub.f32 v40, v41  }
0x172: {  	s5 =	sand.u32 $0x3800, s8;
	s7 =	sand.u32 $0x380, s6;
	v12 =	vld [tilespmem:s4+$0x4570];
	v28 =	vsub.f32 v5, v63;
	v24 =	vsub.f32 v24, v25  }
0x173: {  	s5 =	sor.u32 s7, s5;
	v54 =	vld [tilespmem:s4+$0xC570];
	v55 =	vsub.f32 v7, v35;
	v36 =	vsub.f32 v62, v26  }
0x174: {  	v6 =	vld [tilespmem:s5+$0x4560];
	v34 =	vsub.f32 v61, v29;
	v48 =	vsub.f32 v21, v27  }
0x175: {  	v8 =	vld [tilespmem:s5+$0x4540];
	v33 =	vsub.f32 v60, v23;
	v58 =	vsub.f32 v18, v42;
	v16 =	vmul.f32 v13, v13  }
0x176: {  	v5 =	vld [tilespmem:s5+$0xC560];
	v32 =	vsub.f32 v59, v22;
	v60 =	vsub.f32 v15, v43;
	v10 =	vmul.f32 v14, v14  }
0x177: {  	v7 =	vld [tilespmem:s5+$0xC540];
	v31 =	vsub.f32 v31, v20;
	v17 =	vmul.f32 v28, v28;
	v16 =	vadd.f32 v16, v11  }
0x178: {  	v61 =	vsub.f32 v44, v45;
	v46 =	vmul.f32 v24, v24;
	v10 =	vadd.f32 v10, v9;
	v11 =	vld [tilespmem:s5+$0x4520]  }
0x179: {  	v62 =	vsub.f32 v30, v19;
	v47 =	vmul.f32 v55, v55;
	v9 =	vld [tilespmem:s5+$0xC520];
	v17 =	vadd.f32 v17, v16  }
0x17a: {  	v56 =	vmul.f32 v36, v36;
	v13 =	vadd.f32 v13, v53;
	v21 =	vadd.f32 v46, v10;
	v16 =	vld [tilespmem:s5+$0x4500]  }
0x17b: {  	v57 =	vmul.f32 v34, v34;
	v18 =	vadd.f32 v14, v41;
	v10 =	vld [tilespmem:s5+$0xC500];
	v47 =	vadd.f32 v47, v17  }
0x17c: {  	v15 =	vadd.f32 v28, v63;
	v21 =	vadd.f32 v56, v21;
	v17 =	vld [tilespmem:s5+$0x4160];
	[tilespmem:s4+$0x14100] =	vst v13;
	v13 =	vmul.f32 v48, v48  }
0x17d: {  	v59 =	vmul.f32 v33, v33;
	v24 =	vadd.f32 v24, v25;
	v39 =	vadd.f32 v57, v47  }
0x17e: {  	v30 =	vadd.f32 v55, v35;
	v14 =	vld [tilespmem:s5+$0xC160];
	[tilespmem:s4+$0x14110] =	vst v18;
	v18 =	vmul.f32 v58, v58;
	v13 =	vadd.f32 v13, v21  }
0x17f: {  	v25 =	vmul.f32 v32, v32;
	v63 =	vsub.f32 v12, v54;
	v28 =	vadd.f32 v59, v39  }
0x180: {  	v29 =	vadd.f32 v34, v29;
	v21 =	vld [tilespmem:s5+$0x4140];
	[tilespmem:s4+$0x14120] =	vst v15;
	v13 =	vadd.f32 v18, v13;
	v18 =	vmul.f32 v60, v60  }
0x181: {  	v27 =	vadd.f32 v48, v27;
	v15 =	vld [tilespmem:s5+$0xC140];
	[tilespmem:s4+$0x14130] =	vst v24;
	v24 =	vmul.f32 v31, v31;
	v12 =	vadd.f32 v25, v28  }
0x182: {  	v13 =	vadd.f32 v18, v13;
	v18 =	vmul.f32 v61, v61;
	v25 =	vadd.f32 v36, v26  }
0x183: {  	v33 =	vadd.f32 v33, v23;
	v28 =	vld [tilespmem:s5+$0x4150];
	[tilespmem:s4+$0x14140] =	vst v30;
	v26 =	vmul.f32 v62, v62;
	v12 =	vadd.f32 v24, v12  }
0x184: {  	v30 =	vmul.f32 v63, v63;
	v24 =	vld [tilespmem:s5+$0x4120];
	v13 =	vadd.f32 v18, v13;
	[tilespmem:s4+$0x14150] =	vst v25;
	v25 =	vadd.f32 v60, v43  }
0x185: {  	v18 =	vld [tilespmem:s5+$0xC120];
	[tilespmem:s4+$0x14160] =	vst v29;
	v29 =	vadd.f32 v62, v19;
	v19 =	vadd.f32 v63, v54  }
0x186: {  	v12 =	vadd.f32 v26, v12;
	v13 =	vadd.f32 v30, v13  }
0x187: {  	v26 =	vadd.f32 v58, v42;
	v23 =	vld [tilespmem:s5+$0x4100];
	v30 =	vadd.f32 v32, v22;
	[tilespmem:s4+$0x14170] =	vst v27  }
0x188: {  	s7 =	simm.s32 $0x200;
	v27 =	vadd.f32 v31, v20;
	v22 =	vadd.f32 v61, v45;
	v20 =	vld [tilespmem:s5+$0xC100];
	[tilespmem:s4+$0x14500] =	vst v33  }
.LBB2_8:
0x189: {  	p1 =	sne.s32 s7, $0x3F00;
	v31 =	vld [tilespmem:s5+$0x4110];
	[tilespmem:s4+$0x14510] =	vst v26  }
0x18a: {  	v26 =	vld [tilespmem:s5+$0xC110];
	[tilespmem:s4+$0x14520] =	vst v30  }
0x18b: {  	v30 =	vld [tilespmem:s5+$0x4130];
	[tilespmem:s4+$0x14530] =	vst v25  }
0x18c: {  	v25 =	vld [tilespmem:s5+$0xC130];
	[tilespmem:s4+$0x14540] =	vst v27  }
0x18d: {  	v27 =	vld [tilespmem:s5+$0xC150];
	[tilespmem:s4+$0x14550] =	vst v22  }
0x18e: {  	v22 =	vld [tilespmem:s5+$0x4170];
	[tilespmem:s4+$0x14560] =	vst v29  }
0x18f: {  	v23 =	vsub.f32 v23, v20;
	v29 =	vsub.f32 v31, v26;
	v31 =	vld [tilespmem:s5+$0xC170];
	[tilespmem:s4+$0x14570] =	vst v19;
	s4 =	smov.u32 s5  }
0x190: {  	v19 =	vsub.f32 v24, v18;
	v24 =	vld [tilespmem:s4+$0x4510]  }
0x191: {  	v32 =	vmul.f32 v23, v23;
	v33 =	vmul.f32 v29, v29;
	v30 =	vsub.f32 v30, v25;
	v34 =	vld [tilespmem:s4+$0xC510]  }
0x192: {  	v36 =	vsub.f32 v21, v15;
	v35 =	vmul.f32 v19, v19;
	v28 =	vsub.f32 v28, v27;
	v21 =	vld [tilespmem:s4+$0x4530]  }
0x193: {  	v12 =	vadd.f32 v32, v12;
	v13 =	vadd.f32 v33, v13;
	v32 =	vmul.f32 v30, v30;
	v33 =	vld [tilespmem:s4+$0xC530]  }
0x194: {  	v38 =	vsub.f32 v17, v14;
	v37 =	vmul.f32 v36, v36;
	v22 =	vsub.f32 v22, v31;
	v17 =	vld [tilespmem:s4+$0x4550]  }
0x195: {  	s6 =	sadd.s32 $0x80, s6;
	v12 =	vadd.f32 v35, v12;
	v13 =	vadd.f32 v32, v13;
	v32 =	vmul.f32 v28, v28;
	v35 =	vld [tilespmem:s4+$0xC550]  }
0x196: {  	v40 =	vsub.f32 v16, v10;
	s8 =	sand.u32 $0x380, s6;
	v39 =	vmul.f32 v38, v38;
	s5 =	sand.u32 $0x3800, s7;
	v24 =	vsub.f32 v24, v34;
	v16 =	vld [tilespmem:s4+$0x4570]  }
0x197: {  	s5 =	sor.u32 s8, s5;
	v12 =	vadd.f32 v37, v12;
	v13 =	vadd.f32 v32, v13;
	v32 =	vmul.f32 v22, v22;
	v37 =	vld [tilespmem:s4+$0xC570]  }
0x198: {  	v43 =	vsub.f32 v11, v9;
	v42 =	vmul.f32 v40, v40;
	v41 =	vld [tilespmem:s5+$0x4560];
	v44 =	vsub.f32 v21, v33  }
0x199: {  	v11 =	vadd.f32 v39, v12;
	v45 =	vld [tilespmem:s5+$0xC560];
	v12 =	vadd.f32 v32, v13;
	v13 =	vmul.f32 v24, v24  }
0x19a: {  	v21 =	vmul.f32 v43, v43;
	v32 =	vsub.f32 v8, v7;
	v8 =	vld [tilespmem:s5+$0x4540];
	v39 =	vsub.f32 v17, v35  }
0x19b: {  	v17 =	vadd.f32 v42, v11;
	v46 =	vld [tilespmem:s5+$0xC540];
	v12 =	vadd.f32 v13, v12;
	v13 =	vmul.f32 v44, v44  }
0x19c: {  	v47 =	vsub.f32 v6, v5;
	v42 =	vmul.f32 v32, v32;
	v11 =	vld [tilespmem:s5+$0x4520];
	v48 =	vsub.f32 v16, v37  }
0x19d: {  	v17 =	vadd.f32 v21, v17;
	v49 =	vld [tilespmem:s5+$0xC520];
	v12 =	vadd.f32 v13, v12;
	v13 =	vmul.f32 v39, v39;
	v6 =	vmovc v41  }
0x19e: {  	v20 =	vadd.f32 v23, v20;
	v23 =	vmul.f32 v47, v47;
	v21 =	vadd.f32 v29, v26;
	v16 =	vld [tilespmem:s5+$0x4500]  }
0x19f: {  	v26 =	vadd.f32 v42, v17;
	v41 =	vmul.f32 v48, v48;
	v29 =	vld [tilespmem:s5+$0xC500];
	v13 =	vadd.f32 v13, v12  }
0x1a0: {  	v18 =	vadd.f32 v19, v18;
	v19 =	vadd.f32 v30, v25;
	v17 =	vld [tilespmem:s5+$0x4160];
	[tilespmem:s4+$0x14100] =	vst v20  }
0x1a1: {  	v12 =	vadd.f32 v23, v26;
	v20 =	vld [tilespmem:s5+$0xC160];
	[tilespmem:s4+$0x14110] =	vst v21;
	v13 =	vadd.f32 v41, v13  }
0x1a2: {  	v23 =	vadd.f32 v28, v27;
	v21 =	vld [tilespmem:s5+$0x4140];
	[tilespmem:s4+$0x14120] =	vst v18;
	v18 =	vadd.f32 v36, v15  }
0x1a3: {  	v36 =	vadd.f32 v38, v14;
	v15 =	vld [tilespmem:s5+$0xC140];
	[tilespmem:s4+$0x14130] =	vst v19;
	v19 =	vadd.f32 v22, v31  }
.Ltmp3:
0x1a4: {  	v26 =	vadd.f32 v24, v34;
	v31 =	vadd.f32 v40, v10;
	v28 =	vld [tilespmem:s5+$0x4150];
	[tilespmem:s4+$0x14140] =	vst v18;
	v10 =	vmov v29;
	(pc) =	sbr.rel @p1 .LBB2_8-.Ltmp3, $4  }
0x1a5: {  	v30 =	vadd.f32 v43, v9;
	v25 =	vadd.f32 v44, v33;
	v9 =	vmov v49;
	v24 =	vld [tilespmem:s5+$0x4120];
	[tilespmem:s4+$0x14150] =	vst v23  }
0x1a6: {  	v27 =	vadd.f32 v32, v7;
	v7 =	vmovc v46;
	v22 =	vadd.f32 v39, v35;
	v18 =	vld [tilespmem:s5+$0xC120];
	[tilespmem:s4+$0x14160] =	vst v36;
	v14 =	vmov v20  }
0x1a7: {  	v29 =	vadd.f32 v47, v5;
	v5 =	vmov v45;
	v23 =	vld [tilespmem:s5+$0x4100];
	[tilespmem:s4+$0x14170] =	vst v19;
	v19 =	vadd.f32 v48, v37  }
0x1a8: {  	s7 =	sadd.s32 $0x100, s7;
	v20 =	vld [tilespmem:s5+$0xC100];
	[tilespmem:s4+$0x14500] =	vst v31  }
0x1a9: {  	v31 =	vld [tilespmem:s5+$0x4110];
	[tilespmem:s4+$0x14510] =	vst v26  }
0x1aa: {  	v32 =	vld [tilespmem:s5+$0xC110];
	[tilespmem:s4+$0x14520] =	vst v30  }
0x1ab: {  	v30 =	vld [tilespmem:s5+$0x4130];
	[tilespmem:s4+$0x14530] =	vst v25  }
0x1ac: {  	v33 =	vld [tilespmem:s5+$0xC130];
	[tilespmem:s4+$0x14540] =	vst v27  }
0x1ad: {  	v34 =	vld [tilespmem:s5+$0xC150];
	[tilespmem:s4+$0x14550] =	vst v22  }
0x1ae: {  	v25 =	vsub.f32 v23, v20;
	v22 =	vld [tilespmem:s5+$0x4170];
	[tilespmem:s4+$0x14560] =	vst v29  }
0x1af: {  	v21 =	vsub.f32 v21, v15;
	v29 =	vld [tilespmem:s5+$0xC170];
	[tilespmem:s4+$0x14570] =	vst v19;
	v26 =	vsub.f32 v31, v32  }
0x1b0: {  	v27 =	vsub.f32 v24, v18;
	v20 =	vadd.f32 v25, v20;
	v19 =	vld [tilespmem:s5+$0x4510]  }
0x1b1: {  	v35 =	vld [tilespmem:s5+$0xC510];
	v24 =	vsub.f32 v30, v33;
	v32 =	vadd.f32 v26, v32  }
0x1b2: {  	v17 =	vsub.f32 v17, v14;
	v36 =	vld [tilespmem:s5+$0x4530];
	[tilespmem:s5+$0x14100] =	vst v20;
	v20 =	vadd.f32 v27, v18  }
0x1b3: {  	v37 =	vld [tilespmem:s5+$0xC530];
	v18 =	vsub.f32 v28, v34;
	v28 =	vadd.f32 v24, v33;
	[tilespmem:s5+$0x14110] =	vst v32  }
0x1b4: {  	v16 =	vsub.f32 v16, v10;
	[tilespmem:s5+$0x14120] =	vst v20;
	v20 =	vadd.f32 v21, v15  }
0x1b5: {  	v23 =	vld [tilespmem:s5+$0x4550];
	v15 =	vsub.f32 v22, v29;
	v22 =	vadd.f32 v18, v34;
	[tilespmem:s5+$0x14130] =	vst v28  }
0x1b6: {  	v31 =	vld [tilespmem:s5+$0xC550];
	v28 =	vadd.f32 v17, v14;
	[tilespmem:s5+$0x14140] =	vst v20  }
0x1b7: {  	v38 =	vld [tilespmem:s5+$0x4570];
	v14 =	vsub.f32 v19, v35;
	v20 =	vadd.f32 v16, v10;
	[tilespmem:s5+$0x14150] =	vst v22  }
0x1b8: {  	v30 =	vld [tilespmem:s5+$0xC570];
	v10 =	vsub.f32 v36, v37;
	v19 =	vadd.f32 v15, v29;
	[tilespmem:s5+$0x14160] =	vst v28  }
0x1b9: {  	v11 =	vsub.f32 v11, v9;
	v22 =	vadd.f32 v14, v35;
	[tilespmem:s5+$0x14500] =	vst v20  }
0x1ba: {  	v28 =	vsub.f32 v8, v7;
	v20 =	vadd.f32 v10, v37;
	[tilespmem:s5+$0x14170] =	vst v19  }
0x1bb: {  	v8 =	vsub.f32 v6, v5;
	v19 =	vadd.f32 v11, v9;
	[tilespmem:s5+$0x14510] =	vst v22  }
0x1bc: {  	v9 =	vsub.f32 v23, v31;
	v7 =	vadd.f32 v28, v7;
	[tilespmem:s5+$0x14530] =	vst v20  }
0x1bd: {  	v6 =	vsub.f32 v38, v30;
	v5 =	vadd.f32 v8, v5;
	[tilespmem:s5+$0x14520] =	vst v19  }
0x1be: {  	v19 =	vadd.f32 v9, v31;
	[tilespmem:s5+$0x14540] =	vst v7  }
0x1bf: {  	v7 =	vadd.f32 v6, v30;
	[tilespmem:s5+$0x14560] =	vst v5  }
0x1c0: {  	[tilespmem:s5+$0x14550] =	vst v19  }
0x1c1: {  	s7 =	rddreg [dreg:$0xc];
	s4 =	simm.s32 $0x0;
	[tilespmem:s5+$0x14570] =	vst v7  }
0x1c2: {  	[hbm4b:s7+s4] =	stream.linear.scatter [tilespmem:s30], [sflag:$0x4], $0x4000, $0x38;
	[tilespmem:$0x1A400] =	vst v63  }
0x1c3: {  	_ =	swait.ge [sflag:s31], $0x4000  }
0x1c4: {  	[sflag:s31] =	ssyncset.done $0x0  }
0x1c5: {  	[sflag:s31] =	ssyncadd.s32 $0xFFFFC000  }
0x1c6: {  	_ =	swait.ge [sflag:s2], $0x40  }
0x1c7: {  	[sflag:s2] =	ssyncset.done $0x0  }
0x1c8: {  	s8 =	rddreg [dreg:$0xd];
	[sflag:s2] =	ssyncadd.s32 $0xFFFFFFC0  }
0x1c9: {  	[tilespmem:s11], [sflag:$0x7] =	stream.linear.gather [hbm4b:s8+s4], $0x40, $0x38;
	[tilespmem:$0x1A400] =	vst v63  }
0x1ca: {  	_ =	swait.ge [sflag:s26], $0x40  }
0x1cb: {  	[sflag:s26] =	ssyncset.done $0x0  }
0x1cc: {  	[sflag:s26] =	ssyncadd.s32 $0xFFFFFFC0  }
0x1cd: {  	[spmem:s28] =	stream.indirect.scatter.add.f32 [tilespmem:s1], [sflag:$0x6], $0x1, s11, s0, $0xb8;
	[tilespmem:$0x1A400] =	vst v63  }
0x1ce: {  	v5 =	vld [tilespmem:$0x80];
	_ =	sdelay $0x4  }
0x1cf: {  	v7 =	vshll.u32 v5, $0x1  }
0x1d0: {  	v5 =	vand.u32 $0x7, v5;
	v7 =	vand.u32 $0xFFFFFFF0, v7  }
0x1d1: {  	v5 =	vor.u32 v5, v7  }
0x1d2: {  	v7 =	vperm.xlane v5, v2;
	_ =	sdelay $0x1  }
0x1d3: {  	v5 =	vperm.xlane v5, v4;
	v7 =	vadd.s32 v3, v7;
	_ =	sdelay $0x1  }
0x1d4: {  	v5 =	vadd.s32 v3, v5;
	_ =	sdelay $0x2  }
0x1d5: {  	[tilespmem:s12], [sflag:$0x2] =	stream.indirect_vreg.gather [hbm4b:s24+s4], $0x80, v7, vm0, $0xb8;
	[tilespmem:$0x1A400] =	vst v63  }
0x1d6: {  	_ = 	snop  }
0x1d7: {  	[tilespmem:s13], [sflag:$0x2] =	stream.indirect_vreg.gather [hbm4b:s24+s4], $0x80, v5, vm0, $0xb8;
	[tilespmem:$0x1A400] =	vst v63  }
0x1d8: {  	v5 =	vld [tilespmem:$0x90];
	_ =	sdelay $0x4  }
0x1d9: {  	v7 =	vshll.u32 v5, $0x1  }
0x1da: {  	v5 =	vand.u32 $0x7, v5;
	v7 =	vand.u32 $0xFFFFFFF0, v7  }
0x1db: {  	v5 =	vor.u32 v5, v7  }
0x1dc: {  	v7 =	vperm.xlane v5, v2;
	_ =	sdelay $0x1  }
0x1dd: {  	v5 =	vperm.xlane v5, v4;
	v7 =	vadd.s32 v3, v7;
	_ =	sdelay $0x1  }
0x1de: {  	v5 =	vadd.s32 v3, v5;
	_ =	sdelay $0x2  }
0x1df: {  	[tilespmem:s14], [sflag:$0x2] =	stream.indirect_vreg.gather [hbm4b:s24+s4], $0x80, v7, vm0, $0xb8;
	[tilespmem:$0x1A400] =	vst v63  }
0x1e0: {  	_ = 	snop  }
0x1e1: {  	[tilespmem:s15], [sflag:$0x2] =	stream.indirect_vreg.gather [hbm4b:s24+s4], $0x80, v5, vm0, $0xb8;
	[tilespmem:$0x1A400] =	vst v63  }
0x1e2: {  	v5 =	vld [tilespmem:$0xA0];
	_ =	sdelay $0x4  }
0x1e3: {  	v7 =	vshll.u32 v5, $0x1  }
0x1e4: {  	v5 =	vand.u32 $0x7, v5;
	v7 =	vand.u32 $0xFFFFFFF0, v7  }
0x1e5: {  	v5 =	vor.u32 v5, v7  }
0x1e6: {  	v7 =	vperm.xlane v5, v2;
	_ =	sdelay $0x1  }
0x1e7: {  	v5 =	vperm.xlane v5, v4;
	v7 =	vadd.s32 v3, v7;
	_ =	sdelay $0x1  }
0x1e8: {  	v5 =	vadd.s32 v3, v5;
	_ =	sdelay $0x2  }
0x1e9: {  	[tilespmem:s16], [sflag:$0x2] =	stream.indirect_vreg.gather [hbm4b:s24+s4], $0x80, v7, vm0, $0xb8;
	[tilespmem:$0x1A400] =	vst v63  }
0x1ea: {  	_ = 	snop  }
0x1eb: {  	[tilespmem:s17], [sflag:$0x2] =	stream.indirect_vreg.gather [hbm4b:s24+s4], $0x80, v5, vm0, $0xb8;
	[tilespmem:$0x1A400] =	vst v63  }
0x1ec: {  	v5 =	vld [tilespmem:$0xB0];
	_ =	sdelay $0x4  }
0x1ed: {  	v7 =	vshll.u32 v5, $0x1  }
0x1ee: {  	v5 =	vand.u32 $0x7, v5;
	v7 =	vand.u32 $0xFFFFFFF0, v7  }
0x1ef: {  	v5 =	vor.u32 v5, v7  }
0x1f0: {  	v7 =	vperm.xlane v5, v2;
	_ =	sdelay $0x1  }
0x1f1: {  	v5 =	vperm.xlane v5, v4;
	v7 =	vadd.s32 v3, v7;
	_ =	sdelay $0x1  }
0x1f2: {  	v5 =	vadd.s32 v3, v5;
	_ =	sdelay $0x2  }
0x1f3: {  	[tilespmem:s18], [sflag:$0x2] =	stream.indirect_vreg.gather [hbm4b:s24+s4], $0x80, v7, vm0, $0xb8;
	[tilespmem:$0x1A400] =	vst v63  }
0x1f4: {  	_ = 	snop  }
0x1f5: {  	[tilespmem:s19], [sflag:$0x2] =	stream.indirect_vreg.gather [hbm4b:s24+s4], $0x80, v5, vm0, $0xb8;
	[tilespmem:$0x1A400] =	vst v63  }
0x1f6: {  	s6 =	rddreg [dreg:$0xe]  }
0x1f7: {  	[tilespmem:s20], [sflag:$0x2] =	stream.linear.gather [hbm4b:s6+s4], $0x4000, $0x38;
	[tilespmem:$0x1A400] =	vst v63  }
0x1f8: {  	_ =	swait.ge [sflag:s21], $0x4000  }
0x1f9: {  	[sflag:s21] =	ssyncset.done $0x0  }
0x1fa: {  	[sflag:s21] =	ssyncadd.s32 $0xFFFFC000  }
0x1fb: {  	_ =	swait.ge [sflag:s21], $0x4000  }
0x1fc: {  	s7 =	sand.u32 $0x3800, s4;
	s4 =	sand.u32 $0x380, s4;
	[sflag:s21] =	ssyncset.done $0x0  }
0x1fd: {  	s4 =	sor.u32 s4, s7;
	[sflag:s21] =	ssyncadd.s32 $0xFFFFC000  }
0x1fe: {  	v30 =	vld [tilespmem:s4+$0x560]  }
0x1ff: {  	v19 =	vld [tilespmem:s4+$0x8560]  }
0x200: {  	v31 =	vld [tilespmem:s4+$0x540]  }
0x201: {  	v20 =	vld [tilespmem:s4+$0x8540]  }
0x202: {  	v60 =	vld [tilespmem:s4+$0x520]  }
0x203: {  	v22 =	vld [tilespmem:s4+$0x8520]  }
0x204: {  	v61 =	vld [tilespmem:s4+$0x500]  }
0x205: {  	v23 =	vld [tilespmem:s4+$0x8500]  }
0x206: {  	v62 =	vld [tilespmem:s4+$0x160]  }
0x207: {  	v29 =	vld [tilespmem:s4+$0x8160]  }
0x208: {  	v7 =	vld [tilespmem:s4+$0x140]  }
0x209: {  	v63 =	vld [tilespmem:s4+$0x8140]  }
0x20a: {  	v25 =	vmul.f32 v25, v25;
	v51 =	vld [tilespmem:s4+$0x150]  }
0x20b: {  	v26 =	vmul.f32 v26, v26;
	v5 =	vld [tilespmem:s4+$0x120]  }
0x20c: {  	v27 =	vmul.f32 v27, v27;
	v12 =	vadd.f32 v25, v12;
	v52 =	vld [tilespmem:s4+$0x8120]  }
0x20d: {  	v13 =	vadd.f32 v26, v13;
	v24 =	vmul.f32 v24, v24;
	v53 =	vld [tilespmem:s4+$0x100]  }
0x20e: {  	v21 =	vmul.f32 v21, v21;
	v12 =	vadd.f32 v27, v12;
	v39 =	vld [tilespmem:s4+$0x8100]  }
0x20f: {  	v18 =	vmul.f32 v18, v18;
	v13 =	vadd.f32 v24, v13;
	v40 =	vld [tilespmem:s4+$0x110]  }
0x210: {  	v17 =	vmul.f32 v17, v17;
	v12 =	vadd.f32 v21, v12;
	v41 =	vld [tilespmem:s4+$0x8110]  }
0x211: {  	v15 =	vmul.f32 v15, v15;
	v13 =	vadd.f32 v18, v13;
	v25 =	vld [tilespmem:s4+$0x130]  }
0x212: {  	v16 =	vmul.f32 v16, v16;
	v12 =	vadd.f32 v17, v12;
	v26 =	vld [tilespmem:s4+$0x8130]  }
0x213: {  	v14 =	vmul.f32 v14, v14;
	v13 =	vadd.f32 v15, v13;
	v27 =	vld [tilespmem:s4+$0x8150]  }
0x214: {  	v11 =	vmul.f32 v11, v11;
	v12 =	vadd.f32 v16, v12;
	v24 =	vld [tilespmem:s4+$0x170]  }
0x215: {  	v10 =	vmul.f32 v10, v10;
	v13 =	vadd.f32 v14, v13;
	v42 =	vld [tilespmem:s4+$0x8170]  }
0x216: {  	v14 =	vmul.f32 v28, v28;
	v11 =	vadd.f32 v11, v12;
	v18 =	vld [tilespmem:s4+$0x510]  }
0x217: {  	v9 =	vmul.f32 v9, v9;
	v10 =	vadd.f32 v10, v13;
	v43 =	vld [tilespmem:s4+$0x8510]  }
0x218: {  	v8 =	vmul.f32 v8, v8;
	v11 =	vadd.f32 v14, v11;
	v15 =	vld [tilespmem:s4+$0x530]  }
0x219: {  	v9 =	vadd.f32 v9, v10;
	v10 =	vmul.f32 v6, v6;
	v44 =	vld [tilespmem:s4+$0x8530]  }
0x21a: {  	v11 =	vadd.f32 v8, v11;
	v45 =	vld [tilespmem:s4+$0x550]  }
0x21b: {  	v9 =	vadd.f32 v10, v9;
	s8 =	simm.s32 $0x100;
	s6 =	simm.s32 $0x80;
	v46 =	vld [tilespmem:s4+$0x8550];
	v13 =	vsub.f32 v53, v39  }
0x21c: {  	s5 =	sand.u32 $0x3800, s8;
	s7 =	sand.u32 $0x380, s6;
	v12 =	vld [tilespmem:s4+$0x570];
	v14 =	vsub.f32 v40, v41;
	v21 =	vsub.f32 v5, v52  }
0x21d: {  	s5 =	sor.u32 s7, s5;
	v54 =	vld [tilespmem:s4+$0x8570];
	v25 =	vsub.f32 v25, v26;
	v28 =	vsub.f32 v7, v63  }
0x21e: {  	v6 =	vld [tilespmem:s5+$0x560];
	v36 =	vsub.f32 v51, v27;
	v34 =	vsub.f32 v62, v29  }
0x21f: {  	v8 =	vld [tilespmem:s5+$0x540];
	v48 =	vsub.f32 v24, v42;
	v33 =	vsub.f32 v61, v23  }
0x220: {  	v5 =	vld [tilespmem:s5+$0x8560];
	v58 =	vsub.f32 v18, v43;
	v16 =	vmul.f32 v13, v13;
	v10 =	vmul.f32 v14, v14  }
0x221: {  	v7 =	vld [tilespmem:s5+$0x8540];
	v32 =	vsub.f32 v60, v22;
	v60 =	vsub.f32 v15, v44;
	v17 =	vmul.f32 v21, v21  }
0x222: {  	v55 =	vmul.f32 v25, v25;
	v16 =	vadd.f32 v16, v11;
	v10 =	vadd.f32 v10, v9;
	v11 =	vld [tilespmem:s5+$0x520]  }
0x223: {  	v31 =	vsub.f32 v31, v20;
	v47 =	vmul.f32 v28, v28;
	v13 =	vadd.f32 v13, v39;
	v9 =	vld [tilespmem:s5+$0x8520]  }
0x224: {  	v56 =	vmul.f32 v36, v36;
	v17 =	vadd.f32 v17, v16;
	v24 =	vadd.f32 v55, v10;
	v16 =	vld [tilespmem:s5+$0x500]  }
0x225: {  	v61 =	vsub.f32 v45, v46;
	v18 =	vadd.f32 v14, v41;
	v10 =	vld [tilespmem:s5+$0x8500]  }
0x226: {  	v47 =	vadd.f32 v47, v17;
	v24 =	vadd.f32 v56, v24;
	v17 =	vld [tilespmem:s5+$0x160];
	[tilespmem:s4+$0x10100] =	vst v13;
	v13 =	vmul.f32 v48, v48  }
0x227: {  	v62 =	vsub.f32 v30, v19;
	v57 =	vmul.f32 v34, v34;
	v15 =	vadd.f32 v21, v52  }
0x228: {  	v30 =	vadd.f32 v28, v63;
	v14 =	vld [tilespmem:s5+$0x8160];
	[tilespmem:s4+$0x10110] =	vst v18;
	v18 =	vmul.f32 v58, v58;
	v13 =	vadd.f32 v13, v24  }
0x229: {  	v59 =	vmul.f32 v33, v33;
	v63 =	vsub.f32 v12, v54;
	v39 =	vadd.f32 v57, v47  }
0x22a: {  	v24 =	vadd.f32 v25, v26;
	v13 =	vadd.f32 v18, v13;
	v18 =	vmul.f32 v60, v60  }
0x22b: {  	v29 =	vadd.f32 v34, v29;
	v21 =	vld [tilespmem:s5+$0x140];
	[tilespmem:s4+$0x10120] =	vst v15;
	v25 =	vmul.f32 v32, v32;
	v26 =	vadd.f32 v59, v39  }
0x22c: {  	v33 =	vadd.f32 v33, v23;
	v15 =	vld [tilespmem:s5+$0x8140];
	[tilespmem:s4+$0x10130] =	vst v24;
	v13 =	vadd.f32 v18, v13;
	v18 =	vmul.f32 v61, v61  }
0x22d: {  	v24 =	vmul.f32 v31, v31;
	v28 =	vld [tilespmem:s5+$0x150];
	[tilespmem:s4+$0x10140] =	vst v30;
	v30 =	vadd.f32 v32, v22;
	v12 =	vadd.f32 v25, v26  }
0x22e: {  	v25 =	vadd.f32 v36, v27;
	v27 =	vmul.f32 v63, v63;
	v13 =	vadd.f32 v18, v13  }
0x22f: {  	v22 =	vadd.f32 v61, v46;
	v12 =	vadd.f32 v24, v12  }
0x230: {  	v26 =	vmul.f32 v62, v62;
	v24 =	vld [tilespmem:s5+$0x120];
	[tilespmem:s4+$0x10150] =	vst v25;
	v13 =	vadd.f32 v27, v13;
	v27 =	vadd.f32 v48, v42  }
0x231: {  	v25 =	vadd.f32 v60, v44;
	v18 =	vld [tilespmem:s5+$0x8120];
	[tilespmem:s4+$0x10160] =	vst v29;
	v29 =	vadd.f32 v62, v19  }
0x232: {  	v12 =	vadd.f32 v26, v12;
	v26 =	vadd.f32 v58, v43;
	v23 =	vld [tilespmem:s5+$0x100];
	[tilespmem:s4+$0x10170] =	vst v27  }
0x233: {  	s7 =	simm.s32 $0x200;
	v19 =	vadd.f32 v63, v54;
	v27 =	vadd.f32 v31, v20;
	v20 =	vld [tilespmem:s5+$0x8100];
	[tilespmem:s4+$0x10500] =	vst v33  }
.LBB2_10:
0x234: {  	p1 =	sne.s32 s7, $0x3F00;
	v31 =	vld [tilespmem:s5+$0x110];
	[tilespmem:s4+$0x10510] =	vst v26  }
0x235: {  	v26 =	vld [tilespmem:s5+$0x8110];
	[tilespmem:s4+$0x10520] =	vst v30  }
0x236: {  	v30 =	vld [tilespmem:s5+$0x130];
	[tilespmem:s4+$0x10530] =	vst v25  }
0x237: {  	v25 =	vld [tilespmem:s5+$0x8130];
	[tilespmem:s4+$0x10540] =	vst v27  }
0x238: {  	v27 =	vld [tilespmem:s5+$0x8150];
	[tilespmem:s4+$0x10550] =	vst v22  }
0x239: {  	v22 =	vld [tilespmem:s5+$0x170];
	[tilespmem:s4+$0x10560] =	vst v29  }
0x23a: {  	v23 =	vsub.f32 v23, v20;
	v29 =	vsub.f32 v31, v26;
	v31 =	vld [tilespmem:s5+$0x8170];
	[tilespmem:s4+$0x10570] =	vst v19;
	s4 =	smov.u32 s5  }
0x23b: {  	v19 =	vsub.f32 v24, v18;
	v24 =	vld [tilespmem:s4+$0x510]  }
0x23c: {  	v32 =	vmul.f32 v23, v23;
	v33 =	vmul.f32 v29, v29;
	v30 =	vsub.f32 v30, v25;
	v34 =	vld [tilespmem:s4+$0x8510]  }
0x23d: {  	v36 =	vsub.f32 v21, v15;
	v35 =	vmul.f32 v19, v19;
	v28 =	vsub.f32 v28, v27;
	v21 =	vld [tilespmem:s4+$0x530]  }
0x23e: {  	v12 =	vadd.f32 v32, v12;
	v13 =	vadd.f32 v33, v13;
	v32 =	vmul.f32 v30, v30;
	v33 =	vld [tilespmem:s4+$0x8530]  }
0x23f: {  	v38 =	vsub.f32 v17, v14;
	v37 =	vmul.f32 v36, v36;
	v22 =	vsub.f32 v22, v31;
	v17 =	vld [tilespmem:s4+$0x550]  }
0x240: {  	s6 =	sadd.s32 $0x80, s6;
	v12 =	vadd.f32 v35, v12;
	v13 =	vadd.f32 v32, v13;
	v32 =	vmul.f32 v28, v28;
	v35 =	vld [tilespmem:s4+$0x8550]  }
0x241: {  	v40 =	vsub.f32 v16, v10;
	s8 =	sand.u32 $0x380, s6;
	v39 =	vmul.f32 v38, v38;
	s5 =	sand.u32 $0x3800, s7;
	v24 =	vsub.f32 v24, v34;
	v16 =	vld [tilespmem:s4+$0x570]  }
0x242: {  	s5 =	sor.u32 s8, s5;
	v12 =	vadd.f32 v37, v12;
	v13 =	vadd.f32 v32, v13;
	v32 =	vmul.f32 v22, v22;
	v37 =	vld [tilespmem:s4+$0x8570]  }
0x243: {  	v43 =	vsub.f32 v11, v9;
	v42 =	vmul.f32 v40, v40;
	v41 =	vld [tilespmem:s5+$0x560];
	v44 =	vsub.f32 v21, v33  }
0x244: {  	v11 =	vadd.f32 v39, v12;
	v45 =	vld [tilespmem:s5+$0x8560];
	v12 =	vadd.f32 v32, v13;
	v13 =	vmul.f32 v24, v24  }
0x245: {  	v21 =	vmul.f32 v43, v43;
	v32 =	vsub.f32 v8, v7;
	v8 =	vld [tilespmem:s5+$0x540];
	v39 =	vsub.f32 v17, v35  }
0x246: {  	v17 =	vadd.f32 v42, v11;
	v46 =	vld [tilespmem:s5+$0x8540];
	v12 =	vadd.f32 v13, v12;
	v13 =	vmul.f32 v44, v44  }
0x247: {  	v47 =	vsub.f32 v6, v5;
	v42 =	vmul.f32 v32, v32;
	v11 =	vld [tilespmem:s5+$0x520];
	v48 =	vsub.f32 v16, v37  }
0x248: {  	v17 =	vadd.f32 v21, v17;
	v49 =	vld [tilespmem:s5+$0x8520];
	v12 =	vadd.f32 v13, v12;
	v13 =	vmul.f32 v39, v39;
	v6 =	vmovc v41  }
0x249: {  	v20 =	vadd.f32 v23, v20;
	v23 =	vmul.f32 v47, v47;
	v21 =	vadd.f32 v29, v26;
	v16 =	vld [tilespmem:s5+$0x500]  }
0x24a: {  	v26 =	vadd.f32 v42, v17;
	v41 =	vmul.f32 v48, v48;
	v29 =	vld [tilespmem:s5+$0x8500];
	v13 =	vadd.f32 v13, v12  }
0x24b: {  	v18 =	vadd.f32 v19, v18;
	v19 =	vadd.f32 v30, v25;
	v17 =	vld [tilespmem:s5+$0x160];
	[tilespmem:s4+$0x10100] =	vst v20  }
0x24c: {  	v12 =	vadd.f32 v23, v26;
	v20 =	vld [tilespmem:s5+$0x8160];
	[tilespmem:s4+$0x10110] =	vst v21;
	v13 =	vadd.f32 v41, v13  }
0x24d: {  	v23 =	vadd.f32 v28, v27;
	v21 =	vld [tilespmem:s5+$0x140];
	[tilespmem:s4+$0x10120] =	vst v18;
	v18 =	vadd.f32 v36, v15  }
0x24e: {  	v36 =	vadd.f32 v38, v14;
	v15 =	vld [tilespmem:s5+$0x8140];
	[tilespmem:s4+$0x10130] =	vst v19;
	v19 =	vadd.f32 v22, v31  }
.Ltmp4:
0x24f: {  	v26 =	vadd.f32 v24, v34;
	v31 =	vadd.f32 v40, v10;
	v28 =	vld [tilespmem:s5+$0x150];
	[tilespmem:s4+$0x10140] =	vst v18;
	v10 =	vmov v29;
	(pc) =	sbr.rel @p1 .LBB2_10-.Ltmp4, $4  }
0x250: {  	v30 =	vadd.f32 v43, v9;
	v25 =	vadd.f32 v44, v33;
	v9 =	vmov v49;
	v24 =	vld [tilespmem:s5+$0x120];
	[tilespmem:s4+$0x10150] =	vst v23  }
0x251: {  	v27 =	vadd.f32 v32, v7;
	v7 =	vmovc v46;
	v22 =	vadd.f32 v39, v35;
	v18 =	vld [tilespmem:s5+$0x8120];
	[tilespmem:s4+$0x10160] =	vst v36;
	v14 =	vmov v20  }
0x252: {  	v29 =	vadd.f32 v47, v5;
	v5 =	vmov v45;
	v23 =	vld [tilespmem:s5+$0x100];
	[tilespmem:s4+$0x10170] =	vst v19;
	v19 =	vadd.f32 v48, v37  }
0x253: {  	s7 =	sadd.s32 $0x100, s7;
	v20 =	vld [tilespmem:s5+$0x8100];
	[tilespmem:s4+$0x10500] =	vst v31  }
0x254: {  	v31 =	vld [tilespmem:s5+$0x110];
	[tilespmem:s4+$0x10510] =	vst v26  }
0x255: {  	v32 =	vld [tilespmem:s5+$0x8110];
	[tilespmem:s4+$0x10520] =	vst v30  }
0x256: {  	v30 =	vld [tilespmem:s5+$0x130];
	[tilespmem:s4+$0x10530] =	vst v25  }
0x257: {  	v33 =	vld [tilespmem:s5+$0x8130];
	[tilespmem:s4+$0x10540] =	vst v27  }
0x258: {  	v34 =	vld [tilespmem:s5+$0x8150];
	[tilespmem:s4+$0x10550] =	vst v22  }
0x259: {  	v25 =	vsub.f32 v23, v20;
	v22 =	vld [tilespmem:s5+$0x170];
	[tilespmem:s4+$0x10560] =	vst v29  }
0x25a: {  	v21 =	vsub.f32 v21, v15;
	v29 =	vld [tilespmem:s5+$0x8170];
	[tilespmem:s4+$0x10570] =	vst v19;
	v26 =	vsub.f32 v31, v32  }
0x25b: {  	v27 =	vsub.f32 v24, v18;
	v20 =	vadd.f32 v25, v20;
	v19 =	vld [tilespmem:s5+$0x510]  }
0x25c: {  	v35 =	vld [tilespmem:s5+$0x8510];
	v24 =	vsub.f32 v30, v33;
	v32 =	vadd.f32 v26, v32  }
0x25d: {  	v17 =	vsub.f32 v17, v14;
	v36 =	vld [tilespmem:s5+$0x530];
	[tilespmem:s5+$0x10100] =	vst v20;
	v20 =	vadd.f32 v27, v18  }
0x25e: {  	v37 =	vld [tilespmem:s5+$0x8530];
	v18 =	vsub.f32 v28, v34;
	v28 =	vadd.f32 v24, v33;
	[tilespmem:s5+$0x10110] =	vst v32  }
0x25f: {  	v16 =	vsub.f32 v16, v10;
	[tilespmem:s5+$0x10120] =	vst v20;
	v20 =	vadd.f32 v21, v15  }
0x260: {  	v23 =	vld [tilespmem:s5+$0x550];
	v15 =	vsub.f32 v22, v29;
	v22 =	vadd.f32 v18, v34;
	[tilespmem:s5+$0x10130] =	vst v28  }
0x261: {  	v31 =	vld [tilespmem:s5+$0x8550];
	v28 =	vadd.f32 v17, v14;
	[tilespmem:s5+$0x10140] =	vst v20  }
0x262: {  	v38 =	vld [tilespmem:s5+$0x570];
	v14 =	vsub.f32 v19, v35;
	v20 =	vadd.f32 v16, v10;
	[tilespmem:s5+$0x10150] =	vst v22  }
0x263: {  	v30 =	vld [tilespmem:s5+$0x8570];
	v10 =	vsub.f32 v36, v37;
	v19 =	vadd.f32 v15, v29;
	[tilespmem:s5+$0x10160] =	vst v28  }
0x264: {  	v11 =	vsub.f32 v11, v9;
	v22 =	vadd.f32 v14, v35;
	[tilespmem:s5+$0x10500] =	vst v20  }
0x265: {  	v28 =	vsub.f32 v8, v7;
	v20 =	vadd.f32 v10, v37;
	[tilespmem:s5+$0x10170] =	vst v19  }
0x266: {  	v8 =	vsub.f32 v6, v5;
	v19 =	vadd.f32 v11, v9;
	[tilespmem:s5+$0x10510] =	vst v22  }
0x267: {  	v9 =	vsub.f32 v23, v31;
	v7 =	vadd.f32 v28, v7;
	[tilespmem:s5+$0x10530] =	vst v20  }
0x268: {  	v6 =	vsub.f32 v38, v30;
	v5 =	vadd.f32 v8, v5;
	[tilespmem:s5+$0x10520] =	vst v19  }
0x269: {  	v19 =	vadd.f32 v9, v31;
	[tilespmem:s5+$0x10540] =	vst v7  }
0x26a: {  	v7 =	vadd.f32 v6, v30;
	[tilespmem:s5+$0x10560] =	vst v5  }
0x26b: {  	[tilespmem:s5+$0x10550] =	vst v19  }
0x26c: {  	s6 =	rddreg [dreg:$0xf];
	s4 =	simm.s32 $0x0;
	[tilespmem:s5+$0x10570] =	vst v7  }
0x26d: {  	[hbm4b:s6+s4] =	stream.linear.scatter [tilespmem:s22], [sflag:$0x3], $0x4000, $0x38;
	[tilespmem:$0x1A400] =	vst v63  }
0x26e: {  	_ =	swait.ge [sflag:s23], $0x4000  }
0x26f: {  	[sflag:s23] =	ssyncset.done $0x0  }
0x270: {  	[sflag:s23] =	ssyncadd.s32 $0xFFFFC000  }
0x271: {  	_ =	swait.ge [sflag:s25], $0x40  }
0x272: {  	[sflag:s25] =	ssyncset.done $0x0  }
0x273: {  	s7 =	rddreg [dreg:$0x10];
	[sflag:s25] =	ssyncadd.s32 $0xFFFFFFC0  }
0x274: {  	[tilespmem:s4], [sflag:$0x7] =	stream.linear.gather [hbm4b:s7+s4], $0x40, $0x38;
	[tilespmem:$0x1A400] =	vst v63  }
0x275: {  	_ =	swait.ge [sflag:s26], $0x40  }
0x276: {  	[sflag:s26] =	ssyncset.done $0x0  }
0x277: {  	[sflag:s26] =	ssyncadd.s32 $0xFFFFFFC0  }
0x278: {  	[spmem:s28] =	stream.indirect.scatter.add.f32 [tilespmem:s1], [sflag:$0x5], $0x1, s4, s0, $0xb8;
	[tilespmem:$0x1A400] =	vst v63  }
0x279: {  	v5 =	vld [tilespmem:$0x0];
	_ =	sdelay $0x4  }
0x27a: {  	v7 =	vshll.u32 v5, $0x1  }
0x27b: {  	v5 =	vand.u32 $0x7, v5;
	v7 =	vand.u32 $0xFFFFFFF0, v7  }
0x27c: {  	v5 =	vor.u32 v5, v7  }
0x27d: {  	v7 =	vperm.xlane v5, v2;
	_ =	sdelay $0x1  }
0x27e: {  	v5 =	vperm.xlane v5, v4;
	v7 =	vadd.s32 v3, v7;
	_ =	sdelay $0x1  }
0x27f: {  	v5 =	vadd.s32 v3, v5;
	_ =	sdelay $0x1  }
0x280: {  	s8 =	simm.s32 $0x100  }
0x281: {  	[tilespmem:s8], [sflag:$0x1] =	stream.indirect_vreg.gather [hbm4b:s24+s4], $0x80, v7, vm0, $0xb8;
	[tilespmem:$0x1A400] =	vst v63  }
0x282: {  	s6 =	simm.s32 $0x900  }
0x283: {  	[tilespmem:s6], [sflag:$0x1] =	stream.indirect_vreg.gather [hbm4b:s24+s4], $0x80, v5, vm0, $0xb8;
	[tilespmem:$0x1A400] =	vst v63  }
0x284: {  	v5 =	vld [tilespmem:$0x10];
	_ =	sdelay $0x4  }
0x285: {  	v7 =	vshll.u32 v5, $0x1  }
0x286: {  	v5 =	vand.u32 $0x7, v5;
	v7 =	vand.u32 $0xFFFFFFF0, v7  }
0x287: {  	v5 =	vor.u32 v5, v7  }
0x288: {  	v7 =	vperm.xlane v5, v2;
	_ =	sdelay $0x1  }
0x289: {  	v5 =	vperm.xlane v5, v4;
	v7 =	vadd.s32 v3, v7;
	_ =	sdelay $0x1  }
0x28a: {  	v5 =	vadd.s32 v3, v5;
	_ =	sdelay $0x1  }
0x28b: {  	s7 =	simm.s32 $0x1100  }
0x28c: {  	[tilespmem:s7], [sflag:$0x1] =	stream.indirect_vreg.gather [hbm4b:s24+s4], $0x80, v7, vm0, $0xb8;
	[tilespmem:$0x1A400] =	vst v63  }
0x28d: {  	s8 =	simm.s32 $0x1900  }
0x28e: {  	[tilespmem:s8], [sflag:$0x1] =	stream.indirect_vreg.gather [hbm4b:s24+s4], $0x80, v5, vm0, $0xb8;
	[tilespmem:$0x1A400] =	vst v63  }
0x28f: {  	v5 =	vld [tilespmem:$0x20];
	_ =	sdelay $0x4  }
0x290: {  	v7 =	vshll.u32 v5, $0x1  }
0x291: {  	v5 =	vand.u32 $0x7, v5;
	v7 =	vand.u32 $0xFFFFFFF0, v7  }
0x292: {  	v5 =	vor.u32 v5, v7  }
0x293: {  	v7 =	vperm.xlane v5, v2;
	_ =	sdelay $0x1  }
0x294: {  	v5 =	vperm.xlane v5, v4;
	v7 =	vadd.s32 v3, v7;
	_ =	sdelay $0x1  }
0x295: {  	v5 =	vadd.s32 v3, v5;
	_ =	sdelay $0x1  }
0x296: {  	s6 =	simm.s32 $0x2100  }
0x297: {  	[tilespmem:s6], [sflag:$0x1] =	stream.indirect_vreg.gather [hbm4b:s24+s4], $0x80, v7, vm0, $0xb8;
	[tilespmem:$0x1A400] =	vst v63  }
0x298: {  	s7 =	simm.s32 $0x2900  }
0x299: {  	[tilespmem:s7], [sflag:$0x1] =	stream.indirect_vreg.gather [hbm4b:s24+s4], $0x80, v5, vm0, $0xb8;
	[tilespmem:$0x1A400] =	vst v63  }
0x29a: {  	v5 =	vld [tilespmem:$0x30];
	_ =	sdelay $0x4  }
0x29b: {  	v7 =	vshll.u32 v5, $0x1  }
0x29c: {  	v5 =	vand.u32 $0x7, v5;
	v7 =	vand.u32 $0xFFFFFFF0, v7  }
0x29d: {  	v5 =	vor.u32 v5, v7  }
0x29e: {  	v7 =	vperm.xlane v5, v2;
	_ =	sdelay $0x1  }
0x29f: {  	v5 =	vperm.xlane v5, v4;
	v7 =	vadd.s32 v3, v7;
	_ =	sdelay $0x1  }
0x2a0: {  	v5 =	vadd.s32 v3, v5;
	_ =	sdelay $0x1  }
0x2a1: {  	s8 =	simm.s32 $0x3100  }
0x2a2: {  	[tilespmem:s8], [sflag:$0x1] =	stream.indirect_vreg.gather [hbm4b:s24+s4], $0x80, v7, vm0, $0xb8;
	[tilespmem:$0x1A400] =	vst v63  }
0x2a3: {  	_ = 	snop  }
0x2a4: {  	[tilespmem:s9], [sflag:$0x1] =	stream.indirect_vreg.gather [hbm4b:s24+s4], $0x80, v5, vm0, $0xb8;
	[tilespmem:$0x1A400] =	vst v63  }
0x2a5: {  	s6 =	rddreg [dreg:$0x11]  }
0x2a6: {  	[tilespmem:s10], [sflag:$0x1] =	stream.linear.gather [hbm4b:s6+s4], $0x4000, $0x38;
	[tilespmem:$0x1A400] =	vst v63  }
0x2a7: {  	_ =	swait.ge [sflag:s29], $0x4000  }
0x2a8: {  	[sflag:s29] =	ssyncset.done $0x0  }
0x2a9: {  	[sflag:s29] =	ssyncadd.s32 $0xFFFFC000  }
0x2aa: {  	_ =	swait.ge [sflag:s29], $0x4000  }
0x2ab: {  	s7 =	sand.u32 $0x3800, s4;
	s4 =	sand.u32 $0x380, s4;
	[sflag:s29] =	ssyncset.done $0x0  }
0x2ac: {  	s4 =	sor.u32 s4, s7;
	[sflag:s29] =	ssyncadd.s32 $0xFFFFC000  }
0x2ad: {  	v30 =	vld [tilespmem:s4+$0x4560]  }
0x2ae: {  	v19 =	vld [tilespmem:s4+$0xC560]  }
0x2af: {  	v31 =	vld [tilespmem:s4+$0x4540]  }
0x2b0: {  	v20 =	vld [tilespmem:s4+$0xC540]  }
0x2b1: {  	v60 =	vld [tilespmem:s4+$0x4520]  }
0x2b2: {  	v22 =	vld [tilespmem:s4+$0xC520]  }
0x2b3: {  	v61 =	vld [tilespmem:s4+$0x4500]  }
0x2b4: {  	v23 =	vld [tilespmem:s4+$0xC500]  }
0x2b5: {  	v62 =	vld [tilespmem:s4+$0x4160]  }
0x2b6: {  	v29 =	vld [tilespmem:s4+$0xC160]  }
0x2b7: {  	v7 =	vld [tilespmem:s4+$0x4140]  }
0x2b8: {  	v63 =	vld [tilespmem:s4+$0xC140]  }
0x2b9: {  	v25 =	vmul.f32 v25, v25;
	v51 =	vld [tilespmem:s4+$0x4150]  }
0x2ba: {  	v26 =	vmul.f32 v26, v26;
	v5 =	vld [tilespmem:s4+$0x4120]  }
0x2bb: {  	v27 =	vmul.f32 v27, v27;
	v12 =	vadd.f32 v25, v12;
	v52 =	vld [tilespmem:s4+$0xC120]  }
0x2bc: {  	v13 =	vadd.f32 v26, v13;
	v24 =	vmul.f32 v24, v24;
	v53 =	vld [tilespmem:s4+$0x4100]  }
0x2bd: {  	v21 =	vmul.f32 v21, v21;
	v12 =	vadd.f32 v27, v12;
	v39 =	vld [tilespmem:s4+$0xC100]  }
0x2be: {  	v18 =	vmul.f32 v18, v18;
	v13 =	vadd.f32 v24, v13;
	v40 =	vld [tilespmem:s4+$0x4110]  }
0x2bf: {  	v17 =	vmul.f32 v17, v17;
	v12 =	vadd.f32 v21, v12;
	v41 =	vld [tilespmem:s4+$0xC110]  }
0x2c0: {  	v15 =	vmul.f32 v15, v15;
	v13 =	vadd.f32 v18, v13;
	v25 =	vld [tilespmem:s4+$0x4130]  }
0x2c1: {  	v16 =	vmul.f32 v16, v16;
	v12 =	vadd.f32 v17, v12;
	v26 =	vld [tilespmem:s4+$0xC130]  }
0x2c2: {  	v14 =	vmul.f32 v14, v14;
	v13 =	vadd.f32 v15, v13;
	v27 =	vld [tilespmem:s4+$0xC150]  }
0x2c3: {  	v11 =	vmul.f32 v11, v11;
	v12 =	vadd.f32 v16, v12;
	v24 =	vld [tilespmem:s4+$0x4170]  }
0x2c4: {  	v10 =	vmul.f32 v10, v10;
	v13 =	vadd.f32 v14, v13;
	v42 =	vld [tilespmem:s4+$0xC170]  }
0x2c5: {  	v14 =	vmul.f32 v28, v28;
	v11 =	vadd.f32 v11, v12;
	v18 =	vld [tilespmem:s4+$0x4510]  }
0x2c6: {  	v9 =	vmul.f32 v9, v9;
	v10 =	vadd.f32 v10, v13;
	v43 =	vld [tilespmem:s4+$0xC510]  }
0x2c7: {  	v8 =	vmul.f32 v8, v8;
	v11 =	vadd.f32 v14, v11;
	v15 =	vld [tilespmem:s4+$0x4530]  }
0x2c8: {  	v9 =	vadd.f32 v9, v10;
	v10 =	vmul.f32 v6, v6;
	v44 =	vld [tilespmem:s4+$0xC530]  }
0x2c9: {  	v11 =	vadd.f32 v8, v11;
	v45 =	vld [tilespmem:s4+$0x4550]  }
0x2ca: {  	v9 =	vadd.f32 v10, v9;
	s8 =	simm.s32 $0x100;
	s6 =	simm.s32 $0x80;
	v46 =	vld [tilespmem:s4+$0xC550];
	v13 =	vsub.f32 v53, v39  }
0x2cb: {  	s5 =	sand.u32 $0x3800, s8;
	s7 =	sand.u32 $0x380, s6;
	v12 =	vld [tilespmem:s4+$0x4570];
	v14 =	vsub.f32 v40, v41;
	v21 =	vsub.f32 v5, v52  }
0x2cc: {  	s5 =	sor.u32 s7, s5;
	v54 =	vld [tilespmem:s4+$0xC570];
	v25 =	vsub.f32 v25, v26;
	v28 =	vsub.f32 v7, v63  }
0x2cd: {  	v6 =	vld [tilespmem:s5+$0x4560];
	v36 =	vsub.f32 v51, v27;
	v34 =	vsub.f32 v62, v29  }
0x2ce: {  	v8 =	vld [tilespmem:s5+$0x4540];
	v48 =	vsub.f32 v24, v42;
	v33 =	vsub.f32 v61, v23  }
0x2cf: {  	v5 =	vld [tilespmem:s5+$0xC560];
	v58 =	vsub.f32 v18, v43;
	v16 =	vmul.f32 v13, v13;
	v10 =	vmul.f32 v14, v14  }
0x2d0: {  	v7 =	vld [tilespmem:s5+$0xC540];
	v32 =	vsub.f32 v60, v22;
	v60 =	vsub.f32 v15, v44;
	v17 =	vmul.f32 v21, v21  }
0x2d1: {  	v55 =	vmul.f32 v25, v25;
	v16 =	vadd.f32 v16, v11;
	v10 =	vadd.f32 v10, v9;
	v11 =	vld [tilespmem:s5+$0x4520]  }
0x2d2: {  	v31 =	vsub.f32 v31, v20;
	v47 =	vmul.f32 v28, v28;
	v13 =	vadd.f32 v13, v39;
	v9 =	vld [tilespmem:s5+$0xC520]  }
0x2d3: {  	v56 =	vmul.f32 v36, v36;
	v17 =	vadd.f32 v17, v16;
	v24 =	vadd.f32 v55, v10;
	v16 =	vld [tilespmem:s5+$0x4500]  }
0x2d4: {  	v61 =	vsub.f32 v45, v46;
	v18 =	vadd.f32 v14, v41;
	v10 =	vld [tilespmem:s5+$0xC500]  }
0x2d5: {  	v47 =	vadd.f32 v47, v17;
	v24 =	vadd.f32 v56, v24;
	v17 =	vld [tilespmem:s5+$0x4160];
	[tilespmem:s4+$0x14100] =	vst v13;
	v13 =	vmul.f32 v48, v48  }
0x2d6: {  	v62 =	vsub.f32 v30, v19;
	v57 =	vmul.f32 v34, v34;
	v15 =	vadd.f32 v21, v52  }
0x2d7: {  	v30 =	vadd.f32 v28, v63;
	v14 =	vld [tilespmem:s5+$0xC160];
	[tilespmem:s4+$0x14110] =	vst v18;
	v18 =	vmul.f32 v58, v58;
	v13 =	vadd.f32 v13, v24  }
0x2d8: {  	v59 =	vmul.f32 v33, v33;
	v63 =	vsub.f32 v12, v54;
	v39 =	vadd.f32 v57, v47  }
0x2d9: {  	v24 =	vadd.f32 v25, v26;
	v13 =	vadd.f32 v18, v13;
	v18 =	vmul.f32 v60, v60  }
0x2da: {  	v29 =	vadd.f32 v34, v29;
	v21 =	vld [tilespmem:s5+$0x4140];
	[tilespmem:s4+$0x14120] =	vst v15;
	v25 =	vmul.f32 v32, v32;
	v26 =	vadd.f32 v59, v39  }
0x2db: {  	v33 =	vadd.f32 v33, v23;
	v15 =	vld [tilespmem:s5+$0xC140];
	[tilespmem:s4+$0x14130] =	vst v24;
	v13 =	vadd.f32 v18, v13;
	v18 =	vmul.f32 v61, v61  }
0x2dc: {  	v24 =	vmul.f32 v31, v31;
	v28 =	vld [tilespmem:s5+$0x4150];
	[tilespmem:s4+$0x14140] =	vst v30;
	v30 =	vadd.f32 v32, v22;
	v12 =	vadd.f32 v25, v26  }
0x2dd: {  	v25 =	vadd.f32 v36, v27;
	v27 =	vmul.f32 v63, v63;
	v13 =	vadd.f32 v18, v13  }
0x2de: {  	v22 =	vadd.f32 v61, v46;
	v12 =	vadd.f32 v24, v12  }
0x2df: {  	v26 =	vmul.f32 v62, v62;
	v24 =	vld [tilespmem:s5+$0x4120];
	[tilespmem:s4+$0x14150] =	vst v25;
	v13 =	vadd.f32 v27, v13;
	v27 =	vadd.f32 v48, v42  }
0x2e0: {  	v25 =	vadd.f32 v60, v44;
	v18 =	vld [tilespmem:s5+$0xC120];
	[tilespmem:s4+$0x14160] =	vst v29;
	v29 =	vadd.f32 v62, v19  }
0x2e1: {  	v12 =	vadd.f32 v26, v12;
	v26 =	vadd.f32 v58, v43;
	v23 =	vld [tilespmem:s5+$0x4100];
	[tilespmem:s4+$0x14170] =	vst v27  }
0x2e2: {  	s7 =	simm.s32 $0x200;
	v19 =	vadd.f32 v63, v54;
	v27 =	vadd.f32 v31, v20;
	v20 =	vld [tilespmem:s5+$0xC100];
	[tilespmem:s4+$0x14500] =	vst v33  }
.LBB2_12:
0x2e3: {  	p1 =	sne.s32 s7, $0x3F00;
	v31 =	vld [tilespmem:s5+$0x4110];
	[tilespmem:s4+$0x14510] =	vst v26  }
0x2e4: {  	v26 =	vld [tilespmem:s5+$0xC110];
	[tilespmem:s4+$0x14520] =	vst v30  }
0x2e5: {  	v30 =	vld [tilespmem:s5+$0x4130];
	[tilespmem:s4+$0x14530] =	vst v25  }
0x2e6: {  	v25 =	vld [tilespmem:s5+$0xC130];
	[tilespmem:s4+$0x14540] =	vst v27  }
0x2e7: {  	v27 =	vld [tilespmem:s5+$0xC150];
	[tilespmem:s4+$0x14550] =	vst v22  }
0x2e8: {  	v22 =	vld [tilespmem:s5+$0x4170];
	[tilespmem:s4+$0x14560] =	vst v29  }
0x2e9: {  	v23 =	vsub.f32 v23, v20;
	v29 =	vsub.f32 v31, v26;
	v31 =	vld [tilespmem:s5+$0xC170];
	[tilespmem:s4+$0x14570] =	vst v19;
	s4 =	smov.u32 s5  }
0x2ea: {  	v19 =	vsub.f32 v24, v18;
	v24 =	vld [tilespmem:s4+$0x4510]  }
0x2eb: {  	v32 =	vmul.f32 v23, v23;
	v33 =	vmul.f32 v29, v29;
	v30 =	vsub.f32 v30, v25;
	v34 =	vld [tilespmem:s4+$0xC510]  }
0x2ec: {  	v36 =	vsub.f32 v21, v15;
	v35 =	vmul.f32 v19, v19;
	v28 =	vsub.f32 v28, v27;
	v21 =	vld [tilespmem:s4+$0x4530]  }
0x2ed: {  	v12 =	vadd.f32 v32, v12;
	v13 =	vadd.f32 v33, v13;
	v32 =	vmul.f32 v30, v30;
	v33 =	vld [tilespmem:s4+$0xC530]  }
0x2ee: {  	v38 =	vsub.f32 v17, v14;
	v37 =	vmul.f32 v36, v36;
	v22 =	vsub.f32 v22, v31;
	v17 =	vld [tilespmem:s4+$0x4550]  }
0x2ef: {  	s6 =	sadd.s32 $0x80, s6;
	v12 =	vadd.f32 v35, v12;
	v13 =	vadd.f32 v32, v13;
	v32 =	vmul.f32 v28, v28;
	v35 =	vld [tilespmem:s4+$0xC550]  }
0x2f0: {  	v40 =	vsub.f32 v16, v10;
	s8 =	sand.u32 $0x380, s6;
	v39 =	vmul.f32 v38, v38;
	s5 =	sand.u32 $0x3800, s7;
	v24 =	vsub.f32 v24, v34;
	v16 =	vld [tilespmem:s4+$0x4570]  }
0x2f1: {  	s5 =	sor.u32 s8, s5;
	v12 =	vadd.f32 v37, v12;
	v13 =	vadd.f32 v32, v13;
	v32 =	vmul.f32 v22, v22;
	v37 =	vld [tilespmem:s4+$0xC570]  }
0x2f2: {  	v43 =	vsub.f32 v11, v9;
	v42 =	vmul.f32 v40, v40;
	v41 =	vld [tilespmem:s5+$0x4560];
	v44 =	vsub.f32 v21, v33  }
0x2f3: {  	v11 =	vadd.f32 v39, v12;
	v45 =	vld [tilespmem:s5+$0xC560];
	v12 =	vadd.f32 v32, v13;
	v13 =	vmul.f32 v24, v24  }
0x2f4: {  	v21 =	vmul.f32 v43, v43;
	v32 =	vsub.f32 v8, v7;
	v8 =	vld [tilespmem:s5+$0x4540];
	v39 =	vsub.f32 v17, v35  }
0x2f5: {  	v17 =	vadd.f32 v42, v11;
	v46 =	vld [tilespmem:s5+$0xC540];
	v12 =	vadd.f32 v13, v12;
	v13 =	vmul.f32 v44, v44  }
0x2f6: {  	v47 =	vsub.f32 v6, v5;
	v42 =	vmul.f32 v32, v32;
	v11 =	vld [tilespmem:s5+$0x4520];
	v48 =	vsub.f32 v16, v37  }
0x2f7: {  	v17 =	vadd.f32 v21, v17;
	v49 =	vld [tilespmem:s5+$0xC520];
	v12 =	vadd.f32 v13, v12;
	v13 =	vmul.f32 v39, v39;
	v6 =	vmovc v41  }
0x2f8: {  	v20 =	vadd.f32 v23, v20;
	v23 =	vmul.f32 v47, v47;
	v21 =	vadd.f32 v29, v26;
	v16 =	vld [tilespmem:s5+$0x4500]  }
0x2f9: {  	v26 =	vadd.f32 v42, v17;
	v41 =	vmul.f32 v48, v48;
	v29 =	vld [tilespmem:s5+$0xC500];
	v13 =	vadd.f32 v13, v12  }
0x2fa: {  	v18 =	vadd.f32 v19, v18;
	v19 =	vadd.f32 v30, v25;
	v17 =	vld [tilespmem:s5+$0x4160];
	[tilespmem:s4+$0x14100] =	vst v20  }
0x2fb: {  	v12 =	vadd.f32 v23, v26;
	v20 =	vld [tilespmem:s5+$0xC160];
	[tilespmem:s4+$0x14110] =	vst v21;
	v13 =	vadd.f32 v41, v13  }
0x2fc: {  	v23 =	vadd.f32 v28, v27;
	v21 =	vld [tilespmem:s5+$0x4140];
	[tilespmem:s4+$0x14120] =	vst v18;
	v18 =	vadd.f32 v36, v15  }
0x2fd: {  	v36 =	vadd.f32 v38, v14;
	v15 =	vld [tilespmem:s5+$0xC140];
	[tilespmem:s4+$0x14130] =	vst v19;
	v19 =	vadd.f32 v22, v31  }
.Ltmp5:
0x2fe: {  	v26 =	vadd.f32 v24, v34;
	v31 =	vadd.f32 v40, v10;
	v28 =	vld [tilespmem:s5+$0x4150];
	[tilespmem:s4+$0x14140] =	vst v18;
	v10 =	vmov v29;
	(pc) =	sbr.rel @p1 .LBB2_12-.Ltmp5, $4  }
0x2ff: {  	v30 =	vadd.f32 v43, v9;
	v25 =	vadd.f32 v44, v33;
	v9 =	vmov v49;
	v24 =	vld [tilespmem:s5+$0x4120];
	[tilespmem:s4+$0x14150] =	vst v23  }
0x300: {  	v27 =	vadd.f32 v32, v7;
	v7 =	vmovc v46;
	v22 =	vadd.f32 v39, v35;
	v18 =	vld [tilespmem:s5+$0xC120];
	[tilespmem:s4+$0x14160] =	vst v36;
	v14 =	vmov v20  }
0x301: {  	v29 =	vadd.f32 v47, v5;
	v5 =	vmov v45;
	v23 =	vld [tilespmem:s5+$0x4100];
	[tilespmem:s4+$0x14170] =	vst v19;
	v19 =	vadd.f32 v48, v37  }
0x302: {  	s7 =	sadd.s32 $0x100, s7;
	v20 =	vld [tilespmem:s5+$0xC100];
	[tilespmem:s4+$0x14500] =	vst v31  }
0x303: {  	v31 =	vld [tilespmem:s5+$0x4110];
	[tilespmem:s4+$0x14510] =	vst v26  }
0x304: {  	v32 =	vld [tilespmem:s5+$0xC110];
	[tilespmem:s4+$0x14520] =	vst v30  }
0x305: {  	v30 =	vld [tilespmem:s5+$0x4130];
	[tilespmem:s4+$0x14530] =	vst v25  }
0x306: {  	v33 =	vld [tilespmem:s5+$0xC130];
	[tilespmem:s4+$0x14540] =	vst v27  }
0x307: {  	v34 =	vld [tilespmem:s5+$0xC150];
	[tilespmem:s4+$0x14550] =	vst v22  }
0x308: {  	v25 =	vsub.f32 v23, v20;
	v22 =	vld [tilespmem:s5+$0x4170];
	[tilespmem:s4+$0x14560] =	vst v29  }
0x309: {  	v21 =	vsub.f32 v21, v15;
	v29 =	vld [tilespmem:s5+$0xC170];
	[tilespmem:s4+$0x14570] =	vst v19;
	v26 =	vsub.f32 v31, v32  }
0x30a: {  	v27 =	vsub.f32 v24, v18;
	v20 =	vadd.f32 v25, v20;
	v19 =	vld [tilespmem:s5+$0x4510]  }
0x30b: {  	v35 =	vld [tilespmem:s5+$0xC510];
	v24 =	vsub.f32 v30, v33;
	v32 =	vadd.f32 v26, v32  }
0x30c: {  	v17 =	vsub.f32 v17, v14;
	v36 =	vld [tilespmem:s5+$0x4530];
	[tilespmem:s5+$0x14100] =	vst v20;
	v20 =	vadd.f32 v27, v18  }
0x30d: {  	v37 =	vld [tilespmem:s5+$0xC530];
	v18 =	vsub.f32 v28, v34;
	v28 =	vadd.f32 v24, v33;
	[tilespmem:s5+$0x14110] =	vst v32  }
0x30e: {  	v16 =	vsub.f32 v16, v10;
	[tilespmem:s5+$0x14120] =	vst v20;
	v20 =	vadd.f32 v21, v15  }
0x30f: {  	v23 =	vld [tilespmem:s5+$0x4550];
	v15 =	vsub.f32 v22, v29;
	v22 =	vadd.f32 v18, v34;
	[tilespmem:s5+$0x14130] =	vst v28  }
0x310: {  	v31 =	vld [tilespmem:s5+$0xC550];
	v28 =	vadd.f32 v17, v14;
	[tilespmem:s5+$0x14140] =	vst v20  }
0x311: {  	v38 =	vld [tilespmem:s5+$0x4570];
	v14 =	vsub.f32 v19, v35;
	v20 =	vadd.f32 v16, v10;
	[tilespmem:s5+$0x14150] =	vst v22  }
0x312: {  	v30 =	vld [tilespmem:s5+$0xC570];
	v10 =	vsub.f32 v36, v37;
	v19 =	vadd.f32 v15, v29;
	[tilespmem:s5+$0x14160] =	vst v28  }
0x313: {  	v11 =	vsub.f32 v11, v9;
	v22 =	vadd.f32 v14, v35;
	[tilespmem:s5+$0x14500] =	vst v20  }
0x314: {  	v28 =	vsub.f32 v8, v7;
	v20 =	vadd.f32 v10, v37;
	[tilespmem:s5+$0x14170] =	vst v19  }
0x315: {  	v8 =	vsub.f32 v6, v5;
	v19 =	vadd.f32 v11, v9;
	[tilespmem:s5+$0x14510] =	vst v22  }
0x316: {  	v9 =	vsub.f32 v23, v31;
	v7 =	vadd.f32 v28, v7;
	[tilespmem:s5+$0x14530] =	vst v20  }
0x317: {  	v6 =	vsub.f32 v38, v30;
	v5 =	vadd.f32 v8, v5;
	[tilespmem:s5+$0x14520] =	vst v19  }
0x318: {  	v19 =	vadd.f32 v9, v31;
	[tilespmem:s5+$0x14540] =	vst v7  }
0x319: {  	v7 =	vadd.f32 v6, v30;
	[tilespmem:s5+$0x14560] =	vst v5  }
0x31a: {  	[tilespmem:s5+$0x14550] =	vst v19  }
0x31b: {  	s7 =	rddreg [dreg:$0x12];
	s4 =	simm.s32 $0x0;
	[tilespmem:s5+$0x14570] =	vst v7  }
0x31c: {  	[hbm4b:s7+s4] =	stream.linear.scatter [tilespmem:s30], [sflag:$0x4], $0x4000, $0x38;
	[tilespmem:$0x1A400] =	vst v63  }
0x31d: {  	_ =	swait.ge [sflag:s31], $0x4000  }
0x31e: {  	[sflag:s31] =	ssyncset.done $0x0  }
0x31f: {  	[sflag:s31] =	ssyncadd.s32 $0xFFFFC000  }
0x320: {  	_ =	swait.ge [sflag:s2], $0x40  }
0x321: {  	[sflag:s2] =	ssyncset.done $0x0  }
0x322: {  	s8 =	rddreg [dreg:$0x13];
	[sflag:s2] =	ssyncadd.s32 $0xFFFFFFC0  }
0x323: {  	[tilespmem:s11], [sflag:$0x7] =	stream.linear.gather [hbm4b:s8+s4], $0x40, $0x38;
	[tilespmem:$0x1A400] =	vst v63  }
0x324: {  	_ =	swait.ge [sflag:s26], $0x40  }
0x325: {  	[sflag:s26] =	ssyncset.done $0x0  }
0x326: {  	[sflag:s26] =	ssyncadd.s32 $0xFFFFFFC0  }
0x327: {  	[spmem:s28] =	stream.indirect.scatter.add.f32 [tilespmem:s1], [sflag:$0x6], $0x1, s11, s0, $0xb8;
	[tilespmem:$0x1A400] =	vst v63  }
0x328: {  	v5 =	vld [tilespmem:$0x80];
	_ =	sdelay $0x4  }
0x329: {  	v7 =	vshll.u32 v5, $0x1  }
0x32a: {  	v5 =	vand.u32 $0x7, v5;
	v7 =	vand.u32 $0xFFFFFFF0, v7  }
0x32b: {  	v5 =	vor.u32 v5, v7  }
0x32c: {  	v7 =	vperm.xlane v5, v2;
	_ =	sdelay $0x1  }
0x32d: {  	v5 =	vperm.xlane v5, v4;
	v7 =	vadd.s32 v3, v7;
	_ =	sdelay $0x1  }
0x32e: {  	v5 =	vadd.s32 v3, v5;
	_ =	sdelay $0x2  }
0x32f: {  	[tilespmem:s12], [sflag:$0x2] =	stream.indirect_vreg.gather [hbm4b:s24+s4], $0x80, v7, vm0, $0xb8;
	[tilespmem:$0x1A400] =	vst v63  }
0x330: {  	_ = 	snop  }
0x331: {  	[tilespmem:s13], [sflag:$0x2] =	stream.indirect_vreg.gather [hbm4b:s24+s4], $0x80, v5, vm0, $0xb8;
	[tilespmem:$0x1A400] =	vst v63  }
0x332: {  	v5 =	vld [tilespmem:$0x90];
	_ =	sdelay $0x4  }
0x333: {  	v7 =	vshll.u32 v5, $0x1  }
0x334: {  	v5 =	vand.u32 $0x7, v5;
	v7 =	vand.u32 $0xFFFFFFF0, v7  }
0x335: {  	v5 =	vor.u32 v5, v7  }
0x336: {  	v7 =	vperm.xlane v5, v2;
	_ =	sdelay $0x1  }
0x337: {  	v5 =	vperm.xlane v5, v4;
	v7 =	vadd.s32 v3, v7;
	_ =	sdelay $0x1  }
0x338: {  	v5 =	vadd.s32 v3, v5;
	_ =	sdelay $0x2  }
0x339: {  	[tilespmem:s14], [sflag:$0x2] =	stream.indirect_vreg.gather [hbm4b:s24+s4], $0x80, v7, vm0, $0xb8;
	[tilespmem:$0x1A400] =	vst v63  }
0x33a: {  	_ = 	snop  }
0x33b: {  	[tilespmem:s15], [sflag:$0x2] =	stream.indirect_vreg.gather [hbm4b:s24+s4], $0x80, v5, vm0, $0xb8;
	[tilespmem:$0x1A400] =	vst v63  }
0x33c: {  	v5 =	vld [tilespmem:$0xA0];
	_ =	sdelay $0x4  }
0x33d: {  	v7 =	vshll.u32 v5, $0x1  }
0x33e: {  	v5 =	vand.u32 $0x7, v5;
	v7 =	vand.u32 $0xFFFFFFF0, v7  }
0x33f: {  	v5 =	vor.u32 v5, v7  }
0x340: {  	v7 =	vperm.xlane v5, v2;
	_ =	sdelay $0x1  }
0x341: {  	v5 =	vperm.xlane v5, v4;
	v7 =	vadd.s32 v3, v7;
	_ =	sdelay $0x1  }
0x342: {  	v5 =	vadd.s32 v3, v5;
	_ =	sdelay $0x2  }
0x343: {  	[tilespmem:s16], [sflag:$0x2] =	stream.indirect_vreg.gather [hbm4b:s24+s4], $0x80, v7, vm0, $0xb8;
	[tilespmem:$0x1A400] =	vst v63  }
0x344: {  	_ = 	snop  }
0x345: {  	[tilespmem:s17], [sflag:$0x2] =	stream.indirect_vreg.gather [hbm4b:s24+s4], $0x80, v5, vm0, $0xb8;
	[tilespmem:$0x1A400] =	vst v63  }
0x346: {  	v5 =	vld [tilespmem:$0xB0];
	_ =	sdelay $0x4  }
0x347: {  	v7 =	vshll.u32 v5, $0x1  }
0x348: {  	v5 =	vand.u32 $0x7, v5;
	v7 =	vand.u32 $0xFFFFFFF0, v7  }
0x349: {  	v5 =	vor.u32 v5, v7  }
0x34a: {  	v7 =	vperm.xlane v5, v2;
	_ =	sdelay $0x1  }
0x34b: {  	v5 =	vperm.xlane v5, v4;
	v7 =	vadd.s32 v3, v7;
	_ =	sdelay $0x1  }
0x34c: {  	v5 =	vadd.s32 v3, v5;
	_ =	sdelay $0x2  }
0x34d: {  	[tilespmem:s18], [sflag:$0x2] =	stream.indirect_vreg.gather [hbm4b:s24+s4], $0x80, v7, vm0, $0xb8;
	[tilespmem:$0x1A400] =	vst v63  }
0x34e: {  	_ = 	snop  }
0x34f: {  	[tilespmem:s19], [sflag:$0x2] =	stream.indirect_vreg.gather [hbm4b:s24+s4], $0x80, v5, vm0, $0xb8;
	[tilespmem:$0x1A400] =	vst v63  }
0x350: {  	s6 =	rddreg [dreg:$0x16]  }
0x351: {  	[tilespmem:s20], [sflag:$0x2] =	stream.linear.gather [hbm4b:s6+s4], $0x4000, $0x38;
	[tilespmem:$0x1A400] =	vst v63  }
0x352: {  	_ =	swait.ge [sflag:s21], $0x4000  }
0x353: {  	[sflag:s21] =	ssyncset.done $0x0  }
0x354: {  	[sflag:s21] =	ssyncadd.s32 $0xFFFFC000  }
0x355: {  	_ =	swait.ge [sflag:s21], $0x4000  }
0x356: {  	s7 =	sand.u32 $0x3800, s4;
	s4 =	sand.u32 $0x380, s4;
	[sflag:s21] =	ssyncset.done $0x0  }
0x357: {  	s4 =	sor.u32 s4, s7;
	[sflag:s21] =	ssyncadd.s32 $0xFFFFC000  }
0x358: {  	v30 =	vld [tilespmem:s4+$0x560]  }
0x359: {  	v19 =	vld [tilespmem:s4+$0x8560]  }
0x35a: {  	v31 =	vld [tilespmem:s4+$0x540]  }
0x35b: {  	v20 =	vld [tilespmem:s4+$0x8540]  }
0x35c: {  	v60 =	vld [tilespmem:s4+$0x520]  }
0x35d: {  	v22 =	vld [tilespmem:s4+$0x8520]  }
0x35e: {  	v61 =	vld [tilespmem:s4+$0x500]  }
0x35f: {  	v23 =	vld [tilespmem:s4+$0x8500]  }
0x360: {  	v62 =	vld [tilespmem:s4+$0x160]  }
0x361: {  	v29 =	vld [tilespmem:s4+$0x8160]  }
0x362: {  	v7 =	vld [tilespmem:s4+$0x140]  }
0x363: {  	v63 =	vld [tilespmem:s4+$0x8140]  }
0x364: {  	v25 =	vmul.f32 v25, v25;
	v51 =	vld [tilespmem:s4+$0x150]  }
0x365: {  	v26 =	vmul.f32 v26, v26;
	v5 =	vld [tilespmem:s4+$0x120]  }
0x366: {  	v27 =	vmul.f32 v27, v27;
	v12 =	vadd.f32 v25, v12;
	v52 =	vld [tilespmem:s4+$0x8120]  }
0x367: {  	v13 =	vadd.f32 v26, v13;
	v24 =	vmul.f32 v24, v24;
	v53 =	vld [tilespmem:s4+$0x100]  }
0x368: {  	v21 =	vmul.f32 v21, v21;
	v12 =	vadd.f32 v27, v12;
	v39 =	vld [tilespmem:s4+$0x8100]  }
0x369: {  	v18 =	vmul.f32 v18, v18;
	v13 =	vadd.f32 v24, v13;
	v40 =	vld [tilespmem:s4+$0x110]  }
0x36a: {  	v17 =	vmul.f32 v17, v17;
	v12 =	vadd.f32 v21, v12;
	v41 =	vld [tilespmem:s4+$0x8110]  }
0x36b: {  	v15 =	vmul.f32 v15, v15;
	v13 =	vadd.f32 v18, v13;
	v25 =	vld [tilespmem:s4+$0x130]  }
0x36c: {  	v16 =	vmul.f32 v16, v16;
	v12 =	vadd.f32 v17, v12;
	v26 =	vld [tilespmem:s4+$0x8130]  }
0x36d: {  	v14 =	vmul.f32 v14, v14;
	v13 =	vadd.f32 v15, v13;
	v27 =	vld [tilespmem:s4+$0x8150]  }
0x36e: {  	v11 =	vmul.f32 v11, v11;
	v12 =	vadd.f32 v16, v12;
	v24 =	vld [tilespmem:s4+$0x170]  }
0x36f: {  	v10 =	vmul.f32 v10, v10;
	v13 =	vadd.f32 v14, v13;
	v42 =	vld [tilespmem:s4+$0x8170]  }
0x370: {  	v14 =	vmul.f32 v28, v28;
	v11 =	vadd.f32 v11, v12;
	v18 =	vld [tilespmem:s4+$0x510]  }
0x371: {  	v9 =	vmul.f32 v9, v9;
	v10 =	vadd.f32 v10, v13;
	v43 =	vld [tilespmem:s4+$0x8510]  }
0x372: {  	v8 =	vmul.f32 v8, v8;
	v11 =	vadd.f32 v14, v11;
	v15 =	vld [tilespmem:s4+$0x530]  }
0x373: {  	v9 =	vadd.f32 v9, v10;
	v10 =	vmul.f32 v6, v6;
	v44 =	vld [tilespmem:s4+$0x8530]  }
0x374: {  	v11 =	vadd.f32 v8, v11;
	v45 =	vld [tilespmem:s4+$0x550]  }
0x375: {  	v9 =	vadd.f32 v10, v9;
	s8 =	simm.s32 $0x100;
	s6 =	simm.s32 $0x80;
	v46 =	vld [tilespmem:s4+$0x8550];
	v13 =	vsub.f32 v53, v39  }
0x376: {  	s5 =	sand.u32 $0x3800, s8;
	s7 =	sand.u32 $0x380, s6;
	v12 =	vld [tilespmem:s4+$0x570];
	v14 =	vsub.f32 v40, v41;
	v21 =	vsub.f32 v5, v52  }
0x377: {  	s5 =	sor.u32 s7, s5;
	v54 =	vld [tilespmem:s4+$0x8570];
	v25 =	vsub.f32 v25, v26;
	v28 =	vsub.f32 v7, v63  }
0x378: {  	v6 =	vld [tilespmem:s5+$0x560];
	v36 =	vsub.f32 v51, v27;
	v34 =	vsub.f32 v62, v29  }
0x379: {  	v8 =	vld [tilespmem:s5+$0x540];
	v48 =	vsub.f32 v24, v42;
	v33 =	vsub.f32 v61, v23  }
0x37a: {  	v5 =	vld [tilespmem:s5+$0x8560];
	v58 =	vsub.f32 v18, v43;
	v16 =	vmul.f32 v13, v13;
	v10 =	vmul.f32 v14, v14  }
0x37b: {  	v7 =	vld [tilespmem:s5+$0x8540];
	v32 =	vsub.f32 v60, v22;
	v60 =	vsub.f32 v15, v44;
	v17 =	vmul.f32 v21, v21  }
0x37c: {  	v55 =	vmul.f32 v25, v25;
	v16 =	vadd.f32 v16, v11;
	v10 =	vadd.f32 v10, v9;
	v11 =	vld [tilespmem:s5+$0x520]  }
0x37d: {  	v31 =	vsub.f32 v31, v20;
	v47 =	vmul.f32 v28, v28;
	v13 =	vadd.f32 v13, v39;
	v9 =	vld [tilespmem:s5+$0x8520]  }
0x37e: {  	v56 =	vmul.f32 v36, v36;
	v17 =	vadd.f32 v17, v16;
	v24 =	vadd.f32 v55, v10;
	v16 =	vld [tilespmem:s5+$0x500]  }
0x37f: {  	v61 =	vsub.f32 v45, v46;
	v18 =	vadd.f32 v14, v41;
	v10 =	vld [tilespmem:s5+$0x8500]  }
0x380: {  	v47 =	vadd.f32 v47, v17;
	v24 =	vadd.f32 v56, v24;
	v17 =	vld [tilespmem:s5+$0x160];
	[tilespmem:s4+$0x10100] =	vst v13;
	v13 =	vmul.f32 v48, v48  }
0x381: {  	v62 =	vsub.f32 v30, v19;
	v57 =	vmul.f32 v34, v34;
	v15 =	vadd.f32 v21, v52  }
0x382: {  	v30 =	vadd.f32 v28, v63;
	v14 =	vld [tilespmem:s5+$0x8160];
	[tilespmem:s4+$0x10110] =	vst v18;
	v18 =	vmul.f32 v58, v58;
	v13 =	vadd.f32 v13, v24  }
0x383: {  	v59 =	vmul.f32 v33, v33;
	v63 =	vsub.f32 v12, v54;
	v39 =	vadd.f32 v57, v47  }
0x384: {  	v24 =	vadd.f32 v25, v26;
	v13 =	vadd.f32 v18, v13;
	v18 =	vmul.f32 v60, v60  }
0x385: {  	v29 =	vadd.f32 v34, v29;
	v21 =	vld [tilespmem:s5+$0x140];
	[tilespmem:s4+$0x10120] =	vst v15;
	v25 =	vmul.f32 v32, v32;
	v26 =	vadd.f32 v59, v39  }
0x386: {  	v33 =	vadd.f32 v33, v23;
	v15 =	vld [tilespmem:s5+$0x8140];
	[tilespmem:s4+$0x10130] =	vst v24;
	v13 =	vadd.f32 v18, v13;
	v18 =	vmul.f32 v61, v61  }
0x387: {  	v24 =	vmul.f32 v31, v31;
	v28 =	vld [tilespmem:s5+$0x150];
	[tilespmem:s4+$0x10140] =	vst v30;
	v30 =	vadd.f32 v32, v22;
	v12 =	vadd.f32 v25, v26  }
0x388: {  	v25 =	vadd.f32 v36, v27;
	v27 =	vmul.f32 v63, v63;
	v13 =	vadd.f32 v18, v13  }
0x389: {  	v22 =	vadd.f32 v61, v46;
	v12 =	vadd.f32 v24, v12  }
0x38a: {  	v26 =	vmul.f32 v62, v62;
	v24 =	vld [tilespmem:s5+$0x120];
	[tilespmem:s4+$0x10150] =	vst v25;
	v13 =	vadd.f32 v27, v13;
	v27 =	vadd.f32 v48, v42  }
0x38b: {  	v25 =	vadd.f32 v60, v44;
	v18 =	vld [tilespmem:s5+$0x8120];
	[tilespmem:s4+$0x10160] =	vst v29;
	v29 =	vadd.f32 v62, v19  }
0x38c: {  	v12 =	vadd.f32 v26, v12;
	v26 =	vadd.f32 v58, v43;
	v23 =	vld [tilespmem:s5+$0x100];
	[tilespmem:s4+$0x10170] =	vst v27  }
0x38d: {  	s7 =	simm.s32 $0x200;
	v19 =	vadd.f32 v63, v54;
	v27 =	vadd.f32 v31, v20;
	v20 =	vld [tilespmem:s5+$0x8100];
	[tilespmem:s4+$0x10500] =	vst v33  }
.LBB2_14:
0x38e: {  	p1 =	sne.s32 s7, $0x3F00;
	v31 =	vld [tilespmem:s5+$0x110];
	[tilespmem:s4+$0x10510] =	vst v26  }
0x38f: {  	v26 =	vld [tilespmem:s5+$0x8110];
	[tilespmem:s4+$0x10520] =	vst v30  }
0x390: {  	v30 =	vld [tilespmem:s5+$0x130];
	[tilespmem:s4+$0x10530] =	vst v25  }
0x391: {  	v25 =	vld [tilespmem:s5+$0x8130];
	[tilespmem:s4+$0x10540] =	vst v27  }
0x392: {  	v27 =	vld [tilespmem:s5+$0x8150];
	[tilespmem:s4+$0x10550] =	vst v22  }
0x393: {  	v22 =	vld [tilespmem:s5+$0x170];
	[tilespmem:s4+$0x10560] =	vst v29  }
0x394: {  	v23 =	vsub.f32 v23, v20;
	v29 =	vsub.f32 v31, v26;
	v31 =	vld [tilespmem:s5+$0x8170];
	[tilespmem:s4+$0x10570] =	vst v19;
	s4 =	smov.u32 s5  }
0x395: {  	v19 =	vsub.f32 v24, v18;
	v24 =	vld [tilespmem:s4+$0x510]  }
0x396: {  	v32 =	vmul.f32 v23, v23;
	v33 =	vmul.f32 v29, v29;
	v30 =	vsub.f32 v30, v25;
	v34 =	vld [tilespmem:s4+$0x8510]  }
0x397: {  	v36 =	vsub.f32 v21, v15;
	v35 =	vmul.f32 v19, v19;
	v28 =	vsub.f32 v28, v27;
	v21 =	vld [tilespmem:s4+$0x530]  }
0x398: {  	v12 =	vadd.f32 v32, v12;
	v13 =	vadd.f32 v33, v13;
	v32 =	vmul.f32 v30, v30;
	v33 =	vld [tilespmem:s4+$0x8530]  }
0x399: {  	v38 =	vsub.f32 v17, v14;
	v37 =	vmul.f32 v36, v36;
	v22 =	vsub.f32 v22, v31;
	v17 =	vld [tilespmem:s4+$0x550]  }
0x39a: {  	s6 =	sadd.s32 $0x80, s6;
	v12 =	vadd.f32 v35, v12;
	v13 =	vadd.f32 v32, v13;
	v32 =	vmul.f32 v28, v28;
	v35 =	vld [tilespmem:s4+$0x8550]  }
0x39b: {  	v40 =	vsub.f32 v16, v10;
	s8 =	sand.u32 $0x380, s6;
	v39 =	vmul.f32 v38, v38;
	s5 =	sand.u32 $0x3800, s7;
	v24 =	vsub.f32 v24, v34;
	v16 =	vld [tilespmem:s4+$0x570]  }
0x39c: {  	s5 =	sor.u32 s8, s5;
	v12 =	vadd.f32 v37, v12;
	v13 =	vadd.f32 v32, v13;
	v32 =	vmul.f32 v22, v22;
	v37 =	vld [tilespmem:s4+$0x8570]  }
0x39d: {  	v43 =	vsub.f32 v11, v9;
	v42 =	vmul.f32 v40, v40;
	v41 =	vld [tilespmem:s5+$0x560];
	v44 =	vsub.f32 v21, v33  }
0x39e: {  	v11 =	vadd.f32 v39, v12;
	v45 =	vld [tilespmem:s5+$0x8560];
	v12 =	vadd.f32 v32, v13;
	v13 =	vmul.f32 v24, v24  }
0x39f: {  	v21 =	vmul.f32 v43, v43;
	v32 =	vsub.f32 v8, v7;
	v8 =	vld [tilespmem:s5+$0x540];
	v39 =	vsub.f32 v17, v35  }
0x3a0: {  	v17 =	vadd.f32 v42, v11;
	v46 =	vld [tilespmem:s5+$0x8540];
	v12 =	vadd.f32 v13, v12;
	v13 =	vmul.f32 v44, v44  }
0x3a1: {  	v47 =	vsub.f32 v6, v5;
	v42 =	vmul.f32 v32, v32;
	v11 =	vld [tilespmem:s5+$0x520];
	v48 =	vsub.f32 v16, v37  }
0x3a2: {  	v17 =	vadd.f32 v21, v17;
	v49 =	vld [tilespmem:s5+$0x8520];
	v12 =	vadd.f32 v13, v12;
	v13 =	vmul.f32 v39, v39;
	v6 =	vmovc v41  }
0x3a3: {  	v20 =	vadd.f32 v23, v20;
	v23 =	vmul.f32 v47, v47;
	v21 =	vadd.f32 v29, v26;
	v16 =	vld [tilespmem:s5+$0x500]  }
0x3a4: {  	v26 =	vadd.f32 v42, v17;
	v41 =	vmul.f32 v48, v48;
	v29 =	vld [tilespmem:s5+$0x8500];
	v13 =	vadd.f32 v13, v12  }
0x3a5: {  	v18 =	vadd.f32 v19, v18;
	v19 =	vadd.f32 v30, v25;
	v17 =	vld [tilespmem:s5+$0x160];
	[tilespmem:s4+$0x10100] =	vst v20  }
0x3a6: {  	v12 =	vadd.f32 v23, v26;
	v20 =	vld [tilespmem:s5+$0x8160];
	[tilespmem:s4+$0x10110] =	vst v21;
	v13 =	vadd.f32 v41, v13  }
0x3a7: {  	v23 =	vadd.f32 v28, v27;
	v21 =	vld [tilespmem:s5+$0x140];
	[tilespmem:s4+$0x10120] =	vst v18;
	v18 =	vadd.f32 v36, v15  }
0x3a8: {  	v36 =	vadd.f32 v38, v14;
	v15 =	vld [tilespmem:s5+$0x8140];
	[tilespmem:s4+$0x10130] =	vst v19;
	v19 =	vadd.f32 v22, v31  }
.Ltmp6:
0x3a9: {  	v26 =	vadd.f32 v24, v34;
	v31 =	vadd.f32 v40, v10;
	v28 =	vld [tilespmem:s5+$0x150];
	[tilespmem:s4+$0x10140] =	vst v18;
	v10 =	vmov v29;
	(pc) =	sbr.rel @p1 .LBB2_14-.Ltmp6, $4  }
0x3aa: {  	v30 =	vadd.f32 v43, v9;
	v25 =	vadd.f32 v44, v33;
	v9 =	vmov v49;
	v24 =	vld [tilespmem:s5+$0x120];
	[tilespmem:s4+$0x10150] =	vst v23  }
0x3ab: {  	v27 =	vadd.f32 v32, v7;
	v7 =	vmovc v46;
	v22 =	vadd.f32 v39, v35;
	v18 =	vld [tilespmem:s5+$0x8120];
	[tilespmem:s4+$0x10160] =	vst v36;
	v14 =	vmov v20  }
0x3ac: {  	v29 =	vadd.f32 v47, v5;
	v5 =	vmov v45;
	v23 =	vld [tilespmem:s5+$0x100];
	[tilespmem:s4+$0x10170] =	vst v19;
	v19 =	vadd.f32 v48, v37  }
0x3ad: {  	s7 =	sadd.s32 $0x100, s7;
	v20 =	vld [tilespmem:s5+$0x8100];
	[tilespmem:s4+$0x10500] =	vst v31  }
0x3ae: {  	v31 =	vld [tilespmem:s5+$0x110];
	[tilespmem:s4+$0x10510] =	vst v26  }
0x3af: {  	v32 =	vld [tilespmem:s5+$0x8110];
	[tilespmem:s4+$0x10520] =	vst v30  }
0x3b0: {  	v30 =	vld [tilespmem:s5+$0x130];
	[tilespmem:s4+$0x10530] =	vst v25  }
0x3b1: {  	v33 =	vld [tilespmem:s5+$0x8130];
	[tilespmem:s4+$0x10540] =	vst v27  }
0x3b2: {  	v34 =	vld [tilespmem:s5+$0x8150];
	[tilespmem:s4+$0x10550] =	vst v22  }
0x3b3: {  	v25 =	vsub.f32 v23, v20;
	v22 =	vld [tilespmem:s5+$0x170];
	[tilespmem:s4+$0x10560] =	vst v29  }
0x3b4: {  	v21 =	vsub.f32 v21, v15;
	v29 =	vld [tilespmem:s5+$0x8170];
	[tilespmem:s4+$0x10570] =	vst v19;
	v26 =	vsub.f32 v31, v32  }
0x3b5: {  	v27 =	vsub.f32 v24, v18;
	v20 =	vadd.f32 v25, v20;
	v19 =	vld [tilespmem:s5+$0x510]  }
0x3b6: {  	v35 =	vld [tilespmem:s5+$0x8510];
	v24 =	vsub.f32 v30, v33;
	v32 =	vadd.f32 v26, v32  }
0x3b7: {  	v17 =	vsub.f32 v17, v14;
	v36 =	vld [tilespmem:s5+$0x530];
	[tilespmem:s5+$0x10100] =	vst v20;
	v20 =	vadd.f32 v27, v18  }
0x3b8: {  	v37 =	vld [tilespmem:s5+$0x8530];
	v18 =	vsub.f32 v28, v34;
	v28 =	vadd.f32 v24, v33;
	[tilespmem:s5+$0x10110] =	vst v32  }
0x3b9: {  	v16 =	vsub.f32 v16, v10;
	[tilespmem:s5+$0x10120] =	vst v20;
	v20 =	vadd.f32 v21, v15  }
0x3ba: {  	v23 =	vld [tilespmem:s5+$0x550];
	v15 =	vsub.f32 v22, v29;
	v22 =	vadd.f32 v18, v34;
	[tilespmem:s5+$0x10130] =	vst v28  }
0x3bb: {  	v31 =	vld [tilespmem:s5+$0x8550];
	v28 =	vadd.f32 v17, v14;
	[tilespmem:s5+$0x10140] =	vst v20  }
0x3bc: {  	v38 =	vld [tilespmem:s5+$0x570];
	v14 =	vsub.f32 v19, v35;
	v20 =	vadd.f32 v16, v10;
	[tilespmem:s5+$0x10150] =	vst v22  }
0x3bd: {  	v30 =	vld [tilespmem:s5+$0x8570];
	v10 =	vsub.f32 v36, v37;
	v19 =	vadd.f32 v15, v29;
	[tilespmem:s5+$0x10160] =	vst v28  }
0x3be: {  	v11 =	vsub.f32 v11, v9;
	v22 =	vadd.f32 v14, v35;
	[tilespmem:s5+$0x10500] =	vst v20  }
0x3bf: {  	v28 =	vsub.f32 v8, v7;
	v20 =	vadd.f32 v10, v37;
	[tilespmem:s5+$0x10170] =	vst v19  }
0x3c0: {  	v8 =	vsub.f32 v6, v5;
	v19 =	vadd.f32 v11, v9;
	[tilespmem:s5+$0x10510] =	vst v22  }
0x3c1: {  	v9 =	vsub.f32 v23, v31;
	v7 =	vadd.f32 v28, v7;
	[tilespmem:s5+$0x10530] =	vst v20  }
0x3c2: {  	v6 =	vsub.f32 v38, v30;
	v5 =	vadd.f32 v8, v5;
	[tilespmem:s5+$0x10520] =	vst v19  }
0x3c3: {  	v19 =	vadd.f32 v9, v31;
	[tilespmem:s5+$0x10540] =	vst v7  }
0x3c4: {  	v7 =	vadd.f32 v6, v30;
	[tilespmem:s5+$0x10560] =	vst v5  }
0x3c5: {  	[tilespmem:s5+$0x10550] =	vst v19  }
0x3c6: {  	s6 =	rddreg [dreg:$0x17];
	s4 =	simm.s32 $0x0;
	[tilespmem:s5+$0x10570] =	vst v7  }
0x3c7: {  	[hbm4b:s6+s4] =	stream.linear.scatter [tilespmem:s22], [sflag:$0x3], $0x4000, $0x38;
	[tilespmem:$0x1A400] =	vst v63  }
0x3c8: {  	_ =	swait.ge [sflag:s23], $0x4000  }
0x3c9: {  	[sflag:s23] =	ssyncset.done $0x0  }
0x3ca: {  	[sflag:s23] =	ssyncadd.s32 $0xFFFFC000  }
0x3cb: {  	_ =	swait.ge [sflag:s25], $0x40  }
0x3cc: {  	[sflag:s25] =	ssyncset.done $0x0  }
0x3cd: {  	s7 =	rddreg [dreg:$0x14];
	[sflag:s25] =	ssyncadd.s32 $0xFFFFFFC0  }
0x3ce: {  	[tilespmem:s4], [sflag:$0x7] =	stream.linear.gather [hbm4b:s7+s4], $0x40, $0x38;
	[tilespmem:$0x1A400] =	vst v63  }
0x3cf: {  	_ =	swait.ge [sflag:s26], $0x40  }
0x3d0: {  	[sflag:s26] =	ssyncset.done $0x0  }
0x3d1: {  	[sflag:s26] =	ssyncadd.s32 $0xFFFFFFC0  }
0x3d2: {  	[spmem:s28] =	stream.indirect.scatter.add.f32 [tilespmem:s1], [sflag:$0x5], $0x1, s4, s0, $0xb8;
	[tilespmem:$0x1A400] =	vst v63  }
0x3d3: {  	v5 =	vld [tilespmem:$0x0];
	_ =	sdelay $0x4  }
0x3d4: {  	v7 =	vshll.u32 v5, $0x1  }
0x3d5: {  	v5 =	vand.u32 $0x7, v5;
	v7 =	vand.u32 $0xFFFFFFF0, v7  }
0x3d6: {  	v5 =	vor.u32 v5, v7  }
0x3d7: {  	v7 =	vperm.xlane v5, v2;
	_ =	sdelay $0x1  }
0x3d8: {  	v5 =	vperm.xlane v5, v4;
	v7 =	vadd.s32 v3, v7;
	_ =	sdelay $0x1  }
0x3d9: {  	v5 =	vadd.s32 v3, v5;
	_ =	sdelay $0x1  }
0x3da: {  	s8 =	simm.s32 $0x100  }
0x3db: {  	[tilespmem:s8], [sflag:$0x1] =	stream.indirect_vreg.gather [hbm4b:s24+s4], $0x80, v7, vm0, $0xb8;
	[tilespmem:$0x1A400] =	vst v63  }
0x3dc: {  	s6 =	simm.s32 $0x900  }
0x3dd: {  	[tilespmem:s6], [sflag:$0x1] =	stream.indirect_vreg.gather [hbm4b:s24+s4], $0x80, v5, vm0, $0xb8;
	[tilespmem:$0x1A400] =	vst v63  }
0x3de: {  	v5 =	vld [tilespmem:$0x10];
	_ =	sdelay $0x4  }
0x3df: {  	v7 =	vshll.u32 v5, $0x1  }
0x3e0: {  	v5 =	vand.u32 $0x7, v5;
	v7 =	vand.u32 $0xFFFFFFF0, v7  }
0x3e1: {  	v5 =	vor.u32 v5, v7  }
0x3e2: {  	v7 =	vperm.xlane v5, v2;
	_ =	sdelay $0x1  }
0x3e3: {  	v5 =	vperm.xlane v5, v4;
	v7 =	vadd.s32 v3, v7;
	_ =	sdelay $0x1  }
0x3e4: {  	v5 =	vadd.s32 v3, v5;
	_ =	sdelay $0x1  }
0x3e5: {  	s7 =	simm.s32 $0x1100  }
0x3e6: {  	[tilespmem:s7], [sflag:$0x1] =	stream.indirect_vreg.gather [hbm4b:s24+s4], $0x80, v7, vm0, $0xb8;
	[tilespmem:$0x1A400] =	vst v63  }
0x3e7: {  	s8 =	simm.s32 $0x1900  }
0x3e8: {  	[tilespmem:s8], [sflag:$0x1] =	stream.indirect_vreg.gather [hbm4b:s24+s4], $0x80, v5, vm0, $0xb8;
	[tilespmem:$0x1A400] =	vst v63  }
0x3e9: {  	v5 =	vld [tilespmem:$0x20];
	_ =	sdelay $0x4  }
0x3ea: {  	v7 =	vshll.u32 v5, $0x1  }
0x3eb: {  	v5 =	vand.u32 $0x7, v5;
	v7 =	vand.u32 $0xFFFFFFF0, v7  }
0x3ec: {  	v5 =	vor.u32 v5, v7  }
0x3ed: {  	v7 =	vperm.xlane v5, v2;
	_ =	sdelay $0x1  }
0x3ee: {  	v5 =	vperm.xlane v5, v4;
	v7 =	vadd.s32 v3, v7;
	_ =	sdelay $0x1  }
0x3ef: {  	v5 =	vadd.s32 v3, v5;
	_ =	sdelay $0x1  }
0x3f0: {  	s6 =	simm.s32 $0x2100  }
0x3f1: {  	[tilespmem:s6], [sflag:$0x1] =	stream.indirect_vreg.gather [hbm4b:s24+s4], $0x80, v7, vm0, $0xb8;
	[tilespmem:$0x1A400] =	vst v63  }
0x3f2: {  	s7 =	simm.s32 $0x2900  }
0x3f3: {  	[tilespmem:s7], [sflag:$0x1] =	stream.indirect_vreg.gather [hbm4b:s24+s4], $0x80, v5, vm0, $0xb8;
	[tilespmem:$0x1A400] =	vst v63  }
0x3f4: {  	v5 =	vld [tilespmem:$0x30];
	_ =	sdelay $0x4  }
0x3f5: {  	v7 =	vshll.u32 v5, $0x1  }
0x3f6: {  	v5 =	vand.u32 $0x7, v5;
	v7 =	vand.u32 $0xFFFFFFF0, v7  }
0x3f7: {  	v5 =	vor.u32 v5, v7  }
0x3f8: {  	v7 =	vperm.xlane v5, v2;
	_ =	sdelay $0x1  }
0x3f9: {  	v5 =	vperm.xlane v5, v4;
	v7 =	vadd.s32 v3, v7;
	_ =	sdelay $0x1  }
0x3fa: {  	v5 =	vadd.s32 v3, v5;
	_ =	sdelay $0x1  }
0x3fb: {  	s8 =	simm.s32 $0x3100  }
0x3fc: {  	[tilespmem:s8], [sflag:$0x1] =	stream.indirect_vreg.gather [hbm4b:s24+s4], $0x80, v7, vm0, $0xb8;
	[tilespmem:$0x1A400] =	vst v63  }
0x3fd: {  	_ = 	snop  }
0x3fe: {  	[tilespmem:s9], [sflag:$0x1] =	stream.indirect_vreg.gather [hbm4b:s24+s4], $0x80, v5, vm0, $0xb8;
	[tilespmem:$0x1A400] =	vst v63  }
0x3ff: {  	s6 =	rddreg [dreg:$0x1b]  }
0x400: {  	[tilespmem:s10], [sflag:$0x1] =	stream.linear.gather [hbm4b:s6+s4], $0x4000, $0x38;
	[tilespmem:$0x1A400] =	vst v63  }
0x401: {  	_ =	swait.ge [sflag:s29], $0x4000  }
0x402: {  	[sflag:s29] =	ssyncset.done $0x0  }
0x403: {  	[sflag:s29] =	ssyncadd.s32 $0xFFFFC000  }
0x404: {  	_ =	swait.ge [sflag:s29], $0x4000  }
0x405: {  	s7 =	sand.u32 $0x3800, s4;
	s4 =	sand.u32 $0x380, s4;
	[sflag:s29] =	ssyncset.done $0x0  }
0x406: {  	s4 =	sor.u32 s4, s7;
	[sflag:s29] =	ssyncadd.s32 $0xFFFFC000  }
0x407: {  	v30 =	vld [tilespmem:s4+$0x4560]  }
0x408: {  	v19 =	vld [tilespmem:s4+$0xC560]  }
0x409: {  	v31 =	vld [tilespmem:s4+$0x4540]  }
0x40a: {  	v20 =	vld [tilespmem:s4+$0xC540]  }
0x40b: {  	v60 =	vld [tilespmem:s4+$0x4520]  }
0x40c: {  	v22 =	vld [tilespmem:s4+$0xC520]  }
0x40d: {  	v61 =	vld [tilespmem:s4+$0x4500]  }
0x40e: {  	v23 =	vld [tilespmem:s4+$0xC500]  }
0x40f: {  	v62 =	vld [tilespmem:s4+$0x4160]  }
0x410: {  	v29 =	vld [tilespmem:s4+$0xC160]  }
0x411: {  	v7 =	vld [tilespmem:s4+$0x4140]  }
0x412: {  	v63 =	vld [tilespmem:s4+$0xC140]  }
0x413: {  	v25 =	vmul.f32 v25, v25;
	v51 =	vld [tilespmem:s4+$0x4150]  }
0x414: {  	v26 =	vmul.f32 v26, v26;
	v5 =	vld [tilespmem:s4+$0x4120]  }
0x415: {  	v27 =	vmul.f32 v27, v27;
	v12 =	vadd.f32 v25, v12;
	v52 =	vld [tilespmem:s4+$0xC120]  }
0x416: {  	v13 =	vadd.f32 v26, v13;
	v24 =	vmul.f32 v24, v24;
	v53 =	vld [tilespmem:s4+$0x4100]  }
0x417: {  	v21 =	vmul.f32 v21, v21;
	v12 =	vadd.f32 v27, v12;
	v39 =	vld [tilespmem:s4+$0xC100]  }
0x418: {  	v18 =	vmul.f32 v18, v18;
	v13 =	vadd.f32 v24, v13;
	v40 =	vld [tilespmem:s4+$0x4110]  }
0x419: {  	v17 =	vmul.f32 v17, v17;
	v12 =	vadd.f32 v21, v12;
	v41 =	vld [tilespmem:s4+$0xC110]  }
0x41a: {  	v15 =	vmul.f32 v15, v15;
	v13 =	vadd.f32 v18, v13;
	v25 =	vld [tilespmem:s4+$0x4130]  }
0x41b: {  	v16 =	vmul.f32 v16, v16;
	v12 =	vadd.f32 v17, v12;
	v26 =	vld [tilespmem:s4+$0xC130]  }
0x41c: {  	v14 =	vmul.f32 v14, v14;
	v13 =	vadd.f32 v15, v13;
	v27 =	vld [tilespmem:s4+$0xC150]  }
0x41d: {  	v11 =	vmul.f32 v11, v11;
	v12 =	vadd.f32 v16, v12;
	v24 =	vld [tilespmem:s4+$0x4170]  }
0x41e: {  	v10 =	vmul.f32 v10, v10;
	v13 =	vadd.f32 v14, v13;
	v42 =	vld [tilespmem:s4+$0xC170]  }
0x41f: {  	v14 =	vmul.f32 v28, v28;
	v11 =	vadd.f32 v11, v12;
	v18 =	vld [tilespmem:s4+$0x4510]  }
0x420: {  	v9 =	vmul.f32 v9, v9;
	v10 =	vadd.f32 v10, v13;
	v43 =	vld [tilespmem:s4+$0xC510]  }
0x421: {  	v8 =	vmul.f32 v8, v8;
	v11 =	vadd.f32 v14, v11;
	v15 =	vld [tilespmem:s4+$0x4530]  }
0x422: {  	v9 =	vadd.f32 v9, v10;
	v10 =	vmul.f32 v6, v6;
	v44 =	vld [tilespmem:s4+$0xC530]  }
0x423: {  	v11 =	vadd.f32 v8, v11;
	v45 =	vld [tilespmem:s4+$0x4550]  }
0x424: {  	v9 =	vadd.f32 v10, v9;
	s8 =	simm.s32 $0x100;
	s6 =	simm.s32 $0x80;
	v46 =	vld [tilespmem:s4+$0xC550];
	v13 =	vsub.f32 v53, v39  }
0x425: {  	s5 =	sand.u32 $0x3800, s8;
	s7 =	sand.u32 $0x380, s6;
	v12 =	vld [tilespmem:s4+$0x4570];
	v14 =	vsub.f32 v40, v41;
	v21 =	vsub.f32 v5, v52  }
0x426: {  	s5 =	sor.u32 s7, s5;
	v54 =	vld [tilespmem:s4+$0xC570];
	v25 =	vsub.f32 v25, v26;
	v28 =	vsub.f32 v7, v63  }
0x427: {  	v6 =	vld [tilespmem:s5+$0x4560];
	v36 =	vsub.f32 v51, v27;
	v34 =	vsub.f32 v62, v29  }
0x428: {  	v8 =	vld [tilespmem:s5+$0x4540];
	v48 =	vsub.f32 v24, v42;
	v33 =	vsub.f32 v61, v23  }
0x429: {  	v5 =	vld [tilespmem:s5+$0xC560];
	v58 =	vsub.f32 v18, v43;
	v16 =	vmul.f32 v13, v13;
	v10 =	vmul.f32 v14, v14  }
0x42a: {  	v7 =	vld [tilespmem:s5+$0xC540];
	v32 =	vsub.f32 v60, v22;
	v60 =	vsub.f32 v15, v44;
	v17 =	vmul.f32 v21, v21  }
0x42b: {  	v55 =	vmul.f32 v25, v25;
	v16 =	vadd.f32 v16, v11;
	v10 =	vadd.f32 v10, v9;
	v11 =	vld [tilespmem:s5+$0x4520]  }
0x42c: {  	v31 =	vsub.f32 v31, v20;
	v47 =	vmul.f32 v28, v28;
	v13 =	vadd.f32 v13, v39;
	v9 =	vld [tilespmem:s5+$0xC520]  }
0x42d: {  	v56 =	vmul.f32 v36, v36;
	v17 =	vadd.f32 v17, v16;
	v24 =	vadd.f32 v55, v10;
	v16 =	vld [tilespmem:s5+$0x4500]  }
0x42e: {  	v61 =	vsub.f32 v45, v46;
	v18 =	vadd.f32 v14, v41;
	v10 =	vld [tilespmem:s5+$0xC500]  }
0x42f: {  	v47 =	vadd.f32 v47, v17;
	v24 =	vadd.f32 v56, v24;
	v17 =	vld [tilespmem:s5+$0x4160];
	[tilespmem:s4+$0x14100] =	vst v13;
	v13 =	vmul.f32 v48, v48  }
0x430: {  	v62 =	vsub.f32 v30, v19;
	v57 =	vmul.f32 v34, v34;
	v15 =	vadd.f32 v21, v52  }
0x431: {  	v30 =	vadd.f32 v28, v63;
	v14 =	vld [tilespmem:s5+$0xC160];
	[tilespmem:s4+$0x14110] =	vst v18;
	v18 =	vmul.f32 v58, v58;
	v13 =	vadd.f32 v13, v24  }
0x432: {  	v59 =	vmul.f32 v33, v33;
	v63 =	vsub.f32 v12, v54;
	v39 =	vadd.f32 v57, v47  }
0x433: {  	v24 =	vadd.f32 v25, v26;
	v13 =	vadd.f32 v18, v13;
	v18 =	vmul.f32 v60, v60  }
0x434: {  	v29 =	vadd.f32 v34, v29;
	v21 =	vld [tilespmem:s5+$0x4140];
	[tilespmem:s4+$0x14120] =	vst v15;
	v25 =	vmul.f32 v32, v32;
	v26 =	vadd.f32 v59, v39  }
0x435: {  	v33 =	vadd.f32 v33, v23;
	v15 =	vld [tilespmem:s5+$0xC140];
	[tilespmem:s4+$0x14130] =	vst v24;
	v13 =	vadd.f32 v18, v13;
	v18 =	vmul.f32 v61, v61  }
0x436: {  	v24 =	vmul.f32 v31, v31;
	v28 =	vld [tilespmem:s5+$0x4150];
	[tilespmem:s4+$0x14140] =	vst v30;
	v30 =	vadd.f32 v32, v22;
	v12 =	vadd.f32 v25, v26  }
0x437: {  	v25 =	vadd.f32 v36, v27;
	v27 =	vmul.f32 v63, v63;
	v13 =	vadd.f32 v18, v13  }
0x438: {  	v22 =	vadd.f32 v61, v46;
	v12 =	vadd.f32 v24, v12  }
0x439: {  	v26 =	vmul.f32 v62, v62;
	v24 =	vld [tilespmem:s5+$0x4120];
	[tilespmem:s4+$0x14150] =	vst v25;
	v13 =	vadd.f32 v27, v13;
	v27 =	vadd.f32 v48, v42  }
0x43a: {  	v25 =	vadd.f32 v60, v44;
	v18 =	vld [tilespmem:s5+$0xC120];
	[tilespmem:s4+$0x14160] =	vst v29;
	v29 =	vadd.f32 v62, v19  }
0x43b: {  	v12 =	vadd.f32 v26, v12;
	v26 =	vadd.f32 v58, v43;
	v23 =	vld [tilespmem:s5+$0x4100];
	[tilespmem:s4+$0x14170] =	vst v27  }
0x43c: {  	s7 =	simm.s32 $0x200;
	v19 =	vadd.f32 v63, v54;
	v27 =	vadd.f32 v31, v20;
	v20 =	vld [tilespmem:s5+$0xC100];
	[tilespmem:s4+$0x14500] =	vst v33  }
.LBB2_16:
0x43d: {  	p1 =	sne.s32 s7, $0x3F00;
	v31 =	vld [tilespmem:s5+$0x4110];
	[tilespmem:s4+$0x14510] =	vst v26  }
0x43e: {  	v26 =	vld [tilespmem:s5+$0xC110];
	[tilespmem:s4+$0x14520] =	vst v30  }
0x43f: {  	v30 =	vld [tilespmem:s5+$0x4130];
	[tilespmem:s4+$0x14530] =	vst v25  }
0x440: {  	v25 =	vld [tilespmem:s5+$0xC130];
	[tilespmem:s4+$0x14540] =	vst v27  }
0x441: {  	v27 =	vld [tilespmem:s5+$0xC150];
	[tilespmem:s4+$0x14550] =	vst v22  }
0x442: {  	v22 =	vld [tilespmem:s5+$0x4170];
	[tilespmem:s4+$0x14560] =	vst v29  }
0x443: {  	v23 =	vsub.f32 v23, v20;
	v29 =	vsub.f32 v31, v26;
	v31 =	vld [tilespmem:s5+$0xC170];
	[tilespmem:s4+$0x14570] =	vst v19;
	s4 =	smov.u32 s5  }
0x444: {  	v19 =	vsub.f32 v24, v18;
	v24 =	vld [tilespmem:s4+$0x4510]  }
0x445: {  	v32 =	vmul.f32 v23, v23;
	v33 =	vmul.f32 v29, v29;
	v30 =	vsub.f32 v30, v25;
	v34 =	vld [tilespmem:s4+$0xC510]  }
0x446: {  	v36 =	vsub.f32 v21, v15;
	v35 =	vmul.f32 v19, v19;
	v28 =	vsub.f32 v28, v27;
	v21 =	vld [tilespmem:s4+$0x4530]  }
0x447: {  	v12 =	vadd.f32 v32, v12;
	v13 =	vadd.f32 v33, v13;
	v32 =	vmul.f32 v30, v30;
	v33 =	vld [tilespmem:s4+$0xC530]  }
0x448: {  	v38 =	vsub.f32 v17, v14;
	v37 =	vmul.f32 v36, v36;
	v22 =	vsub.f32 v22, v31;
	v17 =	vld [tilespmem:s4+$0x4550]  }
0x449: {  	s6 =	sadd.s32 $0x80, s6;
	v12 =	vadd.f32 v35, v12;
	v13 =	vadd.f32 v32, v13;
	v32 =	vmul.f32 v28, v28;
	v35 =	vld [tilespmem:s4+$0xC550]  }
0x44a: {  	v40 =	vsub.f32 v16, v10;
	s8 =	sand.u32 $0x380, s6;
	v39 =	vmul.f32 v38, v38;
	s5 =	sand.u32 $0x3800, s7;
	v24 =	vsub.f32 v24, v34;
	v16 =	vld [tilespmem:s4+$0x4570]  }
0x44b: {  	s5 =	sor.u32 s8, s5;
	v12 =	vadd.f32 v37, v12;
	v13 =	vadd.f32 v32, v13;
	v32 =	vmul.f32 v22, v22;
	v37 =	vld [tilespmem:s4+$0xC570]  }
0x44c: {  	v43 =	vsub.f32 v11, v9;
	v42 =	vmul.f32 v40, v40;
	v41 =	vld [tilespmem:s5+$0x4560];
	v44 =	vsub.f32 v21, v33  }
0x44d: {  	v11 =	vadd.f32 v39, v12;
	v45 =	vld [tilespmem:s5+$0xC560];
	v12 =	vadd.f32 v32, v13;
	v13 =	vmul.f32 v24, v24  }
0x44e: {  	v21 =	vmul.f32 v43, v43;
	v32 =	vsub.f32 v8, v7;
	v8 =	vld [tilespmem:s5+$0x4540];
	v39 =	vsub.f32 v17, v35  }
0x44f: {  	v17 =	vadd.f32 v42, v11;
	v46 =	vld [tilespmem:s5+$0xC540];
	v12 =	vadd.f32 v13, v12;
	v13 =	vmul.f32 v44, v44  }
0x450: {  	v47 =	vsub.f32 v6, v5;
	v42 =	vmul.f32 v32, v32;
	v11 =	vld [tilespmem:s5+$0x4520];
	v48 =	vsub.f32 v16, v37  }
0x451: {  	v17 =	vadd.f32 v21, v17;
	v49 =	vld [tilespmem:s5+$0xC520];
	v12 =	vadd.f32 v13, v12;
	v13 =	vmul.f32 v39, v39;
	v6 =	vmovc v41  }
0x452: {  	v20 =	vadd.f32 v23, v20;
	v23 =	vmul.f32 v47, v47;
	v21 =	vadd.f32 v29, v26;
	v16 =	vld [tilespmem:s5+$0x4500]  }
0x453: {  	v26 =	vadd.f32 v42, v17;
	v41 =	vmul.f32 v48, v48;
	v29 =	vld [tilespmem:s5+$0xC500];
	v13 =	vadd.f32 v13, v12  }
0x454: {  	v18 =	vadd.f32 v19, v18;
	v19 =	vadd.f32 v30, v25;
	v17 =	vld [tilespmem:s5+$0x4160];
	[tilespmem:s4+$0x14100] =	vst v20  }
0x455: {  	v12 =	vadd.f32 v23, v26;
	v20 =	vld [tilespmem:s5+$0xC160];
	[tilespmem:s4+$0x14110] =	vst v21;
	v13 =	vadd.f32 v41, v13  }
0x456: {  	v23 =	vadd.f32 v28, v27;
	v21 =	vld [tilespmem:s5+$0x4140];
	[tilespmem:s4+$0x14120] =	vst v18;
	v18 =	vadd.f32 v36, v15  }
0x457: {  	v36 =	vadd.f32 v38, v14;
	v15 =	vld [tilespmem:s5+$0xC140];
	[tilespmem:s4+$0x14130] =	vst v19;
	v19 =	vadd.f32 v22, v31  }
.Ltmp7:
0x458: {  	v26 =	vadd.f32 v24, v34;
	v31 =	vadd.f32 v40, v10;
	v28 =	vld [tilespmem:s5+$0x4150];
	[tilespmem:s4+$0x14140] =	vst v18;
	v10 =	vmov v29;
	(pc) =	sbr.rel @p1 .LBB2_16-.Ltmp7, $4  }
0x459: {  	v30 =	vadd.f32 v43, v9;
	v25 =	vadd.f32 v44, v33;
	v9 =	vmov v49;
	v24 =	vld [tilespmem:s5+$0x4120];
	[tilespmem:s4+$0x14150] =	vst v23  }
0x45a: {  	v27 =	vadd.f32 v32, v7;
	v7 =	vmovc v46;
	v22 =	vadd.f32 v39, v35;
	v18 =	vld [tilespmem:s5+$0xC120];
	[tilespmem:s4+$0x14160] =	vst v36;
	v14 =	vmov v20  }
0x45b: {  	v29 =	vadd.f32 v47, v5;
	v5 =	vmov v45;
	v23 =	vld [tilespmem:s5+$0x4100];
	[tilespmem:s4+$0x14170] =	vst v19;
	v19 =	vadd.f32 v48, v37  }
0x45c: {  	s7 =	sadd.s32 $0x100, s7;
	v20 =	vld [tilespmem:s5+$0xC100];
	[tilespmem:s4+$0x14500] =	vst v31  }
0x45d: {  	v31 =	vld [tilespmem:s5+$0x4110];
	[tilespmem:s4+$0x14510] =	vst v26  }
0x45e: {  	v32 =	vld [tilespmem:s5+$0xC110];
	[tilespmem:s4+$0x14520] =	vst v30  }
0x45f: {  	v30 =	vld [tilespmem:s5+$0x4130];
	[tilespmem:s4+$0x14530] =	vst v25  }
0x460: {  	v33 =	vld [tilespmem:s5+$0xC130];
	[tilespmem:s4+$0x14540] =	vst v27  }
0x461: {  	v34 =	vld [tilespmem:s5+$0xC150];
	[tilespmem:s4+$0x14550] =	vst v22  }
0x462: {  	v25 =	vsub.f32 v23, v20;
	v22 =	vld [tilespmem:s5+$0x4170];
	[tilespmem:s4+$0x14560] =	vst v29  }
0x463: {  	v21 =	vsub.f32 v21, v15;
	v29 =	vld [tilespmem:s5+$0xC170];
	[tilespmem:s4+$0x14570] =	vst v19;
	v26 =	vsub.f32 v31, v32  }
0x464: {  	v27 =	vsub.f32 v24, v18;
	v20 =	vadd.f32 v25, v20;
	v19 =	vld [tilespmem:s5+$0x4510]  }
0x465: {  	v35 =	vld [tilespmem:s5+$0xC510];
	v24 =	vsub.f32 v30, v33;
	v32 =	vadd.f32 v26, v32  }
0x466: {  	v17 =	vsub.f32 v17, v14;
	v36 =	vld [tilespmem:s5+$0x4530];
	[tilespmem:s5+$0x14100] =	vst v20;
	v20 =	vadd.f32 v27, v18  }
0x467: {  	v37 =	vld [tilespmem:s5+$0xC530];
	v18 =	vsub.f32 v28, v34;
	v28 =	vadd.f32 v24, v33;
	[tilespmem:s5+$0x14110] =	vst v32  }
0x468: {  	v16 =	vsub.f32 v16, v10;
	[tilespmem:s5+$0x14120] =	vst v20;
	v20 =	vadd.f32 v21, v15  }
0x469: {  	v23 =	vld [tilespmem:s5+$0x4550];
	v15 =	vsub.f32 v22, v29;
	v22 =	vadd.f32 v18, v34;
	[tilespmem:s5+$0x14130] =	vst v28  }
0x46a: {  	v31 =	vld [tilespmem:s5+$0xC550];
	v28 =	vadd.f32 v17, v14;
	[tilespmem:s5+$0x14140] =	vst v20  }
0x46b: {  	v38 =	vld [tilespmem:s5+$0x4570];
	v14 =	vsub.f32 v19, v35;
	v20 =	vadd.f32 v16, v10;
	[tilespmem:s5+$0x14150] =	vst v22  }
0x46c: {  	v30 =	vld [tilespmem:s5+$0xC570];
	v10 =	vsub.f32 v36, v37;
	v19 =	vadd.f32 v15, v29;
	[tilespmem:s5+$0x14160] =	vst v28  }
0x46d: {  	v11 =	vsub.f32 v11, v9;
	v22 =	vadd.f32 v14, v35;
	[tilespmem:s5+$0x14500] =	vst v20  }
0x46e: {  	v28 =	vsub.f32 v8, v7;
	v20 =	vadd.f32 v10, v37;
	[tilespmem:s5+$0x14170] =	vst v19  }
0x46f: {  	v8 =	vsub.f32 v6, v5;
	v19 =	vadd.f32 v11, v9;
	[tilespmem:s5+$0x14510] =	vst v22  }
0x470: {  	v9 =	vsub.f32 v23, v31;
	v7 =	vadd.f32 v28, v7;
	[tilespmem:s5+$0x14530] =	vst v20  }
0x471: {  	v6 =	vsub.f32 v38, v30;
	v5 =	vadd.f32 v8, v5;
	[tilespmem:s5+$0x14520] =	vst v19  }
0x472: {  	v19 =	vadd.f32 v9, v31;
	[tilespmem:s5+$0x14540] =	vst v7  }
0x473: {  	v7 =	vadd.f32 v6, v30;
	[tilespmem:s5+$0x14560] =	vst v5  }
0x474: {  	[tilespmem:s5+$0x14550] =	vst v19  }
0x475: {  	s7 =	rddreg [dreg:$0x18];
	s4 =	simm.s32 $0x0;
	[tilespmem:s5+$0x14570] =	vst v7  }
0x476: {  	[hbm4b:s7+s4] =	stream.linear.scatter [tilespmem:s30], [sflag:$0x4], $0x4000, $0x38;
	[tilespmem:$0x1A400] =	vst v63  }
0x477: {  	_ =	swait.ge [sflag:s31], $0x4000  }
0x478: {  	[sflag:s31] =	ssyncset.done $0x0  }
0x479: {  	[sflag:s31] =	ssyncadd.s32 $0xFFFFC000  }
0x47a: {  	_ =	swait.ge [sflag:s2], $0x40  }
0x47b: {  	[sflag:s2] =	ssyncset.done $0x0  }
0x47c: {  	s8 =	rddreg [dreg:$0x15];
	[sflag:s2] =	ssyncadd.s32 $0xFFFFFFC0  }
0x47d: {  	[tilespmem:s11], [sflag:$0x7] =	stream.linear.gather [hbm4b:s8+s4], $0x40, $0x38;
	[tilespmem:$0x1A400] =	vst v63  }
0x47e: {  	_ =	swait.ge [sflag:s26], $0x40  }
0x47f: {  	[sflag:s26] =	ssyncset.done $0x0  }
0x480: {  	[sflag:s26] =	ssyncadd.s32 $0xFFFFFFC0  }
0x481: {  	[spmem:s28] =	stream.indirect.scatter.add.f32 [tilespmem:s1], [sflag:$0x6], $0x1, s11, s0, $0xb8;
	[tilespmem:$0x1A400] =	vst v63  }
0x482: {  	v5 =	vld [tilespmem:$0x80];
	_ =	sdelay $0x4  }
0x483: {  	v7 =	vshll.u32 v5, $0x1  }
0x484: {  	v5 =	vand.u32 $0x7, v5;
	v7 =	vand.u32 $0xFFFFFFF0, v7  }
0x485: {  	v5 =	vor.u32 v5, v7  }
0x486: {  	v7 =	vperm.xlane v5, v2;
	_ =	sdelay $0x1  }
0x487: {  	v5 =	vperm.xlane v5, v4;
	v7 =	vadd.s32 v3, v7;
	_ =	sdelay $0x1  }
0x488: {  	v5 =	vadd.s32 v3, v5;
	_ =	sdelay $0x2  }
0x489: {  	[tilespmem:s12], [sflag:$0x2] =	stream.indirect_vreg.gather [hbm4b:s24+s4], $0x80, v7, vm0, $0xb8;
	[tilespmem:$0x1A400] =	vst v63  }
0x48a: {  	_ = 	snop  }
0x48b: {  	[tilespmem:s13], [sflag:$0x2] =	stream.indirect_vreg.gather [hbm4b:s24+s4], $0x80, v5, vm0, $0xb8;
	[tilespmem:$0x1A400] =	vst v63  }
0x48c: {  	v5 =	vld [tilespmem:$0x90];
	_ =	sdelay $0x4  }
0x48d: {  	v7 =	vshll.u32 v5, $0x1  }
0x48e: {  	v5 =	vand.u32 $0x7, v5;
	v7 =	vand.u32 $0xFFFFFFF0, v7  }
0x48f: {  	v5 =	vor.u32 v5, v7  }
0x490: {  	v7 =	vperm.xlane v5, v2;
	_ =	sdelay $0x1  }
0x491: {  	v5 =	vperm.xlane v5, v4;
	v7 =	vadd.s32 v3, v7;
	_ =	sdelay $0x1  }
0x492: {  	v5 =	vadd.s32 v3, v5;
	_ =	sdelay $0x2  }
0x493: {  	[tilespmem:s14], [sflag:$0x2] =	stream.indirect_vreg.gather [hbm4b:s24+s4], $0x80, v7, vm0, $0xb8;
	[tilespmem:$0x1A400] =	vst v63  }
0x494: {  	_ = 	snop  }
0x495: {  	[tilespmem:s15], [sflag:$0x2] =	stream.indirect_vreg.gather [hbm4b:s24+s4], $0x80, v5, vm0, $0xb8;
	[tilespmem:$0x1A400] =	vst v63  }
0x496: {  	v5 =	vld [tilespmem:$0xA0];
	_ =	sdelay $0x4  }
0x497: {  	v7 =	vshll.u32 v5, $0x1  }
0x498: {  	v5 =	vand.u32 $0x7, v5;
	v7 =	vand.u32 $0xFFFFFFF0, v7  }
0x499: {  	v5 =	vor.u32 v5, v7  }
0x49a: {  	v7 =	vperm.xlane v5, v2;
	_ =	sdelay $0x1  }
0x49b: {  	v5 =	vperm.xlane v5, v4;
	v7 =	vadd.s32 v3, v7;
	_ =	sdelay $0x1  }
0x49c: {  	v5 =	vadd.s32 v3, v5;
	_ =	sdelay $0x2  }
0x49d: {  	[tilespmem:s16], [sflag:$0x2] =	stream.indirect_vreg.gather [hbm4b:s24+s4], $0x80, v7, vm0, $0xb8;
	[tilespmem:$0x1A400] =	vst v63  }
0x49e: {  	_ = 	snop  }
0x49f: {  	[tilespmem:s17], [sflag:$0x2] =	stream.indirect_vreg.gather [hbm4b:s24+s4], $0x80, v5, vm0, $0xb8;
	[tilespmem:$0x1A400] =	vst v63  }
0x4a0: {  	v5 =	vld [tilespmem:$0xB0];
	_ =	sdelay $0x4  }
0x4a1: {  	v7 =	vshll.u32 v5, $0x1  }
0x4a2: {  	v5 =	vand.u32 $0x7, v5;
	v7 =	vand.u32 $0xFFFFFFF0, v7  }
0x4a3: {  	v5 =	vor.u32 v5, v7  }
0x4a4: {  	v7 =	vperm.xlane v5, v2;
	_ =	sdelay $0x1  }
0x4a5: {  	v5 =	vperm.xlane v5, v4;
	v7 =	vadd.s32 v3, v7;
	_ =	sdelay $0x1  }
0x4a6: {  	v5 =	vadd.s32 v3, v5;
	_ =	sdelay $0x2  }
0x4a7: {  	[tilespmem:s18], [sflag:$0x2] =	stream.indirect_vreg.gather [hbm4b:s24+s4], $0x80, v7, vm0, $0xb8;
	[tilespmem:$0x1A400] =	vst v63  }
0x4a8: {  	_ = 	snop  }
0x4a9: {  	[tilespmem:s19], [sflag:$0x2] =	stream.indirect_vreg.gather [hbm4b:s24+s4], $0x80, v5, vm0, $0xb8;
	[tilespmem:$0x1A400] =	vst v63  }
0x4aa: {  	s6 =	rddreg [dreg:$0x1c]  }
0x4ab: {  	[tilespmem:s20], [sflag:$0x2] =	stream.linear.gather [hbm4b:s6+s4], $0x4000, $0x38;
	[tilespmem:$0x1A400] =	vst v63  }
0x4ac: {  	_ =	swait.ge [sflag:s21], $0x4000  }
0x4ad: {  	[sflag:s21] =	ssyncset.done $0x0  }
0x4ae: {  	[sflag:s21] =	ssyncadd.s32 $0xFFFFC000  }
0x4af: {  	_ =	swait.ge [sflag:s21], $0x4000  }
0x4b0: {  	s7 =	sand.u32 $0x3800, s4;
	s4 =	sand.u32 $0x380, s4;
	[sflag:s21] =	ssyncset.done $0x0  }
0x4b1: {  	s4 =	sor.u32 s4, s7;
	[sflag:s21] =	ssyncadd.s32 $0xFFFFC000  }
0x4b2: {  	v30 =	vld [tilespmem:s4+$0x560]  }
0x4b3: {  	v19 =	vld [tilespmem:s4+$0x8560]  }
0x4b4: {  	v31 =	vld [tilespmem:s4+$0x540]  }
0x4b5: {  	v20 =	vld [tilespmem:s4+$0x8540]  }
0x4b6: {  	v60 =	vld [tilespmem:s4+$0x520]  }
0x4b7: {  	v22 =	vld [tilespmem:s4+$0x8520]  }
0x4b8: {  	v61 =	vld [tilespmem:s4+$0x500]  }
0x4b9: {  	v23 =	vld [tilespmem:s4+$0x8500]  }
0x4ba: {  	v62 =	vld [tilespmem:s4+$0x160]  }
0x4bb: {  	v29 =	vld [tilespmem:s4+$0x8160]  }
0x4bc: {  	v7 =	vld [tilespmem:s4+$0x140]  }
0x4bd: {  	v25 =	vmul.f32 v25, v25;
	v63 =	vld [tilespmem:s4+$0x8140]  }
0x4be: {  	v26 =	vmul.f32 v26, v26;
	v51 =	vld [tilespmem:s4+$0x150]  }
0x4bf: {  	v27 =	vmul.f32 v27, v27;
	v12 =	vadd.f32 v25, v12;
	v5 =	vld [tilespmem:s4+$0x120]  }
0x4c0: {  	v13 =	vadd.f32 v26, v13;
	v24 =	vmul.f32 v24, v24;
	v52 =	vld [tilespmem:s4+$0x8120]  }
0x4c1: {  	v21 =	vmul.f32 v21, v21;
	v12 =	vadd.f32 v27, v12;
	v53 =	vld [tilespmem:s4+$0x100]  }
0x4c2: {  	v18 =	vmul.f32 v18, v18;
	v13 =	vadd.f32 v24, v13;
	v39 =	vld [tilespmem:s4+$0x8100]  }
0x4c3: {  	v17 =	vmul.f32 v17, v17;
	v12 =	vadd.f32 v21, v12;
	v40 =	vld [tilespmem:s4+$0x110]  }
0x4c4: {  	v15 =	vmul.f32 v15, v15;
	v13 =	vadd.f32 v18, v13;
	v41 =	vld [tilespmem:s4+$0x8110]  }
0x4c5: {  	v16 =	vmul.f32 v16, v16;
	v12 =	vadd.f32 v17, v12;
	v25 =	vld [tilespmem:s4+$0x130]  }
0x4c6: {  	v14 =	vmul.f32 v14, v14;
	v13 =	vadd.f32 v15, v13;
	v26 =	vld [tilespmem:s4+$0x8130]  }
0x4c7: {  	v11 =	vmul.f32 v11, v11;
	v12 =	vadd.f32 v16, v12;
	v27 =	vld [tilespmem:s4+$0x8150]  }
0x4c8: {  	v10 =	vmul.f32 v10, v10;
	v13 =	vadd.f32 v14, v13;
	v24 =	vld [tilespmem:s4+$0x170]  }
0x4c9: {  	v14 =	vmul.f32 v28, v28;
	v11 =	vadd.f32 v11, v12;
	v42 =	vld [tilespmem:s4+$0x8170]  }
0x4ca: {  	v9 =	vmul.f32 v9, v9;
	v10 =	vadd.f32 v10, v13;
	v18 =	vld [tilespmem:s4+$0x510]  }
0x4cb: {  	v8 =	vmul.f32 v8, v8;
	v11 =	vadd.f32 v14, v11;
	v43 =	vld [tilespmem:s4+$0x8510]  }
0x4cc: {  	v9 =	vadd.f32 v9, v10;
	v10 =	vmul.f32 v6, v6;
	v15 =	vld [tilespmem:s4+$0x530]  }
0x4cd: {  	v11 =	vadd.f32 v8, v11;
	v44 =	vld [tilespmem:s4+$0x8530]  }
0x4ce: {  	v9 =	vadd.f32 v10, v9;
	v16 =	vld [tilespmem:s4+$0x550];
	v12 =	vsub.f32 v53, v39  }
0x4cf: {  	s8 =	simm.s32 $0x100;
	s6 =	simm.s32 $0x80;
	v45 =	vld [tilespmem:s4+$0x8550];
	v13 =	vsub.f32 v40, v41;
	v21 =	vsub.f32 v5, v52  }
0x4d0: {  	s5 =	sand.u32 $0x3800, s8;
	s7 =	sand.u32 $0x380, s6;
	v28 =	vld [tilespmem:s4+$0x570];
	v25 =	vsub.f32 v25, v26;
	v55 =	vsub.f32 v7, v63  }
0x4d1: {  	s5 =	sor.u32 s7, s5;
	v54 =	vld [tilespmem:s4+$0x8570];
	v36 =	vsub.f32 v51, v27;
	v34 =	vsub.f32 v62, v29  }
0x4d2: {  	v6 =	vld [tilespmem:s5+$0x560];
	v48 =	vsub.f32 v24, v42;
	v33 =	vsub.f32 v61, v23  }
0x4d3: {  	v8 =	vld [tilespmem:s5+$0x540];
	v58 =	vsub.f32 v18, v43;
	v14 =	vmul.f32 v12, v12;
	v10 =	vmul.f32 v13, v13  }
0x4d4: {  	v5 =	vld [tilespmem:s5+$0x8560];
	v32 =	vsub.f32 v60, v22;
	v60 =	vsub.f32 v15, v44;
	v17 =	vmul.f32 v21, v21  }
0x4d5: {  	v7 =	vld [tilespmem:s5+$0x8540];
	v46 =	vmul.f32 v25, v25;
	v14 =	vadd.f32 v14, v11;
	v10 =	vadd.f32 v10, v9  }
0x4d6: {  	v31 =	vsub.f32 v31, v20;
	v61 =	vsub.f32 v16, v45;
	v47 =	vmul.f32 v55, v55;
	v11 =	vld [tilespmem:s5+$0x520]  }
0x4d7: {  	v56 =	vmul.f32 v36, v36;
	v9 =	vld [tilespmem:s5+$0x8520];
	v17 =	vadd.f32 v17, v14;
	v24 =	vadd.f32 v46, v10  }
0x4d8: {  	v12 =	vadd.f32 v12, v39;
	v57 =	vmul.f32 v34, v34;
	v13 =	vadd.f32 v13, v41;
	v14 =	vld [tilespmem:s5+$0x500]  }
0x4d9: {  	v18 =	vmul.f32 v48, v48;
	v10 =	vld [tilespmem:s5+$0x8500];
	v47 =	vadd.f32 v47, v17;
	v24 =	vadd.f32 v56, v24  }
0x4da: {  	v62 =	vsub.f32 v30, v19;
	v59 =	vmul.f32 v33, v33;
	v15 =	vadd.f32 v21, v52;
	v17 =	vld [tilespmem:s5+$0x160];
	[tilespmem:s4+$0x10100] =	vst v12  }
0x4db: {  	v12 =	vld [tilespmem:s5+$0x8160];
	[tilespmem:s4+$0x10110] =	vst v13;
	v39 =	vadd.f32 v57, v47;
	v13 =	vadd.f32 v18, v24;
	v18 =	vmul.f32 v58, v58  }
0x4dc: {  	v16 =	vadd.f32 v25, v26;
	v25 =	vmul.f32 v60, v60;
	v26 =	vadd.f32 v55, v63  }
0x4dd: {  	v21 =	vld [tilespmem:s5+$0x140];
	[tilespmem:s4+$0x10120] =	vst v15;
	v15 =	vmul.f32 v32, v32;
	v24 =	vadd.f32 v59, v39;
	v18 =	vadd.f32 v18, v13  }
0x4de: {  	v63 =	vsub.f32 v28, v54;
	v28 =	vmul.f32 v61, v61;
	v27 =	vadd.f32 v36, v27  }
0x4df: {  	v13 =	vld [tilespmem:s5+$0x8140];
	[tilespmem:s4+$0x10130] =	vst v16;
	v16 =	vmul.f32 v31, v31;
	v15 =	vadd.f32 v15, v24;
	v18 =	vadd.f32 v25, v18  }
0x4e0: {  	v29 =	vadd.f32 v34, v29;
	v33 =	vadd.f32 v33, v23  }
0x4e1: {  	v15 =	vadd.f32 v16, v15;
	v16 =	vadd.f32 v28, v18;
	v28 =	vmul.f32 v63, v63  }
0x4e2: {  	v30 =	vadd.f32 v32, v22;
	v22 =	vadd.f32 v61, v45;
	v24 =	vld [tilespmem:s5+$0x150];
	[tilespmem:s4+$0x10140] =	vst v26  }
0x4e3: {  	v26 =	vmul.f32 v62, v62;
	v25 =	vld [tilespmem:s5+$0x120];
	[tilespmem:s4+$0x10150] =	vst v27;
	v16 =	vadd.f32 v28, v16;
	v28 =	vadd.f32 v48, v42  }
0x4e4: {  	v27 =	vadd.f32 v58, v43;
	v18 =	vld [tilespmem:s5+$0x8120];
	[tilespmem:s4+$0x10160] =	vst v29;
	v29 =	vadd.f32 v62, v19  }
0x4e5: {  	v19 =	vadd.f32 v63, v54;
	v23 =	vld [tilespmem:s5+$0x100];
	v15 =	vadd.f32 v26, v15;
	[tilespmem:s4+$0x10170] =	vst v28  }
0x4e6: {  	s7 =	simm.s32 $0x200;
	v26 =	vadd.f32 v60, v44;
	v28 =	vadd.f32 v31, v20;
	v20 =	vld [tilespmem:s5+$0x8100];
	[tilespmem:s4+$0x10500] =	vst v33  }
.LBB2_18:
0x4e7: {  	p1 =	sne.s32 s7, $0x3F00;
	v31 =	vld [tilespmem:s5+$0x110];
	[tilespmem:s4+$0x10510] =	vst v27  }
0x4e8: {  	v27 =	vld [tilespmem:s5+$0x8110];
	[tilespmem:s4+$0x10520] =	vst v30  }
0x4e9: {  	v30 =	vld [tilespmem:s5+$0x130];
	[tilespmem:s4+$0x10530] =	vst v26  }
0x4ea: {  	v26 =	vld [tilespmem:s5+$0x8130];
	[tilespmem:s4+$0x10540] =	vst v28  }
0x4eb: {  	v28 =	vld [tilespmem:s5+$0x8150];
	[tilespmem:s4+$0x10550] =	vst v22  }
0x4ec: {  	v22 =	vld [tilespmem:s5+$0x170];
	[tilespmem:s4+$0x10560] =	vst v29  }
0x4ed: {  	v23 =	vsub.f32 v23, v20;
	v29 =	vsub.f32 v31, v27;
	v31 =	vld [tilespmem:s5+$0x8170];
	[tilespmem:s4+$0x10570] =	vst v19;
	s4 =	smov.u32 s5  }
0x4ee: {  	v19 =	vsub.f32 v25, v18;
	v25 =	vld [tilespmem:s4+$0x510]  }
0x4ef: {  	v32 =	vmul.f32 v23, v23;
	v33 =	vmul.f32 v29, v29;
	v30 =	vsub.f32 v30, v26;
	v34 =	vld [tilespmem:s4+$0x8510]  }
0x4f0: {  	v36 =	vsub.f32 v21, v13;
	v35 =	vmul.f32 v19, v19;
	v24 =	vsub.f32 v24, v28;
	v21 =	vld [tilespmem:s4+$0x530]  }
0x4f1: {  	v15 =	vadd.f32 v32, v15;
	v16 =	vadd.f32 v33, v16;
	v32 =	vmul.f32 v30, v30;
	v33 =	vld [tilespmem:s4+$0x8530]  }
0x4f2: {  	v38 =	vsub.f32 v17, v12;
	v37 =	vmul.f32 v36, v36;
	v22 =	vsub.f32 v22, v31;
	v17 =	vld [tilespmem:s4+$0x550]  }
0x4f3: {  	s6 =	sadd.s32 $0x80, s6;
	v15 =	vadd.f32 v35, v15;
	v16 =	vadd.f32 v32, v16;
	v32 =	vmul.f32 v24, v24;
	v35 =	vld [tilespmem:s4+$0x8550]  }
0x4f4: {  	v40 =	vsub.f32 v14, v10;
	s8 =	sand.u32 $0x380, s6;
	v39 =	vmul.f32 v38, v38;
	s5 =	sand.u32 $0x3800, s7;
	v25 =	vsub.f32 v25, v34;
	v14 =	vld [tilespmem:s4+$0x570]  }
0x4f5: {  	s5 =	sor.u32 s8, s5;
	v15 =	vadd.f32 v37, v15;
	v16 =	vadd.f32 v32, v16;
	v32 =	vmul.f32 v22, v22;
	v37 =	vld [tilespmem:s4+$0x8570]  }
0x4f6: {  	v43 =	vsub.f32 v11, v9;
	v42 =	vmul.f32 v40, v40;
	v41 =	vld [tilespmem:s5+$0x560];
	v44 =	vsub.f32 v21, v33  }
0x4f7: {  	v11 =	vadd.f32 v39, v15;
	v45 =	vld [tilespmem:s5+$0x8560];
	v15 =	vadd.f32 v32, v16;
	v16 =	vmul.f32 v25, v25  }
0x4f8: {  	v21 =	vmul.f32 v43, v43;
	v32 =	vsub.f32 v8, v7;
	v8 =	vld [tilespmem:s5+$0x540];
	v39 =	vsub.f32 v17, v35  }
0x4f9: {  	v17 =	vadd.f32 v42, v11;
	v46 =	vld [tilespmem:s5+$0x8540];
	v15 =	vadd.f32 v16, v15;
	v16 =	vmul.f32 v44, v44  }
0x4fa: {  	v47 =	vsub.f32 v6, v5;
	v42 =	vmul.f32 v32, v32;
	v11 =	vld [tilespmem:s5+$0x520];
	v48 =	vsub.f32 v14, v37  }
0x4fb: {  	v17 =	vadd.f32 v21, v17;
	v49 =	vld [tilespmem:s5+$0x8520];
	v15 =	vadd.f32 v16, v15;
	v16 =	vmul.f32 v39, v39;
	v6 =	vmovc v41  }
0x4fc: {  	v20 =	vadd.f32 v23, v20;
	v23 =	vmul.f32 v47, v47;
	v21 =	vadd.f32 v29, v27;
	v14 =	vld [tilespmem:s5+$0x500]  }
0x4fd: {  	v27 =	vadd.f32 v42, v17;
	v41 =	vmul.f32 v48, v48;
	v29 =	vld [tilespmem:s5+$0x8500];
	v16 =	vadd.f32 v16, v15  }
0x4fe: {  	v18 =	vadd.f32 v19, v18;
	v19 =	vadd.f32 v30, v26;
	v17 =	vld [tilespmem:s5+$0x160];
	[tilespmem:s4+$0x10100] =	vst v20  }
0x4ff: {  	v15 =	vadd.f32 v23, v27;
	v20 =	vld [tilespmem:s5+$0x8160];
	[tilespmem:s4+$0x10110] =	vst v21;
	v16 =	vadd.f32 v41, v16  }
0x500: {  	v23 =	vadd.f32 v24, v28;
	v21 =	vld [tilespmem:s5+$0x140];
	[tilespmem:s4+$0x10120] =	vst v18;
	v18 =	vadd.f32 v36, v13  }
0x501: {  	v36 =	vadd.f32 v38, v12;
	v13 =	vld [tilespmem:s5+$0x8140];
	[tilespmem:s4+$0x10130] =	vst v19;
	v19 =	vadd.f32 v22, v31  }
.Ltmp8:
0x502: {  	v27 =	vadd.f32 v25, v34;
	v31 =	vadd.f32 v40, v10;
	v24 =	vld [tilespmem:s5+$0x150];
	[tilespmem:s4+$0x10140] =	vst v18;
	v10 =	vmov v29;
	(pc) =	sbr.rel @p1 .LBB2_18-.Ltmp8, $4  }
0x503: {  	v30 =	vadd.f32 v43, v9;
	v26 =	vadd.f32 v44, v33;
	v9 =	vmov v49;
	v25 =	vld [tilespmem:s5+$0x120];
	[tilespmem:s4+$0x10150] =	vst v23  }
0x504: {  	v28 =	vadd.f32 v32, v7;
	v7 =	vmovc v46;
	v22 =	vadd.f32 v39, v35;
	v18 =	vld [tilespmem:s5+$0x8120];
	[tilespmem:s4+$0x10160] =	vst v36;
	v12 =	vmov v20  }
0x505: {  	v29 =	vadd.f32 v47, v5;
	v5 =	vmov v45;
	v23 =	vld [tilespmem:s5+$0x100];
	[tilespmem:s4+$0x10170] =	vst v19;
	v19 =	vadd.f32 v48, v37  }
0x506: {  	s7 =	sadd.s32 $0x100, s7;
	v20 =	vld [tilespmem:s5+$0x8100];
	[tilespmem:s4+$0x10500] =	vst v31  }
0x507: {  	v31 =	vld [tilespmem:s5+$0x110];
	[tilespmem:s4+$0x10510] =	vst v27  }
0x508: {  	v27 =	vld [tilespmem:s5+$0x8110];
	[tilespmem:s4+$0x10520] =	vst v30  }
0x509: {  	v30 =	vld [tilespmem:s5+$0x130];
	[tilespmem:s4+$0x10530] =	vst v26  }
0x50a: {  	v26 =	vld [tilespmem:s5+$0x8130];
	[tilespmem:s4+$0x10540] =	vst v28  }
0x50b: {  	v39 =	vsub.f32 v21, v13;
	v28 =	vld [tilespmem:s5+$0x8150];
	[tilespmem:s4+$0x10550] =	vst v22  }
0x50c: {  	v14 =	vsub.f32 v14, v10;
	v22 =	vld [tilespmem:s5+$0x170];
	[tilespmem:s4+$0x10560] =	vst v29  }
0x50d: {  	v11 =	vsub.f32 v11, v9;
	v13 =	vadd.f32 v39, v13;
	v29 =	vld [tilespmem:s5+$0x8170];
	[tilespmem:s4+$0x10570] =	vst v19  }
0x50e: {  	v25 =	vsub.f32 v25, v18;
	v10 =	vadd.f32 v14, v10;
	v19 =	vld [tilespmem:s5+$0x510]  }
0x50f: {  	v8 =	vsub.f32 v8, v7;
	v9 =	vadd.f32 v11, v9;
	[tilespmem:s5+$0x10140] =	vst v13;
	v32 =	vld [tilespmem:s5+$0x8510]  }
0x510: {  	v6 =	vsub.f32 v6, v5;
	v18 =	vadd.f32 v25, v18;
	[tilespmem:s5+$0x10500] =	vst v10;
	v33 =	vld [tilespmem:s5+$0x530]  }
0x511: {  	v7 =	vadd.f32 v8, v7;
	v23 =	vsub.f32 v23, v20;
	[tilespmem:s5+$0x10520] =	vst v9;
	v34 =	vld [tilespmem:s5+$0x8530]  }
0x512: {  	v5 =	vadd.f32 v6, v5;
	v31 =	vsub.f32 v31, v27;
	[tilespmem:s5+$0x10120] =	vst v18;
	v37 =	vld [tilespmem:s5+$0x570]  }
0x513: {  	v20 =	vadd.f32 v23, v20;
	v38 =	vld [tilespmem:s5+$0x8570];
	[tilespmem:s5+$0x10540] =	vst v7;
	v30 =	vsub.f32 v30, v26  }
0x514: {  	v35 =	vld [tilespmem:s5+$0x550];
	[tilespmem:s5+$0x10560] =	vst v5;
	v27 =	vadd.f32 v31, v27;
	v24 =	vsub.f32 v24, v28  }
0x515: {  	v36 =	vld [tilespmem:s5+$0x8550];
	[tilespmem:s5+$0x10100] =	vst v20;
	v20 =	vadd.f32 v30, v26;
	v26 =	vsub.f32 v17, v12  }
0x516: {  	[tilespmem:s5+$0x10110] =	vst v27;
	v27 =	vsub.f32 v22, v29;
	v17 =	vadd.f32 v24, v28  }
0x517: {  	[tilespmem:s5+$0x10130] =	vst v20;
	v12 =	vadd.f32 v26, v12;
	v13 =	vsub.f32 v19, v32  }
0x518: {  	v9 =	vsub.f32 v37, v38;
	v18 =	vadd.f32 v27, v29;
	[tilespmem:s5+$0x10150] =	vst v17  }
0x519: {  	[tilespmem:s5+$0x10160] =	vst v12;
	v12 =	vsub.f32 v33, v34;
	v17 =	vadd.f32 v13, v32  }
0x51a: {  	v10 =	vsub.f32 v35, v36;
	v7 =	vadd.f32 v9, v38;
	[tilespmem:s5+$0x10170] =	vst v18  }
0x51b: {  	v18 =	vadd.f32 v12, v34;
	[tilespmem:s5+$0x10510] =	vst v17  }
0x51c: {  	v17 =	vadd.f32 v10, v36;
	[tilespmem:s5+$0x10570] =	vst v7  }
0x51d: {  	[tilespmem:s5+$0x10530] =	vst v18  }
0x51e: {  	s8 =	simm.s32 $0x0;
	s6 =	rddreg [dreg:$0x1d];
	[tilespmem:s5+$0x10550] =	vst v17  }
0x51f: {  	[hbm4b:s6+s8] =	stream.linear.scatter [tilespmem:s22], [sflag:$0x3], $0x4000, $0x38;
	[tilespmem:$0x1A400] =	vst v63  }
0x520: {  	_ =	swait.ge [sflag:s29], $0x4000  }
0x521: {  	[sflag:s29] =	ssyncset.done $0x0  }
0x522: {  	[sflag:s29] =	ssyncadd.s32 $0xFFFFC000  }
0x523: {  	_ =	swait.ge [sflag:s29], $0x4000  }
0x524: {  	s7 =	sand.u32 $0x3800, s8;
	s4 =	sand.u32 $0x380, s8;
	[sflag:s29] =	ssyncset.done $0x0  }
0x525: {  	s4 =	sor.u32 s4, s7;
	[sflag:s29] =	ssyncadd.s32 $0xFFFFC000  }
0x526: {  	v28 =	vld [tilespmem:s4+$0x4560]  }
0x527: {  	v17 =	vld [tilespmem:s4+$0xC560]  }
0x528: {  	v19 =	vld [tilespmem:s4+$0x4540]  }
0x529: {  	v18 =	vld [tilespmem:s4+$0xC540]  }
0x52a: {  	v29 =	vld [tilespmem:s4+$0x4520]  }
0x52b: {  	v20 =	vld [tilespmem:s4+$0xC520]  }
0x52c: {  	v58 =	vld [tilespmem:s4+$0x4500]  }
0x52d: {  	v21 =	vld [tilespmem:s4+$0xC500]  }
0x52e: {  	v59 =	vld [tilespmem:s4+$0x4160]  }
0x52f: {  	v22 =	vld [tilespmem:s4+$0xC160]  }
0x530: {  	v7 =	vld [tilespmem:s4+$0x4140]  }
0x531: {  	v23 =	vmul.f32 v23, v23;
	v31 =	vmul.f32 v31, v31;
	v34 =	vld [tilespmem:s4+$0xC140]  }
0x532: {  	v25 =	vmul.f32 v25, v25;
	v60 =	vld [tilespmem:s4+$0x4150]  }
0x533: {  	v15 =	vadd.f32 v23, v15;
	v16 =	vadd.f32 v31, v16;
	v30 =	vmul.f32 v30, v30;
	v5 =	vld [tilespmem:s4+$0x4120]  }
0x534: {  	v39 =	vmul.f32 v39, v39;
	v61 =	vld [tilespmem:s4+$0xC120]  }
0x535: {  	v15 =	vadd.f32 v25, v15;
	v24 =	vmul.f32 v24, v24;
	v16 =	vadd.f32 v30, v16;
	v62 =	vld [tilespmem:s4+$0x4100]  }
0x536: {  	v26 =	vmul.f32 v26, v26;
	v63 =	vld [tilespmem:s4+$0xC100]  }
0x537: {  	v15 =	vadd.f32 v39, v15;
	v16 =	vadd.f32 v24, v16;
	v24 =	vmul.f32 v27, v27;
	v40 =	vld [tilespmem:s4+$0x4110]  }
0x538: {  	v14 =	vmul.f32 v14, v14;
	v41 =	vld [tilespmem:s4+$0xC110]  }
0x539: {  	v15 =	vadd.f32 v26, v15;
	v13 =	vmul.f32 v13, v13;
	v16 =	vadd.f32 v24, v16;
	v23 =	vld [tilespmem:s4+$0x4130]  }
0x53a: {  	v11 =	vmul.f32 v11, v11;
	v31 =	vld [tilespmem:s4+$0xC130]  }
0x53b: {  	v14 =	vadd.f32 v14, v15;
	v12 =	vmul.f32 v12, v12;
	v13 =	vadd.f32 v13, v16;
	v25 =	vld [tilespmem:s4+$0xC150]  }
0x53c: {  	v8 =	vmul.f32 v8, v8;
	v30 =	vld [tilespmem:s4+$0x4170]  }
0x53d: {  	v10 =	vmul.f32 v10, v10;
	v11 =	vadd.f32 v11, v14;
	v12 =	vadd.f32 v12, v13;
	v39 =	vld [tilespmem:s4+$0xC170]  }
0x53e: {  	v9 =	vmul.f32 v9, v9;
	v27 =	vld [tilespmem:s4+$0x4510]  }
0x53f: {  	v13 =	vmul.f32 v6, v6;
	v8 =	vadd.f32 v8, v11;
	v10 =	vadd.f32 v10, v12;
	v26 =	vld [tilespmem:s4+$0xC510]  }
0x540: {  	v24 =	vld [tilespmem:s4+$0x4530]  }
0x541: {  	v11 =	vadd.f32 v13, v8;
	v9 =	vadd.f32 v9, v10;
	v42 =	vld [tilespmem:s4+$0xC530]  }
0x542: {  	v16 =	vld [tilespmem:s4+$0x4550];
	v15 =	vsub.f32 v62, v63;
	v12 =	vsub.f32 v40, v41  }
0x543: {  	s8 =	simm.s32 $0x100;
	s6 =	simm.s32 $0x80;
	v43 =	vld [tilespmem:s4+$0xC550];
	v13 =	vsub.f32 v5, v61;
	v23 =	vsub.f32 v23, v31  }
0x544: {  	s5 =	sand.u32 $0x3800, s8;
	s7 =	sand.u32 $0x380, s6;
	v44 =	vld [tilespmem:s4+$0x4570];
	v45 =	vsub.f32 v7, v34;
	v35 =	vsub.f32 v60, v25  }
0x545: {  	s5 =	sor.u32 s7, s5;
	v37 =	vld [tilespmem:s4+$0xC570];
	v33 =	vsub.f32 v59, v22;
	v30 =	vsub.f32 v30, v39;
	v14 =	vmul.f32 v15, v15  }
0x546: {  	v6 =	vld [tilespmem:s5+$0x4560];
	v32 =	vsub.f32 v58, v21;
	v27 =	vsub.f32 v27, v26;
	v10 =	vmul.f32 v12, v12  }
0x547: {  	v8 =	vld [tilespmem:s5+$0x4540];
	v29 =	vsub.f32 v29, v20;
	v51 =	vmul.f32 v13, v13;
	v14 =	vadd.f32 v14, v11  }
0x548: {  	v5 =	vld [tilespmem:s5+$0xC560];
	v55 =	vsub.f32 v24, v42;
	v46 =	vmul.f32 v23, v23;
	v10 =	vadd.f32 v10, v9  }
0x549: {  	v7 =	vld [tilespmem:s5+$0xC540];
	v57 =	vsub.f32 v19, v18;
	v47 =	vmul.f32 v45, v45;
	v40 =	vadd.f32 v51, v14  }
0x54a: {  	v48 =	vmul.f32 v35, v35;
	v38 =	vadd.f32 v15, v63;
	v15 =	vld [tilespmem:s5+$0x4160];
	v46 =	vadd.f32 v46, v10  }
0x54b: {  	v58 =	vsub.f32 v16, v43;
	v52 =	vmul.f32 v33, v33;
	v11 =	vld [tilespmem:s5+$0x4520];
	v40 =	vadd.f32 v47, v40  }
0x54c: {  	v60 =	vsub.f32 v28, v17;
	v53 =	vmul.f32 v30, v30;
	v9 =	vld [tilespmem:s5+$0xC520];
	v46 =	vadd.f32 v48, v46  }
0x54d: {  	v41 =	vadd.f32 v12, v41;
	v54 =	vmul.f32 v32, v32;
	v14 =	vld [tilespmem:s5+$0x4500];
	v40 =	vadd.f32 v52, v40  }
0x54e: {  	v13 =	vadd.f32 v13, v61;
	v56 =	vmul.f32 v27, v27;
	v10 =	vld [tilespmem:s5+$0xC500];
	[tilespmem:s4+$0x14100] =	vst v38;
	v24 =	vadd.f32 v53, v46  }
0x54f: {  	v16 =	vadd.f32 v23, v31;
	v23 =	vmul.f32 v29, v29;
	v12 =	vld [tilespmem:s5+$0xC160];
	[tilespmem:s4+$0x14110] =	vst v41;
	v31 =	vadd.f32 v54, v40  }
0x550: {  	v59 =	vmul.f32 v55, v55;
	v28 =	vadd.f32 v45, v34;
	v19 =	vld [tilespmem:s5+$0x4140];
	[tilespmem:s4+$0x14120] =	vst v13;
	v36 =	vadd.f32 v56, v24  }
0x551: {  	v61 =	vsub.f32 v44, v37;
	v13 =	vld [tilespmem:s5+$0xC140];
	[tilespmem:s4+$0x14130] =	vst v16;
	v16 =	vmul.f32 v57, v57;
	v23 =	vadd.f32 v23, v31  }
0x552: {  	v62 =	vmul.f32 v58, v58;
	v35 =	vadd.f32 v35, v25;
	v31 =	vadd.f32 v59, v36  }
0x553: {  	v33 =	vadd.f32 v33, v22;
	v24 =	vld [tilespmem:s5+$0x4150];
	[tilespmem:s4+$0x14140] =	vst v28;
	v28 =	vmul.f32 v60, v60;
	v16 =	vadd.f32 v16, v23  }
0x554: {  	v27 =	vadd.f32 v27, v26;
	v63 =	vmul.f32 v61, v61;
	v31 =	vadd.f32 v62, v31  }
0x555: {  	v26 =	vadd.f32 v55, v42;
	v23 =	vadd.f32 v28, v16  }
0x556: {  	v25 =	vld [tilespmem:s5+$0x4120];
	[tilespmem:s4+$0x14150] =	vst v35;
	v22 =	vadd.f32 v63, v31;
	v28 =	vadd.f32 v30, v39  }
0x557: {  	v16 =	vld [tilespmem:s5+$0xC120];
	[tilespmem:s4+$0x14160] =	vst v33;
	v31 =	vadd.f32 v32, v21;
	v30 =	vadd.f32 v29, v20  }
0x558: {  	v20 =	vadd.f32 v58, v43;
	v29 =	vadd.f32 v60, v17;
	v21 =	vld [tilespmem:s5+$0x4100];
	[tilespmem:s4+$0x14170] =	vst v28  }
0x559: {  	s7 =	simm.s32 $0x200;
	v17 =	vadd.f32 v61, v37;
	v28 =	vadd.f32 v57, v18;
	v18 =	vld [tilespmem:s5+$0xC100];
	[tilespmem:s4+$0x14500] =	vst v31  }
.LBB2_20:
0x55a: {  	p1 =	sne.s32 s7, $0x3F00;
	v31 =	vld [tilespmem:s5+$0x4110];
	[tilespmem:s4+$0x14510] =	vst v27  }
0x55b: {  	v27 =	vld [tilespmem:s5+$0xC110];
	[tilespmem:s4+$0x14520] =	vst v30  }
0x55c: {  	v30 =	vld [tilespmem:s5+$0x4130];
	[tilespmem:s4+$0x14530] =	vst v26  }
0x55d: {  	v26 =	vld [tilespmem:s5+$0xC130];
	[tilespmem:s4+$0x14540] =	vst v28  }
0x55e: {  	v28 =	vld [tilespmem:s5+$0xC150];
	[tilespmem:s4+$0x14550] =	vst v20  }
0x55f: {  	v20 =	vld [tilespmem:s5+$0x4170];
	[tilespmem:s4+$0x14560] =	vst v29  }
0x560: {  	v21 =	vsub.f32 v21, v18;
	v29 =	vsub.f32 v31, v27;
	v31 =	vld [tilespmem:s5+$0xC170];
	[tilespmem:s4+$0x14570] =	vst v17;
	s4 =	smov.u32 s5  }
0x561: {  	v17 =	vsub.f32 v25, v16;
	v25 =	vld [tilespmem:s4+$0x4510]  }
0x562: {  	v32 =	vmul.f32 v21, v21;
	v33 =	vmul.f32 v29, v29;
	v30 =	vsub.f32 v30, v26;
	v34 =	vld [tilespmem:s4+$0xC510]  }
0x563: {  	v36 =	vsub.f32 v19, v13;
	v35 =	vmul.f32 v17, v17;
	v24 =	vsub.f32 v24, v28;
	v19 =	vld [tilespmem:s4+$0x4530]  }
0x564: {  	v23 =	vadd.f32 v32, v23;
	v22 =	vadd.f32 v33, v22;
	v32 =	vmul.f32 v30, v30;
	v33 =	vld [tilespmem:s4+$0xC530]  }
0x565: {  	v38 =	vsub.f32 v15, v12;
	v37 =	vmul.f32 v36, v36;
	v20 =	vsub.f32 v20, v31;
	v15 =	vld [tilespmem:s4+$0x4550]  }
0x566: {  	s6 =	sadd.s32 $0x80, s6;
	v23 =	vadd.f32 v35, v23;
	v22 =	vadd.f32 v32, v22;
	v32 =	vmul.f32 v24, v24;
	v35 =	vld [tilespmem:s4+$0xC550]  }
0x567: {  	v40 =	vsub.f32 v14, v10;
	s8 =	sand.u32 $0x380, s6;
	v39 =	vmul.f32 v38, v38;
	s5 =	sand.u32 $0x3800, s7;
	v25 =	vsub.f32 v25, v34;
	v14 =	vld [tilespmem:s4+$0x4570]  }
0x568: {  	s5 =	sor.u32 s8, s5;
	v23 =	vadd.f32 v37, v23;
	v22 =	vadd.f32 v32, v22;
	v32 =	vmul.f32 v20, v20;
	v37 =	vld [tilespmem:s4+$0xC570]  }
0x569: {  	v43 =	vsub.f32 v11, v9;
	v42 =	vmul.f32 v40, v40;
	v41 =	vld [tilespmem:s5+$0x4560];
	v44 =	vsub.f32 v19, v33  }
0x56a: {  	v11 =	vadd.f32 v39, v23;
	v45 =	vld [tilespmem:s5+$0xC560];
	v19 =	vadd.f32 v32, v22;
	v22 =	vmul.f32 v25, v25  }
0x56b: {  	v23 =	vmul.f32 v43, v43;
	v32 =	vsub.f32 v8, v7;
	v8 =	vld [tilespmem:s5+$0x4540];
	v39 =	vsub.f32 v15, v35  }
0x56c: {  	v15 =	vadd.f32 v42, v11;
	v46 =	vld [tilespmem:s5+$0xC540];
	v19 =	vadd.f32 v22, v19;
	v22 =	vmul.f32 v44, v44  }
0x56d: {  	v47 =	vsub.f32 v6, v5;
	v42 =	vmul.f32 v32, v32;
	v11 =	vld [tilespmem:s5+$0x4520];
	v48 =	vsub.f32 v14, v37  }
0x56e: {  	v15 =	vadd.f32 v23, v15;
	v49 =	vld [tilespmem:s5+$0xC520];
	v19 =	vadd.f32 v22, v19;
	v22 =	vmul.f32 v39, v39;
	v6 =	vmovc v41  }
0x56f: {  	v18 =	vadd.f32 v21, v18;
	v21 =	vadd.f32 v29, v27;
	v23 =	vmul.f32 v47, v47;
	v14 =	vld [tilespmem:s5+$0x4500]  }
0x570: {  	v27 =	vadd.f32 v42, v15;
	v29 =	vld [tilespmem:s5+$0xC500];
	v19 =	vadd.f32 v22, v19;
	v22 =	vmul.f32 v48, v48  }
0x571: {  	v16 =	vadd.f32 v17, v16;
	v17 =	vadd.f32 v30, v26;
	v15 =	vld [tilespmem:s5+$0x4160];
	[tilespmem:s4+$0x14100] =	vst v18  }
0x572: {  	v23 =	vadd.f32 v23, v27;
	v18 =	vld [tilespmem:s5+$0xC160];
	[tilespmem:s4+$0x14110] =	vst v21;
	v22 =	vadd.f32 v22, v19  }
0x573: {  	v21 =	vadd.f32 v24, v28;
	v19 =	vld [tilespmem:s5+$0x4140];
	[tilespmem:s4+$0x14120] =	vst v16;
	v16 =	vadd.f32 v36, v13  }
0x574: {  	v36 =	vadd.f32 v38, v12;
	v13 =	vld [tilespmem:s5+$0xC140];
	[tilespmem:s4+$0x14130] =	vst v17;
	v17 =	vadd.f32 v20, v31  }
.Ltmp9:
0x575: {  	v27 =	vadd.f32 v25, v34;
	v31 =	vadd.f32 v40, v10;
	v24 =	vld [tilespmem:s5+$0x4150];
	[tilespmem:s4+$0x14140] =	vst v16;
	v10 =	vmov v29;
	(pc) =	sbr.rel @p1 .LBB2_20-.Ltmp9, $4  }
0x576: {  	v30 =	vadd.f32 v43, v9;
	v26 =	vadd.f32 v44, v33;
	v9 =	vmov v49;
	v25 =	vld [tilespmem:s5+$0x4120];
	[tilespmem:s4+$0x14150] =	vst v21  }
0x577: {  	v28 =	vadd.f32 v32, v7;
	v7 =	vmovc v46;
	v20 =	vadd.f32 v39, v35;
	v16 =	vld [tilespmem:s5+$0xC120];
	[tilespmem:s4+$0x14160] =	vst v36;
	v12 =	vmov v18  }
0x578: {  	v29 =	vadd.f32 v47, v5;
	v5 =	vmov v45;
	v21 =	vld [tilespmem:s5+$0x4100];
	[tilespmem:s4+$0x14170] =	vst v17;
	v17 =	vadd.f32 v48, v37  }
0x579: {  	s7 =	sadd.s32 $0x100, s7;
	v18 =	vld [tilespmem:s5+$0xC100];
	[tilespmem:s4+$0x14500] =	vst v31  }
0x57a: {  	v31 =	vld [tilespmem:s5+$0x4110];
	[tilespmem:s4+$0x14510] =	vst v27  }
0x57b: {  	v27 =	vld [tilespmem:s5+$0xC110];
	[tilespmem:s4+$0x14520] =	vst v30  }
0x57c: {  	v30 =	vld [tilespmem:s5+$0x4130];
	[tilespmem:s4+$0x14530] =	vst v26  }
0x57d: {  	v26 =	vld [tilespmem:s5+$0xC130];
	[tilespmem:s4+$0x14540] =	vst v28  }
0x57e: {  	v19 =	vsub.f32 v19, v13;
	v15 =	vsub.f32 v15, v12;
	v28 =	vld [tilespmem:s5+$0xC150];
	[tilespmem:s4+$0x14550] =	vst v20  }
0x57f: {  	v14 =	vsub.f32 v14, v10;
	v11 =	vsub.f32 v11, v9;
	v20 =	vld [tilespmem:s5+$0x4170];
	[tilespmem:s4+$0x14560] =	vst v29  }
0x580: {  	v8 =	vsub.f32 v8, v7;
	v13 =	vadd.f32 v19, v13;
	v29 =	vld [tilespmem:s5+$0xC170];
	[tilespmem:s4+$0x14570] =	vst v17  }
0x581: {  	v6 =	vsub.f32 v6, v5;
	v12 =	vadd.f32 v15, v12;
	v17 =	vld [tilespmem:s5+$0x4510]  }
0x582: {  	v25 =	vsub.f32 v25, v16;
	v10 =	vadd.f32 v14, v10;
	[tilespmem:s5+$0x14140] =	vst v13;
	v32 =	vld [tilespmem:s5+$0xC510]  }
0x583: {  	v9 =	vadd.f32 v11, v9;
	v21 =	vsub.f32 v21, v18;
	[tilespmem:s5+$0x14160] =	vst v12;
	v33 =	vld [tilespmem:s5+$0x4530]  }
0x584: {  	v16 =	vadd.f32 v25, v16;
	[tilespmem:s5+$0x14500] =	vst v10;
	v31 =	vsub.f32 v31, v27;
	v34 =	vld [tilespmem:s5+$0xC530]  }
0x585: {  	v7 =	vadd.f32 v8, v7;
	v5 =	vadd.f32 v6, v5;
	[tilespmem:s5+$0x14520] =	vst v9;
	v37 =	vmul.f32 v21, v21;
	v35 =	vld [tilespmem:s5+$0x4550]  }
0x586: {  	v18 =	vadd.f32 v21, v18;
	[tilespmem:s5+$0x14120] =	vst v16;
	v36 =	vld [tilespmem:s5+$0xC550];
	v30 =	vsub.f32 v30, v26;
	v63 =	vmul.f32 v31, v31  }
0x587: {  	v38 =	vld [tilespmem:s5+$0x4570];
	[tilespmem:s5+$0x14540] =	vst v7;
	v27 =	vadd.f32 v31, v27;
	v23 =	vadd.f32 v37, v23  }
0x588: {  	v39 =	vld [tilespmem:s5+$0xC570];
	[tilespmem:s5+$0x14560] =	vst v5;
	v24 =	vsub.f32 v24, v28;
	v41 =	vadd.f32 v63, v22  }
0x589: {  	[tilespmem:s5+$0x14100] =	vst v18;
	v42 =	vadd.f32 v30, v26;
	v43 =	vsub.f32 v20, v29  }
0x58a: {  	[tilespmem:s5+$0x14110] =	vst v27;
	v44 =	vadd.f32 v24, v28;
	v45 =	vsub.f32 v17, v32  }
0x58b: {  	[tilespmem:s5+$0x14130] =	vst v42;
	v47 =	vsub.f32 v33, v34;
	v46 =	vadd.f32 v43, v29  }
0x58c: {  	v51 =	vmul.f32 v25, v25;
	v49 =	vsub.f32 v35, v36;
	[tilespmem:s5+$0x14150] =	vst v44;
	v48 =	vadd.f32 v45, v32  }
0x58d: {  	v52 =	vmul.f32 v30, v30;
	v53 =	vsub.f32 v38, v39;
	v50 =	vadd.f32 v47, v34;
	[tilespmem:s5+$0x14170] =	vst v46  }
0x58e: {  	v55 =	vmul.f32 v19, v19;
	v56 =	vadd.f32 v51, v23;
	v54 =	vadd.f32 v49, v36;
	[tilespmem:s5+$0x14510] =	vst v48  }
0x58f: {  	v57 =	vmul.f32 v24, v24;
	v7 =	vadd.f32 v52, v41;
	v58 =	vadd.f32 v53, v39;
	[tilespmem:s5+$0x14530] =	vst v50  }
0x590: {  	v15 =	vmul.f32 v15, v15;
	[tilespmem:s5+$0x14550] =	vst v54  }
0x591: {  	s8 =	simm.s32 $0x0;
	s6 =	rddreg [dreg:$0x1e];
	v5 =	vadd.f32 v55, v56;
	v59 =	vmul.f32 v43, v43;
	v7 =	vadd.f32 v57, v7;
	[tilespmem:s5+$0x14570] =	vst v58  }
0x592: {  	v14 =	vmul.f32 v14, v14;
	[hbm4b:s6+s8] =	stream.linear.scatter [tilespmem:s30], [sflag:$0x4], $0x4000, $0x38;
	[tilespmem:$0x1A400] =	vst v63  }
0x593: {  	v5 =	vadd.f32 v15, v5;
	v60 =	vmul.f32 v45, v45;
	v7 =	vadd.f32 v59, v7;
	_ =	swait.ge [sflag:s23], $0x4000  }
0x594: {  	v11 =	vmul.f32 v11, v11;
	[sflag:s23] =	ssyncset.done $0x0  }
0x595: {  	v61 =	vmul.f32 v47, v47;
	v5 =	vadd.f32 v14, v5;
	v7 =	vadd.f32 v60, v7;
	[sflag:s23] =	ssyncadd.s32 $0xFFFFC000  }
0x596: {  	v8 =	vmul.f32 v8, v8;
	_ =	swait.ge [sflag:s31], $0x4000  }
0x597: {  	v62 =	vmul.f32 v49, v49;
	v5 =	vadd.f32 v11, v5;
	v7 =	vadd.f32 v61, v7;
	[sflag:s31] =	ssyncset.done $0x0  }
0x598: {  	v6 =	vmul.f32 v6, v6;
	[sflag:s31] =	ssyncadd.s32 $0xFFFFC000  }
0x599: {  	v63 =	vmul.f32 v53, v53;
	v5 =	vadd.f32 v8, v5;
	v7 =	vadd.f32 v62, v7;
	_ =	swait.ge [sflag:s25], $0x40  }
0x59a: {  	[sflag:s25] =	ssyncset.done $0x0  }
0x59b: {  	v5 =	vadd.f32 v6, v5;
	v6 =	vadd.f32 v63, v7;
	[sflag:s25] =	ssyncadd.s32 $0xFFFFFFC0  }
0x59c: {  	_ =	swait.ge [sflag:s2], $0x40  }
0x59d: {  	v5 =	vadd.f32 v6, v5;
	[sflag:s2] =	ssyncset.done $0x0;
	s7 =	sld [smem:$0x7FC]  }
0x59e: {  	[sflag:s2] =	ssyncadd.s32 $0xFFFFFFC0  }
0x59f: {  	s6 =	simm.s32 $0x18100;
	[tilespmem:$0x18100] =	vst v5  }
0x5a0: {  	[hbm4b:s7+s8] =	stream.linear.scatter [tilespmem:s6], [sflag:$0x7], $0x80, $0x38;
	[tilespmem:$0x1A400] =	vst v63  }
0x5a1: {  	_ =	swait.ge [sflag:s26], $0x80  }
0x5a2: {  	[sflag:s26] =	ssyncset.done $0x0  }
0x5a3: {  	[sflag:s26] =	ssyncadd.s32 $0xFFFFFF80  }
0x5a4: {  	s4 =	simm.s32 @!p0 $0x18200;
	s5 =	simm.s32 @!p0 $0x7;
	[bflag:$0x0] =	sbarrier.arrive $0xFFFF  }
0x5a5: {  	[tilespmem:s4], [sflag:$0x7] =	stream.linear.gather @!p0 [spmem:s28], $0x2000, $0x38;
	[tilespmem:$0x1A400] =	vst v63  }
0x5a6: {  	_ =	swait.ge @!p0 [sflag:s5], $0x2000  }
0x5a7: {  	s6 =	simm.s32 @!p0 $0x80;
	[sflag:s5] =	ssyncset.done @!p0 $0x0  }
0x5a8: {  	s7 =	simm.s32 @!p0 $0x100;
	s8 =	rddreg [dreg:$0x1f];
	[sflag:s5] =	ssyncadd.s32 @!p0 $0xFFFFE000  }
0x5a9: {  	[hbm4b:s8+s6] =	stream.strided.scatter @!p0 [tilespmem:s4], [sflag:$0x7], $0x2000, s7, s6, $0x38;
	[tilespmem:$0x1A400] =	vst v63  }
0x5aa: {  	_ =	swait.ge @!p0 [sflag:s5], $0x2000  }
0x5ab: {  	s8 =	sld [smem:$0x7FD];
	_ =	sdelay $0x1  }
0x5ac: {  	s3 =	sadd.s32 $0x1, s3  }
0x5ad: {  	p1 =	sne.s32 s3, s8  }
.Ltmp10:
0x5ae: {  	_ = 	snop;
	(pc) =	sbr.rel @p1 .LBB2_1-.Ltmp10, $3  }
0x5af: {  	_ =	sdelay $0x1  }
0x5b0: {  	[sflag:s5] =	ssyncset.done @!p0 $0x0  }
0x5b1: {  	[sflag:s5] =	ssyncadd.s32 @!p0 $0xFFFFE000  }
0x5b2: {  	_ =	sfence.sel $0x180000  }
0x5b3: {  	[bflag:$0x0] =	sbarrier.arrive $0xFFFF  }
0x5b4: {  	_ =	strace $0x90000047  }
0x5b5: {  	[bflag:$0x2] =	sbarrier.arrive $0xFFFF  }
0x5b6: {  	s0 =	rddreg [dreg:$0x6]  }
0x5b7: {  	s0 =	sadd.s32 @!p0 $0x100000, s0  }
0x5b8: {  	[sflag:s0] =	ssyncadd.tile.s32 @!p0 $0x1;
	_ =	shalt  }
.Lfunc_end2:
_tile_overlayer_lowered:
.L_overlay_start_2:
0x5b9: {  	(tag) =	ssettag $0x2  }
0x5ba: {  	s0 =	rddreg [dreg:$0x0];
	s2 =	stileid.u32  }
0x5bb: {  	s1 =	rddreg [dreg:$0x1];
	p0 =	sne.s32 s2, $0x0  }
0x5bc: {  	s3 =	rddreg [dreg:$0x2];
	[bflag:$0x3] =	sbarrier.arrive $0xFFFF;
	s2 =	simm.s32 @!p0 $0x1C07  }
0x5bd: {  	[timem:s3], [sflag:s2] =	dma.local @!p0 [hbm:s0], s1  }
0x5be: {  	s0 =	simm.s32 @!p0 $0x7  }
0x5bf: {  	_ =	swait.ge @!p0 [sflag:s0], s1  }
0x5c0: {  	s1 =	ssub.s32 @!p0 $0x0, s1;
	[sflag:s0] =	ssyncset.done @!p0 $0x0  }
0x5c1: {  	[sflag:s0] =	ssyncadd.s32 @!p0 s1  }
0x5c2: {  	[bflag:$0x3] =	sbarrier.arrive $0xFFFF  }
0x5c3: {  	_ =	shalt  }

</sc_bundles>
